<compile_context>
chip_gen: v7x
topology: tpu7x:2x2x1
jax: 0.10.2.dev20260603
libtpu: 0.0.44.dev20260713+nightly
codegen_flags: <defaults>
</compile_context>

<pallas_src>
import jax
import jax.numpy as jnp
from jax import lax
from jax.experimental import pallas as pl
from jax.experimental.pallas import tpu as pltpu
from jax.experimental.pallas import tpu_sc as plsc

N = 32768
B = 16
C = 96
CT = 64
CS = C - CT
NC = 2
NS = 16
NW = NC * NS
FR = 8
CW = 4096
NO = N // CW
RB = 4096
NBLK = N // RB
EPS = 1e-5


def _sc_body(featT_hbm, cu_hbm, out_hbm, buf, cu_v, acc_v, sem0):
    wid = lax.axis_index("s") * NC + lax.axis_index("c")
    t = CT * NO // FR + wid
    g = lax.div(t, NO)
    o = lax.rem(t, NO)
    r0 = pl.multiple_of(g * FR, FR)
    cb = pl.multiple_of(o * CW, CW)
    cp = pltpu.async_copy(
        featT_hbm.at[pl.ds(r0, FR), pl.ds(cb, CW)], buf, sem0)
    pltpu.sync_copy(cu_hbm, cu_v)
    cu_a = cu_v[pl.ds(0, 16)]
    cu_b = cu_v[pl.ds(16, 16)]
    cu_s = [cu_a[j] if j < 16 else cu_b[j - 16] for j in range(B + 1)]
    lane = lax.iota(jnp.int32, 16)
    zero = jnp.zeros((16,), jnp.float32)
    cp.wait()
    c0 = cb
    c1 = cb + CW
    for b in range(B):
        s = jnp.maximum(cu_s[b], c0)
        e = jnp.minimum(cu_s[b + 1], c1)
        bi0 = lax.shift_right_logical(s + 15, 4)
        bi1 = jnp.maximum(bi0, lax.shift_right_logical(e, 4))
        hb = jnp.bitwise_and(jnp.minimum(s, c1 - 1), -16)
        la = hb + lane
        mh = (la >= s) & (la < jnp.minimum(e, bi0 * 16))
        hoff = pl.multiple_of(hb - c0, 16)
        segs = [jnp.where(mh, buf[f, pl.ds(hoff, 16)], zero)
                for f in range(FR)]

        def body(off, accs):
            o16 = pl.multiple_of(off, 16)
            return tuple(accs[f] + buf[f, pl.ds(o16, 16)]
                         for f in range(FR))

        segs = list(plsc.parallel_loop(
            bi0 * 16 - c0, bi1 * 16 - c0, 16, unroll=1,
            carry=tuple(segs))(body))
        tb = jnp.bitwise_and(e, -16)
        tbc = jnp.minimum(jnp.maximum(tb, c0), c1 - 16)
        lt = tbc + lane
        mt = (lt >= jnp.maximum(bi0 * 16, tb)) & (lt < e)
        toff = pl.multiple_of(tbc - c0, 16)
        for f in range(FR):
            seg = segs[f] + jnp.where(mt, buf[f, pl.ds(toff, 16)], zero)
            acc_v[f, pl.ds(b * 16, 16)] = seg
    ro = pl.multiple_of(r0 - CT, FR)
    pltpu.sync_copy(acc_v, out_hbm.at[o, pl.ds(ro, FR)])


def _sc_seg_sums(featT, cu_pad):
    return pl.kernel(
        _sc_body,
        out_type=jax.ShapeDtypeStruct((NO, CS, B * 16), jnp.float32),
        mesh=plsc.VectorSubcoreMesh(core_axis_name="c", subcore_axis_name="s"),
        scratch_types=[
            pltpu.VMEM((FR, CW), jnp.float32),
            pltpu.VMEM((32,), jnp.int32),
            pltpu.VMEM((FR, B * 16), jnp.float32),
            pltpu.SemaphoreType.DMA,
        ],
    )(featT, cu_pad)


def _top_body(lo_ref, hi_ref, featT_ref, sums_ref, acc_ref):
    i = pl.program_id(0)

    @pl.when(i == 0)
    def _():
        acc_ref[...] = jnp.zeros_like(acc_ref)

    idx = lax.broadcasted_iota(jnp.int32, (RB, B), 0) + i * RB
    mask = ((idx >= lo_ref[...]) & (idx < hi_ref[...])).astype(jnp.float32)
    acc_ref[...] += jnp.dot(featT_ref[...], mask,
                            preferred_element_type=jnp.float32,
                            precision=lax.Precision.HIGHEST)

    @pl.when(i == NBLK - 1)
    def _():
        sums_ref[...] = acc_ref[...]


def _head_body(sums_top_ref, part_ref, lo_ref, hi_ref, bracket_ref,
               W1_ref, b1_ref, g1_ref, be1_ref, m1_ref, v1_ref,
               W2_ref, b2_ref, g2_ref, be2_ref, m2_ref, v2_ref,
               W3_ref, b3_ref,
               pred_ref, loss_ref, cos_ref):
    lo = lo_ref[...]
    hi = hi_ref[...]
    counts = jnp.maximum((hi - lo).astype(jnp.float32), 1.0)
    bot = jnp.sum(part_ref[...], axis=0)
    grp = (lax.broadcasted_iota(jnp.int32, (16 * B, B), 0) // 16
           == lax.broadcasted_iota(jnp.int32, (16 * B, B), 1))
    sums_bot = jnp.dot(bot, grp.astype(jnp.float32),
                       preferred_element_type=jnp.float32,
                       precision=lax.Precision.HIGHEST)
    sumsT = jnp.concatenate([sums_top_ref[...], sums_bot], axis=0)
    pooledT = sumsT / counts
    h = lax.dot_general(pooledT, W1_ref[...],
                        dimension_numbers=(((0,), (0,)), ((), ())),
                        preferred_element_type=jnp.float32)
    h = h + b1_ref[...]
    h = g1_ref[...] * (h - m1_ref[...]) * lax.rsqrt(v1_ref[...] + EPS) \
        + be1_ref[...]
    h = jnp.maximum(h, 0.0)
    h = jnp.dot(h, W2_ref[...], preferred_element_type=jnp.float32)
    h = h + b2_ref[...]
    h = g2_ref[...] * (h - m2_ref[...]) * lax.rsqrt(v2_ref[...] + EPS) \
        + be2_ref[...]
    h = jnp.maximum(h, 0.0)
    pred = jnp.dot(h, W3_ref[...], preferred_element_type=jnp.float32)
    pred = pred + b3_ref[...]
    pred_ref[...] = pred
    target = bracket_ref[...]
    diff = pred - target
    loss_ref[...] = jnp.mean(diff * diff).reshape(1, 1)
    num = jnp.sum(pred * target, axis=1)
    den = (jnp.maximum(jnp.sqrt(jnp.sum(pred * pred, axis=1)), 1e-8)
           * jnp.maximum(jnp.sqrt(jnp.sum(target * target, axis=1)), 1e-8))
    cos_ref[...] = jnp.mean(num / den).reshape(1, 1)


def kernel(feat, cu_seqlens, bracket, W1, b1, g1, be1, m1, v1,
           W2, b2, g2, be2, m2, v2, W3, b3):
    featT = feat.T
    cu_pad = jnp.concatenate(
        [cu_seqlens, jnp.zeros((32 - (B + 1),), jnp.int32)])
    partials = _sc_seg_sums(featT, cu_pad)

    lo = cu_seqlens[:-1].reshape(1, B)
    hi = cu_seqlens[1:].reshape(1, B)

    def whole(shape):
        return pl.BlockSpec(shape, lambda i: (0,) * len(shape))

    sums_top = pl.pallas_call(
        _top_body,
        grid_spec=pltpu.PrefetchScalarGridSpec(
            num_scalar_prefetch=0,
            grid=(NBLK,),
            in_specs=[
                whole((1, B)),
                whole((1, B)),
                pl.BlockSpec((CT, RB), lambda i: (0, i)),
            ],
            out_specs=[whole((CT, B))],
            scratch_shapes=[pltpu.VMEM((CT, B), jnp.float32)],
        ),
        out_shape=[jax.ShapeDtypeStruct((CT, B), jnp.float32)],
    )(lo, hi, featT)[0]

    pred, loss, cos = pl.pallas_call(
        _head_body,
        out_shape=[
            jax.ShapeDtypeStruct((B, 3), jnp.float32),
            jax.ShapeDtypeStruct((1, 1), jnp.float32),
            jax.ShapeDtypeStruct((1, 1), jnp.float32),
        ],
    )(sums_top, partials, lo, hi, bracket,
      W1, b1.reshape(1, 256), g1.reshape(1, 256), be1.reshape(1, 256),
      m1.reshape(1, 256), v1.reshape(1, 256),
      W2, b2.reshape(1, 128), g2.reshape(1, 128), be2.reshape(1, 128),
      m2.reshape(1, 128), v2.reshape(1, 128),
      W3, b3.reshape(1, 3))
    return (pred, loss[0, 0], cos[0, 0])

# --- scband reference (transcript-rebuilt; emitter-appended) ---
"""Pipeline reference for scband-voxel-bracket-predictor-33646773797474 (READ-ONLY COPY).

The authoritative reference and input builder live on the scoring server;
editing this copy changes nothing except your own understanding.
"""

import jax, jax.numpy as jnp
import numpy as np


def setup_inputs(seed: int = 0) -> dict:
    key = jax.random.key(seed)
    ks = jax.random.split(key, 8)
    N, B, C = 32768, 16, 96
    feat = jax.random.normal(ks[0], (N, C), dtype=jnp.float32)
    inner = jnp.sort(jax.random.randint(ks[1], (B - 1,), 0, N)).astype(jnp.int32)
    cu_seqlens = jnp.concatenate([jnp.zeros((1,), jnp.int32), inner, jnp.full((1,), N, jnp.int32)])
    bracket = jax.random.normal(ks[2], (B, 3), dtype=jnp.float32)
    W1 = jax.random.normal(ks[3], (C, 256), dtype=jnp.float32) * 0.05
    b1 = jnp.zeros((256,), jnp.float32)
    g1 = jnp.ones((256,), jnp.float32); be1 = jnp.zeros((256,), jnp.float32)
    m1 = jnp.zeros((256,), jnp.float32); v1 = jnp.ones((256,), jnp.float32)
    W2 = jax.random.normal(ks[4], (256, 128), dtype=jnp.float32) * 0.05
    b2 = jnp.zeros((128,), jnp.float32)
    g2 = jnp.ones((128,), jnp.float32); be2 = jnp.zeros((128,), jnp.float32)
    m2 = jnp.zeros((128,), jnp.float32); v2 = jnp.ones((128,), jnp.float32)
    W3 = jax.random.normal(ks[5], (128, 3), dtype=jnp.float32) * 0.05
    b3 = jnp.zeros((3,), jnp.float32)
    return {"feat": feat, "cu_seqlens": cu_seqlens, "bracket": bracket,
            "W1": W1, "b1": b1, "g1": g1, "be1": be1, "m1": m1, "v1": v1,
            "W2": W2, "b2": b2, "g2": g2, "be2": be2, "m2": m2, "v2": v2,
            "W3": W3, "b3": b3}


def reference(feat, cu_seqlens, bracket, W1, b1, g1, be1, m1, v1, W2, b2, g2, be2, m2, v2, W3, b3):
    N = feat.shape[0]
    B = cu_seqlens.shape[0] - 1
    eps = 1e-5
    # segment_csr(src, indptr, reduce='mean')
    seg_ids = jnp.searchsorted(cu_seqlens[1:], jnp.arange(N), side='right')
    sums = jax.ops.segment_sum(feat, seg_ids, num_segments=B)
    counts = (cu_seqlens[1:] - cu_seqlens[:-1]).astype(feat.dtype)
    pooled = sums / jnp.maximum(counts, 1.0)[:, None]
    # head MLP (eval mode: BN uses running stats, dropout is identity)
    h = pooled @ W1 + b1
    h = g1 * (h - m1) / jnp.sqrt(v1 + eps) + be1
    h = jax.nn.relu(h)
    h = h @ W2 + b2
    h = g2 * (h - m2) / jnp.sqrt(v2 + eps) + be2
    h = jax.nn.relu(h)
    pred = h @ W3 + b3  # mode='normal'
    # loss terms (alpha == 0 -> loss = mse; cos_sim reported detached)
    target = bracket.reshape(pred.shape)
    mse = jnp.mean((pred - target) ** 2)
    num = jnp.sum(pred * target, axis=1)
    den = jnp.maximum(jnp.linalg.norm(pred, axis=1), 1e-8) * jnp.maximum(jnp.linalg.norm(target, axis=1), 1e-8)
    cos_sim = jnp.mean(num / den)
    loss = mse
    return (pred, loss, cos_sim)

if __name__ == "__main__":
    import jax
    _d = setup_inputs()
    print(jax.jit(kernel)(*tuple(_d.values())))

</pallas_src>

<mosaic_0001>
#map = affine_map<(d0, d1) -> (0, 0)>
#map1 = affine_map<(d0, d1) -> (0)>
#map2 = affine_map<(d0, d1) -> (0, 0, 0)>
module attributes {stable_mosaic.version = 14 : i64} {
  func.func @_sc_body(%arg0: i32, %arg1: i32, %arg2: memref<96x32768xf32, #tpu.memory_space<hbm>>, %arg3: memref<32xi32, #tpu.memory_space<hbm>>, %arg4: memref<8x32x256xf32, #tpu.memory_space<hbm>>, %arg5: memref<8x4096xf32, #tpu.memory_space<vmem>>, %arg6: memref<32xi32, #tpu.memory_space<vmem>>, %arg7: memref<8x256xf32, #tpu.memory_space<vmem>>, %arg8: memref<!tpu.dma_semaphore, #tpu.memory_space<semaphore_mem>>) attributes {dimension_semantics = [#tpu.dimension_semantics<core_parallel>, #tpu.dimension_semantics<subcore_parallel>], iteration_bounds = array<i64: 2, 16>, scalar_prefetch = 0 : i64, scratch_operands = 4 : i64, tpu.core_type = #tpu.core_type<sc_vector_subcore>, window_params = [{transform_indices = #map}, {transform_indices = #map1}, {transform_indices = #map2}]} {
    %mul3A = arith.constant 2 : i32
    %mul3A_0 = arith.muli %arg1, %mul3A : i32
    %add3A = arith.addi %mul3A_0, %arg0 : i32
    %add3A_1 = arith.constant 64 : i32
    %add3A_2 = arith.addi %add3A_1, %add3A : i32
    %div3A = arith.constant 8 : i32
    %div3A_3 = arith.divsi %add3A_2, %div3A : i32
    %rem3A = arith.constant 8 : i32
    %rem3A_4 = arith.remsi %add3A_2, %rem3A : i32
    %mul3A_5 = arith.constant 8 : i32
    %mul3A_6 = arith.muli %div3A_3, %mul3A_5 : i32
    %multiple_of3A = tpu.assume_multiple %mul3A_6, 8 : i32
    %mul3A_7 = arith.constant 4096 : i32
    %mul3A_8 = arith.muli %rem3A_4, %mul3A_7 : i32
    %multiple_of3A_9 = tpu.assume_multiple %mul3A_8, 4096 : i32
    %dma_start3A = tpu.memref_slice %arg2[%multiple_of3A, %multiple_of3A_9] : memref<96x32768xf32, #tpu.memory_space<hbm>> -> memref<8x4096xf32, #tpu.memory_space<hbm>>
    %dma_start3A_10 = tpu.memref_slice %arg2[%multiple_of3A, %multiple_of3A_9] : memref<96x32768xf32, #tpu.memory_space<hbm>> -> memref<8x4096xf32, #tpu.memory_space<hbm>>
    tpu.enqueue_dma source(%dma_start3A_10 : memref<8x4096xf32, #tpu.memory_space<hbm>>) target(%arg5 : memref<8x4096xf32, #tpu.memory_space<vmem>>) target_semaphore(%arg8 : memref<!tpu.dma_semaphore, #tpu.memory_space<semaphore_mem>>)
    "tpu.region"() ({
      %run_scoped3A = tpu.sem_alloc : memref<!tpu.dma_semaphore, #tpu.memory_space<semaphore_mem>>
      tpu.enqueue_dma source(%arg3 : memref<32xi32, #tpu.memory_space<hbm>>) target(%arg6 : memref<32xi32, #tpu.memory_space<vmem>>) target_semaphore(%run_scoped3A : memref<!tpu.dma_semaphore, #tpu.memory_space<semaphore_mem>>)
      tpu.wait_dma2 semaphore(%run_scoped3A : memref<!tpu.dma_semaphore, #tpu.memory_space<semaphore_mem>>) src(%arg3 : memref<32xi32, #tpu.memory_space<hbm>>) dst(%arg6 : memref<32xi32, #tpu.memory_space<vmem>>)
      tpu.yield
    }) : () -> ()
    %get3A = arith.constant 0 : index
    %get3A_11 = tpu.vector_load %arg6[%get3A] {strides = array<i32>} : memref<32xi32, #tpu.memory_space<vmem>>, vector<16xi32>,
    %get3A_12 = vector.shape_cast %get3A_11 : vector<16xi32> to vector<16xi32>
    %get3A_13 = arith.constant 16 : index
    %get3A_14 = tpu.vector_load %arg6[%get3A_13] {strides = array<i32>} : memref<32xi32, #tpu.memory_space<vmem>>, vector<16xi32>,
    %get3A_15 = vector.shape_cast %get3A_14 : vector<16xi32> to vector<16xi32>
    %slice3A = vector.extract_strided_slice %get3A_12 {offsets = [0], sizes = [1], strides = [1]} : vector<16xi32> to vector<1xi32>
    %squeeze3A = vector.extract %slice3A[0] : i32 from vector<1xi32>
    %slice3A_16 = vector.extract_strided_slice %get3A_12 {offsets = [1], sizes = [1], strides = [1]} : vector<16xi32> to vector<1xi32>
    %squeeze3A_17 = vector.extract %slice3A_16[0] : i32 from vector<1xi32>
    %slice3A_18 = vector.extract_strided_slice %get3A_12 {offsets = [2], sizes = [1], strides = [1]} : vector<16xi32> to vector<1xi32>
    %squeeze3A_19 = vector.extract %slice3A_18[0] : i32 from vector<1xi32>
    %slice3A_20 = vector.extract_strided_slice %get3A_12 {offsets = [3], sizes = [1], strides = [1]} : vector<16xi32> to vector<1xi32>
    %squeeze3A_21 = vector.extract %slice3A_20[0] : i32 from vector<1xi32>
    %slice3A_22 = vector.extract_strided_slice %get3A_12 {offsets = [4], sizes = [1], strides = [1]} : vector<16xi32> to vector<1xi32>
    %squeeze3A_23 = vector.extract %slice3A_22[0] : i32 from vector<1xi32>
    %slice3A_24 = vector.extract_strided_slice %get3A_12 {offsets = [5], sizes = [1], strides = [1]} : vector<16xi32> to vector<1xi32>
    %squeeze3A_25 = vector.extract %slice3A_24[0] : i32 from vector<1xi32>
    %slice3A_26 = vector.extract_strided_slice %get3A_12 {offsets = [6], sizes = [1], strides = [1]} : vector<16xi32> to vector<1xi32>
    %squeeze3A_27 = vector.extract %slice3A_26[0] : i32 from vector<1xi32>
    %slice3A_28 = vector.extract_strided_slice %get3A_12 {offsets = [7], sizes = [1], strides = [1]} : vector<16xi32> to vector<1xi32>
    %squeeze3A_29 = vector.extract %slice3A_28[0] : i32 from vector<1xi32>
    %slice3A_30 = vector.extract_strided_slice %get3A_12 {offsets = [8], sizes = [1], strides = [1]} : vector<16xi32> to vector<1xi32>
    %squeeze3A_31 = vector.extract %slice3A_30[0] : i32 from vector<1xi32>
    %slice3A_32 = vector.extract_strided_slice %get3A_12 {offsets = [9], sizes = [1], strides = [1]} : vector<16xi32> to vector<1xi32>
    %squeeze3A_33 = vector.extract %slice3A_32[0] : i32 from vector<1xi32>
    %slice3A_34 = vector.extract_strided_slice %get3A_12 {offsets = [10], sizes = [1], strides = [1]} : vector<16xi32> to vector<1xi32>
    %squeeze3A_35 = vector.extract %slice3A_34[0] : i32 from vector<1xi32>
    %slice3A_36 = vector.extract_strided_slice %get3A_12 {offsets = [11], sizes = [1], strides = [1]} : vector<16xi32> to vector<1xi32>
    %squeeze3A_37 = vector.extract %slice3A_36[0] : i32 from vector<1xi32>
    %slice3A_38 = vector.extract_strided_slice %get3A_12 {offsets = [12], sizes = [1], strides = [1]} : vector<16xi32> to vector<1xi32>
    %squeeze3A_39 = vector.extract %slice3A_38[0] : i32 from vector<1xi32>
    %slice3A_40 = vector.extract_strided_slice %get3A_12 {offsets = [13], sizes = [1], strides = [1]} : vector<16xi32> to vector<1xi32>
    %squeeze3A_41 = vector.extract %slice3A_40[0] : i32 from vector<1xi32>
    %slice3A_42 = vector.extract_strided_slice %get3A_12 {offsets = [14], sizes = [1], strides = [1]} : vector<16xi32> to vector<1xi32>
    %squeeze3A_43 = vector.extract %slice3A_42[0] : i32 from vector<1xi32>
    %slice3A_44 = vector.extract_strided_slice %get3A_12 {offsets = [15], sizes = [1], strides = [1]} : vector<16xi32> to vector<1xi32>
    %squeeze3A_45 = vector.extract %slice3A_44[0] : i32 from vector<1xi32>
    %slice3A_46 = vector.extract_strided_slice %get3A_15 {offsets = [0], sizes = [1], strides = [1]} : vector<16xi32> to vector<1xi32>
    %squeeze3A_47 = vector.extract %slice3A_46[0] : i32 from vector<1xi32>
    %iota3A = tpu.iota {dimensions = array<i32: 0>} : vector<16xi32>
    %broadcast_in_dim3A = arith.constant 0.000000e+00 : f32
    %broadcast_in_dim3A_48 = vector.broadcast %broadcast_in_dim3A : f32 to vector<16xf32>
    %dma_wait3A = tpu.memref_slice %arg2[%multiple_of3A, %multiple_of3A_9] : memref<96x32768xf32, #tpu.memory_space<hbm>> -> memref<8x4096xf32, #tpu.memory_space<hbm>>
    %dma_wait3A_49 = tpu.memref_slice %arg2[%multiple_of3A, %multiple_of3A_9] : memref<96x32768xf32, #tpu.memory_space<hbm>> -> memref<8x4096xf32, #tpu.memory_space<hbm>>
    tpu.wait_dma2 semaphore(%arg8 : memref<!tpu.dma_semaphore, #tpu.memory_space<semaphore_mem>>) src(%dma_wait3A_49 : memref<8x4096xf32, #tpu.memory_space<hbm>>) dst(%arg5 : memref<8x4096xf32, #tpu.memory_space<vmem>>)
    %add3A_50 = arith.constant 4096 : i32
    %add3A_51 = arith.addi %multiple_of3A_9, %add3A_50 : i32
    %max3A = arith.maxsi %squeeze3A, %multiple_of3A_9 : i32
    %min3A = arith.minsi %squeeze3A_17, %add3A_51 : i32
    %add3A_52 = arith.constant 15 : i32
    %add3A_53 = arith.addi %max3A, %add3A_52 : i32
    %shift_right_logical3A = arith.constant 4 : i32
    %shift_right_logical3A_54 = arith.shrui %add3A_53, %shift_right_logical3A : i32
    %shift_right_logical3A_55 = arith.constant 4 : i32
    %shift_right_logical3A_56 = arith.shrui %min3A, %shift_right_logical3A_55 : i32
    %max3A_57 = arith.maxsi %shift_right_logical3A_54, %shift_right_logical3A_56 : i32
    %sub3A = arith.constant 1 : i32
    %sub3A_58 = arith.subi %add3A_51, %sub3A : i32
    %min3A_59 = arith.minsi %max3A, %sub3A_58 : i32
    %and3A = arith.constant -16 : i32
    %and3A_60 = arith.andi %min3A_59, %and3A : i32
    %add3A_61 = vector.broadcast %and3A_60 : i32 to vector<16xi32>
    %add3A_62 = arith.addi %add3A_61, %iota3A : vector<16xi32>
    %ge3A = vector.broadcast %max3A : i32 to vector<16xi32>
    %ge3A_63 = arith.cmpi sge, %add3A_62, %ge3A : vector<16xi32>
    %mul3A_64 = arith.constant 16 : i32
    %mul3A_65 = arith.muli %shift_right_logical3A_54, %mul3A_64 : i32
    %min3A_66 = arith.minsi %min3A, %mul3A_65 : i32
    %lt3A = vector.broadcast %min3A_66 : i32 to vector<16xi32>
    %lt3A_67 = arith.cmpi slt, %add3A_62, %lt3A : vector<16xi32>
    %and3A_68 = arith.andi %ge3A_63, %lt3A_67 : vector<16xi1>
    %sub3A_69 = arith.subi %and3A_60, %multiple_of3A_9 : i32
    %multiple_of3A_70 = tpu.assume_multiple %sub3A_69, 16 : i32
    %get3A_71 = arith.constant 0 : i32
    %get3A_72 = arith.index_cast %get3A_71 : i32 to index
    %get3A_73 = arith.index_cast %multiple_of3A_70 : i32 to index
    %get3A_74 = tpu.vector_load %arg5[%get3A_72, %get3A_73] {strides = array<i32>} : memref<8x4096xf32, #tpu.memory_space<vmem>>, vector<1x16xf32>,
    %get3A_75 = vector.shape_cast %get3A_74 : vector<1x16xf32> to vector<16xf32>
    %select_n3A = arith.select %and3A_68, %get3A_75, %broadcast_in_dim3A_48 : vector<16xi1>, vector<16xf32>
    %get3A_76 = arith.constant 1 : i32
    %get3A_77 = arith.index_cast %get3A_76 : i32 to index
    %get3A_78 = arith.index_cast %multiple_of3A_70 : i32 to index
    %get3A_79 = tpu.vector_load %arg5[%get3A_77, %get3A_78] {strides = array<i32>} : memref<8x4096xf32, #tpu.memory_space<vmem>>, vector<1x16xf32>,
    %get3A_80 = vector.shape_cast %get3A_79 : vector<1x16xf32> to vector<16xf32>
    %select_n3A_81 = arith.select %and3A_68, %get3A_80, %broadcast_in_dim3A_48 : vector<16xi1>, vector<16xf32>
    %get3A_82 = arith.constant 2 : i32
    %get3A_83 = arith.index_cast %get3A_82 : i32 to index
    %get3A_84 = arith.index_cast %multiple_of3A_70 : i32 to index
    %get3A_85 = tpu.vector_load %arg5[%get3A_83, %get3A_84] {strides = array<i32>} : memref<8x4096xf32, #tpu.memory_space<vmem>>, vector<1x16xf32>,
    %get3A_86 = vector.shape_cast %get3A_85 : vector<1x16xf32> to vector<16xf32>
    %select_n3A_87 = arith.select %and3A_68, %get3A_86, %broadcast_in_dim3A_48 : vector<16xi1>, vector<16xf32>
    %get3A_88 = arith.constant 3 : i32
    %get3A_89 = arith.index_cast %get3A_88 : i32 to index
    %get3A_90 = arith.index_cast %multiple_of3A_70 : i32 to index
    %get3A_91 = tpu.vector_load %arg5[%get3A_89, %get3A_90] {strides = array<i32>} : memref<8x4096xf32, #tpu.memory_space<vmem>>, vector<1x16xf32>,
    %get3A_92 = vector.shape_cast %get3A_91 : vector<1x16xf32> to vector<16xf32>
    %select_n3A_93 = arith.select %and3A_68, %get3A_92, %broadcast_in_dim3A_48 : vector<16xi1>, vector<16xf32>
    %get3A_94 = arith.constant 4 : i32
    %get3A_95 = arith.index_cast %get3A_94 : i32 to index
    %get3A_96 = arith.index_cast %multiple_of3A_70 : i32 to index
    %get3A_97 = tpu.vector_load %arg5[%get3A_95, %get3A_96] {strides = array<i32>} : memref<8x4096xf32, #tpu.memory_space<vmem>>, vector<1x16xf32>,
    %get3A_98 = vector.shape_cast %get3A_97 : vector<1x16xf32> to vector<16xf32>
    %select_n3A_99 = arith.select %and3A_68, %get3A_98, %broadcast_in_dim3A_48 : vector<16xi1>, vector<16xf32>
    %get3A_100 = arith.constant 5 : i32
    %get3A_101 = arith.index_cast %get3A_100 : i32 to index
    %get3A_102 = arith.index_cast %multiple_of3A_70 : i32 to index
    %get3A_103 = tpu.vector_load %arg5[%get3A_101, %get3A_102] {strides = array<i32>} : memref<8x4096xf32, #tpu.memory_space<vmem>>, vector<1x16xf32>,
    %get3A_104 = vector.shape_cast %get3A_103 : vector<1x16xf32> to vector<16xf32>
    %select_n3A_105 = arith.select %and3A_68, %get3A_104, %broadcast_in_dim3A_48 : vector<16xi1>, vector<16xf32>
    %get3A_106 = arith.constant 6 : i32
    %get3A_107 = arith.index_cast %get3A_106 : i32 to index
    %get3A_108 = arith.index_cast %multiple_of3A_70 : i32 to index
    %get3A_109 = tpu.vector_load %arg5[%get3A_107, %get3A_108] {strides = array<i32>} : memref<8x4096xf32, #tpu.memory_space<vmem>>, vector<1x16xf32>,
    %get3A_110 = vector.shape_cast %get3A_109 : vector<1x16xf32> to vector<16xf32>
    %select_n3A_111 = arith.select %and3A_68, %get3A_110, %broadcast_in_dim3A_48 : vector<16xi1>, vector<16xf32>
    %get3A_112 = arith.constant 7 : i32
    %get3A_113 = arith.index_cast %get3A_112 : i32 to index
    %get3A_114 = arith.index_cast %multiple_of3A_70 : i32 to index
    %get3A_115 = tpu.vector_load %arg5[%get3A_113, %get3A_114] {strides = array<i32>} : memref<8x4096xf32, #tpu.memory_space<vmem>>, vector<1x16xf32>,
    %get3A_116 = vector.shape_cast %get3A_115 : vector<1x16xf32> to vector<16xf32>
    %select_n3A_117 = arith.select %and3A_68, %get3A_116, %broadcast_in_dim3A_48 : vector<16xi1>, vector<16xf32>
    %mul3A_118 = arith.constant 16 : i32
    %mul3A_119 = arith.muli %shift_right_logical3A_54, %mul3A_118 : i32
    %sub3A_120 = arith.subi %mul3A_119, %multiple_of3A_9 : i32
    %mul3A_121 = arith.constant 16 : i32
    %mul3A_122 = arith.muli %max3A_57, %mul3A_121 : i32
    %sub3A_123 = arith.subi %mul3A_122, %multiple_of3A_9 : i32
    %parallel_loop3A = arith.constant 16 : i32
    %parallel_loop3A_124:8 = scf.for %parallel_loop3A_3309 = %sub3A_120 to %sub3A_123 step %parallel_loop3A iter_args(%parallel_loop3A_3310 = %select_n3A, %parallel_loop3A_3311 = %select_n3A_81, %parallel_loop3A_3312 = %select_n3A_87, %parallel_loop3A_3313 = %select_n3A_93, %parallel_loop3A_3314 = %select_n3A_99, %parallel_loop3A_3315 = %select_n3A_105, %parallel_loop3A_3316 = %select_n3A_111, %parallel_loop3A_3317 = %select_n3A_117) -> (vector<16xf32>, vector<16xf32>, vector<16xf32>, vector<16xf32>, vector<16xf32>, vector<16xf32>, vector<16xf32>, vector<16xf32>)  : i32 {
      %parallel_loop3A_3318 = tpu.assume_multiple %parallel_loop3A_3309, 16 : i32
      %parallel_loop3A_3319 = arith.constant 0 : i32
      %parallel_loop3A_3320 = arith.index_cast %parallel_loop3A_3319 : i32 to index
      %parallel_loop3A_3321 = arith.index_cast %parallel_loop3A_3318 : i32 to index
      %parallel_loop3A_3322 = tpu.vector_load %arg5[%parallel_loop3A_3320, %parallel_loop3A_3321] {strides = array<i32>} : memref<8x4096xf32, #tpu.memory_space<vmem>>, vector<1x16xf32>,
      %parallel_loop3A_3323 = vector.shape_cast %parallel_loop3A_3322 : vector<1x16xf32> to vector<16xf32>
      %parallel_loop3A_3324 = arith.addf %parallel_loop3A_3310, %parallel_loop3A_3323 : vector<16xf32>
      %parallel_loop3A_3325 = arith.constant 1 : i32
      %parallel_loop3A_3326 = arith.index_cast %parallel_loop3A_3325 : i32 to index
      %parallel_loop3A_3327 = arith.index_cast %parallel_loop3A_3318 : i32 to index
      %parallel_loop3A_3328 = tpu.vector_load %arg5[%parallel_loop3A_3326, %parallel_loop3A_3327] {strides = array<i32>} : memref<8x4096xf32, #tpu.memory_space<vmem>>, vector<1x16xf32>,
      %parallel_loop3A_3329 = vector.shape_cast %parallel_loop3A_3328 : vector<1x16xf32> to vector<16xf32>
      %parallel_loop3A_3330 = arith.addf %parallel_loop3A_3311, %parallel_loop3A_3329 : vector<16xf32>
      %parallel_loop3A_3331 = arith.constant 2 : i32
      %parallel_loop3A_3332 = arith.index_cast %parallel_loop3A_3331 : i32 to index
      %parallel_loop3A_3333 = arith.index_cast %parallel_loop3A_3318 : i32 to index
      %parallel_loop3A_3334 = tpu.vector_load %arg5[%parallel_loop3A_3332, %parallel_loop3A_3333] {strides = array<i32>} : memref<8x4096xf32, #tpu.memory_space<vmem>>, vector<1x16xf32>,
      %parallel_loop3A_3335 = vector.shape_cast %parallel_loop3A_3334 : vector<1x16xf32> to vector<16xf32>
      %parallel_loop3A_3336 = arith.addf %parallel_loop3A_3312, %parallel_loop3A_3335 : vector<16xf32>
      %parallel_loop3A_3337 = arith.constant 3 : i32
      %parallel_loop3A_3338 = arith.index_cast %parallel_loop3A_3337 : i32 to index
      %parallel_loop3A_3339 = arith.index_cast %parallel_loop3A_3318 : i32 to index
      %parallel_loop3A_3340 = tpu.vector_load %arg5[%parallel_loop3A_3338, %parallel_loop3A_3339] {strides = array<i32>} : memref<8x4096xf32, #tpu.memory_space<vmem>>, vector<1x16xf32>,
      %parallel_loop3A_3341 = vector.shape_cast %parallel_loop3A_3340 : vector<1x16xf32> to vector<16xf32>
      %parallel_loop3A_3342 = arith.addf %parallel_loop3A_3313, %parallel_loop3A_3341 : vector<16xf32>
      %parallel_loop3A_3343 = arith.constant 4 : i32
      %parallel_loop3A_3344 = arith.index_cast %parallel_loop3A_3343 : i32 to index
      %parallel_loop3A_3345 = arith.index_cast %parallel_loop3A_3318 : i32 to index
      %parallel_loop3A_3346 = tpu.vector_load %arg5[%parallel_loop3A_3344, %parallel_loop3A_3345] {strides = array<i32>} : memref<8x4096xf32, #tpu.memory_space<vmem>>, vector<1x16xf32>,
      %parallel_loop3A_3347 = vector.shape_cast %parallel_loop3A_3346 : vector<1x16xf32> to vector<16xf32>
      %parallel_loop3A_3348 = arith.addf %parallel_loop3A_3314, %parallel_loop3A_3347 : vector<16xf32>
      %parallel_loop3A_3349 = arith.constant 5 : i32
      %parallel_loop3A_3350 = arith.index_cast %parallel_loop3A_3349 : i32 to index
      %parallel_loop3A_3351 = arith.index_cast %parallel_loop3A_3318 : i32 to index
      %parallel_loop3A_3352 = tpu.vector_load %arg5[%parallel_loop3A_3350, %parallel_loop3A_3351] {strides = array<i32>} : memref<8x4096xf32, #tpu.memory_space<vmem>>, vector<1x16xf32>,
      %parallel_loop3A_3353 = vector.shape_cast %parallel_loop3A_3352 : vector<1x16xf32> to vector<16xf32>
      %parallel_loop3A_3354 = arith.addf %parallel_loop3A_3315, %parallel_loop3A_3353 : vector<16xf32>
      %parallel_loop3A_3355 = arith.constant 6 : i32
      %parallel_loop3A_3356 = arith.index_cast %parallel_loop3A_3355 : i32 to index
      %parallel_loop3A_3357 = arith.index_cast %parallel_loop3A_3318 : i32 to index
      %parallel_loop3A_3358 = tpu.vector_load %arg5[%parallel_loop3A_3356, %parallel_loop3A_3357] {strides = array<i32>} : memref<8x4096xf32, #tpu.memory_space<vmem>>, vector<1x16xf32>,
      %parallel_loop3A_3359 = vector.shape_cast %parallel_loop3A_3358 : vector<1x16xf32> to vector<16xf32>
      %parallel_loop3A_3360 = arith.addf %parallel_loop3A_3316, %parallel_loop3A_3359 : vector<16xf32>
      %parallel_loop3A_3361 = arith.constant 7 : i32
      %parallel_loop3A_3362 = arith.index_cast %parallel_loop3A_3361 : i32 to index
      %parallel_loop3A_3363 = arith.index_cast %parallel_loop3A_3318 : i32 to index
      %parallel_loop3A_3364 = tpu.vector_load %arg5[%parallel_loop3A_3362, %parallel_loop3A_3363] {strides = array<i32>} : memref<8x4096xf32, #tpu.memory_space<vmem>>, vector<1x16xf32>,
      %parallel_loop3A_3365 = vector.shape_cast %parallel_loop3A_3364 : vector<1x16xf32> to vector<16xf32>
      %parallel_loop3A_3366 = arith.addf %parallel_loop3A_3317, %parallel_loop3A_3365 : vector<16xf32>
      scf.yield %parallel_loop3A_3324, %parallel_loop3A_3330, %parallel_loop3A_3336, %parallel_loop3A_3342, %parallel_loop3A_3348, %parallel_loop3A_3354, %parallel_loop3A_3360, %parallel_loop3A_3366 : vector<16xf32>, vector<16xf32>, vector<16xf32>, vector<16xf32>, vector<16xf32>, vector<16xf32>, vector<16xf32>, vector<16xf32>
    } {sc.loop_unroll_factor = 1 : i64, sc.parallel_access}
    %and3A_125 = arith.constant -16 : i32
    %and3A_126 = arith.andi %min3A, %and3A_125 : i32
    %max3A_127 = arith.maxsi %and3A_126, %multiple_of3A_9 : i32
    %sub3A_128 = arith.constant 16 : i32
    %sub3A_129 = arith.subi %add3A_51, %sub3A_128 : i32
    %min3A_130 = arith.minsi %max3A_127, %sub3A_129 : i32
    %add3A_131 = vector.broadcast %min3A_130 : i32 to vector<16xi32>
    %add3A_132 = arith.addi %add3A_131, %iota3A : vector<16xi32>
    %mul3A_133 = arith.constant 16 : i32
    %mul3A_134 = arith.muli %shift_right_logical3A_54, %mul3A_133 : i32
    %max3A_135 = arith.maxsi %mul3A_134, %and3A_126 : i32
    %ge3A_136 = vector.broadcast %max3A_135 : i32 to vector<16xi32>
    %ge3A_137 = arith.cmpi sge, %add3A_132, %ge3A_136 : vector<16xi32>
    %lt3A_138 = vector.broadcast %min3A : i32 to vector<16xi32>
    %lt3A_139 = arith.cmpi slt, %add3A_132, %lt3A_138 : vector<16xi32>
    %and3A_140 = arith.andi %ge3A_137, %lt3A_139 : vector<16xi1>
    %sub3A_141 = arith.subi %min3A_130, %multiple_of3A_9 : i32
    %multiple_of3A_142 = tpu.assume_multiple %sub3A_141, 16 : i32
    %get3A_143 = arith.constant 0 : i32
    %get3A_144 = arith.index_cast %get3A_143 : i32 to index
    %get3A_145 = arith.index_cast %multiple_of3A_142 : i32 to index
    %get3A_146 = tpu.vector_load %arg5[%get3A_144, %get3A_145] {strides = array<i32>} : memref<8x4096xf32, #tpu.memory_space<vmem>>, vector<1x16xf32>,
    %get3A_147 = vector.shape_cast %get3A_146 : vector<1x16xf32> to vector<16xf32>
    %select_n3A_148 = arith.select %and3A_140, %get3A_147, %broadcast_in_dim3A_48 : vector<16xi1>, vector<16xf32>
    %add3A_149 = arith.addf %parallel_loop3A_124#0, %select_n3A_148 : vector<16xf32>
    %swap3A = arith.constant 0 : i32
    %swap3A_150 = arith.index_cast %swap3A : i32 to index
    %swap3A_151 = arith.constant 0 : index
    %swap3A_152 = tpu.vector_load %arg7[%swap3A_150, %swap3A_151] {strides = array<i32>} : memref<8x256xf32, #tpu.memory_space<vmem>>, vector<1x16xf32>,
    %swap3A_153 = vector.shape_cast %swap3A_152 : vector<1x16xf32> to vector<16xf32>
    %swap3A_154 = vector.shape_cast %add3A_149 : vector<16xf32> to vector<1x16xf32>
    tpu.vector_store %arg7[%swap3A_150, %swap3A_151], %swap3A_154 {strides = array<i32>} : memref<8x256xf32, #tpu.memory_space<vmem>>, vector<1x16xf32>,
    %get3A_155 = arith.constant 1 : i32
    %get3A_156 = arith.index_cast %get3A_155 : i32 to index
    %get3A_157 = arith.index_cast %multiple_of3A_142 : i32 to index
    %get3A_158 = tpu.vector_load %arg5[%get3A_156, %get3A_157] {strides = array<i32>} : memref<8x4096xf32, #tpu.memory_space<vmem>>, vector<1x16xf32>,
    %get3A_159 = vector.shape_cast %get3A_158 : vector<1x16xf32> to vector<16xf32>
    %select_n3A_160 = arith.select %and3A_140, %get3A_159, %broadcast_in_dim3A_48 : vector<16xi1>, vector<16xf32>
    %add3A_161 = arith.addf %parallel_loop3A_124#1, %select_n3A_160 : vector<16xf32>
    %swap3A_162 = arith.constant 1 : i32
    %swap3A_163 = arith.index_cast %swap3A_162 : i32 to index
    %swap3A_164 = arith.constant 0 : index
    %swap3A_165 = tpu.vector_load %arg7[%swap3A_163, %swap3A_164] {strides = array<i32>} : memref<8x256xf32, #tpu.memory_space<vmem>>, vector<1x16xf32>,
    %swap3A_166 = vector.shape_cast %swap3A_165 : vector<1x16xf32> to vector<16xf32>
    %swap3A_167 = vector.shape_cast %add3A_161 : vector<16xf32> to vector<1x16xf32>
    tpu.vector_store %arg7[%swap3A_163, %swap3A_164], %swap3A_167 {strides = array<i32>} : memref<8x256xf32, #tpu.memory_space<vmem>>, vector<1x16xf32>,
    %get3A_168 = arith.constant 2 : i32
    %get3A_169 = arith.index_cast %get3A_168 : i32 to index
    %get3A_170 = arith.index_cast %multiple_of3A_142 : i32 to index
    %get3A_171 = tpu.vector_load %arg5[%get3A_169, %get3A_170] {strides = array<i32>} : memref<8x4096xf32, #tpu.memory_space<vmem>>, vector<1x16xf32>,
    %get3A_172 = vector.shape_cast %get3A_171 : vector<1x16xf32> to vector<16xf32>
    %select_n3A_173 = arith.select %and3A_140, %get3A_172, %broadcast_in_dim3A_48 : vector<16xi1>, vector<16xf32>
    %add3A_174 = arith.addf %parallel_loop3A_124#2, %select_n3A_173 : vector<16xf32>
    %swap3A_175 = arith.constant 2 : i32
    %swap3A_176 = arith.index_cast %swap3A_175 : i32 to index
    %swap3A_177 = arith.constant 0 : index
    %swap3A_178 = tpu.vector_load %arg7[%swap3A_176, %swap3A_177] {strides = array<i32>} : memref<8x256xf32, #tpu.memory_space<vmem>>, vector<1x16xf32>,
    %swap3A_179 = vector.shape_cast %swap3A_178 : vector<1x16xf32> to vector<16xf32>
    %swap3A_180 = vector.shape_cast %add3A_174 : vector<16xf32> to vector<1x16xf32>
    tpu.vector_store %arg7[%swap3A_176, %swap3A_177], %swap3A_180 {strides = array<i32>} : memref<8x256xf32, #tpu.memory_space<vmem>>, vector<1x16xf32>,
    %get3A_181 = arith.constant 3 : i32
    %get3A_182 = arith.index_cast %get3A_181 : i32 to index
    %get3A_183 = arith.index_cast %multiple_of3A_142 : i32 to index
    %get3A_184 = tpu.vector_load %arg5[%get3A_182, %get3A_183] {strides = array<i32>} : memref<8x4096xf32, #tpu.memory_space<vmem>>, vector<1x16xf32>,
    %get3A_185 = vector.shape_cast %get3A_184 : vector<1x16xf32> to vector<16xf32>
    %select_n3A_186 = arith.select %and3A_140, %get3A_185, %broadcast_in_dim3A_48 : vector<16xi1>, vector<16xf32>
    %add3A_187 = arith.addf %parallel_loop3A_124#3, %select_n3A_186 : vector<16xf32>
    %swap3A_188 = arith.constant 3 : i32
    %swap3A_189 = arith.index_cast %swap3A_188 : i32 to index
    %swap3A_190 = arith.constant 0 : index
    %swap3A_191 = tpu.vector_load %arg7[%swap3A_189, %swap3A_190] {strides = array<i32>} : memref<8x256xf32, #tpu.memory_space<vmem>>, vector<1x16xf32>,
    %swap3A_192 = vector.shape_cast %swap3A_191 : vector<1x16xf32> to vector<16xf32>
    %swap3A_193 = vector.shape_cast %add3A_187 : vector<16xf32> to vector<1x16xf32>
    tpu.vector_store %arg7[%swap3A_189, %swap3A_190], %swap3A_193 {strides = array<i32>} : memref<8x256xf32, #tpu.memory_space<vmem>>, vector<1x16xf32>,
    %get3A_194 = arith.constant 4 : i32
    %get3A_195 = arith.index_cast %get3A_194 : i32 to index
    %get3A_196 = arith.index_cast %multiple_of3A_142 : i32 to index
    %get3A_197 = tpu.vector_load %arg5[%get3A_195, %get3A_196] {strides = array<i32>} : memref<8x4096xf32, #tpu.memory_space<vmem>>, vector<1x16xf32>,
    %get3A_198 = vector.shape_cast %get3A_197 : vector<1x16xf32> to vector<16xf32>
    %select_n3A_199 = arith.select %and3A_140, %get3A_198, %broadcast_in_dim3A_48 : vector<16xi1>, vector<16xf32>
    %add3A_200 = arith.addf %parallel_loop3A_124#4, %select_n3A_199 : vector<16xf32>
    %swap3A_201 = arith.constant 4 : i32
    %swap3A_202 = arith.index_cast %swap3A_201 : i32 to index
    %swap3A_203 = arith.constant 0 : index
    %swap3A_204 = tpu.vector_load %arg7[%swap3A_202, %swap3A_203] {strides = array<i32>} : memref<8x256xf32, #tpu.memory_space<vmem>>, vector<1x16xf32>,
    %swap3A_205 = vector.shape_cast %swap3A_204 : vector<1x16xf32> to vector<16xf32>
    %swap3A_206 = vector.shape_cast %add3A_200 : vector<16xf32> to vector<1x16xf32>
    tpu.vector_store %arg7[%swap3A_202, %swap3A_203], %swap3A_206 {strides = array<i32>} : memref<8x256xf32, #tpu.memory_space<vmem>>, vector<1x16xf32>,
    %get3A_207 = arith.constant 5 : i32
    %get3A_208 = arith.index_cast %get3A_207 : i32 to index
    %get3A_209 = arith.index_cast %multiple_of3A_142 : i32 to index
    %get3A_210 = tpu.vector_load %arg5[%get3A_208, %get3A_209] {strides = array<i32>} : memref<8x4096xf32, #tpu.memory_space<vmem>>, vector<1x16xf32>,
    %get3A_211 = vector.shape_cast %get3A_210 : vector<1x16xf32> to vector<16xf32>
    %select_n3A_212 = arith.select %and3A_140, %get3A_211, %broadcast_in_dim3A_48 : vector<16xi1>, vector<16xf32>
    %add3A_213 = arith.addf %parallel_loop3A_124#5, %select_n3A_212 : vector<16xf32>
    %swap3A_214 = arith.constant 5 : i32
    %swap3A_215 = arith.index_cast %swap3A_214 : i32 to index
    %swap3A_216 = arith.constant 0 : index
    %swap3A_217 = tpu.vector_load %arg7[%swap3A_215, %swap3A_216] {strides = array<i32>} : memref<8x256xf32, #tpu.memory_space<vmem>>, vector<1x16xf32>,
    %swap3A_218 = vector.shape_cast %swap3A_217 : vector<1x16xf32> to vector<16xf32>
    %swap3A_219 = vector.shape_cast %add3A_213 : vector<16xf32> to vector<1x16xf32>
    tpu.vector_store %arg7[%swap3A_215, %swap3A_216], %swap3A_219 {strides = array<i32>} : memref<8x256xf32, #tpu.memory_space<vmem>>, vector<1x16xf32>,
    %get3A_220 = arith.constant 6 : i32
    %get3A_221 = arith.index_cast %get3A_220 : i32 to index
    %get3A_222 = arith.index_cast %multiple_of3A_142 : i32 to index
    %get3A_223 = tpu.vector_load %arg5[%get3A_221, %get3A_222] {strides = array<i32>} : memref<8x4096xf32, #tpu.memory_space<vmem>>, vector<1x16xf32>,
    %get3A_224 = vector.shape_cast %get3A_223 : vector<1x16xf32> to vector<16xf32>
    %select_n3A_225 = arith.select %and3A_140, %get3A_224, %broadcast_in_dim3A_48 : vector<16xi1>, vector<16xf32>
    %add3A_226 = arith.addf %parallel_loop3A_124#6, %select_n3A_225 : vector<16xf32>
    %swap3A_227 = arith.constant 6 : i32
    %swap3A_228 = arith.index_cast %swap3A_227 : i32 to index
    %swap3A_229 = arith.constant 0 : index
    %swap3A_230 = tpu.vector_load %arg7[%swap3A_228, %swap3A_229] {strides = array<i32>} : memref<8x256xf32, #tpu.memory_space<vmem>>, vector<1x16xf32>,
    %swap3A_231 = vector.shape_cast %swap3A_230 : vector<1x16xf32> to vector<16xf32>
    %swap3A_232 = vector.shape_cast %add3A_226 : vector<16xf32> to vector<1x16xf32>
    tpu.vector_store %arg7[%swap3A_228, %swap3A_229], %swap3A_232 {strides = array<i32>} : memref<8x256xf32, #tpu.memory_space<vmem>>, vector<1x16xf32>,
    %get3A_233 = arith.constant 7 : i32
    %get3A_234 = arith.index_cast %get3A_233 : i32 to index
    %get3A_235 = arith.index_cast %multiple_of3A_142 : i32 to index
    %get3A_236 = tpu.vector_load %arg5[%get3A_234, %get3A_235] {strides = array<i32>} : memref<8x4096xf32, #tpu.memory_space<vmem>>, vector<1x16xf32>,
    %get3A_237 = vector.shape_cast %get3A_236 : vector<1x16xf32> to vector<16xf32>
    %select_n3A_238 = arith.select %and3A_140, %get3A_237, %broadcast_in_dim3A_48 : vector<16xi1>, vector<16xf32>
    %add3A_239 = arith.addf %parallel_loop3A_124#7, %select_n3A_238 : vector<16xf32>
    %swap3A_240 = arith.constant 7 : i32
    %swap3A_241 = arith.index_cast %swap3A_240 : i32 to index
    %swap3A_242 = arith.constant 0 : index
    %swap3A_243 = tpu.vector_load %arg7[%swap3A_241, %swap3A_242] {strides = array<i32>} : memref<8x256xf32, #tpu.memory_space<vmem>>, vector<1x16xf32>,
    %swap3A_244 = vector.shape_cast %swap3A_243 : vector<1x16xf32> to vector<16xf32>
    %swap3A_245 = vector.shape_cast %add3A_239 : vector<16xf32> to vector<1x16xf32>
    tpu.vector_store %arg7[%swap3A_241, %swap3A_242], %swap3A_245 {strides = array<i32>} : memref<8x256xf32, #tpu.memory_space<vmem>>, vector<1x16xf32>,
    %max3A_246 = arith.maxsi %squeeze3A_17, %multiple_of3A_9 : i32
    %min3A_247 = arith.minsi %squeeze3A_19, %add3A_51 : i32
    %add3A_248 = arith.constant 15 : i32
    %add3A_249 = arith.addi %max3A_246, %add3A_248 : i32
    %shift_right_logical3A_250 = arith.constant 4 : i32
    %shift_right_logical3A_251 = arith.shrui %add3A_249, %shift_right_logical3A_250 : i32
    %shift_right_logical3A_252 = arith.constant 4 : i32
    %shift_right_logical3A_253 = arith.shrui %min3A_247, %shift_right_logical3A_252 : i32
    %max3A_254 = arith.maxsi %shift_right_logical3A_251, %shift_right_logical3A_253 : i32
    %sub3A_255 = arith.constant 1 : i32
    %sub3A_256 = arith.subi %add3A_51, %sub3A_255 : i32
    %min3A_257 = arith.minsi %max3A_246, %sub3A_256 : i32
    %and3A_258 = arith.constant -16 : i32
    %and3A_259 = arith.andi %min3A_257, %and3A_258 : i32
    %add3A_260 = vector.broadcast %and3A_259 : i32 to vector<16xi32>
    %add3A_261 = arith.addi %add3A_260, %iota3A : vector<16xi32>
    %ge3A_262 = vector.broadcast %max3A_246 : i32 to vector<16xi32>
    %ge3A_263 = arith.cmpi sge, %add3A_261, %ge3A_262 : vector<16xi32>
    %mul3A_264 = arith.constant 16 : i32
    %mul3A_265 = arith.muli %shift_right_logical3A_251, %mul3A_264 : i32
    %min3A_266 = arith.minsi %min3A_247, %mul3A_265 : i32
    %lt3A_267 = vector.broadcast %min3A_266 : i32 to vector<16xi32>
    %lt3A_268 = arith.cmpi slt, %add3A_261, %lt3A_267 : vector<16xi32>
    %and3A_269 = arith.andi %ge3A_263, %lt3A_268 : vector<16xi1>
    %sub3A_270 = arith.subi %and3A_259, %multiple_of3A_9 : i32
    %multiple_of3A_271 = tpu.assume_multiple %sub3A_270, 16 : i32
    %get3A_272 = arith.constant 0 : i32
    %get3A_273 = arith.index_cast %get3A_272 : i32 to index
    %get3A_274 = arith.index_cast %multiple_of3A_271 : i32 to index
    %get3A_275 = tpu.vector_load %arg5[%get3A_273, %get3A_274] {strides = array<i32>} : memref<8x4096xf32, #tpu.memory_space<vmem>>, vector<1x16xf32>,
    %get3A_276 = vector.shape_cast %get3A_275 : vector<1x16xf32> to vector<16xf32>
    %select_n3A_277 = arith.select %and3A_269, %get3A_276, %broadcast_in_dim3A_48 : vector<16xi1>, vector<16xf32>
    %get3A_278 = arith.constant 1 : i32
    %get3A_279 = arith.index_cast %get3A_278 : i32 to index
    %get3A_280 = arith.index_cast %multiple_of3A_271 : i32 to index
    %get3A_281 = tpu.vector_load %arg5[%get3A_279, %get3A_280] {strides = array<i32>} : memref<8x4096xf32, #tpu.memory_space<vmem>>, vector<1x16xf32>,
    %get3A_282 = vector.shape_cast %get3A_281 : vector<1x16xf32> to vector<16xf32>
    %select_n3A_283 = arith.select %and3A_269, %get3A_282, %broadcast_in_dim3A_48 : vector<16xi1>, vector<16xf32>
    %get3A_284 = arith.constant 2 : i32
    %get3A_285 = arith.index_cast %get3A_284 : i32 to index
    %get3A_286 = arith.index_cast %multiple_of3A_271 : i32 to index
    %get3A_287 = tpu.vector_load %arg5[%get3A_285, %get3A_286] {strides = array<i32>} : memref<8x4096xf32, #tpu.memory_space<vmem>>, vector<1x16xf32>,
    %get3A_288 = vector.shape_cast %get3A_287 : vector<1x16xf32> to vector<16xf32>
    %select_n3A_289 = arith.select %and3A_269, %get3A_288, %broadcast_in_dim3A_48 : vector<16xi1>, vector<16xf32>
    %get3A_290 = arith.constant 3 : i32
    %get3A_291 = arith.index_cast %get3A_290 : i32 to index
    %get3A_292 = arith.index_cast %multiple_of3A_271 : i32 to index
    %get3A_293 = tpu.vector_load %arg5[%get3A_291, %get3A_292] {strides = array<i32>} : memref<8x4096xf32, #tpu.memory_space<vmem>>, vector<1x16xf32>,
    %get3A_294 = vector.shape_cast %get3A_293 : vector<1x16xf32> to vector<16xf32>
    %select_n3A_295 = arith.select %and3A_269, %get3A_294, %broadcast_in_dim3A_48 : vector<16xi1>, vector<16xf32>
    %get3A_296 = arith.constant 4 : i32
    %get3A_297 = arith.index_cast %get3A_296 : i32 to index
    %get3A_298 = arith.index_cast %multiple_of3A_271 : i32 to index
    %get3A_299 = tpu.vector_load %arg5[%get3A_297, %get3A_298] {strides = array<i32>} : memref<8x4096xf32, #tpu.memory_space<vmem>>, vector<1x16xf32>,
    %get3A_300 = vector.shape_cast %get3A_299 : vector<1x16xf32> to vector<16xf32>
    %select_n3A_301 = arith.select %and3A_269, %get3A_300, %broadcast_in_dim3A_48 : vector<16xi1>, vector<16xf32>
    %get3A_302 = arith.constant 5 : i32
    %get3A_303 = arith.index_cast %get3A_302 : i32 to index
    %get3A_304 = arith.index_cast %multiple_of3A_271 : i32 to index
    %get3A_305 = tpu.vector_load %arg5[%get3A_303, %get3A_304] {strides = array<i32>} : memref<8x4096xf32, #tpu.memory_space<vmem>>, vector<1x16xf32>,
    %get3A_306 = vector.shape_cast %get3A_305 : vector<1x16xf32> to vector<16xf32>
    %select_n3A_307 = arith.select %and3A_269, %get3A_306, %broadcast_in_dim3A_48 : vector<16xi1>, vector<16xf32>
    %get3A_308 = arith.constant 6 : i32
    %get3A_309 = arith.index_cast %get3A_308 : i32 to index
    %get3A_310 = arith.index_cast %multiple_of3A_271 : i32 to index
    %get3A_311 = tpu.vector_load %arg5[%get3A_309, %get3A_310] {strides = array<i32>} : memref<8x4096xf32, #tpu.memory_space<vmem>>, vector<1x16xf32>,
    %get3A_312 = vector.shape_cast %get3A_311 : vector<1x16xf32> to vector<16xf32>
    %select_n3A_313 = arith.select %and3A_269, %get3A_312, %broadcast_in_dim3A_48 : vector<16xi1>, vector<16xf32>
    %get3A_314 = arith.constant 7 : i32
    %get3A_315 = arith.index_cast %get3A_314 : i32 to index
    %get3A_316 = arith.index_cast %multiple_of3A_271 : i32 to index
    %get3A_317 = tpu.vector_load %arg5[%get3A_315, %get3A_316] {strides = array<i32>} : memref<8x4096xf32, #tpu.memory_space<vmem>>, vector<1x16xf32>,
    %get3A_318 = vector.shape_cast %get3A_317 : vector<1x16xf32> to vector<16xf32>
    %select_n3A_319 = arith.select %and3A_269, %get3A_318, %broadcast_in_dim3A_48 : vector<16xi1>, vector<16xf32>
    %mul3A_320 = arith.constant 16 : i32
    %mul3A_321 = arith.muli %shift_right_logical3A_251, %mul3A_320 : i32
    %sub3A_322 = arith.subi %mul3A_321, %multiple_of3A_9 : i32
    %mul3A_323 = arith.constant 16 : i32
    %mul3A_324 = arith.muli %max3A_254, %mul3A_323 : i32
    %sub3A_325 = arith.subi %mul3A_324, %multiple_of3A_9 : i32
    %parallel_loop3A_326 = arith.constant 16 : i32
    %parallel_loop3A_327:8 = scf.for %parallel_loop3A_3309 = %sub3A_322 to %sub3A_325 step %parallel_loop3A_326 iter_args(%parallel_loop3A_3310 = %select_n3A_277, %parallel_loop3A_3311 = %select_n3A_283, %parallel_loop3A_3312 = %select_n3A_289, %parallel_loop3A_3313 = %select_n3A_295, %parallel_loop3A_3314 = %select_n3A_301, %parallel_loop3A_3315 = %select_n3A_307, %parallel_loop3A_3316 = %select_n3A_313, %parallel_loop3A_3317 = %select_n3A_319) -> (vector<16xf32>, vector<16xf32>, vector<16xf32>, vector<16xf32>, vector<16xf32>, vector<16xf32>, vector<16xf32>, vector<16xf32>)  : i32 {
      %parallel_loop3A_3318 = tpu.assume_multiple %parallel_loop3A_3309, 16 : i32
      %parallel_loop3A_3319 = arith.constant 0 : i32
      %parallel_loop3A_3320 = arith.index_cast %parallel_loop3A_3319 : i32 to index
      %parallel_loop3A_3321 = arith.index_cast %parallel_loop3A_3318 : i32 to index
      %parallel_loop3A_3322 = tpu.vector_load %arg5[%parallel_loop3A_3320, %parallel_loop3A_3321] {strides = array<i32>} : memref<8x4096xf32, #tpu.memory_space<vmem>>, vector<1x16xf32>,
      %parallel_loop3A_3323 = vector.shape_cast %parallel_loop3A_3322 : vector<1x16xf32> to vector<16xf32>
      %parallel_loop3A_3324 = arith.addf %parallel_loop3A_3310, %parallel_loop3A_3323 : vector<16xf32>
      %parallel_loop3A_3325 = arith.constant 1 : i32
      %parallel_loop3A_3326 = arith.index_cast %parallel_loop3A_3325 : i32 to index
      %parallel_loop3A_3327 = arith.index_cast %parallel_loop3A_3318 : i32 to index
      %parallel_loop3A_3328 = tpu.vector_load %arg5[%parallel_loop3A_3326, %parallel_loop3A_3327] {strides = array<i32>} : memref<8x4096xf32, #tpu.memory_space<vmem>>, vector<1x16xf32>,
      %parallel_loop3A_3329 = vector.shape_cast %parallel_loop3A_3328 : vector<1x16xf32> to vector<16xf32>
      %parallel_loop3A_3330 = arith.addf %parallel_loop3A_3311, %parallel_loop3A_3329 : vector<16xf32>
      %parallel_loop3A_3331 = arith.constant 2 : i32
      %parallel_loop3A_3332 = arith.index_cast %parallel_loop3A_3331 : i32 to index
      %parallel_loop3A_3333 = arith.index_cast %parallel_loop3A_3318 : i32 to index
      %parallel_loop3A_3334 = tpu.vector_load %arg5[%parallel_loop3A_3332, %parallel_loop3A_3333] {strides = array<i32>} : memref<8x4096xf32, #tpu.memory_space<vmem>>, vector<1x16xf32>,
      %parallel_loop3A_3335 = vector.shape_cast %parallel_loop3A_3334 : vector<1x16xf32> to vector<16xf32>
      %parallel_loop3A_3336 = arith.addf %parallel_loop3A_3312, %parallel_loop3A_3335 : vector<16xf32>
      %parallel_loop3A_3337 = arith.constant 3 : i32
      %parallel_loop3A_3338 = arith.index_cast %parallel_loop3A_3337 : i32 to index
      %parallel_loop3A_3339 = arith.index_cast %parallel_loop3A_3318 : i32 to index
      %parallel_loop3A_3340 = tpu.vector_load %arg5[%parallel_loop3A_3338, %parallel_loop3A_3339] {strides = array<i32>} : memref<8x4096xf32, #tpu.memory_space<vmem>>, vector<1x16xf32>,
      %parallel_loop3A_3341 = vector.shape_cast %parallel_loop3A_3340 : vector<1x16xf32> to vector<16xf32>
      %parallel_loop3A_3342 = arith.addf %parallel_loop3A_3313, %parallel_loop3A_3341 : vector<16xf32>
      %parallel_loop3A_3343 = arith.constant 4 : i32
      %parallel_loop3A_3344 = arith.index_cast %parallel_loop3A_3343 : i32 to index
      %parallel_loop3A_3345 = arith.index_cast %parallel_loop3A_3318 : i32 to index
      %parallel_loop3A_3346 = tpu.vector_load %arg5[%parallel_loop3A_3344, %parallel_loop3A_3345] {strides = array<i32>} : memref<8x4096xf32, #tpu.memory_space<vmem>>, vector<1x16xf32>,
      %parallel_loop3A_3347 = vector.shape_cast %parallel_loop3A_3346 : vector<1x16xf32> to vector<16xf32>
      %parallel_loop3A_3348 = arith.addf %parallel_loop3A_3314, %parallel_loop3A_3347 : vector<16xf32>
      %parallel_loop3A_3349 = arith.constant 5 : i32
      %parallel_loop3A_3350 = arith.index_cast %parallel_loop3A_3349 : i32 to index
      %parallel_loop3A_3351 = arith.index_cast %parallel_loop3A_3318 : i32 to index
      %parallel_loop3A_3352 = tpu.vector_load %arg5[%parallel_loop3A_3350, %parallel_loop3A_3351] {strides = array<i32>} : memref<8x4096xf32, #tpu.memory_space<vmem>>, vector<1x16xf32>,
      %parallel_loop3A_3353 = vector.shape_cast %parallel_loop3A_3352 : vector<1x16xf32> to vector<16xf32>
      %parallel_loop3A_3354 = arith.addf %parallel_loop3A_3315, %parallel_loop3A_3353 : vector<16xf32>
      %parallel_loop3A_3355 = arith.constant 6 : i32
      %parallel_loop3A_3356 = arith.index_cast %parallel_loop3A_3355 : i32 to index
      %parallel_loop3A_3357 = arith.index_cast %parallel_loop3A_3318 : i32 to index
      %parallel_loop3A_3358 = tpu.vector_load %arg5[%parallel_loop3A_3356, %parallel_loop3A_3357] {strides = array<i32>} : memref<8x4096xf32, #tpu.memory_space<vmem>>, vector<1x16xf32>,
      %parallel_loop3A_3359 = vector.shape_cast %parallel_loop3A_3358 : vector<1x16xf32> to vector<16xf32>
      %parallel_loop3A_3360 = arith.addf %parallel_loop3A_3316, %parallel_loop3A_3359 : vector<16xf32>
      %parallel_loop3A_3361 = arith.constant 7 : i32
      %parallel_loop3A_3362 = arith.index_cast %parallel_loop3A_3361 : i32 to index
      %parallel_loop3A_3363 = arith.index_cast %parallel_loop3A_3318 : i32 to index
      %parallel_loop3A_3364 = tpu.vector_load %arg5[%parallel_loop3A_3362, %parallel_loop3A_3363] {strides = array<i32>} : memref<8x4096xf32, #tpu.memory_space<vmem>>, vector<1x16xf32>,
      %parallel_loop3A_3365 = vector.shape_cast %parallel_loop3A_3364 : vector<1x16xf32> to vector<16xf32>
      %parallel_loop3A_3366 = arith.addf %parallel_loop3A_3317, %parallel_loop3A_3365 : vector<16xf32>
      scf.yield %parallel_loop3A_3324, %parallel_loop3A_3330, %parallel_loop3A_3336, %parallel_loop3A_3342, %parallel_loop3A_3348, %parallel_loop3A_3354, %parallel_loop3A_3360, %parallel_loop3A_3366 : vector<16xf32>, vector<16xf32>, vector<16xf32>, vector<16xf32>, vector<16xf32>, vector<16xf32>, vector<16xf32>, vector<16xf32>
    } {sc.loop_unroll_factor = 1 : i64, sc.parallel_access}
    %and3A_328 = arith.constant -16 : i32
    %and3A_329 = arith.andi %min3A_247, %and3A_328 : i32
    %max3A_330 = arith.maxsi %and3A_329, %multiple_of3A_9 : i32
    %sub3A_331 = arith.constant 16 : i32
    %sub3A_332 = arith.subi %add3A_51, %sub3A_331 : i32
    %min3A_333 = arith.minsi %max3A_330, %sub3A_332 : i32
    %add3A_334 = vector.broadcast %min3A_333 : i32 to vector<16xi32>
    %add3A_335 = arith.addi %add3A_334, %iota3A : vector<16xi32>
    %mul3A_336 = arith.constant 16 : i32
    %mul3A_337 = arith.muli %shift_right_logical3A_251, %mul3A_336 : i32
    %max3A_338 = arith.maxsi %mul3A_337, %and3A_329 : i32
    %ge3A_339 = vector.broadcast %max3A_338 : i32 to vector<16xi32>
    %ge3A_340 = arith.cmpi sge, %add3A_335, %ge3A_339 : vector<16xi32>
    %lt3A_341 = vector.broadcast %min3A_247 : i32 to vector<16xi32>
    %lt3A_342 = arith.cmpi slt, %add3A_335, %lt3A_341 : vector<16xi32>
    %and3A_343 = arith.andi %ge3A_340, %lt3A_342 : vector<16xi1>
    %sub3A_344 = arith.subi %min3A_333, %multiple_of3A_9 : i32
    %multiple_of3A_345 = tpu.assume_multiple %sub3A_344, 16 : i32
    %get3A_346 = arith.constant 0 : i32
    %get3A_347 = arith.index_cast %get3A_346 : i32 to index
    %get3A_348 = arith.index_cast %multiple_of3A_345 : i32 to index
    %get3A_349 = tpu.vector_load %arg5[%get3A_347, %get3A_348] {strides = array<i32>} : memref<8x4096xf32, #tpu.memory_space<vmem>>, vector<1x16xf32>,
    %get3A_350 = vector.shape_cast %get3A_349 : vector<1x16xf32> to vector<16xf32>
    %select_n3A_351 = arith.select %and3A_343, %get3A_350, %broadcast_in_dim3A_48 : vector<16xi1>, vector<16xf32>
    %add3A_352 = arith.addf %parallel_loop3A_327#0, %select_n3A_351 : vector<16xf32>
    %swap3A_353 = arith.constant 0 : i32
    %swap3A_354 = arith.index_cast %swap3A_353 : i32 to index
    %swap3A_355 = arith.constant 16 : index
    %swap3A_356 = tpu.vector_load %arg7[%swap3A_354, %swap3A_355] {strides = array<i32>} : memref<8x256xf32, #tpu.memory_space<vmem>>, vector<1x16xf32>,
    %swap3A_357 = vector.shape_cast %swap3A_356 : vector<1x16xf32> to vector<16xf32>
    %swap3A_358 = vector.shape_cast %add3A_352 : vector<16xf32> to vector<1x16xf32>
    tpu.vector_store %arg7[%swap3A_354, %swap3A_355], %swap3A_358 {strides = array<i32>} : memref<8x256xf32, #tpu.memory_space<vmem>>, vector<1x16xf32>,
    %get3A_359 = arith.constant 1 : i32
    %get3A_360 = arith.index_cast %get3A_359 : i32 to index
    %get3A_361 = arith.index_cast %multiple_of3A_345 : i32 to index
    %get3A_362 = tpu.vector_load %arg5[%get3A_360, %get3A_361] {strides = array<i32>} : memref<8x4096xf32, #tpu.memory_space<vmem>>, vector<1x16xf32>,
    %get3A_363 = vector.shape_cast %get3A_362 : vector<1x16xf32> to vector<16xf32>
    %select_n3A_364 = arith.select %and3A_343, %get3A_363, %broadcast_in_dim3A_48 : vector<16xi1>, vector<16xf32>
    %add3A_365 = arith.addf %parallel_loop3A_327#1, %select_n3A_364 : vector<16xf32>
    %swap3A_366 = arith.constant 1 : i32
    %swap3A_367 = arith.index_cast %swap3A_366 : i32 to index
    %swap3A_368 = arith.constant 16 : index
    %swap3A_369 = tpu.vector_load %arg7[%swap3A_367, %swap3A_368] {strides = array<i32>} : memref<8x256xf32, #tpu.memory_space<vmem>>, vector<1x16xf32>,
    %swap3A_370 = vector.shape_cast %swap3A_369 : vector<1x16xf32> to vector<16xf32>
    %swap3A_371 = vector.shape_cast %add3A_365 : vector<16xf32> to vector<1x16xf32>
    tpu.vector_store %arg7[%swap3A_367, %swap3A_368], %swap3A_371 {strides = array<i32>} : memref<8x256xf32, #tpu.memory_space<vmem>>, vector<1x16xf32>,
    %get3A_372 = arith.constant 2 : i32
    %get3A_373 = arith.index_cast %get3A_372 : i32 to index
    %get3A_374 = arith.index_cast %multiple_of3A_345 : i32 to index
    %get3A_375 = tpu.vector_load %arg5[%get3A_373, %get3A_374] {strides = array<i32>} : memref<8x4096xf32, #tpu.memory_space<vmem>>, vector<1x16xf32>,
    %get3A_376 = vector.shape_cast %get3A_375 : vector<1x16xf32> to vector<16xf32>
    %select_n3A_377 = arith.select %and3A_343, %get3A_376, %broadcast_in_dim3A_48 : vector<16xi1>, vector<16xf32>
    %add3A_378 = arith.addf %parallel_loop3A_327#2, %select_n3A_377 : vector<16xf32>
    %swap3A_379 = arith.constant 2 : i32
    %swap3A_380 = arith.index_cast %swap3A_379 : i32 to index
    %swap3A_381 = arith.constant 16 : index
    %swap3A_382 = tpu.vector_load %arg7[%swap3A_380, %swap3A_381] {strides = array<i32>} : memref<8x256xf32, #tpu.memory_space<vmem>>, vector<1x16xf32>,
    %swap3A_383 = vector.shape_cast %swap3A_382 : vector<1x16xf32> to vector<16xf32>
    %swap3A_384 = vector.shape_cast %add3A_378 : vector<16xf32> to vector<1x16xf32>
    tpu.vector_store %arg7[%swap3A_380, %swap3A_381], %swap3A_384 {strides = array<i32>} : memref<8x256xf32, #tpu.memory_space<vmem>>, vector<1x16xf32>,
    %get3A_385 = arith.constant 3 : i32
    %get3A_386 = arith.index_cast %get3A_385 : i32 to index
    %get3A_387 = arith.index_cast %multiple_of3A_345 : i32 to index
    %get3A_388 = tpu.vector_load %arg5[%get3A_386, %get3A_387] {strides = array<i32>} : memref<8x4096xf32, #tpu.memory_space<vmem>>, vector<1x16xf32>,
    %get3A_389 = vector.shape_cast %get3A_388 : vector<1x16xf32> to vector<16xf32>
    %select_n3A_390 = arith.select %and3A_343, %get3A_389, %broadcast_in_dim3A_48 : vector<16xi1>, vector<16xf32>
    %add3A_391 = arith.addf %parallel_loop3A_327#3, %select_n3A_390 : vector<16xf32>
    %swap3A_392 = arith.constant 3 : i32
    %swap3A_393 = arith.index_cast %swap3A_392 : i32 to index
    %swap3A_394 = arith.constant 16 : index
    %swap3A_395 = tpu.vector_load %arg7[%swap3A_393, %swap3A_394] {strides = array<i32>} : memref<8x256xf32, #tpu.memory_space<vmem>>, vector<1x16xf32>,
    %swap3A_396 = vector.shape_cast %swap3A_395 : vector<1x16xf32> to vector<16xf32>
    %swap3A_397 = vector.shape_cast %add3A_391 : vector<16xf32> to vector<1x16xf32>
    tpu.vector_store %arg7[%swap3A_393, %swap3A_394], %swap3A_397 {strides = array<i32>} : memref<8x256xf32, #tpu.memory_space<vmem>>, vector<1x16xf32>,
    %get3A_398 = arith.constant 4 : i32
    %get3A_399 = arith.index_cast %get3A_398 : i32 to index
    %get3A_400 = arith.index_cast %multiple_of3A_345 : i32 to index
    %get3A_401 = tpu.vector_load %arg5[%get3A_399, %get3A_400] {strides = array<i32>} : memref<8x4096xf32, #tpu.memory_space<vmem>>, vector<1x16xf32>,
    %get3A_402 = vector.shape_cast %get3A_401 : vector<1x16xf32> to vector<16xf32>
    %select_n3A_403 = arith.select %and3A_343, %get3A_402, %broadcast_in_dim3A_48 : vector<16xi1>, vector<16xf32>
    %add3A_404 = arith.addf %parallel_loop3A_327#4, %select_n3A_403 : vector<16xf32>
    %swap3A_405 = arith.constant 4 : i32
    %swap3A_406 = arith.index_cast %swap3A_405 : i32 to index
    %swap3A_407 = arith.constant 16 : index
    %swap3A_408 = tpu.vector_load %arg7[%swap3A_406, %swap3A_407] {strides = array<i32>} : memref<8x256xf32, #tpu.memory_space<vmem>>, vector<1x16xf32>,
    %swap3A_409 = vector.shape_cast %swap3A_408 : vector<1x16xf32> to vector<16xf32>
    %swap3A_410 = vector.shape_cast %add3A_404 : vector<16xf32> to vector<1x16xf32>
    tpu.vector_store %arg7[%swap3A_406, %swap3A_407], %swap3A_410 {strides = array<i32>} : memref<8x256xf32, #tpu.memory_space<vmem>>, vector<1x16xf32>,
    %get3A_411 = arith.constant 5 : i32
    %get3A_412 = arith.index_cast %get3A_411 : i32 to index
    %get3A_413 = arith.index_cast %multiple_of3A_345 : i32 to index
    %get3A_414 = tpu.vector_load %arg5[%get3A_412, %get3A_413] {strides = array<i32>} : memref<8x4096xf32, #tpu.memory_space<vmem>>, vector<1x16xf32>,
    %get3A_415 = vector.shape_cast %get3A_414 : vector<1x16xf32> to vector<16xf32>
    %select_n3A_416 = arith.select %and3A_343, %get3A_415, %broadcast_in_dim3A_48 : vector<16xi1>, vector<16xf32>
    %add3A_417 = arith.addf %parallel_loop3A_327#5, %select_n3A_416 : vector<16xf32>
    %swap3A_418 = arith.constant 5 : i32
    %swap3A_419 = arith.index_cast %swap3A_418 : i32 to index
    %swap3A_420 = arith.constant 16 : index
    %swap3A_421 = tpu.vector_load %arg7[%swap3A_419, %swap3A_420] {strides = array<i32>} : memref<8x256xf32, #tpu.memory_space<vmem>>, vector<1x16xf32>,
    %swap3A_422 = vector.shape_cast %swap3A_421 : vector<1x16xf32> to vector<16xf32>
    %swap3A_423 = vector.shape_cast %add3A_417 : vector<16xf32> to vector<1x16xf32>
    tpu.vector_store %arg7[%swap3A_419, %swap3A_420], %swap3A_423 {strides = array<i32>} : memref<8x256xf32, #tpu.memory_space<vmem>>, vector<1x16xf32>,
    %get3A_424 = arith.constant 6 : i32
    %get3A_425 = arith.index_cast %get3A_424 : i32 to index
    %get3A_426 = arith.index_cast %multiple_of3A_345 : i32 to index
    %get3A_427 = tpu.vector_load %arg5[%get3A_425, %get3A_426] {strides = array<i32>} : memref<8x4096xf32, #tpu.memory_space<vmem>>, vector<1x16xf32>,
    %get3A_428 = vector.shape_cast %get3A_427 : vector<1x16xf32> to vector<16xf32>
    %select_n3A_429 = arith.select %and3A_343, %get3A_428, %broadcast_in_dim3A_48 : vector<16xi1>, vector<16xf32>
    %add3A_430 = arith.addf %parallel_loop3A_327#6, %select_n3A_429 : vector<16xf32>
    %swap3A_431 = arith.constant 6 : i32
    %swap3A_432 = arith.index_cast %swap3A_431 : i32 to index
    %swap3A_433 = arith.constant 16 : index
    %swap3A_434 = tpu.vector_load %arg7[%swap3A_432, %swap3A_433] {strides = array<i32>} : memref<8x256xf32, #tpu.memory_space<vmem>>, vector<1x16xf32>,
    %swap3A_435 = vector.shape_cast %swap3A_434 : vector<1x16xf32> to vector<16xf32>
    %swap3A_436 = vector.shape_cast %add3A_430 : vector<16xf32> to vector<1x16xf32>
    tpu.vector_store %arg7[%swap3A_432, %swap3A_433], %swap3A_436 {strides = array<i32>} : memref<8x256xf32, #tpu.memory_space<vmem>>, vector<1x16xf32>,
    %get3A_437 = arith.constant 7 : i32
    %get3A_438 = arith.index_cast %get3A_437 : i32 to index
    %get3A_439 = arith.index_cast %multiple_of3A_345 : i32 to index
    %get3A_440 = tpu.vector_load %arg5[%get3A_438, %get3A_439] {strides = array<i32>} : memref<8x4096xf32, #tpu.memory_space<vmem>>, vector<1x16xf32>,
    %get3A_441 = vector.shape_cast %get3A_440 : vector<1x16xf32> to vector<16xf32>
    %select_n3A_442 = arith.select %and3A_343, %get3A_441, %broadcast_in_dim3A_48 : vector<16xi1>, vector<16xf32>
    %add3A_443 = arith.addf %parallel_loop3A_327#7, %select_n3A_442 : vector<16xf32>
    %swap3A_444 = arith.constant 7 : i32
    %swap3A_445 = arith.index_cast %swap3A_444 : i32 to index
    %swap3A_446 = arith.constant 16 : index
    %swap3A_447 = tpu.vector_load %arg7[%swap3A_445, %swap3A_446] {strides = array<i32>} : memref<8x256xf32, #tpu.memory_space<vmem>>, vector<1x16xf32>,
    %swap3A_448 = vector.shape_cast %swap3A_447 : vector<1x16xf32> to vector<16xf32>
    %swap3A_449 = vector.shape_cast %add3A_443 : vector<16xf32> to vector<1x16xf32>
    tpu.vector_store %arg7[%swap3A_445, %swap3A_446], %swap3A_449 {strides = array<i32>} : memref<8x256xf32, #tpu.memory_space<vmem>>, vector<1x16xf32>,
    %max3A_450 = arith.maxsi %squeeze3A_19, %multiple_of3A_9 : i32
    %min3A_451 = arith.minsi %squeeze3A_21, %add3A_51 : i32
    %add3A_452 = arith.constant 15 : i32
    %add3A_453 = arith.addi %max3A_450, %add3A_452 : i32
    %shift_right_logical3A_454 = arith.constant 4 : i32
    %shift_right_logical3A_455 = arith.shrui %add3A_453, %shift_right_logical3A_454 : i32
    %shift_right_logical3A_456 = arith.constant 4 : i32
    %shift_right_logical3A_457 = arith.shrui %min3A_451, %shift_right_logical3A_456 : i32
    %max3A_458 = arith.maxsi %shift_right_logical3A_455, %shift_right_logical3A_457 : i32
    %sub3A_459 = arith.constant 1 : i32
    %sub3A_460 = arith.subi %add3A_51, %sub3A_459 : i32
    %min3A_461 = arith.minsi %max3A_450, %sub3A_460 : i32
    %and3A_462 = arith.constant -16 : i32
    %and3A_463 = arith.andi %min3A_461, %and3A_462 : i32
    %add3A_464 = vector.broadcast %and3A_463 : i32 to vector<16xi32>
    %add3A_465 = arith.addi %add3A_464, %iota3A : vector<16xi32>
    %ge3A_466 = vector.broadcast %max3A_450 : i32 to vector<16xi32>
    %ge3A_467 = arith.cmpi sge, %add3A_465, %ge3A_466 : vector<16xi32>
    %mul3A_468 = arith.constant 16 : i32
    %mul3A_469 = arith.muli %shift_right_logical3A_455, %mul3A_468 : i32
    %min3A_470 = arith.minsi %min3A_451, %mul3A_469 : i32
    %lt3A_471 = vector.broadcast %min3A_470 : i32 to vector<16xi32>
    %lt3A_472 = arith.cmpi slt, %add3A_465, %lt3A_471 : vector<16xi32>
    %and3A_473 = arith.andi %ge3A_467, %lt3A_472 : vector<16xi1>
    %sub3A_474 = arith.subi %and3A_463, %multiple_of3A_9 : i32
    %multiple_of3A_475 = tpu.assume_multiple %sub3A_474, 16 : i32
    %get3A_476 = arith.constant 0 : i32
    %get3A_477 = arith.index_cast %get3A_476 : i32 to index
    %get3A_478 = arith.index_cast %multiple_of3A_475 : i32 to index
    %get3A_479 = tpu.vector_load %arg5[%get3A_477, %get3A_478] {strides = array<i32>} : memref<8x4096xf32, #tpu.memory_space<vmem>>, vector<1x16xf32>,
    %get3A_480 = vector.shape_cast %get3A_479 : vector<1x16xf32> to vector<16xf32>
    %select_n3A_481 = arith.select %and3A_473, %get3A_480, %broadcast_in_dim3A_48 : vector<16xi1>, vector<16xf32>
    %get3A_482 = arith.constant 1 : i32
    %get3A_483 = arith.index_cast %get3A_482 : i32 to index
    %get3A_484 = arith.index_cast %multiple_of3A_475 : i32 to index
    %get3A_485 = tpu.vector_load %arg5[%get3A_483, %get3A_484] {strides = array<i32>} : memref<8x4096xf32, #tpu.memory_space<vmem>>, vector<1x16xf32>,
    %get3A_486 = vector.shape_cast %get3A_485 : vector<1x16xf32> to vector<16xf32>
    %select_n3A_487 = arith.select %and3A_473, %get3A_486, %broadcast_in_dim3A_48 : vector<16xi1>, vector<16xf32>
    %get3A_488 = arith.constant 2 : i32
    %get3A_489 = arith.index_cast %get3A_488 : i32 to index
    %get3A_490 = arith.index_cast %multiple_of3A_475 : i32 to index
    %get3A_491 = tpu.vector_load %arg5[%get3A_489, %get3A_490] {strides = array<i32>} : memref<8x4096xf32, #tpu.memory_space<vmem>>, vector<1x16xf32>,
    %get3A_492 = vector.shape_cast %get3A_491 : vector<1x16xf32> to vector<16xf32>
    %select_n3A_493 = arith.select %and3A_473, %get3A_492, %broadcast_in_dim3A_48 : vector<16xi1>, vector<16xf32>
    %get3A_494 = arith.constant 3 : i32
    %get3A_495 = arith.index_cast %get3A_494 : i32 to index
    %get3A_496 = arith.index_cast %multiple_of3A_475 : i32 to index
    %get3A_497 = tpu.vector_load %arg5[%get3A_495, %get3A_496] {strides = array<i32>} : memref<8x4096xf32, #tpu.memory_space<vmem>>, vector<1x16xf32>,
    %get3A_498 = vector.shape_cast %get3A_497 : vector<1x16xf32> to vector<16xf32>
    %select_n3A_499 = arith.select %and3A_473, %get3A_498, %broadcast_in_dim3A_48 : vector<16xi1>, vector<16xf32>
    %get3A_500 = arith.constant 4 : i32
    %get3A_501 = arith.index_cast %get3A_500 : i32 to index
    %get3A_502 = arith.index_cast %multiple_of3A_475 : i32 to index
    %get3A_503 = tpu.vector_load %arg5[%get3A_501, %get3A_502] {strides = array<i32>} : memref<8x4096xf32, #tpu.memory_space<vmem>>, vector<1x16xf32>,
    %get3A_504 = vector.shape_cast %get3A_503 : vector<1x16xf32> to vector<16xf32>
    %select_n3A_505 = arith.select %and3A_473, %get3A_504, %broadcast_in_dim3A_48 : vector<16xi1>, vector<16xf32>
    %get3A_506 = arith.constant 5 : i32
    %get3A_507 = arith.index_cast %get3A_506 : i32 to index
    %get3A_508 = arith.index_cast %multiple_of3A_475 : i32 to index
    %get3A_509 = tpu.vector_load %arg5[%get3A_507, %get3A_508] {strides = array<i32>} : memref<8x4096xf32, #tpu.memory_space<vmem>>, vector<1x16xf32>,
    %get3A_510 = vector.shape_cast %get3A_509 : vector<1x16xf32> to vector<16xf32>
    %select_n3A_511 = arith.select %and3A_473, %get3A_510, %broadcast_in_dim3A_48 : vector<16xi1>, vector<16xf32>
    %get3A_512 = arith.constant 6 : i32
    %get3A_513 = arith.index_cast %get3A_512 : i32 to index
    %get3A_514 = arith.index_cast %multiple_of3A_475 : i32 to index
    %get3A_515 = tpu.vector_load %arg5[%get3A_513, %get3A_514] {strides = array<i32>} : memref<8x4096xf32, #tpu.memory_space<vmem>>, vector<1x16xf32>,
    %get3A_516 = vector.shape_cast %get3A_515 : vector<1x16xf32> to vector<16xf32>
    %select_n3A_517 = arith.select %and3A_473, %get3A_516, %broadcast_in_dim3A_48 : vector<16xi1>, vector<16xf32>
    %get3A_518 = arith.constant 7 : i32
    %get3A_519 = arith.index_cast %get3A_518 : i32 to index
    %get3A_520 = arith.index_cast %multiple_of3A_475 : i32 to index
    %get3A_521 = tpu.vector_load %arg5[%get3A_519, %get3A_520] {strides = array<i32>} : memref<8x4096xf32, #tpu.memory_space<vmem>>, vector<1x16xf32>,
    %get3A_522 = vector.shape_cast %get3A_521 : vector<1x16xf32> to vector<16xf32>
    %select_n3A_523 = arith.select %and3A_473, %get3A_522, %broadcast_in_dim3A_48 : vector<16xi1>, vector<16xf32>
    %mul3A_524 = arith.constant 16 : i32
    %mul3A_525 = arith.muli %shift_right_logical3A_455, %mul3A_524 : i32
    %sub3A_526 = arith.subi %mul3A_525, %multiple_of3A_9 : i32
    %mul3A_527 = arith.constant 16 : i32
    %mul3A_528 = arith.muli %max3A_458, %mul3A_527 : i32
    %sub3A_529 = arith.subi %mul3A_528, %multiple_of3A_9 : i32
    %parallel_loop3A_530 = arith.constant 16 : i32
    %parallel_loop3A_531:8 = scf.for %parallel_loop3A_3309 = %sub3A_526 to %sub3A_529 step %parallel_loop3A_530 iter_args(%parallel_loop3A_3310 = %select_n3A_481, %parallel_loop3A_3311 = %select_n3A_487, %parallel_loop3A_3312 = %select_n3A_493, %parallel_loop3A_3313 = %select_n3A_499, %parallel_loop3A_3314 = %select_n3A_505, %parallel_loop3A_3315 = %select_n3A_511, %parallel_loop3A_3316 = %select_n3A_517, %parallel_loop3A_3317 = %select_n3A_523) -> (vector<16xf32>, vector<16xf32>, vector<16xf32>, vector<16xf32>, vector<16xf32>, vector<16xf32>, vector<16xf32>, vector<16xf32>)  : i32 {
      %parallel_loop3A_3318 = tpu.assume_multiple %parallel_loop3A_3309, 16 : i32
      %parallel_loop3A_3319 = arith.constant 0 : i32
      %parallel_loop3A_3320 = arith.index_cast %parallel_loop3A_3319 : i32 to index
      %parallel_loop3A_3321 = arith.index_cast %parallel_loop3A_3318 : i32 to index
      %parallel_loop3A_3322 = tpu.vector_load %arg5[%parallel_loop3A_3320, %parallel_loop3A_3321] {strides = array<i32>} : memref<8x4096xf32, #tpu.memory_space<vmem>>, vector<1x16xf32>,
      %parallel_loop3A_3323 = vector.shape_cast %parallel_loop3A_3322 : vector<1x16xf32> to vector<16xf32>
      %parallel_loop3A_3324 = arith.addf %parallel_loop3A_3310, %parallel_loop3A_3323 : vector<16xf32>
      %parallel_loop3A_3325 = arith.constant 1 : i32
      %parallel_loop3A_3326 = arith.index_cast %parallel_loop3A_3325 : i32 to index
      %parallel_loop3A_3327 = arith.index_cast %parallel_loop3A_3318 : i32 to index
      %parallel_loop3A_3328 = tpu.vector_load %arg5[%parallel_loop3A_3326, %parallel_loop3A_3327] {strides = array<i32>} : memref<8x4096xf32, #tpu.memory_space<vmem>>, vector<1x16xf32>,
      %parallel_loop3A_3329 = vector.shape_cast %parallel_loop3A_3328 : vector<1x16xf32> to vector<16xf32>
      %parallel_loop3A_3330 = arith.addf %parallel_loop3A_3311, %parallel_loop3A_3329 : vector<16xf32>
      %parallel_loop3A_3331 = arith.constant 2 : i32
      %parallel_loop3A_3332 = arith.index_cast %parallel_loop3A_3331 : i32 to index
      %parallel_loop3A_3333 = arith.index_cast %parallel_loop3A_3318 : i32 to index
      %parallel_loop3A_3334 = tpu.vector_load %arg5[%parallel_loop3A_3332, %parallel_loop3A_3333] {strides = array<i32>} : memref<8x4096xf32, #tpu.memory_space<vmem>>, vector<1x16xf32>,
      %parallel_loop3A_3335 = vector.shape_cast %parallel_loop3A_3334 : vector<1x16xf32> to vector<16xf32>
      %parallel_loop3A_3336 = arith.addf %parallel_loop3A_3312, %parallel_loop3A_3335 : vector<16xf32>
      %parallel_loop3A_3337 = arith.constant 3 : i32
      %parallel_loop3A_3338 = arith.index_cast %parallel_loop3A_3337 : i32 to index
      %parallel_loop3A_3339 = arith.index_cast %parallel_loop3A_3318 : i32 to index
      %parallel_loop3A_3340 = tpu.vector_load %arg5[%parallel_loop3A_3338, %parallel_loop3A_3339] {strides = array<i32>} : memref<8x4096xf32, #tpu.memory_space<vmem>>, vector<1x16xf32>,
      %parallel_loop3A_3341 = vector.shape_cast %parallel_loop3A_3340 : vector<1x16xf32> to vector<16xf32>
      %parallel_loop3A_3342 = arith.addf %parallel_loop3A_3313, %parallel_loop3A_3341 : vector<16xf32>
      %parallel_loop3A_3343 = arith.constant 4 : i32
      %parallel_loop3A_3344 = arith.index_cast %parallel_loop3A_3343 : i32 to index
      %parallel_loop3A_3345 = arith.index_cast %parallel_loop3A_3318 : i32 to index
      %parallel_loop3A_3346 = tpu.vector_load %arg5[%parallel_loop3A_3344, %parallel_loop3A_3345] {strides = array<i32>} : memref<8x4096xf32, #tpu.memory_space<vmem>>, vector<1x16xf32>,
      %parallel_loop3A_3347 = vector.shape_cast %parallel_loop3A_3346 : vector<1x16xf32> to vector<16xf32>
      %parallel_loop3A_3348 = arith.addf %parallel_loop3A_3314, %parallel_loop3A_3347 : vector<16xf32>
      %parallel_loop3A_3349 = arith.constant 5 : i32
      %parallel_loop3A_3350 = arith.index_cast %parallel_loop3A_3349 : i32 to index
      %parallel_loop3A_3351 = arith.index_cast %parallel_loop3A_3318 : i32 to index
      %parallel_loop3A_3352 = tpu.vector_load %arg5[%parallel_loop3A_3350, %parallel_loop3A_3351] {strides = array<i32>} : memref<8x4096xf32, #tpu.memory_space<vmem>>, vector<1x16xf32>,
      %parallel_loop3A_3353 = vector.shape_cast %parallel_loop3A_3352 : vector<1x16xf32> to vector<16xf32>
      %parallel_loop3A_3354 = arith.addf %parallel_loop3A_3315, %parallel_loop3A_3353 : vector<16xf32>
      %parallel_loop3A_3355 = arith.constant 6 : i32
      %parallel_loop3A_3356 = arith.index_cast %parallel_loop3A_3355 : i32 to index
      %parallel_loop3A_3357 = arith.index_cast %parallel_loop3A_3318 : i32 to index
      %parallel_loop3A_3358 = tpu.vector_load %arg5[%parallel_loop3A_3356, %parallel_loop3A_3357] {strides = array<i32>} : memref<8x4096xf32, #tpu.memory_space<vmem>>, vector<1x16xf32>,
      %parallel_loop3A_3359 = vector.shape_cast %parallel_loop3A_3358 : vector<1x16xf32> to vector<16xf32>
      %parallel_loop3A_3360 = arith.addf %parallel_loop3A_3316, %parallel_loop3A_3359 : vector<16xf32>
      %parallel_loop3A_3361 = arith.constant 7 : i32
      %parallel_loop3A_3362 = arith.index_cast %parallel_loop3A_3361 : i32 to index
      %parallel_loop3A_3363 = arith.index_cast %parallel_loop3A_3318 : i32 to index
      %parallel_loop3A_3364 = tpu.vector_load %arg5[%parallel_loop3A_3362, %parallel_loop3A_3363] {strides = array<i32>} : memref<8x4096xf32, #tpu.memory_space<vmem>>, vector<1x16xf32>,
      %parallel_loop3A_3365 = vector.shape_cast %parallel_loop3A_3364 : vector<1x16xf32> to vector<16xf32>
      %parallel_loop3A_3366 = arith.addf %parallel_loop3A_3317, %parallel_loop3A_3365 : vector<16xf32>
      scf.yield %parallel_loop3A_3324, %parallel_loop3A_3330, %parallel_loop3A_3336, %parallel_loop3A_3342, %parallel_loop3A_3348, %parallel_loop3A_3354, %parallel_loop3A_3360, %parallel_loop3A_3366 : vector<16xf32>, vector<16xf32>, vector<16xf32>, vector<16xf32>, vector<16xf32>, vector<16xf32>, vector<16xf32>, vector<16xf32>
    } {sc.loop_unroll_factor = 1 : i64, sc.parallel_access}
    %and3A_532 = arith.constant -16 : i32
    %and3A_533 = arith.andi %min3A_451, %and3A_532 : i32
    %max3A_534 = arith.maxsi %and3A_533, %multiple_of3A_9 : i32
    %sub3A_535 = arith.constant 16 : i32
    %sub3A_536 = arith.subi %add3A_51, %sub3A_535 : i32
    %min3A_537 = arith.minsi %max3A_534, %sub3A_536 : i32
    %add3A_538 = vector.broadcast %min3A_537 : i32 to vector<16xi32>
    %add3A_539 = arith.addi %add3A_538, %iota3A : vector<16xi32>
    %mul3A_540 = arith.constant 16 : i32
    %mul3A_541 = arith.muli %shift_right_logical3A_455, %mul3A_540 : i32
    %max3A_542 = arith.maxsi %mul3A_541, %and3A_533 : i32
    %ge3A_543 = vector.broadcast %max3A_542 : i32 to vector<16xi32>
    %ge3A_544 = arith.cmpi sge, %add3A_539, %ge3A_543 : vector<16xi32>
    %lt3A_545 = vector.broadcast %min3A_451 : i32 to vector<16xi32>
    %lt3A_546 = arith.cmpi slt, %add3A_539, %lt3A_545 : vector<16xi32>
    %and3A_547 = arith.andi %ge3A_544, %lt3A_546 : vector<16xi1>
    %sub3A_548 = arith.subi %min3A_537, %multiple_of3A_9 : i32
    %multiple_of3A_549 = tpu.assume_multiple %sub3A_548, 16 : i32
    %get3A_550 = arith.constant 0 : i32
    %get3A_551 = arith.index_cast %get3A_550 : i32 to index
    %get3A_552 = arith.index_cast %multiple_of3A_549 : i32 to index
    %get3A_553 = tpu.vector_load %arg5[%get3A_551, %get3A_552] {strides = array<i32>} : memref<8x4096xf32, #tpu.memory_space<vmem>>, vector<1x16xf32>,
    %get3A_554 = vector.shape_cast %get3A_553 : vector<1x16xf32> to vector<16xf32>
    %select_n3A_555 = arith.select %and3A_547, %get3A_554, %broadcast_in_dim3A_48 : vector<16xi1>, vector<16xf32>
    %add3A_556 = arith.addf %parallel_loop3A_531#0, %select_n3A_555 : vector<16xf32>
    %swap3A_557 = arith.constant 0 : i32
    %swap3A_558 = arith.index_cast %swap3A_557 : i32 to index
    %swap3A_559 = arith.constant 32 : index
    %swap3A_560 = tpu.vector_load %arg7[%swap3A_558, %swap3A_559] {strides = array<i32>} : memref<8x256xf32, #tpu.memory_space<vmem>>, vector<1x16xf32>,
    %swap3A_561 = vector.shape_cast %swap3A_560 : vector<1x16xf32> to vector<16xf32>
    %swap3A_562 = vector.shape_cast %add3A_556 : vector<16xf32> to vector<1x16xf32>
    tpu.vector_store %arg7[%swap3A_558, %swap3A_559], %swap3A_562 {strides = array<i32>} : memref<8x256xf32, #tpu.memory_space<vmem>>, vector<1x16xf32>,
    %get3A_563 = arith.constant 1 : i32
    %get3A_564 = arith.index_cast %get3A_563 : i32 to index
    %get3A_565 = arith.index_cast %multiple_of3A_549 : i32 to index
    %get3A_566 = tpu.vector_load %arg5[%get3A_564, %get3A_565] {strides = array<i32>} : memref<8x4096xf32, #tpu.memory_space<vmem>>, vector<1x16xf32>,
    %get3A_567 = vector.shape_cast %get3A_566 : vector<1x16xf32> to vector<16xf32>
    %select_n3A_568 = arith.select %and3A_547, %get3A_567, %broadcast_in_dim3A_48 : vector<16xi1>, vector<16xf32>
    %add3A_569 = arith.addf %parallel_loop3A_531#1, %select_n3A_568 : vector<16xf32>
    %swap3A_570 = arith.constant 1 : i32
    %swap3A_571 = arith.index_cast %swap3A_570 : i32 to index
    %swap3A_572 = arith.constant 32 : index
    %swap3A_573 = tpu.vector_load %arg7[%swap3A_571, %swap3A_572] {strides = array<i32>} : memref<8x256xf32, #tpu.memory_space<vmem>>, vector<1x16xf32>,
    %swap3A_574 = vector.shape_cast %swap3A_573 : vector<1x16xf32> to vector<16xf32>
    %swap3A_575 = vector.shape_cast %add3A_569 : vector<16xf32> to vector<1x16xf32>
    tpu.vector_store %arg7[%swap3A_571, %swap3A_572], %swap3A_575 {strides = array<i32>} : memref<8x256xf32, #tpu.memory_space<vmem>>, vector<1x16xf32>,
    %get3A_576 = arith.constant 2 : i32
    %get3A_577 = arith.index_cast %get3A_576 : i32 to index
    %get3A_578 = arith.index_cast %multiple_of3A_549 : i32 to index
    %get3A_579 = tpu.vector_load %arg5[%get3A_577, %get3A_578] {strides = array<i32>} : memref<8x4096xf32, #tpu.memory_space<vmem>>, vector<1x16xf32>,
    %get3A_580 = vector.shape_cast %get3A_579 : vector<1x16xf32> to vector<16xf32>
    %select_n3A_581 = arith.select %and3A_547, %get3A_580, %broadcast_in_dim3A_48 : vector<16xi1>, vector<16xf32>
    %add3A_582 = arith.addf %parallel_loop3A_531#2, %select_n3A_581 : vector<16xf32>
    %swap3A_583 = arith.constant 2 : i32
    %swap3A_584 = arith.index_cast %swap3A_583 : i32 to index
    %swap3A_585 = arith.constant 32 : index
    %swap3A_586 = tpu.vector_load %arg7[%swap3A_584, %swap3A_585] {strides = array<i32>} : memref<8x256xf32, #tpu.memory_space<vmem>>, vector<1x16xf32>,
    %swap3A_587 = vector.shape_cast %swap3A_586 : vector<1x16xf32> to vector<16xf32>
    %swap3A_588 = vector.shape_cast %add3A_582 : vector<16xf32> to vector<1x16xf32>
    tpu.vector_store %arg7[%swap3A_584, %swap3A_585], %swap3A_588 {strides = array<i32>} : memref<8x256xf32, #tpu.memory_space<vmem>>, vector<1x16xf32>,
    %get3A_589 = arith.constant 3 : i32
    %get3A_590 = arith.index_cast %get3A_589 : i32 to index
    %get3A_591 = arith.index_cast %multiple_of3A_549 : i32 to index
    %get3A_592 = tpu.vector_load %arg5[%get3A_590, %get3A_591] {strides = array<i32>} : memref<8x4096xf32, #tpu.memory_space<vmem>>, vector<1x16xf32>,
    %get3A_593 = vector.shape_cast %get3A_592 : vector<1x16xf32> to vector<16xf32>
    %select_n3A_594 = arith.select %and3A_547, %get3A_593, %broadcast_in_dim3A_48 : vector<16xi1>, vector<16xf32>
    %add3A_595 = arith.addf %parallel_loop3A_531#3, %select_n3A_594 : vector<16xf32>
    %swap3A_596 = arith.constant 3 : i32
    %swap3A_597 = arith.index_cast %swap3A_596 : i32 to index
    %swap3A_598 = arith.constant 32 : index
    %swap3A_599 = tpu.vector_load %arg7[%swap3A_597, %swap3A_598] {strides = array<i32>} : memref<8x256xf32, #tpu.memory_space<vmem>>, vector<1x16xf32>,
    %swap3A_600 = vector.shape_cast %swap3A_599 : vector<1x16xf32> to vector<16xf32>
    %swap3A_601 = vector.shape_cast %add3A_595 : vector<16xf32> to vector<1x16xf32>
    tpu.vector_store %arg7[%swap3A_597, %swap3A_598], %swap3A_601 {strides = array<i32>} : memref<8x256xf32, #tpu.memory_space<vmem>>, vector<1x16xf32>,
    %get3A_602 = arith.constant 4 : i32
    %get3A_603 = arith.index_cast %get3A_602 : i32 to index
    %get3A_604 = arith.index_cast %multiple_of3A_549 : i32 to index
    %get3A_605 = tpu.vector_load %arg5[%get3A_603, %get3A_604] {strides = array<i32>} : memref<8x4096xf32, #tpu.memory_space<vmem>>, vector<1x16xf32>,
    %get3A_606 = vector.shape_cast %get3A_605 : vector<1x16xf32> to vector<16xf32>
    %select_n3A_607 = arith.select %and3A_547, %get3A_606, %broadcast_in_dim3A_48 : vector<16xi1>, vector<16xf32>
    %add3A_608 = arith.addf %parallel_loop3A_531#4, %select_n3A_607 : vector<16xf32>
    %swap3A_609 = arith.constant 4 : i32
    %swap3A_610 = arith.index_cast %swap3A_609 : i32 to index
    %swap3A_611 = arith.constant 32 : index
    %swap3A_612 = tpu.vector_load %arg7[%swap3A_610, %swap3A_611] {strides = array<i32>} : memref<8x256xf32, #tpu.memory_space<vmem>>, vector<1x16xf32>,
    %swap3A_613 = vector.shape_cast %swap3A_612 : vector<1x16xf32> to vector<16xf32>
    %swap3A_614 = vector.shape_cast %add3A_608 : vector<16xf32> to vector<1x16xf32>
    tpu.vector_store %arg7[%swap3A_610, %swap3A_611], %swap3A_614 {strides = array<i32>} : memref<8x256xf32, #tpu.memory_space<vmem>>, vector<1x16xf32>,
    %get3A_615 = arith.constant 5 : i32
    %get3A_616 = arith.index_cast %get3A_615 : i32 to index
    %get3A_617 = arith.index_cast %multiple_of3A_549 : i32 to index
    %get3A_618 = tpu.vector_load %arg5[%get3A_616, %get3A_617] {strides = array<i32>} : memref<8x4096xf32, #tpu.memory_space<vmem>>, vector<1x16xf32>,
    %get3A_619 = vector.shape_cast %get3A_618 : vector<1x16xf32> to vector<16xf32>
    %select_n3A_620 = arith.select %and3A_547, %get3A_619, %broadcast_in_dim3A_48 : vector<16xi1>, vector<16xf32>
    %add3A_621 = arith.addf %parallel_loop3A_531#5, %select_n3A_620 : vector<16xf32>
    %swap3A_622 = arith.constant 5 : i32
    %swap3A_623 = arith.index_cast %swap3A_622 : i32 to index
    %swap3A_624 = arith.constant 32 : index
    %swap3A_625 = tpu.vector_load %arg7[%swap3A_623, %swap3A_624] {strides = array<i32>} : memref<8x256xf32, #tpu.memory_space<vmem>>, vector<1x16xf32>,
    %swap3A_626 = vector.shape_cast %swap3A_625 : vector<1x16xf32> to vector<16xf32>
    %swap3A_627 = vector.shape_cast %add3A_621 : vector<16xf32> to vector<1x16xf32>
    tpu.vector_store %arg7[%swap3A_623, %swap3A_624], %swap3A_627 {strides = array<i32>} : memref<8x256xf32, #tpu.memory_space<vmem>>, vector<1x16xf32>,
    %get3A_628 = arith.constant 6 : i32
    %get3A_629 = arith.index_cast %get3A_628 : i32 to index
    %get3A_630 = arith.index_cast %multiple_of3A_549 : i32 to index
    %get3A_631 = tpu.vector_load %arg5[%get3A_629, %get3A_630] {strides = array<i32>} : memref<8x4096xf32, #tpu.memory_space<vmem>>, vector<1x16xf32>,
    %get3A_632 = vector.shape_cast %get3A_631 : vector<1x16xf32> to vector<16xf32>
    %select_n3A_633 = arith.select %and3A_547, %get3A_632, %broadcast_in_dim3A_48 : vector<16xi1>, vector<16xf32>
    %add3A_634 = arith.addf %parallel_loop3A_531#6, %select_n3A_633 : vector<16xf32>
    %swap3A_635 = arith.constant 6 : i32
    %swap3A_636 = arith.index_cast %swap3A_635 : i32 to index
    %swap3A_637 = arith.constant 32 : index
    %swap3A_638 = tpu.vector_load %arg7[%swap3A_636, %swap3A_637] {strides = array<i32>} : memref<8x256xf32, #tpu.memory_space<vmem>>, vector<1x16xf32>,
    %swap3A_639 = vector.shape_cast %swap3A_638 : vector<1x16xf32> to vector<16xf32>
    %swap3A_640 = vector.shape_cast %add3A_634 : vector<16xf32> to vector<1x16xf32>
    tpu.vector_store %arg7[%swap3A_636, %swap3A_637], %swap3A_640 {strides = array<i32>} : memref<8x256xf32, #tpu.memory_space<vmem>>, vector<1x16xf32>,
    %get3A_641 = arith.constant 7 : i32
    %get3A_642 = arith.index_cast %get3A_641 : i32 to index
    %get3A_643 = arith.index_cast %multiple_of3A_549 : i32 to index
    %get3A_644 = tpu.vector_load %arg5[%get3A_642, %get3A_643] {strides = array<i32>} : memref<8x4096xf32, #tpu.memory_space<vmem>>, vector<1x16xf32>,
    %get3A_645 = vector.shape_cast %get3A_644 : vector<1x16xf32> to vector<16xf32>
    %select_n3A_646 = arith.select %and3A_547, %get3A_645, %broadcast_in_dim3A_48 : vector<16xi1>, vector<16xf32>
    %add3A_647 = arith.addf %parallel_loop3A_531#7, %select_n3A_646 : vector<16xf32>
    %swap3A_648 = arith.constant 7 : i32
    %swap3A_649 = arith.index_cast %swap3A_648 : i32 to index
    %swap3A_650 = arith.constant 32 : index
    %swap3A_651 = tpu.vector_load %arg7[%swap3A_649, %swap3A_650] {strides = array<i32>} : memref<8x256xf32, #tpu.memory_space<vmem>>, vector<1x16xf32>,
    %swap3A_652 = vector.shape_cast %swap3A_651 : vector<1x16xf32> to vector<16xf32>
    %swap3A_653 = vector.shape_cast %add3A_647 : vector<16xf32> to vector<1x16xf32>
    tpu.vector_store %arg7[%swap3A_649, %swap3A_650], %swap3A_653 {strides = array<i32>} : memref<8x256xf32, #tpu.memory_space<vmem>>, vector<1x16xf32>,
    %max3A_654 = arith.maxsi %squeeze3A_21, %multiple_of3A_9 : i32
    %min3A_655 = arith.minsi %squeeze3A_23, %add3A_51 : i32
    %add3A_656 = arith.constant 15 : i32
    %add3A_657 = arith.addi %max3A_654, %add3A_656 : i32
    %shift_right_logical3A_658 = arith.constant 4 : i32
    %shift_right_logical3A_659 = arith.shrui %add3A_657, %shift_right_logical3A_658 : i32
    %shift_right_logical3A_660 = arith.constant 4 : i32
    %shift_right_logical3A_661 = arith.shrui %min3A_655, %shift_right_logical3A_660 : i32
    %max3A_662 = arith.maxsi %shift_right_logical3A_659, %shift_right_logical3A_661 : i32
    %sub3A_663 = arith.constant 1 : i32
    %sub3A_664 = arith.subi %add3A_51, %sub3A_663 : i32
    %min3A_665 = arith.minsi %max3A_654, %sub3A_664 : i32
    %and3A_666 = arith.constant -16 : i32
    %and3A_667 = arith.andi %min3A_665, %and3A_666 : i32
    %add3A_668 = vector.broadcast %and3A_667 : i32 to vector<16xi32>
    %add3A_669 = arith.addi %add3A_668, %iota3A : vector<16xi32>
    %ge3A_670 = vector.broadcast %max3A_654 : i32 to vector<16xi32>
    %ge3A_671 = arith.cmpi sge, %add3A_669, %ge3A_670 : vector<16xi32>
    %mul3A_672 = arith.constant 16 : i32
    %mul3A_673 = arith.muli %shift_right_logical3A_659, %mul3A_672 : i32
    %min3A_674 = arith.minsi %min3A_655, %mul3A_673 : i32
    %lt3A_675 = vector.broadcast %min3A_674 : i32 to vector<16xi32>
    %lt3A_676 = arith.cmpi slt, %add3A_669, %lt3A_675 : vector<16xi32>
    %and3A_677 = arith.andi %ge3A_671, %lt3A_676 : vector<16xi1>
    %sub3A_678 = arith.subi %and3A_667, %multiple_of3A_9 : i32
    %multiple_of3A_679 = tpu.assume_multiple %sub3A_678, 16 : i32
    %get3A_680 = arith.constant 0 : i32
    %get3A_681 = arith.index_cast %get3A_680 : i32 to index
    %get3A_682 = arith.index_cast %multiple_of3A_679 : i32 to index
    %get3A_683 = tpu.vector_load %arg5[%get3A_681, %get3A_682] {strides = array<i32>} : memref<8x4096xf32, #tpu.memory_space<vmem>>, vector<1x16xf32>,
    %get3A_684 = vector.shape_cast %get3A_683 : vector<1x16xf32> to vector<16xf32>
    %select_n3A_685 = arith.select %and3A_677, %get3A_684, %broadcast_in_dim3A_48 : vector<16xi1>, vector<16xf32>
    %get3A_686 = arith.constant 1 : i32
    %get3A_687 = arith.index_cast %get3A_686 : i32 to index
    %get3A_688 = arith.index_cast %multiple_of3A_679 : i32 to index
    %get3A_689 = tpu.vector_load %arg5[%get3A_687, %get3A_688] {strides = array<i32>} : memref<8x4096xf32, #tpu.memory_space<vmem>>, vector<1x16xf32>,
    %get3A_690 = vector.shape_cast %get3A_689 : vector<1x16xf32> to vector<16xf32>
    %select_n3A_691 = arith.select %and3A_677, %get3A_690, %broadcast_in_dim3A_48 : vector<16xi1>, vector<16xf32>
    %get3A_692 = arith.constant 2 : i32
    %get3A_693 = arith.index_cast %get3A_692 : i32 to index
    %get3A_694 = arith.index_cast %multiple_of3A_679 : i32 to index
    %get3A_695 = tpu.vector_load %arg5[%get3A_693, %get3A_694] {strides = array<i32>} : memref<8x4096xf32, #tpu.memory_space<vmem>>, vector<1x16xf32>,
    %get3A_696 = vector.shape_cast %get3A_695 : vector<1x16xf32> to vector<16xf32>
    %select_n3A_697 = arith.select %and3A_677, %get3A_696, %broadcast_in_dim3A_48 : vector<16xi1>, vector<16xf32>
    %get3A_698 = arith.constant 3 : i32
    %get3A_699 = arith.index_cast %get3A_698 : i32 to index
    %get3A_700 = arith.index_cast %multiple_of3A_679 : i32 to index
    %get3A_701 = tpu.vector_load %arg5[%get3A_699, %get3A_700] {strides = array<i32>} : memref<8x4096xf32, #tpu.memory_space<vmem>>, vector<1x16xf32>,
    %get3A_702 = vector.shape_cast %get3A_701 : vector<1x16xf32> to vector<16xf32>
    %select_n3A_703 = arith.select %and3A_677, %get3A_702, %broadcast_in_dim3A_48 : vector<16xi1>, vector<16xf32>
    %get3A_704 = arith.constant 4 : i32
    %get3A_705 = arith.index_cast %get3A_704 : i32 to index
    %get3A_706 = arith.index_cast %multiple_of3A_679 : i32 to index
    %get3A_707 = tpu.vector_load %arg5[%get3A_705, %get3A_706] {strides = array<i32>} : memref<8x4096xf32, #tpu.memory_space<vmem>>, vector<1x16xf32>,
    %get3A_708 = vector.shape_cast %get3A_707 : vector<1x16xf32> to vector<16xf32>
    %select_n3A_709 = arith.select %and3A_677, %get3A_708, %broadcast_in_dim3A_48 : vector<16xi1>, vector<16xf32>
    %get3A_710 = arith.constant 5 : i32
    %get3A_711 = arith.index_cast %get3A_710 : i32 to index
    %get3A_712 = arith.index_cast %multiple_of3A_679 : i32 to index
    %get3A_713 = tpu.vector_load %arg5[%get3A_711, %get3A_712] {strides = array<i32>} : memref<8x4096xf32, #tpu.memory_space<vmem>>, vector<1x16xf32>,
    %get3A_714 = vector.shape_cast %get3A_713 : vector<1x16xf32> to vector<16xf32>
    %select_n3A_715 = arith.select %and3A_677, %get3A_714, %broadcast_in_dim3A_48 : vector<16xi1>, vector<16xf32>
    %get3A_716 = arith.constant 6 : i32
    %get3A_717 = arith.index_cast %get3A_716 : i32 to index
    %get3A_718 = arith.index_cast %multiple_of3A_679 : i32 to index
    %get3A_719 = tpu.vector_load %arg5[%get3A_717, %get3A_718] {strides = array<i32>} : memref<8x4096xf32, #tpu.memory_space<vmem>>, vector<1x16xf32>,
    %get3A_720 = vector.shape_cast %get3A_719 : vector<1x16xf32> to vector<16xf32>
    %select_n3A_721 = arith.select %and3A_677, %get3A_720, %broadcast_in_dim3A_48 : vector<16xi1>, vector<16xf32>
    %get3A_722 = arith.constant 7 : i32
    %get3A_723 = arith.index_cast %get3A_722 : i32 to index
    %get3A_724 = arith.index_cast %multiple_of3A_679 : i32 to index
    %get3A_725 = tpu.vector_load %arg5[%get3A_723, %get3A_724] {strides = array<i32>} : memref<8x4096xf32, #tpu.memory_space<vmem>>, vector<1x16xf32>,
    %get3A_726 = vector.shape_cast %get3A_725 : vector<1x16xf32> to vector<16xf32>
    %select_n3A_727 = arith.select %and3A_677, %get3A_726, %broadcast_in_dim3A_48 : vector<16xi1>, vector<16xf32>
    %mul3A_728 = arith.constant 16 : i32
    %mul3A_729 = arith.muli %shift_right_logical3A_659, %mul3A_728 : i32
    %sub3A_730 = arith.subi %mul3A_729, %multiple_of3A_9 : i32
    %mul3A_731 = arith.constant 16 : i32
    %mul3A_732 = arith.muli %max3A_662, %mul3A_731 : i32
    %sub3A_733 = arith.subi %mul3A_732, %multiple_of3A_9 : i32
    %parallel_loop3A_734 = arith.constant 16 : i32
    %parallel_loop3A_735:8 = scf.for %parallel_loop3A_3309 = %sub3A_730 to %sub3A_733 step %parallel_loop3A_734 iter_args(%parallel_loop3A_3310 = %select_n3A_685, %parallel_loop3A_3311 = %select_n3A_691, %parallel_loop3A_3312 = %select_n3A_697, %parallel_loop3A_3313 = %select_n3A_703, %parallel_loop3A_3314 = %select_n3A_709, %parallel_loop3A_3315 = %select_n3A_715, %parallel_loop3A_3316 = %select_n3A_721, %parallel_loop3A_3317 = %select_n3A_727) -> (vector<16xf32>, vector<16xf32>, vector<16xf32>, vector<16xf32>, vector<16xf32>, vector<16xf32>, vector<16xf32>, vector<16xf32>)  : i32 {
      %parallel_loop3A_3318 = tpu.assume_multiple %parallel_loop3A_3309, 16 : i32
      %parallel_loop3A_3319 = arith.constant 0 : i32
      %parallel_loop3A_3320 = arith.index_cast %parallel_loop3A_3319 : i32 to index
      %parallel_loop3A_3321 = arith.index_cast %parallel_loop3A_3318 : i32 to index
      %parallel_loop3A_3322 = tpu.vector_load %arg5[%parallel_loop3A_3320, %parallel_loop3A_3321] {strides = array<i32>} : memref<8x4096xf32, #tpu.memory_space<vmem>>, vector<1x16xf32>,
      %parallel_loop3A_3323 = vector.shape_cast %parallel_loop3A_3322 : vector<1x16xf32> to vector<16xf32>
      %parallel_loop3A_3324 = arith.addf %parallel_loop3A_3310, %parallel_loop3A_3323 : vector<16xf32>
      %parallel_loop3A_3325 = arith.constant 1 : i32
      %parallel_loop3A_3326 = arith.index_cast %parallel_loop3A_3325 : i32 to index
      %parallel_loop3A_3327 = arith.index_cast %parallel_loop3A_3318 : i32 to index
      %parallel_loop3A_3328 = tpu.vector_load %arg5[%parallel_loop3A_3326, %parallel_loop3A_3327] {strides = array<i32>} : memref<8x4096xf32, #tpu.memory_space<vmem>>, vector<1x16xf32>,
      %parallel_loop3A_3329 = vector.shape_cast %parallel_loop3A_3328 : vector<1x16xf32> to vector<16xf32>
      %parallel_loop3A_3330 = arith.addf %parallel_loop3A_3311, %parallel_loop3A_3329 : vector<16xf32>
      %parallel_loop3A_3331 = arith.constant 2 : i32
      %parallel_loop3A_3332 = arith.index_cast %parallel_loop3A_3331 : i32 to index
      %parallel_loop3A_3333 = arith.index_cast %parallel_loop3A_3318 : i32 to index
      %parallel_loop3A_3334 = tpu.vector_load %arg5[%parallel_loop3A_3332, %parallel_loop3A_3333] {strides = array<i32>} : memref<8x4096xf32, #tpu.memory_space<vmem>>, vector<1x16xf32>,
      %parallel_loop3A_3335 = vector.shape_cast %parallel_loop3A_3334 : vector<1x16xf32> to vector<16xf32>
      %parallel_loop3A_3336 = arith.addf %parallel_loop3A_3312, %parallel_loop3A_3335 : vector<16xf32>
      %parallel_loop3A_3337 = arith.constant 3 : i32
      %parallel_loop3A_3338 = arith.index_cast %parallel_loop3A_3337 : i32 to index
      %parallel_loop3A_3339 = arith.index_cast %parallel_loop3A_3318 : i32 to index
      %parallel_loop3A_3340 = tpu.vector_load %arg5[%parallel_loop3A_3338, %parallel_loop3A_3339] {strides = array<i32>} : memref<8x4096xf32, #tpu.memory_space<vmem>>, vector<1x16xf32>,
      %parallel_loop3A_3341 = vector.shape_cast %parallel_loop3A_3340 : vector<1x16xf32> to vector<16xf32>
      %parallel_loop3A_3342 = arith.addf %parallel_loop3A_3313, %parallel_loop3A_3341 : vector<16xf32>
      %parallel_loop3A_3343 = arith.constant 4 : i32
      %parallel_loop3A_3344 = arith.index_cast %parallel_loop3A_3343 : i32 to index
      %parallel_loop3A_3345 = arith.index_cast %parallel_loop3A_3318 : i32 to index
      %parallel_loop3A_3346 = tpu.vector_load %arg5[%parallel_loop3A_3344, %parallel_loop3A_3345] {strides = array<i32>} : memref<8x4096xf32, #tpu.memory_space<vmem>>, vector<1x16xf32>,
      %parallel_loop3A_3347 = vector.shape_cast %parallel_loop3A_3346 : vector<1x16xf32> to vector<16xf32>
      %parallel_loop3A_3348 = arith.addf %parallel_loop3A_3314, %parallel_loop3A_3347 : vector<16xf32>
      %parallel_loop3A_3349 = arith.constant 5 : i32
      %parallel_loop3A_3350 = arith.index_cast %parallel_loop3A_3349 : i32 to index
      %parallel_loop3A_3351 = arith.index_cast %parallel_loop3A_3318 : i32 to index
      %parallel_loop3A_3352 = tpu.vector_load %arg5[%parallel_loop3A_3350, %parallel_loop3A_3351] {strides = array<i32>} : memref<8x4096xf32, #tpu.memory_space<vmem>>, vector<1x16xf32>,
      %parallel_loop3A_3353 = vector.shape_cast %parallel_loop3A_3352 : vector<1x16xf32> to vector<16xf32>
      %parallel_loop3A_3354 = arith.addf %parallel_loop3A_3315, %parallel_loop3A_3353 : vector<16xf32>
      %parallel_loop3A_3355 = arith.constant 6 : i32
      %parallel_loop3A_3356 = arith.index_cast %parallel_loop3A_3355 : i32 to index
      %parallel_loop3A_3357 = arith.index_cast %parallel_loop3A_3318 : i32 to index
      %parallel_loop3A_3358 = tpu.vector_load %arg5[%parallel_loop3A_3356, %parallel_loop3A_3357] {strides = array<i32>} : memref<8x4096xf32, #tpu.memory_space<vmem>>, vector<1x16xf32>,
      %parallel_loop3A_3359 = vector.shape_cast %parallel_loop3A_3358 : vector<1x16xf32> to vector<16xf32>
      %parallel_loop3A_3360 = arith.addf %parallel_loop3A_3316, %parallel_loop3A_3359 : vector<16xf32>
      %parallel_loop3A_3361 = arith.constant 7 : i32
      %parallel_loop3A_3362 = arith.index_cast %parallel_loop3A_3361 : i32 to index
      %parallel_loop3A_3363 = arith.index_cast %parallel_loop3A_3318 : i32 to index
      %parallel_loop3A_3364 = tpu.vector_load %arg5[%parallel_loop3A_3362, %parallel_loop3A_3363] {strides = array<i32>} : memref<8x4096xf32, #tpu.memory_space<vmem>>, vector<1x16xf32>,
      %parallel_loop3A_3365 = vector.shape_cast %parallel_loop3A_3364 : vector<1x16xf32> to vector<16xf32>
      %parallel_loop3A_3366 = arith.addf %parallel_loop3A_3317, %parallel_loop3A_3365 : vector<16xf32>
      scf.yield %parallel_loop3A_3324, %parallel_loop3A_3330, %parallel_loop3A_3336, %parallel_loop3A_3342, %parallel_loop3A_3348, %parallel_loop3A_3354, %parallel_loop3A_3360, %parallel_loop3A_3366 : vector<16xf32>, vector<16xf32>, vector<16xf32>, vector<16xf32>, vector<16xf32>, vector<16xf32>, vector<16xf32>, vector<16xf32>
    } {sc.loop_unroll_factor = 1 : i64, sc.parallel_access}
    %and3A_736 = arith.constant -16 : i32
    %and3A_737 = arith.andi %min3A_655, %and3A_736 : i32
    %max3A_738 = arith.maxsi %and3A_737, %multiple_of3A_9 : i32
    %sub3A_739 = arith.constant 16 : i32
    %sub3A_740 = arith.subi %add3A_51, %sub3A_739 : i32
    %min3A_741 = arith.minsi %max3A_738, %sub3A_740 : i32
    %add3A_742 = vector.broadcast %min3A_741 : i32 to vector<16xi32>
    %add3A_743 = arith.addi %add3A_742, %iota3A : vector<16xi32>
    %mul3A_744 = arith.constant 16 : i32
    %mul3A_745 = arith.muli %shift_right_logical3A_659, %mul3A_744 : i32
    %max3A_746 = arith.maxsi %mul3A_745, %and3A_737 : i32
    %ge3A_747 = vector.broadcast %max3A_746 : i32 to vector<16xi32>
    %ge3A_748 = arith.cmpi sge, %add3A_743, %ge3A_747 : vector<16xi32>
    %lt3A_749 = vector.broadcast %min3A_655 : i32 to vector<16xi32>
    %lt3A_750 = arith.cmpi slt, %add3A_743, %lt3A_749 : vector<16xi32>
    %and3A_751 = arith.andi %ge3A_748, %lt3A_750 : vector<16xi1>
    %sub3A_752 = arith.subi %min3A_741, %multiple_of3A_9 : i32
    %multiple_of3A_753 = tpu.assume_multiple %sub3A_752, 16 : i32
    %get3A_754 = arith.constant 0 : i32
    %get3A_755 = arith.index_cast %get3A_754 : i32 to index
    %get3A_756 = arith.index_cast %multiple_of3A_753 : i32 to index
    %get3A_757 = tpu.vector_load %arg5[%get3A_755, %get3A_756] {strides = array<i32>} : memref<8x4096xf32, #tpu.memory_space<vmem>>, vector<1x16xf32>,
    %get3A_758 = vector.shape_cast %get3A_757 : vector<1x16xf32> to vector<16xf32>
    %select_n3A_759 = arith.select %and3A_751, %get3A_758, %broadcast_in_dim3A_48 : vector<16xi1>, vector<16xf32>
    %add3A_760 = arith.addf %parallel_loop3A_735#0, %select_n3A_759 : vector<16xf32>
    %swap3A_761 = arith.constant 0 : i32
    %swap3A_762 = arith.index_cast %swap3A_761 : i32 to index
    %swap3A_763 = arith.constant 48 : index
    %swap3A_764 = tpu.vector_load %arg7[%swap3A_762, %swap3A_763] {strides = array<i32>} : memref<8x256xf32, #tpu.memory_space<vmem>>, vector<1x16xf32>,
    %swap3A_765 = vector.shape_cast %swap3A_764 : vector<1x16xf32> to vector<16xf32>
    %swap3A_766 = vector.shape_cast %add3A_760 : vector<16xf32> to vector<1x16xf32>
    tpu.vector_store %arg7[%swap3A_762, %swap3A_763], %swap3A_766 {strides = array<i32>} : memref<8x256xf32, #tpu.memory_space<vmem>>, vector<1x16xf32>,
    %get3A_767 = arith.constant 1 : i32
    %get3A_768 = arith.index_cast %get3A_767 : i32 to index
    %get3A_769 = arith.index_cast %multiple_of3A_753 : i32 to index
    %get3A_770 = tpu.vector_load %arg5[%get3A_768, %get3A_769] {strides = array<i32>} : memref<8x4096xf32, #tpu.memory_space<vmem>>, vector<1x16xf32>,
    %get3A_771 = vector.shape_cast %get3A_770 : vector<1x16xf32> to vector<16xf32>
    %select_n3A_772 = arith.select %and3A_751, %get3A_771, %broadcast_in_dim3A_48 : vector<16xi1>, vector<16xf32>
    %add3A_773 = arith.addf %parallel_loop3A_735#1, %select_n3A_772 : vector<16xf32>
    %swap3A_774 = arith.constant 1 : i32
    %swap3A_775 = arith.index_cast %swap3A_774 : i32 to index
    %swap3A_776 = arith.constant 48 : index
    %swap3A_777 = tpu.vector_load %arg7[%swap3A_775, %swap3A_776] {strides = array<i32>} : memref<8x256xf32, #tpu.memory_space<vmem>>, vector<1x16xf32>,
    %swap3A_778 = vector.shape_cast %swap3A_777 : vector<1x16xf32> to vector<16xf32>
    %swap3A_779 = vector.shape_cast %add3A_773 : vector<16xf32> to vector<1x16xf32>
    tpu.vector_store %arg7[%swap3A_775, %swap3A_776], %swap3A_779 {strides = array<i32>} : memref<8x256xf32, #tpu.memory_space<vmem>>, vector<1x16xf32>,
    %get3A_780 = arith.constant 2 : i32
    %get3A_781 = arith.index_cast %get3A_780 : i32 to index
    %get3A_782 = arith.index_cast %multiple_of3A_753 : i32 to index
    %get3A_783 = tpu.vector_load %arg5[%get3A_781, %get3A_782] {strides = array<i32>} : memref<8x4096xf32, #tpu.memory_space<vmem>>, vector<1x16xf32>,
    %get3A_784 = vector.shape_cast %get3A_783 : vector<1x16xf32> to vector<16xf32>
    %select_n3A_785 = arith.select %and3A_751, %get3A_784, %broadcast_in_dim3A_48 : vector<16xi1>, vector<16xf32>
    %add3A_786 = arith.addf %parallel_loop3A_735#2, %select_n3A_785 : vector<16xf32>
    %swap3A_787 = arith.constant 2 : i32
    %swap3A_788 = arith.index_cast %swap3A_787 : i32 to index
    %swap3A_789 = arith.constant 48 : index
    %swap3A_790 = tpu.vector_load %arg7[%swap3A_788, %swap3A_789] {strides = array<i32>} : memref<8x256xf32, #tpu.memory_space<vmem>>, vector<1x16xf32>,
    %swap3A_791 = vector.shape_cast %swap3A_790 : vector<1x16xf32> to vector<16xf32>
    %swap3A_792 = vector.shape_cast %add3A_786 : vector<16xf32> to vector<1x16xf32>
    tpu.vector_store %arg7[%swap3A_788, %swap3A_789], %swap3A_792 {strides = array<i32>} : memref<8x256xf32, #tpu.memory_space<vmem>>, vector<1x16xf32>,
    %get3A_793 = arith.constant 3 : i32
    %get3A_794 = arith.index_cast %get3A_793 : i32 to index
    %get3A_795 = arith.index_cast %multiple_of3A_753 : i32 to index
    %get3A_796 = tpu.vector_load %arg5[%get3A_794, %get3A_795] {strides = array<i32>} : memref<8x4096xf32, #tpu.memory_space<vmem>>, vector<1x16xf32>,
    %get3A_797 = vector.shape_cast %get3A_796 : vector<1x16xf32> to vector<16xf32>
    %select_n3A_798 = arith.select %and3A_751, %get3A_797, %broadcast_in_dim3A_48 : vector<16xi1>, vector<16xf32>
    %add3A_799 = arith.addf %parallel_loop3A_735#3, %select_n3A_798 : vector<16xf32>
    %swap3A_800 = arith.constant 3 : i32
    %swap3A_801 = arith.index_cast %swap3A_800 : i32 to index
    %swap3A_802 = arith.constant 48 : index
    %swap3A_803 = tpu.vector_load %arg7[%swap3A_801, %swap3A_802] {strides = array<i32>} : memref<8x256xf32, #tpu.memory_space<vmem>>, vector<1x16xf32>,
    %swap3A_804 = vector.shape_cast %swap3A_803 : vector<1x16xf32> to vector<16xf32>
    %swap3A_805 = vector.shape_cast %add3A_799 : vector<16xf32> to vector<1x16xf32>
    tpu.vector_store %arg7[%swap3A_801, %swap3A_802], %swap3A_805 {strides = array<i32>} : memref<8x256xf32, #tpu.memory_space<vmem>>, vector<1x16xf32>,
    %get3A_806 = arith.constant 4 : i32
    %get3A_807 = arith.index_cast %get3A_806 : i32 to index
    %get3A_808 = arith.index_cast %multiple_of3A_753 : i32 to index
    %get3A_809 = tpu.vector_load %arg5[%get3A_807, %get3A_808] {strides = array<i32>} : memref<8x4096xf32, #tpu.memory_space<vmem>>, vector<1x16xf32>,
    %get3A_810 = vector.shape_cast %get3A_809 : vector<1x16xf32> to vector<16xf32>
    %select_n3A_811 = arith.select %and3A_751, %get3A_810, %broadcast_in_dim3A_48 : vector<16xi1>, vector<16xf32>
    %add3A_812 = arith.addf %parallel_loop3A_735#4, %select_n3A_811 : vector<16xf32>
    %swap3A_813 = arith.constant 4 : i32
    %swap3A_814 = arith.index_cast %swap3A_813 : i32 to index
    %swap3A_815 = arith.constant 48 : index
    %swap3A_816 = tpu.vector_load %arg7[%swap3A_814, %swap3A_815] {strides = array<i32>} : memref<8x256xf32, #tpu.memory_space<vmem>>, vector<1x16xf32>,
    %swap3A_817 = vector.shape_cast %swap3A_816 : vector<1x16xf32> to vector<16xf32>
    %swap3A_818 = vector.shape_cast %add3A_812 : vector<16xf32> to vector<1x16xf32>
    tpu.vector_store %arg7[%swap3A_814, %swap3A_815], %swap3A_818 {strides = array<i32>} : memref<8x256xf32, #tpu.memory_space<vmem>>, vector<1x16xf32>,
    %get3A_819 = arith.constant 5 : i32
    %get3A_820 = arith.index_cast %get3A_819 : i32 to index
    %get3A_821 = arith.index_cast %multiple_of3A_753 : i32 to index
    %get3A_822 = tpu.vector_load %arg5[%get3A_820, %get3A_821] {strides = array<i32>} : memref<8x4096xf32, #tpu.memory_space<vmem>>, vector<1x16xf32>,
    %get3A_823 = vector.shape_cast %get3A_822 : vector<1x16xf32> to vector<16xf32>
    %select_n3A_824 = arith.select %and3A_751, %get3A_823, %broadcast_in_dim3A_48 : vector<16xi1>, vector<16xf32>
    %add3A_825 = arith.addf %parallel_loop3A_735#5, %select_n3A_824 : vector<16xf32>
    %swap3A_826 = arith.constant 5 : i32
    %swap3A_827 = arith.index_cast %swap3A_826 : i32 to index
    %swap3A_828 = arith.constant 48 : index
    %swap3A_829 = tpu.vector_load %arg7[%swap3A_827, %swap3A_828] {strides = array<i32>} : memref<8x256xf32, #tpu.memory_space<vmem>>, vector<1x16xf32>,
    %swap3A_830 = vector.shape_cast %swap3A_829 : vector<1x16xf32> to vector<16xf32>
    %swap3A_831 = vector.shape_cast %add3A_825 : vector<16xf32> to vector<1x16xf32>
    tpu.vector_store %arg7[%swap3A_827, %swap3A_828], %swap3A_831 {strides = array<i32>} : memref<8x256xf32, #tpu.memory_space<vmem>>, vector<1x16xf32>,
    %get3A_832 = arith.constant 6 : i32
    %get3A_833 = arith.index_cast %get3A_832 : i32 to index
    %get3A_834 = arith.index_cast %multiple_of3A_753 : i32 to index
    %get3A_835 = tpu.vector_load %arg5[%get3A_833, %get3A_834] {strides = array<i32>} : memref<8x4096xf32, #tpu.memory_space<vmem>>, vector<1x16xf32>,
    %get3A_836 = vector.shape_cast %get3A_835 : vector<1x16xf32> to vector<16xf32>
    %select_n3A_837 = arith.select %and3A_751, %get3A_836, %broadcast_in_dim3A_48 : vector<16xi1>, vector<16xf32>
    %add3A_838 = arith.addf %parallel_loop3A_735#6, %select_n3A_837 : vector<16xf32>
    %swap3A_839 = arith.constant 6 : i32
    %swap3A_840 = arith.index_cast %swap3A_839 : i32 to index
    %swap3A_841 = arith.constant 48 : index
    %swap3A_842 = tpu.vector_load %arg7[%swap3A_840, %swap3A_841] {strides = array<i32>} : memref<8x256xf32, #tpu.memory_space<vmem>>, vector<1x16xf32>,
    %swap3A_843 = vector.shape_cast %swap3A_842 : vector<1x16xf32> to vector<16xf32>
    %swap3A_844 = vector.shape_cast %add3A_838 : vector<16xf32> to vector<1x16xf32>
    tpu.vector_store %arg7[%swap3A_840, %swap3A_841], %swap3A_844 {strides = array<i32>} : memref<8x256xf32, #tpu.memory_space<vmem>>, vector<1x16xf32>,
    %get3A_845 = arith.constant 7 : i32
    %get3A_846 = arith.index_cast %get3A_845 : i32 to index
    %get3A_847 = arith.index_cast %multiple_of3A_753 : i32 to index
    %get3A_848 = tpu.vector_load %arg5[%get3A_846, %get3A_847] {strides = array<i32>} : memref<8x4096xf32, #tpu.memory_space<vmem>>, vector<1x16xf32>,
    %get3A_849 = vector.shape_cast %get3A_848 : vector<1x16xf32> to vector<16xf32>
    %select_n3A_850 = arith.select %and3A_751, %get3A_849, %broadcast_in_dim3A_48 : vector<16xi1>, vector<16xf32>
    %add3A_851 = arith.addf %parallel_loop3A_735#7, %select_n3A_850 : vector<16xf32>
    %swap3A_852 = arith.constant 7 : i32
    %swap3A_853 = arith.index_cast %swap3A_852 : i32 to index
    %swap3A_854 = arith.constant 48 : index
    %swap3A_855 = tpu.vector_load %arg7[%swap3A_853, %swap3A_854] {strides = array<i32>} : memref<8x256xf32, #tpu.memory_space<vmem>>, vector<1x16xf32>,
    %swap3A_856 = vector.shape_cast %swap3A_855 : vector<1x16xf32> to vector<16xf32>
    %swap3A_857 = vector.shape_cast %add3A_851 : vector<16xf32> to vector<1x16xf32>
    tpu.vector_store %arg7[%swap3A_853, %swap3A_854], %swap3A_857 {strides = array<i32>} : memref<8x256xf32, #tpu.memory_space<vmem>>, vector<1x16xf32>,
    %max3A_858 = arith.maxsi %squeeze3A_23, %multiple_of3A_9 : i32
    %min3A_859 = arith.minsi %squeeze3A_25, %add3A_51 : i32
    %add3A_860 = arith.constant 15 : i32
    %add3A_861 = arith.addi %max3A_858, %add3A_860 : i32
    %shift_right_logical3A_862 = arith.constant 4 : i32
    %shift_right_logical3A_863 = arith.shrui %add3A_861, %shift_right_logical3A_862 : i32
    %shift_right_logical3A_864 = arith.constant 4 : i32
    %shift_right_logical3A_865 = arith.shrui %min3A_859, %shift_right_logical3A_864 : i32
    %max3A_866 = arith.maxsi %shift_right_logical3A_863, %shift_right_logical3A_865 : i32
    %sub3A_867 = arith.constant 1 : i32
    %sub3A_868 = arith.subi %add3A_51, %sub3A_867 : i32
    %min3A_869 = arith.minsi %max3A_858, %sub3A_868 : i32
    %and3A_870 = arith.constant -16 : i32
    %and3A_871 = arith.andi %min3A_869, %and3A_870 : i32
    %add3A_872 = vector.broadcast %and3A_871 : i32 to vector<16xi32>
    %add3A_873 = arith.addi %add3A_872, %iota3A : vector<16xi32>
    %ge3A_874 = vector.broadcast %max3A_858 : i32 to vector<16xi32>
    %ge3A_875 = arith.cmpi sge, %add3A_873, %ge3A_874 : vector<16xi32>
    %mul3A_876 = arith.constant 16 : i32
    %mul3A_877 = arith.muli %shift_right_logical3A_863, %mul3A_876 : i32
    %min3A_878 = arith.minsi %min3A_859, %mul3A_877 : i32
    %lt3A_879 = vector.broadcast %min3A_878 : i32 to vector<16xi32>
    %lt3A_880 = arith.cmpi slt, %add3A_873, %lt3A_879 : vector<16xi32>
    %and3A_881 = arith.andi %ge3A_875, %lt3A_880 : vector<16xi1>
    %sub3A_882 = arith.subi %and3A_871, %multiple_of3A_9 : i32
    %multiple_of3A_883 = tpu.assume_multiple %sub3A_882, 16 : i32
    %get3A_884 = arith.constant 0 : i32
    %get3A_885 = arith.index_cast %get3A_884 : i32 to index
    %get3A_886 = arith.index_cast %multiple_of3A_883 : i32 to index
    %get3A_887 = tpu.vector_load %arg5[%get3A_885, %get3A_886] {strides = array<i32>} : memref<8x4096xf32, #tpu.memory_space<vmem>>, vector<1x16xf32>,
    %get3A_888 = vector.shape_cast %get3A_887 : vector<1x16xf32> to vector<16xf32>
    %select_n3A_889 = arith.select %and3A_881, %get3A_888, %broadcast_in_dim3A_48 : vector<16xi1>, vector<16xf32>
    %get3A_890 = arith.constant 1 : i32
    %get3A_891 = arith.index_cast %get3A_890 : i32 to index
    %get3A_892 = arith.index_cast %multiple_of3A_883 : i32 to index
    %get3A_893 = tpu.vector_load %arg5[%get3A_891, %get3A_892] {strides = array<i32>} : memref<8x4096xf32, #tpu.memory_space<vmem>>, vector<1x16xf32>,
    %get3A_894 = vector.shape_cast %get3A_893 : vector<1x16xf32> to vector<16xf32>
    %select_n3A_895 = arith.select %and3A_881, %get3A_894, %broadcast_in_dim3A_48 : vector<16xi1>, vector<16xf32>
    %get3A_896 = arith.constant 2 : i32
    %get3A_897 = arith.index_cast %get3A_896 : i32 to index
    %get3A_898 = arith.index_cast %multiple_of3A_883 : i32 to index
    %get3A_899 = tpu.vector_load %arg5[%get3A_897, %get3A_898] {strides = array<i32>} : memref<8x4096xf32, #tpu.memory_space<vmem>>, vector<1x16xf32>,
    %get3A_900 = vector.shape_cast %get3A_899 : vector<1x16xf32> to vector<16xf32>
    %select_n3A_901 = arith.select %and3A_881, %get3A_900, %broadcast_in_dim3A_48 : vector<16xi1>, vector<16xf32>
    %get3A_902 = arith.constant 3 : i32
    %get3A_903 = arith.index_cast %get3A_902 : i32 to index
    %get3A_904 = arith.index_cast %multiple_of3A_883 : i32 to index
    %get3A_905 = tpu.vector_load %arg5[%get3A_903, %get3A_904] {strides = array<i32>} : memref<8x4096xf32, #tpu.memory_space<vmem>>, vector<1x16xf32>,
    %get3A_906 = vector.shape_cast %get3A_905 : vector<1x16xf32> to vector<16xf32>
    %select_n3A_907 = arith.select %and3A_881, %get3A_906, %broadcast_in_dim3A_48 : vector<16xi1>, vector<16xf32>
    %get3A_908 = arith.constant 4 : i32
    %get3A_909 = arith.index_cast %get3A_908 : i32 to index
    %get3A_910 = arith.index_cast %multiple_of3A_883 : i32 to index
    %get3A_911 = tpu.vector_load %arg5[%get3A_909, %get3A_910] {strides = array<i32>} : memref<8x4096xf32, #tpu.memory_space<vmem>>, vector<1x16xf32>,
    %get3A_912 = vector.shape_cast %get3A_911 : vector<1x16xf32> to vector<16xf32>
    %select_n3A_913 = arith.select %and3A_881, %get3A_912, %broadcast_in_dim3A_48 : vector<16xi1>, vector<16xf32>
    %get3A_914 = arith.constant 5 : i32
    %get3A_915 = arith.index_cast %get3A_914 : i32 to index
    %get3A_916 = arith.index_cast %multiple_of3A_883 : i32 to index
    %get3A_917 = tpu.vector_load %arg5[%get3A_915, %get3A_916] {strides = array<i32>} : memref<8x4096xf32, #tpu.memory_space<vmem>>, vector<1x16xf32>,
    %get3A_918 = vector.shape_cast %get3A_917 : vector<1x16xf32> to vector<16xf32>
    %select_n3A_919 = arith.select %and3A_881, %get3A_918, %broadcast_in_dim3A_48 : vector<16xi1>, vector<16xf32>
    %get3A_920 = arith.constant 6 : i32
    %get3A_921 = arith.index_cast %get3A_920 : i32 to index
    %get3A_922 = arith.index_cast %multiple_of3A_883 : i32 to index
    %get3A_923 = tpu.vector_load %arg5[%get3A_921, %get3A_922] {strides = array<i32>} : memref<8x4096xf32, #tpu.memory_space<vmem>>, vector<1x16xf32>,
    %get3A_924 = vector.shape_cast %get3A_923 : vector<1x16xf32> to vector<16xf32>
    %select_n3A_925 = arith.select %and3A_881, %get3A_924, %broadcast_in_dim3A_48 : vector<16xi1>, vector<16xf32>
    %get3A_926 = arith.constant 7 : i32
    %get3A_927 = arith.index_cast %get3A_926 : i32 to index
    %get3A_928 = arith.index_cast %multiple_of3A_883 : i32 to index
    %get3A_929 = tpu.vector_load %arg5[%get3A_927, %get3A_928] {strides = array<i32>} : memref<8x4096xf32, #tpu.memory_space<vmem>>, vector<1x16xf32>,
    %get3A_930 = vector.shape_cast %get3A_929 : vector<1x16xf32> to vector<16xf32>
    %select_n3A_931 = arith.select %and3A_881, %get3A_930, %broadcast_in_dim3A_48 : vector<16xi1>, vector<16xf32>
    %mul3A_932 = arith.constant 16 : i32
    %mul3A_933 = arith.muli %shift_right_logical3A_863, %mul3A_932 : i32
    %sub3A_934 = arith.subi %mul3A_933, %multiple_of3A_9 : i32
    %mul3A_935 = arith.constant 16 : i32
    %mul3A_936 = arith.muli %max3A_866, %mul3A_935 : i32
    %sub3A_937 = arith.subi %mul3A_936, %multiple_of3A_9 : i32
    %parallel_loop3A_938 = arith.constant 16 : i32
    %parallel_loop3A_939:8 = scf.for %parallel_loop3A_3309 = %sub3A_934 to %sub3A_937 step %parallel_loop3A_938 iter_args(%parallel_loop3A_3310 = %select_n3A_889, %parallel_loop3A_3311 = %select_n3A_895, %parallel_loop3A_3312 = %select_n3A_901, %parallel_loop3A_3313 = %select_n3A_907, %parallel_loop3A_3314 = %select_n3A_913, %parallel_loop3A_3315 = %select_n3A_919, %parallel_loop3A_3316 = %select_n3A_925, %parallel_loop3A_3317 = %select_n3A_931) -> (vector<16xf32>, vector<16xf32>, vector<16xf32>, vector<16xf32>, vector<16xf32>, vector<16xf32>, vector<16xf32>, vector<16xf32>)  : i32 {
      %parallel_loop3A_3318 = tpu.assume_multiple %parallel_loop3A_3309, 16 : i32
      %parallel_loop3A_3319 = arith.constant 0 : i32
      %parallel_loop3A_3320 = arith.index_cast %parallel_loop3A_3319 : i32 to index
      %parallel_loop3A_3321 = arith.index_cast %parallel_loop3A_3318 : i32 to index
      %parallel_loop3A_3322 = tpu.vector_load %arg5[%parallel_loop3A_3320, %parallel_loop3A_3321] {strides = array<i32>} : memref<8x4096xf32, #tpu.memory_space<vmem>>, vector<1x16xf32>,
      %parallel_loop3A_3323 = vector.shape_cast %parallel_loop3A_3322 : vector<1x16xf32> to vector<16xf32>
      %parallel_loop3A_3324 = arith.addf %parallel_loop3A_3310, %parallel_loop3A_3323 : vector<16xf32>
      %parallel_loop3A_3325 = arith.constant 1 : i32
      %parallel_loop3A_3326 = arith.index_cast %parallel_loop3A_3325 : i32 to index
      %parallel_loop3A_3327 = arith.index_cast %parallel_loop3A_3318 : i32 to index
      %parallel_loop3A_3328 = tpu.vector_load %arg5[%parallel_loop3A_3326, %parallel_loop3A_3327] {strides = array<i32>} : memref<8x4096xf32, #tpu.memory_space<vmem>>, vector<1x16xf32>,
      %parallel_loop3A_3329 = vector.shape_cast %parallel_loop3A_3328 : vector<1x16xf32> to vector<16xf32>
      %parallel_loop3A_3330 = arith.addf %parallel_loop3A_3311, %parallel_loop3A_3329 : vector<16xf32>
      %parallel_loop3A_3331 = arith.constant 2 : i32
      %parallel_loop3A_3332 = arith.index_cast %parallel_loop3A_3331 : i32 to index
      %parallel_loop3A_3333 = arith.index_cast %parallel_loop3A_3318 : i32 to index
      %parallel_loop3A_3334 = tpu.vector_load %arg5[%parallel_loop3A_3332, %parallel_loop3A_3333] {strides = array<i32>} : memref<8x4096xf32, #tpu.memory_space<vmem>>, vector<1x16xf32>,
      %parallel_loop3A_3335 = vector.shape_cast %parallel_loop3A_3334 : vector<1x16xf32> to vector<16xf32>
      %parallel_loop3A_3336 = arith.addf %parallel_loop3A_3312, %parallel_loop3A_3335 : vector<16xf32>
      %parallel_loop3A_3337 = arith.constant 3 : i32
      %parallel_loop3A_3338 = arith.index_cast %parallel_loop3A_3337 : i32 to index
      %parallel_loop3A_3339 = arith.index_cast %parallel_loop3A_3318 : i32 to index
      %parallel_loop3A_3340 = tpu.vector_load %arg5[%parallel_loop3A_3338, %parallel_loop3A_3339] {strides = array<i32>} : memref<8x4096xf32, #tpu.memory_space<vmem>>, vector<1x16xf32>,
      %parallel_loop3A_3341 = vector.shape_cast %parallel_loop3A_3340 : vector<1x16xf32> to vector<16xf32>
      %parallel_loop3A_3342 = arith.addf %parallel_loop3A_3313, %parallel_loop3A_3341 : vector<16xf32>
      %parallel_loop3A_3343 = arith.constant 4 : i32
      %parallel_loop3A_3344 = arith.index_cast %parallel_loop3A_3343 : i32 to index
      %parallel_loop3A_3345 = arith.index_cast %parallel_loop3A_3318 : i32 to index
      %parallel_loop3A_3346 = tpu.vector_load %arg5[%parallel_loop3A_3344, %parallel_loop3A_3345] {strides = array<i32>} : memref<8x4096xf32, #tpu.memory_space<vmem>>, vector<1x16xf32>,
      %parallel_loop3A_3347 = vector.shape_cast %parallel_loop3A_3346 : vector<1x16xf32> to vector<16xf32>
      %parallel_loop3A_3348 = arith.addf %parallel_loop3A_3314, %parallel_loop3A_3347 : vector<16xf32>
      %parallel_loop3A_3349 = arith.constant 5 : i32
      %parallel_loop3A_3350 = arith.index_cast %parallel_loop3A_3349 : i32 to index
      %parallel_loop3A_3351 = arith.index_cast %parallel_loop3A_3318 : i32 to index
      %parallel_loop3A_3352 = tpu.vector_load %arg5[%parallel_loop3A_3350, %parallel_loop3A_3351] {strides = array<i32>} : memref<8x4096xf32, #tpu.memory_space<vmem>>, vector<1x16xf32>,
      %parallel_loop3A_3353 = vector.shape_cast %parallel_loop3A_3352 : vector<1x16xf32> to vector<16xf32>
      %parallel_loop3A_3354 = arith.addf %parallel_loop3A_3315, %parallel_loop3A_3353 : vector<16xf32>
      %parallel_loop3A_3355 = arith.constant 6 : i32
      %parallel_loop3A_3356 = arith.index_cast %parallel_loop3A_3355 : i32 to index
      %parallel_loop3A_3357 = arith.index_cast %parallel_loop3A_3318 : i32 to index
      %parallel_loop3A_3358 = tpu.vector_load %arg5[%parallel_loop3A_3356, %parallel_loop3A_3357] {strides = array<i32>} : memref<8x4096xf32, #tpu.memory_space<vmem>>, vector<1x16xf32>,
      %parallel_loop3A_3359 = vector.shape_cast %parallel_loop3A_3358 : vector<1x16xf32> to vector<16xf32>
      %parallel_loop3A_3360 = arith.addf %parallel_loop3A_3316, %parallel_loop3A_3359 : vector<16xf32>
      %parallel_loop3A_3361 = arith.constant 7 : i32
      %parallel_loop3A_3362 = arith.index_cast %parallel_loop3A_3361 : i32 to index
      %parallel_loop3A_3363 = arith.index_cast %parallel_loop3A_3318 : i32 to index
      %parallel_loop3A_3364 = tpu.vector_load %arg5[%parallel_loop3A_3362, %parallel_loop3A_3363] {strides = array<i32>} : memref<8x4096xf32, #tpu.memory_space<vmem>>, vector<1x16xf32>,
      %parallel_loop3A_3365 = vector.shape_cast %parallel_loop3A_3364 : vector<1x16xf32> to vector<16xf32>
      %parallel_loop3A_3366 = arith.addf %parallel_loop3A_3317, %parallel_loop3A_3365 : vector<16xf32>
      scf.yield %parallel_loop3A_3324, %parallel_loop3A_3330, %parallel_loop3A_3336, %parallel_loop3A_3342, %parallel_loop3A_3348, %parallel_loop3A_3354, %parallel_loop3A_3360, %parallel_loop3A_3366 : vector<16xf32>, vector<16xf32>, vector<16xf32>, vector<16xf32>, vector<16xf32>, vector<16xf32>, vector<16xf32>, vector<16xf32>
    } {sc.loop_unroll_factor = 1 : i64, sc.parallel_access}
    %and3A_940 = arith.constant -16 : i32
    %and3A_941 = arith.andi %min3A_859, %and3A_940 : i32
    %max3A_942 = arith.maxsi %and3A_941, %multiple_of3A_9 : i32
    %sub3A_943 = arith.constant 16 : i32
    %sub3A_944 = arith.subi %add3A_51, %sub3A_943 : i32
    %min3A_945 = arith.minsi %max3A_942, %sub3A_944 : i32
    %add3A_946 = vector.broadcast %min3A_945 : i32 to vector<16xi32>
    %add3A_947 = arith.addi %add3A_946, %iota3A : vector<16xi32>
    %mul3A_948 = arith.constant 16 : i32
    %mul3A_949 = arith.muli %shift_right_logical3A_863, %mul3A_948 : i32
    %max3A_950 = arith.maxsi %mul3A_949, %and3A_941 : i32
    %ge3A_951 = vector.broadcast %max3A_950 : i32 to vector<16xi32>
    %ge3A_952 = arith.cmpi sge, %add3A_947, %ge3A_951 : vector<16xi32>
    %lt3A_953 = vector.broadcast %min3A_859 : i32 to vector<16xi32>
    %lt3A_954 = arith.cmpi slt, %add3A_947, %lt3A_953 : vector<16xi32>
    %and3A_955 = arith.andi %ge3A_952, %lt3A_954 : vector<16xi1>
    %sub3A_956 = arith.subi %min3A_945, %multiple_of3A_9 : i32
    %multiple_of3A_957 = tpu.assume_multiple %sub3A_956, 16 : i32
    %get3A_958 = arith.constant 0 : i32
    %get3A_959 = arith.index_cast %get3A_958 : i32 to index
    %get3A_960 = arith.index_cast %multiple_of3A_957 : i32 to index
    %get3A_961 = tpu.vector_load %arg5[%get3A_959, %get3A_960] {strides = array<i32>} : memref<8x4096xf32, #tpu.memory_space<vmem>>, vector<1x16xf32>,
    %get3A_962 = vector.shape_cast %get3A_961 : vector<1x16xf32> to vector<16xf32>
    %select_n3A_963 = arith.select %and3A_955, %get3A_962, %broadcast_in_dim3A_48 : vector<16xi1>, vector<16xf32>
    %add3A_964 = arith.addf %parallel_loop3A_939#0, %select_n3A_963 : vector<16xf32>
    %swap3A_965 = arith.constant 0 : i32
    %swap3A_966 = arith.index_cast %swap3A_965 : i32 to index
    %swap3A_967 = arith.constant 64 : index
    %swap3A_968 = tpu.vector_load %arg7[%swap3A_966, %swap3A_967] {strides = array<i32>} : memref<8x256xf32, #tpu.memory_space<vmem>>, vector<1x16xf32>,
    %swap3A_969 = vector.shape_cast %swap3A_968 : vector<1x16xf32> to vector<16xf32>
    %swap3A_970 = vector.shape_cast %add3A_964 : vector<16xf32> to vector<1x16xf32>
    tpu.vector_store %arg7[%swap3A_966, %swap3A_967], %swap3A_970 {strides = array<i32>} : memref<8x256xf32, #tpu.memory_space<vmem>>, vector<1x16xf32>,
    %get3A_971 = arith.constant 1 : i32
    %get3A_972 = arith.index_cast %get3A_971 : i32 to index
    %get3A_973 = arith.index_cast %multiple_of3A_957 : i32 to index
    %get3A_974 = tpu.vector_load %arg5[%get3A_972, %get3A_973] {strides = array<i32>} : memref<8x4096xf32, #tpu.memory_space<vmem>>, vector<1x16xf32>,
    %get3A_975 = vector.shape_cast %get3A_974 : vector<1x16xf32> to vector<16xf32>
    %select_n3A_976 = arith.select %and3A_955, %get3A_975, %broadcast_in_dim3A_48 : vector<16xi1>, vector<16xf32>
    %add3A_977 = arith.addf %parallel_loop3A_939#1, %select_n3A_976 : vector<16xf32>
    %swap3A_978 = arith.constant 1 : i32
    %swap3A_979 = arith.index_cast %swap3A_978 : i32 to index
    %swap3A_980 = arith.constant 64 : index
    %swap3A_981 = tpu.vector_load %arg7[%swap3A_979, %swap3A_980] {strides = array<i32>} : memref<8x256xf32, #tpu.memory_space<vmem>>, vector<1x16xf32>,
    %swap3A_982 = vector.shape_cast %swap3A_981 : vector<1x16xf32> to vector<16xf32>
    %swap3A_983 = vector.shape_cast %add3A_977 : vector<16xf32> to vector<1x16xf32>
    tpu.vector_store %arg7[%swap3A_979, %swap3A_980], %swap3A_983 {strides = array<i32>} : memref<8x256xf32, #tpu.memory_space<vmem>>, vector<1x16xf32>,
    %get3A_984 = arith.constant 2 : i32
    %get3A_985 = arith.index_cast %get3A_984 : i32 to index
    %get3A_986 = arith.index_cast %multiple_of3A_957 : i32 to index
    %get3A_987 = tpu.vector_load %arg5[%get3A_985, %get3A_986] {strides = array<i32>} : memref<8x4096xf32, #tpu.memory_space<vmem>>, vector<1x16xf32>,
    %get3A_988 = vector.shape_cast %get3A_987 : vector<1x16xf32> to vector<16xf32>
    %select_n3A_989 = arith.select %and3A_955, %get3A_988, %broadcast_in_dim3A_48 : vector<16xi1>, vector<16xf32>
    %add3A_990 = arith.addf %parallel_loop3A_939#2, %select_n3A_989 : vector<16xf32>
    %swap3A_991 = arith.constant 2 : i32
    %swap3A_992 = arith.index_cast %swap3A_991 : i32 to index
    %swap3A_993 = arith.constant 64 : index
    %swap3A_994 = tpu.vector_load %arg7[%swap3A_992, %swap3A_993] {strides = array<i32>} : memref<8x256xf32, #tpu.memory_space<vmem>>, vector<1x16xf32>,
    %swap3A_995 = vector.shape_cast %swap3A_994 : vector<1x16xf32> to vector<16xf32>
    %swap3A_996 = vector.shape_cast %add3A_990 : vector<16xf32> to vector<1x16xf32>
    tpu.vector_store %arg7[%swap3A_992, %swap3A_993], %swap3A_996 {strides = array<i32>} : memref<8x256xf32, #tpu.memory_space<vmem>>, vector<1x16xf32>,
    %get3A_997 = arith.constant 3 : i32
    %get3A_998 = arith.index_cast %get3A_997 : i32 to index
    %get3A_999 = arith.index_cast %multiple_of3A_957 : i32 to index
    %get3A_1000 = tpu.vector_load %arg5[%get3A_998, %get3A_999] {strides = array<i32>} : memref<8x4096xf32, #tpu.memory_space<vmem>>, vector<1x16xf32>,
    %get3A_1001 = vector.shape_cast %get3A_1000 : vector<1x16xf32> to vector<16xf32>
    %select_n3A_1002 = arith.select %and3A_955, %get3A_1001, %broadcast_in_dim3A_48 : vector<16xi1>, vector<16xf32>
    %add3A_1003 = arith.addf %parallel_loop3A_939#3, %select_n3A_1002 : vector<16xf32>
    %swap3A_1004 = arith.constant 3 : i32
    %swap3A_1005 = arith.index_cast %swap3A_1004 : i32 to index
    %swap3A_1006 = arith.constant 64 : index
    %swap3A_1007 = tpu.vector_load %arg7[%swap3A_1005, %swap3A_1006] {strides = array<i32>} : memref<8x256xf32, #tpu.memory_space<vmem>>, vector<1x16xf32>,
    %swap3A_1008 = vector.shape_cast %swap3A_1007 : vector<1x16xf32> to vector<16xf32>
    %swap3A_1009 = vector.shape_cast %add3A_1003 : vector<16xf32> to vector<1x16xf32>
    tpu.vector_store %arg7[%swap3A_1005, %swap3A_1006], %swap3A_1009 {strides = array<i32>} : memref<8x256xf32, #tpu.memory_space<vmem>>, vector<1x16xf32>,
    %get3A_1010 = arith.constant 4 : i32
    %get3A_1011 = arith.index_cast %get3A_1010 : i32 to index
    %get3A_1012 = arith.index_cast %multiple_of3A_957 : i32 to index
    %get3A_1013 = tpu.vector_load %arg5[%get3A_1011, %get3A_1012] {strides = array<i32>} : memref<8x4096xf32, #tpu.memory_space<vmem>>, vector<1x16xf32>,
    %get3A_1014 = vector.shape_cast %get3A_1013 : vector<1x16xf32> to vector<16xf32>
    %select_n3A_1015 = arith.select %and3A_955, %get3A_1014, %broadcast_in_dim3A_48 : vector<16xi1>, vector<16xf32>
    %add3A_1016 = arith.addf %parallel_loop3A_939#4, %select_n3A_1015 : vector<16xf32>
    %swap3A_1017 = arith.constant 4 : i32
    %swap3A_1018 = arith.index_cast %swap3A_1017 : i32 to index
    %swap3A_1019 = arith.constant 64 : index
    %swap3A_1020 = tpu.vector_load %arg7[%swap3A_1018, %swap3A_1019] {strides = array<i32>} : memref<8x256xf32, #tpu.memory_space<vmem>>, vector<1x16xf32>,
    %swap3A_1021 = vector.shape_cast %swap3A_1020 : vector<1x16xf32> to vector<16xf32>
    %swap3A_1022 = vector.shape_cast %add3A_1016 : vector<16xf32> to vector<1x16xf32>
    tpu.vector_store %arg7[%swap3A_1018, %swap3A_1019], %swap3A_1022 {strides = array<i32>} : memref<8x256xf32, #tpu.memory_space<vmem>>, vector<1x16xf32>,
    %get3A_1023 = arith.constant 5 : i32
    %get3A_1024 = arith.index_cast %get3A_1023 : i32 to index
    %get3A_1025 = arith.index_cast %multiple_of3A_957 : i32 to index
    %get3A_1026 = tpu.vector_load %arg5[%get3A_1024, %get3A_1025] {strides = array<i32>} : memref<8x4096xf32, #tpu.memory_space<vmem>>, vector<1x16xf32>,
    %get3A_1027 = vector.shape_cast %get3A_1026 : vector<1x16xf32> to vector<16xf32>
    %select_n3A_1028 = arith.select %and3A_955, %get3A_1027, %broadcast_in_dim3A_48 : vector<16xi1>, vector<16xf32>
    %add3A_1029 = arith.addf %parallel_loop3A_939#5, %select_n3A_1028 : vector<16xf32>
    %swap3A_1030 = arith.constant 5 : i32
    %swap3A_1031 = arith.index_cast %swap3A_1030 : i32 to index
    %swap3A_1032 = arith.constant 64 : index
    %swap3A_1033 = tpu.vector_load %arg7[%swap3A_1031, %swap3A_1032] {strides = array<i32>} : memref<8x256xf32, #tpu.memory_space<vmem>>, vector<1x16xf32>,
    %swap3A_1034 = vector.shape_cast %swap3A_1033 : vector<1x16xf32> to vector<16xf32>
    %swap3A_1035 = vector.shape_cast %add3A_1029 : vector<16xf32> to vector<1x16xf32>
    tpu.vector_store %arg7[%swap3A_1031, %swap3A_1032], %swap3A_1035 {strides = array<i32>} : memref<8x256xf32, #tpu.memory_space<vmem>>, vector<1x16xf32>,
    %get3A_1036 = arith.constant 6 : i32
    %get3A_1037 = arith.index_cast %get3A_1036 : i32 to index
    %get3A_1038 = arith.index_cast %multiple_of3A_957 : i32 to index
    %get3A_1039 = tpu.vector_load %arg5[%get3A_1037, %get3A_1038] {strides = array<i32>} : memref<8x4096xf32, #tpu.memory_space<vmem>>, vector<1x16xf32>,
    %get3A_1040 = vector.shape_cast %get3A_1039 : vector<1x16xf32> to vector<16xf32>
    %select_n3A_1041 = arith.select %and3A_955, %get3A_1040, %broadcast_in_dim3A_48 : vector<16xi1>, vector<16xf32>
    %add3A_1042 = arith.addf %parallel_loop3A_939#6, %select_n3A_1041 : vector<16xf32>
    %swap3A_1043 = arith.constant 6 : i32
    %swap3A_1044 = arith.index_cast %swap3A_1043 : i32 to index
    %swap3A_1045 = arith.constant 64 : index
    %swap3A_1046 = tpu.vector_load %arg7[%swap3A_1044, %swap3A_1045] {strides = array<i32>} : memref<8x256xf32, #tpu.memory_space<vmem>>, vector<1x16xf32>,
    %swap3A_1047 = vector.shape_cast %swap3A_1046 : vector<1x16xf32> to vector<16xf32>
    %swap3A_1048 = vector.shape_cast %add3A_1042 : vector<16xf32> to vector<1x16xf32>
    tpu.vector_store %arg7[%swap3A_1044, %swap3A_1045], %swap3A_1048 {strides = array<i32>} : memref<8x256xf32, #tpu.memory_space<vmem>>, vector<1x16xf32>,
    %get3A_1049 = arith.constant 7 : i32
    %get3A_1050 = arith.index_cast %get3A_1049 : i32 to index
    %get3A_1051 = arith.index_cast %multiple_of3A_957 : i32 to index
    %get3A_1052 = tpu.vector_load %arg5[%get3A_1050, %get3A_1051] {strides = array<i32>} : memref<8x4096xf32, #tpu.memory_space<vmem>>, vector<1x16xf32>,
    %get3A_1053 = vector.shape_cast %get3A_1052 : vector<1x16xf32> to vector<16xf32>
    %select_n3A_1054 = arith.select %and3A_955, %get3A_1053, %broadcast_in_dim3A_48 : vector<16xi1>, vector<16xf32>
    %add3A_1055 = arith.addf %parallel_loop3A_939#7, %select_n3A_1054 : vector<16xf32>
    %swap3A_1056 = arith.constant 7 : i32
    %swap3A_1057 = arith.index_cast %swap3A_1056 : i32 to index
    %swap3A_1058 = arith.constant 64 : index
    %swap3A_1059 = tpu.vector_load %arg7[%swap3A_1057, %swap3A_1058] {strides = array<i32>} : memref<8x256xf32, #tpu.memory_space<vmem>>, vector<1x16xf32>,
    %swap3A_1060 = vector.shape_cast %swap3A_1059 : vector<1x16xf32> to vector<16xf32>
    %swap3A_1061 = vector.shape_cast %add3A_1055 : vector<16xf32> to vector<1x16xf32>
    tpu.vector_store %arg7[%swap3A_1057, %swap3A_1058], %swap3A_1061 {strides = array<i32>} : memref<8x256xf32, #tpu.memory_space<vmem>>, vector<1x16xf32>,
    %max3A_1062 = arith.maxsi %squeeze3A_25, %multiple_of3A_9 : i32
    %min3A_1063 = arith.minsi %squeeze3A_27, %add3A_51 : i32
    %add3A_1064 = arith.constant 15 : i32
    %add3A_1065 = arith.addi %max3A_1062, %add3A_1064 : i32
    %shift_right_logical3A_1066 = arith.constant 4 : i32
    %shift_right_logical3A_1067 = arith.shrui %add3A_1065, %shift_right_logical3A_1066 : i32
    %shift_right_logical3A_1068 = arith.constant 4 : i32
    %shift_right_logical3A_1069 = arith.shrui %min3A_1063, %shift_right_logical3A_1068 : i32
    %max3A_1070 = arith.maxsi %shift_right_logical3A_1067, %shift_right_logical3A_1069 : i32
    %sub3A_1071 = arith.constant 1 : i32
    %sub3A_1072 = arith.subi %add3A_51, %sub3A_1071 : i32
    %min3A_1073 = arith.minsi %max3A_1062, %sub3A_1072 : i32
    %and3A_1074 = arith.constant -16 : i32
    %and3A_1075 = arith.andi %min3A_1073, %and3A_1074 : i32
    %add3A_1076 = vector.broadcast %and3A_1075 : i32 to vector<16xi32>
    %add3A_1077 = arith.addi %add3A_1076, %iota3A : vector<16xi32>
    %ge3A_1078 = vector.broadcast %max3A_1062 : i32 to vector<16xi32>
    %ge3A_1079 = arith.cmpi sge, %add3A_1077, %ge3A_1078 : vector<16xi32>
    %mul3A_1080 = arith.constant 16 : i32
    %mul3A_1081 = arith.muli %shift_right_logical3A_1067, %mul3A_1080 : i32
    %min3A_1082 = arith.minsi %min3A_1063, %mul3A_1081 : i32
    %lt3A_1083 = vector.broadcast %min3A_1082 : i32 to vector<16xi32>
    %lt3A_1084 = arith.cmpi slt, %add3A_1077, %lt3A_1083 : vector<16xi32>
    %and3A_1085 = arith.andi %ge3A_1079, %lt3A_1084 : vector<16xi1>
    %sub3A_1086 = arith.subi %and3A_1075, %multiple_of3A_9 : i32
    %multiple_of3A_1087 = tpu.assume_multiple %sub3A_1086, 16 : i32
    %get3A_1088 = arith.constant 0 : i32
    %get3A_1089 = arith.index_cast %get3A_1088 : i32 to index
    %get3A_1090 = arith.index_cast %multiple_of3A_1087 : i32 to index
    %get3A_1091 = tpu.vector_load %arg5[%get3A_1089, %get3A_1090] {strides = array<i32>} : memref<8x4096xf32, #tpu.memory_space<vmem>>, vector<1x16xf32>,
    %get3A_1092 = vector.shape_cast %get3A_1091 : vector<1x16xf32> to vector<16xf32>
    %select_n3A_1093 = arith.select %and3A_1085, %get3A_1092, %broadcast_in_dim3A_48 : vector<16xi1>, vector<16xf32>
    %get3A_1094 = arith.constant 1 : i32
    %get3A_1095 = arith.index_cast %get3A_1094 : i32 to index
    %get3A_1096 = arith.index_cast %multiple_of3A_1087 : i32 to index
    %get3A_1097 = tpu.vector_load %arg5[%get3A_1095, %get3A_1096] {strides = array<i32>} : memref<8x4096xf32, #tpu.memory_space<vmem>>, vector<1x16xf32>,
    %get3A_1098 = vector.shape_cast %get3A_1097 : vector<1x16xf32> to vector<16xf32>
    %select_n3A_1099 = arith.select %and3A_1085, %get3A_1098, %broadcast_in_dim3A_48 : vector<16xi1>, vector<16xf32>
    %get3A_1100 = arith.constant 2 : i32
    %get3A_1101 = arith.index_cast %get3A_1100 : i32 to index
    %get3A_1102 = arith.index_cast %multiple_of3A_1087 : i32 to index
    %get3A_1103 = tpu.vector_load %arg5[%get3A_1101, %get3A_1102] {strides = array<i32>} : memref<8x4096xf32, #tpu.memory_space<vmem>>, vector<1x16xf32>,
    %get3A_1104 = vector.shape_cast %get3A_1103 : vector<1x16xf32> to vector<16xf32>
    %select_n3A_1105 = arith.select %and3A_1085, %get3A_1104, %broadcast_in_dim3A_48 : vector<16xi1>, vector<16xf32>
    %get3A_1106 = arith.constant 3 : i32
    %get3A_1107 = arith.index_cast %get3A_1106 : i32 to index
    %get3A_1108 = arith.index_cast %multiple_of3A_1087 : i32 to index
    %get3A_1109 = tpu.vector_load %arg5[%get3A_1107, %get3A_1108] {strides = array<i32>} : memref<8x4096xf32, #tpu.memory_space<vmem>>, vector<1x16xf32>,
    %get3A_1110 = vector.shape_cast %get3A_1109 : vector<1x16xf32> to vector<16xf32>
    %select_n3A_1111 = arith.select %and3A_1085, %get3A_1110, %broadcast_in_dim3A_48 : vector<16xi1>, vector<16xf32>
    %get3A_1112 = arith.constant 4 : i32
    %get3A_1113 = arith.index_cast %get3A_1112 : i32 to index
    %get3A_1114 = arith.index_cast %multiple_of3A_1087 : i32 to index
    %get3A_1115 = tpu.vector_load %arg5[%get3A_1113, %get3A_1114] {strides = array<i32>} : memref<8x4096xf32, #tpu.memory_space<vmem>>, vector<1x16xf32>,
    %get3A_1116 = vector.shape_cast %get3A_1115 : vector<1x16xf32> to vector<16xf32>
    %select_n3A_1117 = arith.select %and3A_1085, %get3A_1116, %broadcast_in_dim3A_48 : vector<16xi1>, vector<16xf32>
    %get3A_1118 = arith.constant 5 : i32
    %get3A_1119 = arith.index_cast %get3A_1118 : i32 to index
    %get3A_1120 = arith.index_cast %multiple_of3A_1087 : i32 to index
    %get3A_1121 = tpu.vector_load %arg5[%get3A_1119, %get3A_1120] {strides = array<i32>} : memref<8x4096xf32, #tpu.memory_space<vmem>>, vector<1x16xf32>,
    %get3A_1122 = vector.shape_cast %get3A_1121 : vector<1x16xf32> to vector<16xf32>
    %select_n3A_1123 = arith.select %and3A_1085, %get3A_1122, %broadcast_in_dim3A_48 : vector<16xi1>, vector<16xf32>
    %get3A_1124 = arith.constant 6 : i32
    %get3A_1125 = arith.index_cast %get3A_1124 : i32 to index
    %get3A_1126 = arith.index_cast %multiple_of3A_1087 : i32 to index
    %get3A_1127 = tpu.vector_load %arg5[%get3A_1125, %get3A_1126] {strides = array<i32>} : memref<8x4096xf32, #tpu.memory_space<vmem>>, vector<1x16xf32>,
    %get3A_1128 = vector.shape_cast %get3A_1127 : vector<1x16xf32> to vector<16xf32>
    %select_n3A_1129 = arith.select %and3A_1085, %get3A_1128, %broadcast_in_dim3A_48 : vector<16xi1>, vector<16xf32>
    %get3A_1130 = arith.constant 7 : i32
    %get3A_1131 = arith.index_cast %get3A_1130 : i32 to index
    %get3A_1132 = arith.index_cast %multiple_of3A_1087 : i32 to index
    %get3A_1133 = tpu.vector_load %arg5[%get3A_1131, %get3A_1132] {strides = array<i32>} : memref<8x4096xf32, #tpu.memory_space<vmem>>, vector<1x16xf32>,
    %get3A_1134 = vector.shape_cast %get3A_1133 : vector<1x16xf32> to vector<16xf32>
    %select_n3A_1135 = arith.select %and3A_1085, %get3A_1134, %broadcast_in_dim3A_48 : vector<16xi1>, vector<16xf32>
    %mul3A_1136 = arith.constant 16 : i32
    %mul3A_1137 = arith.muli %shift_right_logical3A_1067, %mul3A_1136 : i32
    %sub3A_1138 = arith.subi %mul3A_1137, %multiple_of3A_9 : i32
    %mul3A_1139 = arith.constant 16 : i32
    %mul3A_1140 = arith.muli %max3A_1070, %mul3A_1139 : i32
    %sub3A_1141 = arith.subi %mul3A_1140, %multiple_of3A_9 : i32
    %parallel_loop3A_1142 = arith.constant 16 : i32
    %parallel_loop3A_1143:8 = scf.for %parallel_loop3A_3309 = %sub3A_1138 to %sub3A_1141 step %parallel_loop3A_1142 iter_args(%parallel_loop3A_3310 = %select_n3A_1093, %parallel_loop3A_3311 = %select_n3A_1099, %parallel_loop3A_3312 = %select_n3A_1105, %parallel_loop3A_3313 = %select_n3A_1111, %parallel_loop3A_3314 = %select_n3A_1117, %parallel_loop3A_3315 = %select_n3A_1123, %parallel_loop3A_3316 = %select_n3A_1129, %parallel_loop3A_3317 = %select_n3A_1135) -> (vector<16xf32>, vector<16xf32>, vector<16xf32>, vector<16xf32>, vector<16xf32>, vector<16xf32>, vector<16xf32>, vector<16xf32>)  : i32 {
      %parallel_loop3A_3318 = tpu.assume_multiple %parallel_loop3A_3309, 16 : i32
      %parallel_loop3A_3319 = arith.constant 0 : i32
      %parallel_loop3A_3320 = arith.index_cast %parallel_loop3A_3319 : i32 to index
      %parallel_loop3A_3321 = arith.index_cast %parallel_loop3A_3318 : i32 to index
      %parallel_loop3A_3322 = tpu.vector_load %arg5[%parallel_loop3A_3320, %parallel_loop3A_3321] {strides = array<i32>} : memref<8x4096xf32, #tpu.memory_space<vmem>>, vector<1x16xf32>,
      %parallel_loop3A_3323 = vector.shape_cast %parallel_loop3A_3322 : vector<1x16xf32> to vector<16xf32>
      %parallel_loop3A_3324 = arith.addf %parallel_loop3A_3310, %parallel_loop3A_3323 : vector<16xf32>
      %parallel_loop3A_3325 = arith.constant 1 : i32
      %parallel_loop3A_3326 = arith.index_cast %parallel_loop3A_3325 : i32 to index
      %parallel_loop3A_3327 = arith.index_cast %parallel_loop3A_3318 : i32 to index
      %parallel_loop3A_3328 = tpu.vector_load %arg5[%parallel_loop3A_3326, %parallel_loop3A_3327] {strides = array<i32>} : memref<8x4096xf32, #tpu.memory_space<vmem>>, vector<1x16xf32>,
      %parallel_loop3A_3329 = vector.shape_cast %parallel_loop3A_3328 : vector<1x16xf32> to vector<16xf32>
      %parallel_loop3A_3330 = arith.addf %parallel_loop3A_3311, %parallel_loop3A_3329 : vector<16xf32>
      %parallel_loop3A_3331 = arith.constant 2 : i32
      %parallel_loop3A_3332 = arith.index_cast %parallel_loop3A_3331 : i32 to index
      %parallel_loop3A_3333 = arith.index_cast %parallel_loop3A_3318 : i32 to index
      %parallel_loop3A_3334 = tpu.vector_load %arg5[%parallel_loop3A_3332, %parallel_loop3A_3333] {strides = array<i32>} : memref<8x4096xf32, #tpu.memory_space<vmem>>, vector<1x16xf32>,
      %parallel_loop3A_3335 = vector.shape_cast %parallel_loop3A_3334 : vector<1x16xf32> to vector<16xf32>
      %parallel_loop3A_3336 = arith.addf %parallel_loop3A_3312, %parallel_loop3A_3335 : vector<16xf32>
      %parallel_loop3A_3337 = arith.constant 3 : i32
      %parallel_loop3A_3338 = arith.index_cast %parallel_loop3A_3337 : i32 to index
      %parallel_loop3A_3339 = arith.index_cast %parallel_loop3A_3318 : i32 to index
      %parallel_loop3A_3340 = tpu.vector_load %arg5[%parallel_loop3A_3338, %parallel_loop3A_3339] {strides = array<i32>} : memref<8x4096xf32, #tpu.memory_space<vmem>>, vector<1x16xf32>,
      %parallel_loop3A_3341 = vector.shape_cast %parallel_loop3A_3340 : vector<1x16xf32> to vector<16xf32>
      %parallel_loop3A_3342 = arith.addf %parallel_loop3A_3313, %parallel_loop3A_3341 : vector<16xf32>
      %parallel_loop3A_3343 = arith.constant 4 : i32
      %parallel_loop3A_3344 = arith.index_cast %parallel_loop3A_3343 : i32 to index
      %parallel_loop3A_3345 = arith.index_cast %parallel_loop3A_3318 : i32 to index
      %parallel_loop3A_3346 = tpu.vector_load %arg5[%parallel_loop3A_3344, %parallel_loop3A_3345] {strides = array<i32>} : memref<8x4096xf32, #tpu.memory_space<vmem>>, vector<1x16xf32>,
      %parallel_loop3A_3347 = vector.shape_cast %parallel_loop3A_3346 : vector<1x16xf32> to vector<16xf32>
      %parallel_loop3A_3348 = arith.addf %parallel_loop3A_3314, %parallel_loop3A_3347 : vector<16xf32>
      %parallel_loop3A_3349 = arith.constant 5 : i32
      %parallel_loop3A_3350 = arith.index_cast %parallel_loop3A_3349 : i32 to index
      %parallel_loop3A_3351 = arith.index_cast %parallel_loop3A_3318 : i32 to index
      %parallel_loop3A_3352 = tpu.vector_load %arg5[%parallel_loop3A_3350, %parallel_loop3A_3351] {strides = array<i32>} : memref<8x4096xf32, #tpu.memory_space<vmem>>, vector<1x16xf32>,
      %parallel_loop3A_3353 = vector.shape_cast %parallel_loop3A_3352 : vector<1x16xf32> to vector<16xf32>
      %parallel_loop3A_3354 = arith.addf %parallel_loop3A_3315, %parallel_loop3A_3353 : vector<16xf32>
      %parallel_loop3A_3355 = arith.constant 6 : i32
      %parallel_loop3A_3356 = arith.index_cast %parallel_loop3A_3355 : i32 to index
      %parallel_loop3A_3357 = arith.index_cast %parallel_loop3A_3318 : i32 to index
      %parallel_loop3A_3358 = tpu.vector_load %arg5[%parallel_loop3A_3356, %parallel_loop3A_3357] {strides = array<i32>} : memref<8x4096xf32, #tpu.memory_space<vmem>>, vector<1x16xf32>,
      %parallel_loop3A_3359 = vector.shape_cast %parallel_loop3A_3358 : vector<1x16xf32> to vector<16xf32>
      %parallel_loop3A_3360 = arith.addf %parallel_loop3A_3316, %parallel_loop3A_3359 : vector<16xf32>
      %parallel_loop3A_3361 = arith.constant 7 : i32
      %parallel_loop3A_3362 = arith.index_cast %parallel_loop3A_3361 : i32 to index
      %parallel_loop3A_3363 = arith.index_cast %parallel_loop3A_3318 : i32 to index
      %parallel_loop3A_3364 = tpu.vector_load %arg5[%parallel_loop3A_3362, %parallel_loop3A_3363] {strides = array<i32>} : memref<8x4096xf32, #tpu.memory_space<vmem>>, vector<1x16xf32>,
      %parallel_loop3A_3365 = vector.shape_cast %parallel_loop3A_3364 : vector<1x16xf32> to vector<16xf32>
      %parallel_loop3A_3366 = arith.addf %parallel_loop3A_3317, %parallel_loop3A_3365 : vector<16xf32>
      scf.yield %parallel_loop3A_3324, %parallel_loop3A_3330, %parallel_loop3A_3336, %parallel_loop3A_3342, %parallel_loop3A_3348, %parallel_loop3A_3354, %parallel_loop3A_3360, %parallel_loop3A_3366 : vector<16xf32>, vector<16xf32>, vector<16xf32>, vector<16xf32>, vector<16xf32>, vector<16xf32>, vector<16xf32>, vector<16xf32>
    } {sc.loop_unroll_factor = 1 : i64, sc.parallel_access}
    %and3A_1144 = arith.constant -16 : i32
    %and3A_1145 = arith.andi %min3A_1063, %and3A_1144 : i32
    %max3A_1146 = arith.maxsi %and3A_1145, %multiple_of3A_9 : i32
    %sub3A_1147 = arith.constant 16 : i32
    %sub3A_1148 = arith.subi %add3A_51, %sub3A_1147 : i32
    %min3A_1149 = arith.minsi %max3A_1146, %sub3A_1148 : i32
    %add3A_1150 = vector.broadcast %min3A_1149 : i32 to vector<16xi32>
    %add3A_1151 = arith.addi %add3A_1150, %iota3A : vector<16xi32>
    %mul3A_1152 = arith.constant 16 : i32
    %mul3A_1153 = arith.muli %shift_right_logical3A_1067, %mul3A_1152 : i32
    %max3A_1154 = arith.maxsi %mul3A_1153, %and3A_1145 : i32
    %ge3A_1155 = vector.broadcast %max3A_1154 : i32 to vector<16xi32>
    %ge3A_1156 = arith.cmpi sge, %add3A_1151, %ge3A_1155 : vector<16xi32>
    %lt3A_1157 = vector.broadcast %min3A_1063 : i32 to vector<16xi32>
    %lt3A_1158 = arith.cmpi slt, %add3A_1151, %lt3A_1157 : vector<16xi32>
    %and3A_1159 = arith.andi %ge3A_1156, %lt3A_1158 : vector<16xi1>
    %sub3A_1160 = arith.subi %min3A_1149, %multiple_of3A_9 : i32
    %multiple_of3A_1161 = tpu.assume_multiple %sub3A_1160, 16 : i32
    %get3A_1162 = arith.constant 0 : i32
    %get3A_1163 = arith.index_cast %get3A_1162 : i32 to index
    %get3A_1164 = arith.index_cast %multiple_of3A_1161 : i32 to index
    %get3A_1165 = tpu.vector_load %arg5[%get3A_1163, %get3A_1164] {strides = array<i32>} : memref<8x4096xf32, #tpu.memory_space<vmem>>, vector<1x16xf32>,
    %get3A_1166 = vector.shape_cast %get3A_1165 : vector<1x16xf32> to vector<16xf32>
    %select_n3A_1167 = arith.select %and3A_1159, %get3A_1166, %broadcast_in_dim3A_48 : vector<16xi1>, vector<16xf32>
    %add3A_1168 = arith.addf %parallel_loop3A_1143#0, %select_n3A_1167 : vector<16xf32>
    %swap3A_1169 = arith.constant 0 : i32
    %swap3A_1170 = arith.index_cast %swap3A_1169 : i32 to index
    %swap3A_1171 = arith.constant 80 : index
    %swap3A_1172 = tpu.vector_load %arg7[%swap3A_1170, %swap3A_1171] {strides = array<i32>} : memref<8x256xf32, #tpu.memory_space<vmem>>, vector<1x16xf32>,
    %swap3A_1173 = vector.shape_cast %swap3A_1172 : vector<1x16xf32> to vector<16xf32>
    %swap3A_1174 = vector.shape_cast %add3A_1168 : vector<16xf32> to vector<1x16xf32>
    tpu.vector_store %arg7[%swap3A_1170, %swap3A_1171], %swap3A_1174 {strides = array<i32>} : memref<8x256xf32, #tpu.memory_space<vmem>>, vector<1x16xf32>,
    %get3A_1175 = arith.constant 1 : i32
    %get3A_1176 = arith.index_cast %get3A_1175 : i32 to index
    %get3A_1177 = arith.index_cast %multiple_of3A_1161 : i32 to index
    %get3A_1178 = tpu.vector_load %arg5[%get3A_1176, %get3A_1177] {strides = array<i32>} : memref<8x4096xf32, #tpu.memory_space<vmem>>, vector<1x16xf32>,
    %get3A_1179 = vector.shape_cast %get3A_1178 : vector<1x16xf32> to vector<16xf32>
    %select_n3A_1180 = arith.select %and3A_1159, %get3A_1179, %broadcast_in_dim3A_48 : vector<16xi1>, vector<16xf32>
    %add3A_1181 = arith.addf %parallel_loop3A_1143#1, %select_n3A_1180 : vector<16xf32>
    %swap3A_1182 = arith.constant 1 : i32
    %swap3A_1183 = arith.index_cast %swap3A_1182 : i32 to index
    %swap3A_1184 = arith.constant 80 : index
    %swap3A_1185 = tpu.vector_load %arg7[%swap3A_1183, %swap3A_1184] {strides = array<i32>} : memref<8x256xf32, #tpu.memory_space<vmem>>, vector<1x16xf32>,
    %swap3A_1186 = vector.shape_cast %swap3A_1185 : vector<1x16xf32> to vector<16xf32>
    %swap3A_1187 = vector.shape_cast %add3A_1181 : vector<16xf32> to vector<1x16xf32>
    tpu.vector_store %arg7[%swap3A_1183, %swap3A_1184], %swap3A_1187 {strides = array<i32>} : memref<8x256xf32, #tpu.memory_space<vmem>>, vector<1x16xf32>,
    %get3A_1188 = arith.constant 2 : i32
    %get3A_1189 = arith.index_cast %get3A_1188 : i32 to index
    %get3A_1190 = arith.index_cast %multiple_of3A_1161 : i32 to index
    %get3A_1191 = tpu.vector_load %arg5[%get3A_1189, %get3A_1190] {strides = array<i32>} : memref<8x4096xf32, #tpu.memory_space<vmem>>, vector<1x16xf32>,
    %get3A_1192 = vector.shape_cast %get3A_1191 : vector<1x16xf32> to vector<16xf32>
    %select_n3A_1193 = arith.select %and3A_1159, %get3A_1192, %broadcast_in_dim3A_48 : vector<16xi1>, vector<16xf32>
    %add3A_1194 = arith.addf %parallel_loop3A_1143#2, %select_n3A_1193 : vector<16xf32>
    %swap3A_1195 = arith.constant 2 : i32
    %swap3A_1196 = arith.index_cast %swap3A_1195 : i32 to index
    %swap3A_1197 = arith.constant 80 : index
    %swap3A_1198 = tpu.vector_load %arg7[%swap3A_1196, %swap3A_1197] {strides = array<i32>} : memref<8x256xf32, #tpu.memory_space<vmem>>, vector<1x16xf32>,
    %swap3A_1199 = vector.shape_cast %swap3A_1198 : vector<1x16xf32> to vector<16xf32>
    %swap3A_1200 = vector.shape_cast %add3A_1194 : vector<16xf32> to vector<1x16xf32>
    tpu.vector_store %arg7[%swap3A_1196, %swap3A_1197], %swap3A_1200 {strides = array<i32>} : memref<8x256xf32, #tpu.memory_space<vmem>>, vector<1x16xf32>,
    %get3A_1201 = arith.constant 3 : i32
    %get3A_1202 = arith.index_cast %get3A_1201 : i32 to index
    %get3A_1203 = arith.index_cast %multiple_of3A_1161 : i32 to index
    %get3A_1204 = tpu.vector_load %arg5[%get3A_1202, %get3A_1203] {strides = array<i32>} : memref<8x4096xf32, #tpu.memory_space<vmem>>, vector<1x16xf32>,
    %get3A_1205 = vector.shape_cast %get3A_1204 : vector<1x16xf32> to vector<16xf32>
    %select_n3A_1206 = arith.select %and3A_1159, %get3A_1205, %broadcast_in_dim3A_48 : vector<16xi1>, vector<16xf32>
    %add3A_1207 = arith.addf %parallel_loop3A_1143#3, %select_n3A_1206 : vector<16xf32>
    %swap3A_1208 = arith.constant 3 : i32
    %swap3A_1209 = arith.index_cast %swap3A_1208 : i32 to index
    %swap3A_1210 = arith.constant 80 : index
    %swap3A_1211 = tpu.vector_load %arg7[%swap3A_1209, %swap3A_1210] {strides = array<i32>} : memref<8x256xf32, #tpu.memory_space<vmem>>, vector<1x16xf32>,
    %swap3A_1212 = vector.shape_cast %swap3A_1211 : vector<1x16xf32> to vector<16xf32>
    %swap3A_1213 = vector.shape_cast %add3A_1207 : vector<16xf32> to vector<1x16xf32>
    tpu.vector_store %arg7[%swap3A_1209, %swap3A_1210], %swap3A_1213 {strides = array<i32>} : memref<8x256xf32, #tpu.memory_space<vmem>>, vector<1x16xf32>,
    %get3A_1214 = arith.constant 4 : i32
    %get3A_1215 = arith.index_cast %get3A_1214 : i32 to index
    %get3A_1216 = arith.index_cast %multiple_of3A_1161 : i32 to index
    %get3A_1217 = tpu.vector_load %arg5[%get3A_1215, %get3A_1216] {strides = array<i32>} : memref<8x4096xf32, #tpu.memory_space<vmem>>, vector<1x16xf32>,
    %get3A_1218 = vector.shape_cast %get3A_1217 : vector<1x16xf32> to vector<16xf32>
    %select_n3A_1219 = arith.select %and3A_1159, %get3A_1218, %broadcast_in_dim3A_48 : vector<16xi1>, vector<16xf32>
    %add3A_1220 = arith.addf %parallel_loop3A_1143#4, %select_n3A_1219 : vector<16xf32>
    %swap3A_1221 = arith.constant 4 : i32
    %swap3A_1222 = arith.index_cast %swap3A_1221 : i32 to index
    %swap3A_1223 = arith.constant 80 : index
    %swap3A_1224 = tpu.vector_load %arg7[%swap3A_1222, %swap3A_1223] {strides = array<i32>} : memref<8x256xf32, #tpu.memory_space<vmem>>, vector<1x16xf32>,
    %swap3A_1225 = vector.shape_cast %swap3A_1224 : vector<1x16xf32> to vector<16xf32>
    %swap3A_1226 = vector.shape_cast %add3A_1220 : vector<16xf32> to vector<1x16xf32>
    tpu.vector_store %arg7[%swap3A_1222, %swap3A_1223], %swap3A_1226 {strides = array<i32>} : memref<8x256xf32, #tpu.memory_space<vmem>>, vector<1x16xf32>,
    %get3A_1227 = arith.constant 5 : i32
    %get3A_1228 = arith.index_cast %get3A_1227 : i32 to index
    %get3A_1229 = arith.index_cast %multiple_of3A_1161 : i32 to index
    %get3A_1230 = tpu.vector_load %arg5[%get3A_1228, %get3A_1229] {strides = array<i32>} : memref<8x4096xf32, #tpu.memory_space<vmem>>, vector<1x16xf32>,
    %get3A_1231 = vector.shape_cast %get3A_1230 : vector<1x16xf32> to vector<16xf32>
    %select_n3A_1232 = arith.select %and3A_1159, %get3A_1231, %broadcast_in_dim3A_48 : vector<16xi1>, vector<16xf32>
    %add3A_1233 = arith.addf %parallel_loop3A_1143#5, %select_n3A_1232 : vector<16xf32>
    %swap3A_1234 = arith.constant 5 : i32
    %swap3A_1235 = arith.index_cast %swap3A_1234 : i32 to index
    %swap3A_1236 = arith.constant 80 : index
    %swap3A_1237 = tpu.vector_load %arg7[%swap3A_1235, %swap3A_1236] {strides = array<i32>} : memref<8x256xf32, #tpu.memory_space<vmem>>, vector<1x16xf32>,
    %swap3A_1238 = vector.shape_cast %swap3A_1237 : vector<1x16xf32> to vector<16xf32>
    %swap3A_1239 = vector.shape_cast %add3A_1233 : vector<16xf32> to vector<1x16xf32>
    tpu.vector_store %arg7[%swap3A_1235, %swap3A_1236], %swap3A_1239 {strides = array<i32>} : memref<8x256xf32, #tpu.memory_space<vmem>>, vector<1x16xf32>,
    %get3A_1240 = arith.constant 6 : i32
    %get3A_1241 = arith.index_cast %get3A_1240 : i32 to index
    %get3A_1242 = arith.index_cast %multiple_of3A_1161 : i32 to index
    %get3A_1243 = tpu.vector_load %arg5[%get3A_1241, %get3A_1242] {strides = array<i32>} : memref<8x4096xf32, #tpu.memory_space<vmem>>, vector<1x16xf32>,
    %get3A_1244 = vector.shape_cast %get3A_1243 : vector<1x16xf32> to vector<16xf32>
    %select_n3A_1245 = arith.select %and3A_1159, %get3A_1244, %broadcast_in_dim3A_48 : vector<16xi1>, vector<16xf32>
    %add3A_1246 = arith.addf %parallel_loop3A_1143#6, %select_n3A_1245 : vector<16xf32>
    %swap3A_1247 = arith.constant 6 : i32
    %swap3A_1248 = arith.index_cast %swap3A_1247 : i32 to index
    %swap3A_1249 = arith.constant 80 : index
    %swap3A_1250 = tpu.vector_load %arg7[%swap3A_1248, %swap3A_1249] {strides = array<i32>} : memref<8x256xf32, #tpu.memory_space<vmem>>, vector<1x16xf32>,
    %swap3A_1251 = vector.shape_cast %swap3A_1250 : vector<1x16xf32> to vector<16xf32>
    %swap3A_1252 = vector.shape_cast %add3A_1246 : vector<16xf32> to vector<1x16xf32>
    tpu.vector_store %arg7[%swap3A_1248, %swap3A_1249], %swap3A_1252 {strides = array<i32>} : memref<8x256xf32, #tpu.memory_space<vmem>>, vector<1x16xf32>,
    %get3A_1253 = arith.constant 7 : i32
    %get3A_1254 = arith.index_cast %get3A_1253 : i32 to index
    %get3A_1255 = arith.index_cast %multiple_of3A_1161 : i32 to index
    %get3A_1256 = tpu.vector_load %arg5[%get3A_1254, %get3A_1255] {strides = array<i32>} : memref<8x4096xf32, #tpu.memory_space<vmem>>, vector<1x16xf32>,
    %get3A_1257 = vector.shape_cast %get3A_1256 : vector<1x16xf32> to vector<16xf32>
    %select_n3A_1258 = arith.select %and3A_1159, %get3A_1257, %broadcast_in_dim3A_48 : vector<16xi1>, vector<16xf32>
    %add3A_1259 = arith.addf %parallel_loop3A_1143#7, %select_n3A_1258 : vector<16xf32>
    %swap3A_1260 = arith.constant 7 : i32
    %swap3A_1261 = arith.index_cast %swap3A_1260 : i32 to index
    %swap3A_1262 = arith.constant 80 : index
    %swap3A_1263 = tpu.vector_load %arg7[%swap3A_1261, %swap3A_1262] {strides = array<i32>} : memref<8x256xf32, #tpu.memory_space<vmem>>, vector<1x16xf32>,
    %swap3A_1264 = vector.shape_cast %swap3A_1263 : vector<1x16xf32> to vector<16xf32>
    %swap3A_1265 = vector.shape_cast %add3A_1259 : vector<16xf32> to vector<1x16xf32>
    tpu.vector_store %arg7[%swap3A_1261, %swap3A_1262], %swap3A_1265 {strides = array<i32>} : memref<8x256xf32, #tpu.memory_space<vmem>>, vector<1x16xf32>,
    %max3A_1266 = arith.maxsi %squeeze3A_27, %multiple_of3A_9 : i32
    %min3A_1267 = arith.minsi %squeeze3A_29, %add3A_51 : i32
    %add3A_1268 = arith.constant 15 : i32
    %add3A_1269 = arith.addi %max3A_1266, %add3A_1268 : i32
    %shift_right_logical3A_1270 = arith.constant 4 : i32
    %shift_right_logical3A_1271 = arith.shrui %add3A_1269, %shift_right_logical3A_1270 : i32
    %shift_right_logical3A_1272 = arith.constant 4 : i32
    %shift_right_logical3A_1273 = arith.shrui %min3A_1267, %shift_right_logical3A_1272 : i32
    %max3A_1274 = arith.maxsi %shift_right_logical3A_1271, %shift_right_logical3A_1273 : i32
    %sub3A_1275 = arith.constant 1 : i32
    %sub3A_1276 = arith.subi %add3A_51, %sub3A_1275 : i32
    %min3A_1277 = arith.minsi %max3A_1266, %sub3A_1276 : i32
    %and3A_1278 = arith.constant -16 : i32
    %and3A_1279 = arith.andi %min3A_1277, %and3A_1278 : i32
    %add3A_1280 = vector.broadcast %and3A_1279 : i32 to vector<16xi32>
    %add3A_1281 = arith.addi %add3A_1280, %iota3A : vector<16xi32>
    %ge3A_1282 = vector.broadcast %max3A_1266 : i32 to vector<16xi32>
    %ge3A_1283 = arith.cmpi sge, %add3A_1281, %ge3A_1282 : vector<16xi32>
    %mul3A_1284 = arith.constant 16 : i32
    %mul3A_1285 = arith.muli %shift_right_logical3A_1271, %mul3A_1284 : i32
    %min3A_1286 = arith.minsi %min3A_1267, %mul3A_1285 : i32
    %lt3A_1287 = vector.broadcast %min3A_1286 : i32 to vector<16xi32>
    %lt3A_1288 = arith.cmpi slt, %add3A_1281, %lt3A_1287 : vector<16xi32>
    %and3A_1289 = arith.andi %ge3A_1283, %lt3A_1288 : vector<16xi1>
    %sub3A_1290 = arith.subi %and3A_1279, %multiple_of3A_9 : i32
    %multiple_of3A_1291 = tpu.assume_multiple %sub3A_1290, 16 : i32
    %get3A_1292 = arith.constant 0 : i32
    %get3A_1293 = arith.index_cast %get3A_1292 : i32 to index
    %get3A_1294 = arith.index_cast %multiple_of3A_1291 : i32 to index
    %get3A_1295 = tpu.vector_load %arg5[%get3A_1293, %get3A_1294] {strides = array<i32>} : memref<8x4096xf32, #tpu.memory_space<vmem>>, vector<1x16xf32>,
    %get3A_1296 = vector.shape_cast %get3A_1295 : vector<1x16xf32> to vector<16xf32>
    %select_n3A_1297 = arith.select %and3A_1289, %get3A_1296, %broadcast_in_dim3A_48 : vector<16xi1>, vector<16xf32>
    %get3A_1298 = arith.constant 1 : i32
    %get3A_1299 = arith.index_cast %get3A_1298 : i32 to index
    %get3A_1300 = arith.index_cast %multiple_of3A_1291 : i32 to index
    %get3A_1301 = tpu.vector_load %arg5[%get3A_1299, %get3A_1300] {strides = array<i32>} : memref<8x4096xf32, #tpu.memory_space<vmem>>, vector<1x16xf32>,
    %get3A_1302 = vector.shape_cast %get3A_1301 : vector<1x16xf32> to vector<16xf32>
    %select_n3A_1303 = arith.select %and3A_1289, %get3A_1302, %broadcast_in_dim3A_48 : vector<16xi1>, vector<16xf32>
    %get3A_1304 = arith.constant 2 : i32
    %get3A_1305 = arith.index_cast %get3A_1304 : i32 to index
    %get3A_1306 = arith.index_cast %multiple_of3A_1291 : i32 to index
    %get3A_1307 = tpu.vector_load %arg5[%get3A_1305, %get3A_1306] {strides = array<i32>} : memref<8x4096xf32, #tpu.memory_space<vmem>>, vector<1x16xf32>,
    %get3A_1308 = vector.shape_cast %get3A_1307 : vector<1x16xf32> to vector<16xf32>
    %select_n3A_1309 = arith.select %and3A_1289, %get3A_1308, %broadcast_in_dim3A_48 : vector<16xi1>, vector<16xf32>
    %get3A_1310 = arith.constant 3 : i32
    %get3A_1311 = arith.index_cast %get3A_1310 : i32 to index
    %get3A_1312 = arith.index_cast %multiple_of3A_1291 : i32 to index
    %get3A_1313 = tpu.vector_load %arg5[%get3A_1311, %get3A_1312] {strides = array<i32>} : memref<8x4096xf32, #tpu.memory_space<vmem>>, vector<1x16xf32>,
    %get3A_1314 = vector.shape_cast %get3A_1313 : vector<1x16xf32> to vector<16xf32>
    %select_n3A_1315 = arith.select %and3A_1289, %get3A_1314, %broadcast_in_dim3A_48 : vector<16xi1>, vector<16xf32>
    %get3A_1316 = arith.constant 4 : i32
    %get3A_1317 = arith.index_cast %get3A_1316 : i32 to index
    %get3A_1318 = arith.index_cast %multiple_of3A_1291 : i32 to index
    %get3A_1319 = tpu.vector_load %arg5[%get3A_1317, %get3A_1318] {strides = array<i32>} : memref<8x4096xf32, #tpu.memory_space<vmem>>, vector<1x16xf32>,
    %get3A_1320 = vector.shape_cast %get3A_1319 : vector<1x16xf32> to vector<16xf32>
    %select_n3A_1321 = arith.select %and3A_1289, %get3A_1320, %broadcast_in_dim3A_48 : vector<16xi1>, vector<16xf32>
    %get3A_1322 = arith.constant 5 : i32
    %get3A_1323 = arith.index_cast %get3A_1322 : i32 to index
    %get3A_1324 = arith.index_cast %multiple_of3A_1291 : i32 to index
    %get3A_1325 = tpu.vector_load %arg5[%get3A_1323, %get3A_1324] {strides = array<i32>} : memref<8x4096xf32, #tpu.memory_space<vmem>>, vector<1x16xf32>,
    %get3A_1326 = vector.shape_cast %get3A_1325 : vector<1x16xf32> to vector<16xf32>
    %select_n3A_1327 = arith.select %and3A_1289, %get3A_1326, %broadcast_in_dim3A_48 : vector<16xi1>, vector<16xf32>
    %get3A_1328 = arith.constant 6 : i32
    %get3A_1329 = arith.index_cast %get3A_1328 : i32 to index
    %get3A_1330 = arith.index_cast %multiple_of3A_1291 : i32 to index
    %get3A_1331 = tpu.vector_load %arg5[%get3A_1329, %get3A_1330] {strides = array<i32>} : memref<8x4096xf32, #tpu.memory_space<vmem>>, vector<1x16xf32>,
    %get3A_1332 = vector.shape_cast %get3A_1331 : vector<1x16xf32> to vector<16xf32>
    %select_n3A_1333 = arith.select %and3A_1289, %get3A_1332, %broadcast_in_dim3A_48 : vector<16xi1>, vector<16xf32>
    %get3A_1334 = arith.constant 7 : i32
    %get3A_1335 = arith.index_cast %get3A_1334 : i32 to index
    %get3A_1336 = arith.index_cast %multiple_of3A_1291 : i32 to index
    %get3A_1337 = tpu.vector_load %arg5[%get3A_1335, %get3A_1336] {strides = array<i32>} : memref<8x4096xf32, #tpu.memory_space<vmem>>, vector<1x16xf32>,
    %get3A_1338 = vector.shape_cast %get3A_1337 : vector<1x16xf32> to vector<16xf32>
    %select_n3A_1339 = arith.select %and3A_1289, %get3A_1338, %broadcast_in_dim3A_48 : vector<16xi1>, vector<16xf32>
    %mul3A_1340 = arith.constant 16 : i32
    %mul3A_1341 = arith.muli %shift_right_logical3A_1271, %mul3A_1340 : i32
    %sub3A_1342 = arith.subi %mul3A_1341, %multiple_of3A_9 : i32
    %mul3A_1343 = arith.constant 16 : i32
    %mul3A_1344 = arith.muli %max3A_1274, %mul3A_1343 : i32
    %sub3A_1345 = arith.subi %mul3A_1344, %multiple_of3A_9 : i32
    %parallel_loop3A_1346 = arith.constant 16 : i32
    %parallel_loop3A_1347:8 = scf.for %parallel_loop3A_3309 = %sub3A_1342 to %sub3A_1345 step %parallel_loop3A_1346 iter_args(%parallel_loop3A_3310 = %select_n3A_1297, %parallel_loop3A_3311 = %select_n3A_1303, %parallel_loop3A_3312 = %select_n3A_1309, %parallel_loop3A_3313 = %select_n3A_1315, %parallel_loop3A_3314 = %select_n3A_1321, %parallel_loop3A_3315 = %select_n3A_1327, %parallel_loop3A_3316 = %select_n3A_1333, %parallel_loop3A_3317 = %select_n3A_1339) -> (vector<16xf32>, vector<16xf32>, vector<16xf32>, vector<16xf32>, vector<16xf32>, vector<16xf32>, vector<16xf32>, vector<16xf32>)  : i32 {
      %parallel_loop3A_3318 = tpu.assume_multiple %parallel_loop3A_3309, 16 : i32
      %parallel_loop3A_3319 = arith.constant 0 : i32
      %parallel_loop3A_3320 = arith.index_cast %parallel_loop3A_3319 : i32 to index
      %parallel_loop3A_3321 = arith.index_cast %parallel_loop3A_3318 : i32 to index
      %parallel_loop3A_3322 = tpu.vector_load %arg5[%parallel_loop3A_3320, %parallel_loop3A_3321] {strides = array<i32>} : memref<8x4096xf32, #tpu.memory_space<vmem>>, vector<1x16xf32>,
      %parallel_loop3A_3323 = vector.shape_cast %parallel_loop3A_3322 : vector<1x16xf32> to vector<16xf32>
      %parallel_loop3A_3324 = arith.addf %parallel_loop3A_3310, %parallel_loop3A_3323 : vector<16xf32>
      %parallel_loop3A_3325 = arith.constant 1 : i32
      %parallel_loop3A_3326 = arith.index_cast %parallel_loop3A_3325 : i32 to index
      %parallel_loop3A_3327 = arith.index_cast %parallel_loop3A_3318 : i32 to index
      %parallel_loop3A_3328 = tpu.vector_load %arg5[%parallel_loop3A_3326, %parallel_loop3A_3327] {strides = array<i32>} : memref<8x4096xf32, #tpu.memory_space<vmem>>, vector<1x16xf32>,
      %parallel_loop3A_3329 = vector.shape_cast %parallel_loop3A_3328 : vector<1x16xf32> to vector<16xf32>
      %parallel_loop3A_3330 = arith.addf %parallel_loop3A_3311, %parallel_loop3A_3329 : vector<16xf32>
      %parallel_loop3A_3331 = arith.constant 2 : i32
      %parallel_loop3A_3332 = arith.index_cast %parallel_loop3A_3331 : i32 to index
      %parallel_loop3A_3333 = arith.index_cast %parallel_loop3A_3318 : i32 to index
      %parallel_loop3A_3334 = tpu.vector_load %arg5[%parallel_loop3A_3332, %parallel_loop3A_3333] {strides = array<i32>} : memref<8x4096xf32, #tpu.memory_space<vmem>>, vector<1x16xf32>,
      %parallel_loop3A_3335 = vector.shape_cast %parallel_loop3A_3334 : vector<1x16xf32> to vector<16xf32>
      %parallel_loop3A_3336 = arith.addf %parallel_loop3A_3312, %parallel_loop3A_3335 : vector<16xf32>
      %parallel_loop3A_3337 = arith.constant 3 : i32
      %parallel_loop3A_3338 = arith.index_cast %parallel_loop3A_3337 : i32 to index
      %parallel_loop3A_3339 = arith.index_cast %parallel_loop3A_3318 : i32 to index
      %parallel_loop3A_3340 = tpu.vector_load %arg5[%parallel_loop3A_3338, %parallel_loop3A_3339] {strides = array<i32>} : memref<8x4096xf32, #tpu.memory_space<vmem>>, vector<1x16xf32>,
      %parallel_loop3A_3341 = vector.shape_cast %parallel_loop3A_3340 : vector<1x16xf32> to vector<16xf32>
      %parallel_loop3A_3342 = arith.addf %parallel_loop3A_3313, %parallel_loop3A_3341 : vector<16xf32>
      %parallel_loop3A_3343 = arith.constant 4 : i32
      %parallel_loop3A_3344 = arith.index_cast %parallel_loop3A_3343 : i32 to index
      %parallel_loop3A_3345 = arith.index_cast %parallel_loop3A_3318 : i32 to index
      %parallel_loop3A_3346 = tpu.vector_load %arg5[%parallel_loop3A_3344, %parallel_loop3A_3345] {strides = array<i32>} : memref<8x4096xf32, #tpu.memory_space<vmem>>, vector<1x16xf32>,
      %parallel_loop3A_3347 = vector.shape_cast %parallel_loop3A_3346 : vector<1x16xf32> to vector<16xf32>
      %parallel_loop3A_3348 = arith.addf %parallel_loop3A_3314, %parallel_loop3A_3347 : vector<16xf32>
      %parallel_loop3A_3349 = arith.constant 5 : i32
      %parallel_loop3A_3350 = arith.index_cast %parallel_loop3A_3349 : i32 to index
      %parallel_loop3A_3351 = arith.index_cast %parallel_loop3A_3318 : i32 to index
      %parallel_loop3A_3352 = tpu.vector_load %arg5[%parallel_loop3A_3350, %parallel_loop3A_3351] {strides = array<i32>} : memref<8x4096xf32, #tpu.memory_space<vmem>>, vector<1x16xf32>,
      %parallel_loop3A_3353 = vector.shape_cast %parallel_loop3A_3352 : vector<1x16xf32> to vector<16xf32>
      %parallel_loop3A_3354 = arith.addf %parallel_loop3A_3315, %parallel_loop3A_3353 : vector<16xf32>
      %parallel_loop3A_3355 = arith.constant 6 : i32
      %parallel_loop3A_3356 = arith.index_cast %parallel_loop3A_3355 : i32 to index
      %parallel_loop3A_3357 = arith.index_cast %parallel_loop3A_3318 : i32 to index
      %parallel_loop3A_3358 = tpu.vector_load %arg5[%parallel_loop3A_3356, %parallel_loop3A_3357] {strides = array<i32>} : memref<8x4096xf32, #tpu.memory_space<vmem>>, vector<1x16xf32>,
      %parallel_loop3A_3359 = vector.shape_cast %parallel_loop3A_3358 : vector<1x16xf32> to vector<16xf32>
      %parallel_loop3A_3360 = arith.addf %parallel_loop3A_3316, %parallel_loop3A_3359 : vector<16xf32>
      %parallel_loop3A_3361 = arith.constant 7 : i32
      %parallel_loop3A_3362 = arith.index_cast %parallel_loop3A_3361 : i32 to index
      %parallel_loop3A_3363 = arith.index_cast %parallel_loop3A_3318 : i32 to index
      %parallel_loop3A_3364 = tpu.vector_load %arg5[%parallel_loop3A_3362, %parallel_loop3A_3363] {strides = array<i32>} : memref<8x4096xf32, #tpu.memory_space<vmem>>, vector<1x16xf32>,
      %parallel_loop3A_3365 = vector.shape_cast %parallel_loop3A_3364 : vector<1x16xf32> to vector<16xf32>
      %parallel_loop3A_3366 = arith.addf %parallel_loop3A_3317, %parallel_loop3A_3365 : vector<16xf32>
      scf.yield %parallel_loop3A_3324, %parallel_loop3A_3330, %parallel_loop3A_3336, %parallel_loop3A_3342, %parallel_loop3A_3348, %parallel_loop3A_3354, %parallel_loop3A_3360, %parallel_loop3A_3366 : vector<16xf32>, vector<16xf32>, vector<16xf32>, vector<16xf32>, vector<16xf32>, vector<16xf32>, vector<16xf32>, vector<16xf32>
    } {sc.loop_unroll_factor = 1 : i64, sc.parallel_access}
    %and3A_1348 = arith.constant -16 : i32
    %and3A_1349 = arith.andi %min3A_1267, %and3A_1348 : i32
    %max3A_1350 = arith.maxsi %and3A_1349, %multiple_of3A_9 : i32
    %sub3A_1351 = arith.constant 16 : i32
    %sub3A_1352 = arith.subi %add3A_51, %sub3A_1351 : i32
    %min3A_1353 = arith.minsi %max3A_1350, %sub3A_1352 : i32
    %add3A_1354 = vector.broadcast %min3A_1353 : i32 to vector<16xi32>
    %add3A_1355 = arith.addi %add3A_1354, %iota3A : vector<16xi32>
    %mul3A_1356 = arith.constant 16 : i32
    %mul3A_1357 = arith.muli %shift_right_logical3A_1271, %mul3A_1356 : i32
    %max3A_1358 = arith.maxsi %mul3A_1357, %and3A_1349 : i32
    %ge3A_1359 = vector.broadcast %max3A_1358 : i32 to vector<16xi32>
    %ge3A_1360 = arith.cmpi sge, %add3A_1355, %ge3A_1359 : vector<16xi32>
    %lt3A_1361 = vector.broadcast %min3A_1267 : i32 to vector<16xi32>
    %lt3A_1362 = arith.cmpi slt, %add3A_1355, %lt3A_1361 : vector<16xi32>
    %and3A_1363 = arith.andi %ge3A_1360, %lt3A_1362 : vector<16xi1>
    %sub3A_1364 = arith.subi %min3A_1353, %multiple_of3A_9 : i32
    %multiple_of3A_1365 = tpu.assume_multiple %sub3A_1364, 16 : i32
    %get3A_1366 = arith.constant 0 : i32
    %get3A_1367 = arith.index_cast %get3A_1366 : i32 to index
    %get3A_1368 = arith.index_cast %multiple_of3A_1365 : i32 to index
    %get3A_1369 = tpu.vector_load %arg5[%get3A_1367, %get3A_1368] {strides = array<i32>} : memref<8x4096xf32, #tpu.memory_space<vmem>>, vector<1x16xf32>,
    %get3A_1370 = vector.shape_cast %get3A_1369 : vector<1x16xf32> to vector<16xf32>
    %select_n3A_1371 = arith.select %and3A_1363, %get3A_1370, %broadcast_in_dim3A_48 : vector<16xi1>, vector<16xf32>
    %add3A_1372 = arith.addf %parallel_loop3A_1347#0, %select_n3A_1371 : vector<16xf32>
    %swap3A_1373 = arith.constant 0 : i32
    %swap3A_1374 = arith.index_cast %swap3A_1373 : i32 to index
    %swap3A_1375 = arith.constant 96 : index
    %swap3A_1376 = tpu.vector_load %arg7[%swap3A_1374, %swap3A_1375] {strides = array<i32>} : memref<8x256xf32, #tpu.memory_space<vmem>>, vector<1x16xf32>,
    %swap3A_1377 = vector.shape_cast %swap3A_1376 : vector<1x16xf32> to vector<16xf32>
    %swap3A_1378 = vector.shape_cast %add3A_1372 : vector<16xf32> to vector<1x16xf32>
    tpu.vector_store %arg7[%swap3A_1374, %swap3A_1375], %swap3A_1378 {strides = array<i32>} : memref<8x256xf32, #tpu.memory_space<vmem>>, vector<1x16xf32>,
    %get3A_1379 = arith.constant 1 : i32
    %get3A_1380 = arith.index_cast %get3A_1379 : i32 to index
    %get3A_1381 = arith.index_cast %multiple_of3A_1365 : i32 to index
    %get3A_1382 = tpu.vector_load %arg5[%get3A_1380, %get3A_1381] {strides = array<i32>} : memref<8x4096xf32, #tpu.memory_space<vmem>>, vector<1x16xf32>,
    %get3A_1383 = vector.shape_cast %get3A_1382 : vector<1x16xf32> to vector<16xf32>
    %select_n3A_1384 = arith.select %and3A_1363, %get3A_1383, %broadcast_in_dim3A_48 : vector<16xi1>, vector<16xf32>
    %add3A_1385 = arith.addf %parallel_loop3A_1347#1, %select_n3A_1384 : vector<16xf32>
    %swap3A_1386 = arith.constant 1 : i32
    %swap3A_1387 = arith.index_cast %swap3A_1386 : i32 to index
    %swap3A_1388 = arith.constant 96 : index
    %swap3A_1389 = tpu.vector_load %arg7[%swap3A_1387, %swap3A_1388] {strides = array<i32>} : memref<8x256xf32, #tpu.memory_space<vmem>>, vector<1x16xf32>,
    %swap3A_1390 = vector.shape_cast %swap3A_1389 : vector<1x16xf32> to vector<16xf32>
    %swap3A_1391 = vector.shape_cast %add3A_1385 : vector<16xf32> to vector<1x16xf32>
    tpu.vector_store %arg7[%swap3A_1387, %swap3A_1388], %swap3A_1391 {strides = array<i32>} : memref<8x256xf32, #tpu.memory_space<vmem>>, vector<1x16xf32>,
    %get3A_1392 = arith.constant 2 : i32
    %get3A_1393 = arith.index_cast %get3A_1392 : i32 to index
    %get3A_1394 = arith.index_cast %multiple_of3A_1365 : i32 to index
    %get3A_1395 = tpu.vector_load %arg5[%get3A_1393, %get3A_1394] {strides = array<i32>} : memref<8x4096xf32, #tpu.memory_space<vmem>>, vector<1x16xf32>,
    %get3A_1396 = vector.shape_cast %get3A_1395 : vector<1x16xf32> to vector<16xf32>
    %select_n3A_1397 = arith.select %and3A_1363, %get3A_1396, %broadcast_in_dim3A_48 : vector<16xi1>, vector<16xf32>
    %add3A_1398 = arith.addf %parallel_loop3A_1347#2, %select_n3A_1397 : vector<16xf32>
    %swap3A_1399 = arith.constant 2 : i32
    %swap3A_1400 = arith.index_cast %swap3A_1399 : i32 to index
    %swap3A_1401 = arith.constant 96 : index
    %swap3A_1402 = tpu.vector_load %arg7[%swap3A_1400, %swap3A_1401] {strides = array<i32>} : memref<8x256xf32, #tpu.memory_space<vmem>>, vector<1x16xf32>,
    %swap3A_1403 = vector.shape_cast %swap3A_1402 : vector<1x16xf32> to vector<16xf32>
    %swap3A_1404 = vector.shape_cast %add3A_1398 : vector<16xf32> to vector<1x16xf32>
    tpu.vector_store %arg7[%swap3A_1400, %swap3A_1401], %swap3A_1404 {strides = array<i32>} : memref<8x256xf32, #tpu.memory_space<vmem>>, vector<1x16xf32>,
    %get3A_1405 = arith.constant 3 : i32
    %get3A_1406 = arith.index_cast %get3A_1405 : i32 to index
    %get3A_1407 = arith.index_cast %multiple_of3A_1365 : i32 to index
    %get3A_1408 = tpu.vector_load %arg5[%get3A_1406, %get3A_1407] {strides = array<i32>} : memref<8x4096xf32, #tpu.memory_space<vmem>>, vector<1x16xf32>,
    %get3A_1409 = vector.shape_cast %get3A_1408 : vector<1x16xf32> to vector<16xf32>
    %select_n3A_1410 = arith.select %and3A_1363, %get3A_1409, %broadcast_in_dim3A_48 : vector<16xi1>, vector<16xf32>
    %add3A_1411 = arith.addf %parallel_loop3A_1347#3, %select_n3A_1410 : vector<16xf32>
    %swap3A_1412 = arith.constant 3 : i32
    %swap3A_1413 = arith.index_cast %swap3A_1412 : i32 to index
    %swap3A_1414 = arith.constant 96 : index
    %swap3A_1415 = tpu.vector_load %arg7[%swap3A_1413, %swap3A_1414] {strides = array<i32>} : memref<8x256xf32, #tpu.memory_space<vmem>>, vector<1x16xf32>,
    %swap3A_1416 = vector.shape_cast %swap3A_1415 : vector<1x16xf32> to vector<16xf32>
    %swap3A_1417 = vector.shape_cast %add3A_1411 : vector<16xf32> to vector<1x16xf32>
    tpu.vector_store %arg7[%swap3A_1413, %swap3A_1414], %swap3A_1417 {strides = array<i32>} : memref<8x256xf32, #tpu.memory_space<vmem>>, vector<1x16xf32>,
    %get3A_1418 = arith.constant 4 : i32
    %get3A_1419 = arith.index_cast %get3A_1418 : i32 to index
    %get3A_1420 = arith.index_cast %multiple_of3A_1365 : i32 to index
    %get3A_1421 = tpu.vector_load %arg5[%get3A_1419, %get3A_1420] {strides = array<i32>} : memref<8x4096xf32, #tpu.memory_space<vmem>>, vector<1x16xf32>,
    %get3A_1422 = vector.shape_cast %get3A_1421 : vector<1x16xf32> to vector<16xf32>
    %select_n3A_1423 = arith.select %and3A_1363, %get3A_1422, %broadcast_in_dim3A_48 : vector<16xi1>, vector<16xf32>
    %add3A_1424 = arith.addf %parallel_loop3A_1347#4, %select_n3A_1423 : vector<16xf32>
    %swap3A_1425 = arith.constant 4 : i32
    %swap3A_1426 = arith.index_cast %swap3A_1425 : i32 to index
    %swap3A_1427 = arith.constant 96 : index
    %swap3A_1428 = tpu.vector_load %arg7[%swap3A_1426, %swap3A_1427] {strides = array<i32>} : memref<8x256xf32, #tpu.memory_space<vmem>>, vector<1x16xf32>,
    %swap3A_1429 = vector.shape_cast %swap3A_1428 : vector<1x16xf32> to vector<16xf32>
    %swap3A_1430 = vector.shape_cast %add3A_1424 : vector<16xf32> to vector<1x16xf32>
    tpu.vector_store %arg7[%swap3A_1426, %swap3A_1427], %swap3A_1430 {strides = array<i32>} : memref<8x256xf32, #tpu.memory_space<vmem>>, vector<1x16xf32>,
    %get3A_1431 = arith.constant 5 : i32
    %get3A_1432 = arith.index_cast %get3A_1431 : i32 to index
    %get3A_1433 = arith.index_cast %multiple_of3A_1365 : i32 to index
    %get3A_1434 = tpu.vector_load %arg5[%get3A_1432, %get3A_1433] {strides = array<i32>} : memref<8x4096xf32, #tpu.memory_space<vmem>>, vector<1x16xf32>,
    %get3A_1435 = vector.shape_cast %get3A_1434 : vector<1x16xf32> to vector<16xf32>
    %select_n3A_1436 = arith.select %and3A_1363, %get3A_1435, %broadcast_in_dim3A_48 : vector<16xi1>, vector<16xf32>
    %add3A_1437 = arith.addf %parallel_loop3A_1347#5, %select_n3A_1436 : vector<16xf32>
    %swap3A_1438 = arith.constant 5 : i32
    %swap3A_1439 = arith.index_cast %swap3A_1438 : i32 to index
    %swap3A_1440 = arith.constant 96 : index
    %swap3A_1441 = tpu.vector_load %arg7[%swap3A_1439, %swap3A_1440] {strides = array<i32>} : memref<8x256xf32, #tpu.memory_space<vmem>>, vector<1x16xf32>,
    %swap3A_1442 = vector.shape_cast %swap3A_1441 : vector<1x16xf32> to vector<16xf32>
    %swap3A_1443 = vector.shape_cast %add3A_1437 : vector<16xf32> to vector<1x16xf32>
    tpu.vector_store %arg7[%swap3A_1439, %swap3A_1440], %swap3A_1443 {strides = array<i32>} : memref<8x256xf32, #tpu.memory_space<vmem>>, vector<1x16xf32>,
    %get3A_1444 = arith.constant 6 : i32
    %get3A_1445 = arith.index_cast %get3A_1444 : i32 to index
    %get3A_1446 = arith.index_cast %multiple_of3A_1365 : i32 to index
    %get3A_1447 = tpu.vector_load %arg5[%get3A_1445, %get3A_1446] {strides = array<i32>} : memref<8x4096xf32, #tpu.memory_space<vmem>>, vector<1x16xf32>,
    %get3A_1448 = vector.shape_cast %get3A_1447 : vector<1x16xf32> to vector<16xf32>
    %select_n3A_1449 = arith.select %and3A_1363, %get3A_1448, %broadcast_in_dim3A_48 : vector<16xi1>, vector<16xf32>
    %add3A_1450 = arith.addf %parallel_loop3A_1347#6, %select_n3A_1449 : vector<16xf32>
    %swap3A_1451 = arith.constant 6 : i32
    %swap3A_1452 = arith.index_cast %swap3A_1451 : i32 to index
    %swap3A_1453 = arith.constant 96 : index
    %swap3A_1454 = tpu.vector_load %arg7[%swap3A_1452, %swap3A_1453] {strides = array<i32>} : memref<8x256xf32, #tpu.memory_space<vmem>>, vector<1x16xf32>,
    %swap3A_1455 = vector.shape_cast %swap3A_1454 : vector<1x16xf32> to vector<16xf32>
    %swap3A_1456 = vector.shape_cast %add3A_1450 : vector<16xf32> to vector<1x16xf32>
    tpu.vector_store %arg7[%swap3A_1452, %swap3A_1453], %swap3A_1456 {strides = array<i32>} : memref<8x256xf32, #tpu.memory_space<vmem>>, vector<1x16xf32>,
    %get3A_1457 = arith.constant 7 : i32
    %get3A_1458 = arith.index_cast %get3A_1457 : i32 to index
    %get3A_1459 = arith.index_cast %multiple_of3A_1365 : i32 to index
    %get3A_1460 = tpu.vector_load %arg5[%get3A_1458, %get3A_1459] {strides = array<i32>} : memref<8x4096xf32, #tpu.memory_space<vmem>>, vector<1x16xf32>,
    %get3A_1461 = vector.shape_cast %get3A_1460 : vector<1x16xf32> to vector<16xf32>
    %select_n3A_1462 = arith.select %and3A_1363, %get3A_1461, %broadcast_in_dim3A_48 : vector<16xi1>, vector<16xf32>
    %add3A_1463 = arith.addf %parallel_loop3A_1347#7, %select_n3A_1462 : vector<16xf32>
    %swap3A_1464 = arith.constant 7 : i32
    %swap3A_1465 = arith.index_cast %swap3A_1464 : i32 to index
    %swap3A_1466 = arith.constant 96 : index
    %swap3A_1467 = tpu.vector_load %arg7[%swap3A_1465, %swap3A_1466] {strides = array<i32>} : memref<8x256xf32, #tpu.memory_space<vmem>>, vector<1x16xf32>,
    %swap3A_1468 = vector.shape_cast %swap3A_1467 : vector<1x16xf32> to vector<16xf32>
    %swap3A_1469 = vector.shape_cast %add3A_1463 : vector<16xf32> to vector<1x16xf32>
    tpu.vector_store %arg7[%swap3A_1465, %swap3A_1466], %swap3A_1469 {strides = array<i32>} : memref<8x256xf32, #tpu.memory_space<vmem>>, vector<1x16xf32>,
    %max3A_1470 = arith.maxsi %squeeze3A_29, %multiple_of3A_9 : i32
    %min3A_1471 = arith.minsi %squeeze3A_31, %add3A_51 : i32
    %add3A_1472 = arith.constant 15 : i32
    %add3A_1473 = arith.addi %max3A_1470, %add3A_1472 : i32
    %shift_right_logical3A_1474 = arith.constant 4 : i32
    %shift_right_logical3A_1475 = arith.shrui %add3A_1473, %shift_right_logical3A_1474 : i32
    %shift_right_logical3A_1476 = arith.constant 4 : i32
    %shift_right_logical3A_1477 = arith.shrui %min3A_1471, %shift_right_logical3A_1476 : i32
    %max3A_1478 = arith.maxsi %shift_right_logical3A_1475, %shift_right_logical3A_1477 : i32
    %sub3A_1479 = arith.constant 1 : i32
    %sub3A_1480 = arith.subi %add3A_51, %sub3A_1479 : i32
    %min3A_1481 = arith.minsi %max3A_1470, %sub3A_1480 : i32
    %and3A_1482 = arith.constant -16 : i32
    %and3A_1483 = arith.andi %min3A_1481, %and3A_1482 : i32
    %add3A_1484 = vector.broadcast %and3A_1483 : i32 to vector<16xi32>
    %add3A_1485 = arith.addi %add3A_1484, %iota3A : vector<16xi32>
    %ge3A_1486 = vector.broadcast %max3A_1470 : i32 to vector<16xi32>
    %ge3A_1487 = arith.cmpi sge, %add3A_1485, %ge3A_1486 : vector<16xi32>
    %mul3A_1488 = arith.constant 16 : i32
    %mul3A_1489 = arith.muli %shift_right_logical3A_1475, %mul3A_1488 : i32
    %min3A_1490 = arith.minsi %min3A_1471, %mul3A_1489 : i32
    %lt3A_1491 = vector.broadcast %min3A_1490 : i32 to vector<16xi32>
    %lt3A_1492 = arith.cmpi slt, %add3A_1485, %lt3A_1491 : vector<16xi32>
    %and3A_1493 = arith.andi %ge3A_1487, %lt3A_1492 : vector<16xi1>
    %sub3A_1494 = arith.subi %and3A_1483, %multiple_of3A_9 : i32
    %multiple_of3A_1495 = tpu.assume_multiple %sub3A_1494, 16 : i32
    %get3A_1496 = arith.constant 0 : i32
    %get3A_1497 = arith.index_cast %get3A_1496 : i32 to index
    %get3A_1498 = arith.index_cast %multiple_of3A_1495 : i32 to index
    %get3A_1499 = tpu.vector_load %arg5[%get3A_1497, %get3A_1498] {strides = array<i32>} : memref<8x4096xf32, #tpu.memory_space<vmem>>, vector<1x16xf32>,
    %get3A_1500 = vector.shape_cast %get3A_1499 : vector<1x16xf32> to vector<16xf32>
    %select_n3A_1501 = arith.select %and3A_1493, %get3A_1500, %broadcast_in_dim3A_48 : vector<16xi1>, vector<16xf32>
    %get3A_1502 = arith.constant 1 : i32
    %get3A_1503 = arith.index_cast %get3A_1502 : i32 to index
    %get3A_1504 = arith.index_cast %multiple_of3A_1495 : i32 to index
    %get3A_1505 = tpu.vector_load %arg5[%get3A_1503, %get3A_1504] {strides = array<i32>} : memref<8x4096xf32, #tpu.memory_space<vmem>>, vector<1x16xf32>,
    %get3A_1506 = vector.shape_cast %get3A_1505 : vector<1x16xf32> to vector<16xf32>
    %select_n3A_1507 = arith.select %and3A_1493, %get3A_1506, %broadcast_in_dim3A_48 : vector<16xi1>, vector<16xf32>
    %get3A_1508 = arith.constant 2 : i32
    %get3A_1509 = arith.index_cast %get3A_1508 : i32 to index
    %get3A_1510 = arith.index_cast %multiple_of3A_1495 : i32 to index
    %get3A_1511 = tpu.vector_load %arg5[%get3A_1509, %get3A_1510] {strides = array<i32>} : memref<8x4096xf32, #tpu.memory_space<vmem>>, vector<1x16xf32>,
    %get3A_1512 = vector.shape_cast %get3A_1511 : vector<1x16xf32> to vector<16xf32>
    %select_n3A_1513 = arith.select %and3A_1493, %get3A_1512, %broadcast_in_dim3A_48 : vector<16xi1>, vector<16xf32>
    %get3A_1514 = arith.constant 3 : i32
    %get3A_1515 = arith.index_cast %get3A_1514 : i32 to index
    %get3A_1516 = arith.index_cast %multiple_of3A_1495 : i32 to index
    %get3A_1517 = tpu.vector_load %arg5[%get3A_1515, %get3A_1516] {strides = array<i32>} : memref<8x4096xf32, #tpu.memory_space<vmem>>, vector<1x16xf32>,
    %get3A_1518 = vector.shape_cast %get3A_1517 : vector<1x16xf32> to vector<16xf32>
    %select_n3A_1519 = arith.select %and3A_1493, %get3A_1518, %broadcast_in_dim3A_48 : vector<16xi1>, vector<16xf32>
    %get3A_1520 = arith.constant 4 : i32
    %get3A_1521 = arith.index_cast %get3A_1520 : i32 to index
    %get3A_1522 = arith.index_cast %multiple_of3A_1495 : i32 to index
    %get3A_1523 = tpu.vector_load %arg5[%get3A_1521, %get3A_1522] {strides = array<i32>} : memref<8x4096xf32, #tpu.memory_space<vmem>>, vector<1x16xf32>,
    %get3A_1524 = vector.shape_cast %get3A_1523 : vector<1x16xf32> to vector<16xf32>
    %select_n3A_1525 = arith.select %and3A_1493, %get3A_1524, %broadcast_in_dim3A_48 : vector<16xi1>, vector<16xf32>
    %get3A_1526 = arith.constant 5 : i32
    %get3A_1527 = arith.index_cast %get3A_1526 : i32 to index
    %get3A_1528 = arith.index_cast %multiple_of3A_1495 : i32 to index
    %get3A_1529 = tpu.vector_load %arg5[%get3A_1527, %get3A_1528] {strides = array<i32>} : memref<8x4096xf32, #tpu.memory_space<vmem>>, vector<1x16xf32>,
    %get3A_1530 = vector.shape_cast %get3A_1529 : vector<1x16xf32> to vector<16xf32>
    %select_n3A_1531 = arith.select %and3A_1493, %get3A_1530, %broadcast_in_dim3A_48 : vector<16xi1>, vector<16xf32>
    %get3A_1532 = arith.constant 6 : i32
    %get3A_1533 = arith.index_cast %get3A_1532 : i32 to index
    %get3A_1534 = arith.index_cast %multiple_of3A_1495 : i32 to index
    %get3A_1535 = tpu.vector_load %arg5[%get3A_1533, %get3A_1534] {strides = array<i32>} : memref<8x4096xf32, #tpu.memory_space<vmem>>, vector<1x16xf32>,
    %get3A_1536 = vector.shape_cast %get3A_1535 : vector<1x16xf32> to vector<16xf32>
    %select_n3A_1537 = arith.select %and3A_1493, %get3A_1536, %broadcast_in_dim3A_48 : vector<16xi1>, vector<16xf32>
    %get3A_1538 = arith.constant 7 : i32
    %get3A_1539 = arith.index_cast %get3A_1538 : i32 to index
    %get3A_1540 = arith.index_cast %multiple_of3A_1495 : i32 to index
    %get3A_1541 = tpu.vector_load %arg5[%get3A_1539, %get3A_1540] {strides = array<i32>} : memref<8x4096xf32, #tpu.memory_space<vmem>>, vector<1x16xf32>,
    %get3A_1542 = vector.shape_cast %get3A_1541 : vector<1x16xf32> to vector<16xf32>
    %select_n3A_1543 = arith.select %and3A_1493, %get3A_1542, %broadcast_in_dim3A_48 : vector<16xi1>, vector<16xf32>
    %mul3A_1544 = arith.constant 16 : i32
    %mul3A_1545 = arith.muli %shift_right_logical3A_1475, %mul3A_1544 : i32
    %sub3A_1546 = arith.subi %mul3A_1545, %multiple_of3A_9 : i32
    %mul3A_1547 = arith.constant 16 : i32
    %mul3A_1548 = arith.muli %max3A_1478, %mul3A_1547 : i32
    %sub3A_1549 = arith.subi %mul3A_1548, %multiple_of3A_9 : i32
    %parallel_loop3A_1550 = arith.constant 16 : i32
    %parallel_loop3A_1551:8 = scf.for %parallel_loop3A_3309 = %sub3A_1546 to %sub3A_1549 step %parallel_loop3A_1550 iter_args(%parallel_loop3A_3310 = %select_n3A_1501, %parallel_loop3A_3311 = %select_n3A_1507, %parallel_loop3A_3312 = %select_n3A_1513, %parallel_loop3A_3313 = %select_n3A_1519, %parallel_loop3A_3314 = %select_n3A_1525, %parallel_loop3A_3315 = %select_n3A_1531, %parallel_loop3A_3316 = %select_n3A_1537, %parallel_loop3A_3317 = %select_n3A_1543) -> (vector<16xf32>, vector<16xf32>, vector<16xf32>, vector<16xf32>, vector<16xf32>, vector<16xf32>, vector<16xf32>, vector<16xf32>)  : i32 {
      %parallel_loop3A_3318 = tpu.assume_multiple %parallel_loop3A_3309, 16 : i32
      %parallel_loop3A_3319 = arith.constant 0 : i32
      %parallel_loop3A_3320 = arith.index_cast %parallel_loop3A_3319 : i32 to index
      %parallel_loop3A_3321 = arith.index_cast %parallel_loop3A_3318 : i32 to index
      %parallel_loop3A_3322 = tpu.vector_load %arg5[%parallel_loop3A_3320, %parallel_loop3A_3321] {strides = array<i32>} : memref<8x4096xf32, #tpu.memory_space<vmem>>, vector<1x16xf32>,
      %parallel_loop3A_3323 = vector.shape_cast %parallel_loop3A_3322 : vector<1x16xf32> to vector<16xf32>
      %parallel_loop3A_3324 = arith.addf %parallel_loop3A_3310, %parallel_loop3A_3323 : vector<16xf32>
      %parallel_loop3A_3325 = arith.constant 1 : i32
      %parallel_loop3A_3326 = arith.index_cast %parallel_loop3A_3325 : i32 to index
      %parallel_loop3A_3327 = arith.index_cast %parallel_loop3A_3318 : i32 to index
      %parallel_loop3A_3328 = tpu.vector_load %arg5[%parallel_loop3A_3326, %parallel_loop3A_3327] {strides = array<i32>} : memref<8x4096xf32, #tpu.memory_space<vmem>>, vector<1x16xf32>,
      %parallel_loop3A_3329 = vector.shape_cast %parallel_loop3A_3328 : vector<1x16xf32> to vector<16xf32>
      %parallel_loop3A_3330 = arith.addf %parallel_loop3A_3311, %parallel_loop3A_3329 : vector<16xf32>
      %parallel_loop3A_3331 = arith.constant 2 : i32
      %parallel_loop3A_3332 = arith.index_cast %parallel_loop3A_3331 : i32 to index
      %parallel_loop3A_3333 = arith.index_cast %parallel_loop3A_3318 : i32 to index
      %parallel_loop3A_3334 = tpu.vector_load %arg5[%parallel_loop3A_3332, %parallel_loop3A_3333] {strides = array<i32>} : memref<8x4096xf32, #tpu.memory_space<vmem>>, vector<1x16xf32>,
      %parallel_loop3A_3335 = vector.shape_cast %parallel_loop3A_3334 : vector<1x16xf32> to vector<16xf32>
      %parallel_loop3A_3336 = arith.addf %parallel_loop3A_3312, %parallel_loop3A_3335 : vector<16xf32>
      %parallel_loop3A_3337 = arith.constant 3 : i32
      %parallel_loop3A_3338 = arith.index_cast %parallel_loop3A_3337 : i32 to index
      %parallel_loop3A_3339 = arith.index_cast %parallel_loop3A_3318 : i32 to index
      %parallel_loop3A_3340 = tpu.vector_load %arg5[%parallel_loop3A_3338, %parallel_loop3A_3339] {strides = array<i32>} : memref<8x4096xf32, #tpu.memory_space<vmem>>, vector<1x16xf32>,
      %parallel_loop3A_3341 = vector.shape_cast %parallel_loop3A_3340 : vector<1x16xf32> to vector<16xf32>
      %parallel_loop3A_3342 = arith.addf %parallel_loop3A_3313, %parallel_loop3A_3341 : vector<16xf32>
      %parallel_loop3A_3343 = arith.constant 4 : i32
      %parallel_loop3A_3344 = arith.index_cast %parallel_loop3A_3343 : i32 to index
      %parallel_loop3A_3345 = arith.index_cast %parallel_loop3A_3318 : i32 to index
      %parallel_loop3A_3346 = tpu.vector_load %arg5[%parallel_loop3A_3344, %parallel_loop3A_3345] {strides = array<i32>} : memref<8x4096xf32, #tpu.memory_space<vmem>>, vector<1x16xf32>,
      %parallel_loop3A_3347 = vector.shape_cast %parallel_loop3A_3346 : vector<1x16xf32> to vector<16xf32>
      %parallel_loop3A_3348 = arith.addf %parallel_loop3A_3314, %parallel_loop3A_3347 : vector<16xf32>
      %parallel_loop3A_3349 = arith.constant 5 : i32
      %parallel_loop3A_3350 = arith.index_cast %parallel_loop3A_3349 : i32 to index
      %parallel_loop3A_3351 = arith.index_cast %parallel_loop3A_3318 : i32 to index
      %parallel_loop3A_3352 = tpu.vector_load %arg5[%parallel_loop3A_3350, %parallel_loop3A_3351] {strides = array<i32>} : memref<8x4096xf32, #tpu.memory_space<vmem>>, vector<1x16xf32>,
      %parallel_loop3A_3353 = vector.shape_cast %parallel_loop3A_3352 : vector<1x16xf32> to vector<16xf32>
      %parallel_loop3A_3354 = arith.addf %parallel_loop3A_3315, %parallel_loop3A_3353 : vector<16xf32>
      %parallel_loop3A_3355 = arith.constant 6 : i32
      %parallel_loop3A_3356 = arith.index_cast %parallel_loop3A_3355 : i32 to index
      %parallel_loop3A_3357 = arith.index_cast %parallel_loop3A_3318 : i32 to index
      %parallel_loop3A_3358 = tpu.vector_load %arg5[%parallel_loop3A_3356, %parallel_loop3A_3357] {strides = array<i32>} : memref<8x4096xf32, #tpu.memory_space<vmem>>, vector<1x16xf32>,
      %parallel_loop3A_3359 = vector.shape_cast %parallel_loop3A_3358 : vector<1x16xf32> to vector<16xf32>
      %parallel_loop3A_3360 = arith.addf %parallel_loop3A_3316, %parallel_loop3A_3359 : vector<16xf32>
      %parallel_loop3A_3361 = arith.constant 7 : i32
      %parallel_loop3A_3362 = arith.index_cast %parallel_loop3A_3361 : i32 to index
      %parallel_loop3A_3363 = arith.index_cast %parallel_loop3A_3318 : i32 to index
      %parallel_loop3A_3364 = tpu.vector_load %arg5[%parallel_loop3A_3362, %parallel_loop3A_3363] {strides = array<i32>} : memref<8x4096xf32, #tpu.memory_space<vmem>>, vector<1x16xf32>,
      %parallel_loop3A_3365 = vector.shape_cast %parallel_loop3A_3364 : vector<1x16xf32> to vector<16xf32>
      %parallel_loop3A_3366 = arith.addf %parallel_loop3A_3317, %parallel_loop3A_3365 : vector<16xf32>
      scf.yield %parallel_loop3A_3324, %parallel_loop3A_3330, %parallel_loop3A_3336, %parallel_loop3A_3342, %parallel_loop3A_3348, %parallel_loop3A_3354, %parallel_loop3A_3360, %parallel_loop3A_3366 : vector<16xf32>, vector<16xf32>, vector<16xf32>, vector<16xf32>, vector<16xf32>, vector<16xf32>, vector<16xf32>, vector<16xf32>
    } {sc.loop_unroll_factor = 1 : i64, sc.parallel_access}
    %and3A_1552 = arith.constant -16 : i32
    %and3A_1553 = arith.andi %min3A_1471, %and3A_1552 : i32
    %max3A_1554 = arith.maxsi %and3A_1553, %multiple_of3A_9 : i32
    %sub3A_1555 = arith.constant 16 : i32
    %sub3A_1556 = arith.subi %add3A_51, %sub3A_1555 : i32
    %min3A_1557 = arith.minsi %max3A_1554, %sub3A_1556 : i32
    %add3A_1558 = vector.broadcast %min3A_1557 : i32 to vector<16xi32>
    %add3A_1559 = arith.addi %add3A_1558, %iota3A : vector<16xi32>
    %mul3A_1560 = arith.constant 16 : i32
    %mul3A_1561 = arith.muli %shift_right_logical3A_1475, %mul3A_1560 : i32
    %max3A_1562 = arith.maxsi %mul3A_1561, %and3A_1553 : i32
    %ge3A_1563 = vector.broadcast %max3A_1562 : i32 to vector<16xi32>
    %ge3A_1564 = arith.cmpi sge, %add3A_1559, %ge3A_1563 : vector<16xi32>
    %lt3A_1565 = vector.broadcast %min3A_1471 : i32 to vector<16xi32>
    %lt3A_1566 = arith.cmpi slt, %add3A_1559, %lt3A_1565 : vector<16xi32>
    %and3A_1567 = arith.andi %ge3A_1564, %lt3A_1566 : vector<16xi1>
    %sub3A_1568 = arith.subi %min3A_1557, %multiple_of3A_9 : i32
    %multiple_of3A_1569 = tpu.assume_multiple %sub3A_1568, 16 : i32
    %get3A_1570 = arith.constant 0 : i32
    %get3A_1571 = arith.index_cast %get3A_1570 : i32 to index
    %get3A_1572 = arith.index_cast %multiple_of3A_1569 : i32 to index
    %get3A_1573 = tpu.vector_load %arg5[%get3A_1571, %get3A_1572] {strides = array<i32>} : memref<8x4096xf32, #tpu.memory_space<vmem>>, vector<1x16xf32>,
    %get3A_1574 = vector.shape_cast %get3A_1573 : vector<1x16xf32> to vector<16xf32>
    %select_n3A_1575 = arith.select %and3A_1567, %get3A_1574, %broadcast_in_dim3A_48 : vector<16xi1>, vector<16xf32>
    %add3A_1576 = arith.addf %parallel_loop3A_1551#0, %select_n3A_1575 : vector<16xf32>
    %swap3A_1577 = arith.constant 0 : i32
    %swap3A_1578 = arith.index_cast %swap3A_1577 : i32 to index
    %swap3A_1579 = arith.constant 112 : index
    %swap3A_1580 = tpu.vector_load %arg7[%swap3A_1578, %swap3A_1579] {strides = array<i32>} : memref<8x256xf32, #tpu.memory_space<vmem>>, vector<1x16xf32>,
    %swap3A_1581 = vector.shape_cast %swap3A_1580 : vector<1x16xf32> to vector<16xf32>
    %swap3A_1582 = vector.shape_cast %add3A_1576 : vector<16xf32> to vector<1x16xf32>
    tpu.vector_store %arg7[%swap3A_1578, %swap3A_1579], %swap3A_1582 {strides = array<i32>} : memref<8x256xf32, #tpu.memory_space<vmem>>, vector<1x16xf32>,
    %get3A_1583 = arith.constant 1 : i32
    %get3A_1584 = arith.index_cast %get3A_1583 : i32 to index
    %get3A_1585 = arith.index_cast %multiple_of3A_1569 : i32 to index
    %get3A_1586 = tpu.vector_load %arg5[%get3A_1584, %get3A_1585] {strides = array<i32>} : memref<8x4096xf32, #tpu.memory_space<vmem>>, vector<1x16xf32>,
    %get3A_1587 = vector.shape_cast %get3A_1586 : vector<1x16xf32> to vector<16xf32>
    %select_n3A_1588 = arith.select %and3A_1567, %get3A_1587, %broadcast_in_dim3A_48 : vector<16xi1>, vector<16xf32>
    %add3A_1589 = arith.addf %parallel_loop3A_1551#1, %select_n3A_1588 : vector<16xf32>
    %swap3A_1590 = arith.constant 1 : i32
    %swap3A_1591 = arith.index_cast %swap3A_1590 : i32 to index
    %swap3A_1592 = arith.constant 112 : index
    %swap3A_1593 = tpu.vector_load %arg7[%swap3A_1591, %swap3A_1592] {strides = array<i32>} : memref<8x256xf32, #tpu.memory_space<vmem>>, vector<1x16xf32>,
    %swap3A_1594 = vector.shape_cast %swap3A_1593 : vector<1x16xf32> to vector<16xf32>
    %swap3A_1595 = vector.shape_cast %add3A_1589 : vector<16xf32> to vector<1x16xf32>
    tpu.vector_store %arg7[%swap3A_1591, %swap3A_1592], %swap3A_1595 {strides = array<i32>} : memref<8x256xf32, #tpu.memory_space<vmem>>, vector<1x16xf32>,
    %get3A_1596 = arith.constant 2 : i32
    %get3A_1597 = arith.index_cast %get3A_1596 : i32 to index
    %get3A_1598 = arith.index_cast %multiple_of3A_1569 : i32 to index
    %get3A_1599 = tpu.vector_load %arg5[%get3A_1597, %get3A_1598] {strides = array<i32>} : memref<8x4096xf32, #tpu.memory_space<vmem>>, vector<1x16xf32>,
    %get3A_1600 = vector.shape_cast %get3A_1599 : vector<1x16xf32> to vector<16xf32>
    %select_n3A_1601 = arith.select %and3A_1567, %get3A_1600, %broadcast_in_dim3A_48 : vector<16xi1>, vector<16xf32>
    %add3A_1602 = arith.addf %parallel_loop3A_1551#2, %select_n3A_1601 : vector<16xf32>
    %swap3A_1603 = arith.constant 2 : i32
    %swap3A_1604 = arith.index_cast %swap3A_1603 : i32 to index
    %swap3A_1605 = arith.constant 112 : index
    %swap3A_1606 = tpu.vector_load %arg7[%swap3A_1604, %swap3A_1605] {strides = array<i32>} : memref<8x256xf32, #tpu.memory_space<vmem>>, vector<1x16xf32>,
    %swap3A_1607 = vector.shape_cast %swap3A_1606 : vector<1x16xf32> to vector<16xf32>
    %swap3A_1608 = vector.shape_cast %add3A_1602 : vector<16xf32> to vector<1x16xf32>
    tpu.vector_store %arg7[%swap3A_1604, %swap3A_1605], %swap3A_1608 {strides = array<i32>} : memref<8x256xf32, #tpu.memory_space<vmem>>, vector<1x16xf32>,
    %get3A_1609 = arith.constant 3 : i32
    %get3A_1610 = arith.index_cast %get3A_1609 : i32 to index
    %get3A_1611 = arith.index_cast %multiple_of3A_1569 : i32 to index
    %get3A_1612 = tpu.vector_load %arg5[%get3A_1610, %get3A_1611] {strides = array<i32>} : memref<8x4096xf32, #tpu.memory_space<vmem>>, vector<1x16xf32>,
    %get3A_1613 = vector.shape_cast %get3A_1612 : vector<1x16xf32> to vector<16xf32>
    %select_n3A_1614 = arith.select %and3A_1567, %get3A_1613, %broadcast_in_dim3A_48 : vector<16xi1>, vector<16xf32>
    %add3A_1615 = arith.addf %parallel_loop3A_1551#3, %select_n3A_1614 : vector<16xf32>
    %swap3A_1616 = arith.constant 3 : i32
    %swap3A_1617 = arith.index_cast %swap3A_1616 : i32 to index
    %swap3A_1618 = arith.constant 112 : index
    %swap3A_1619 = tpu.vector_load %arg7[%swap3A_1617, %swap3A_1618] {strides = array<i32>} : memref<8x256xf32, #tpu.memory_space<vmem>>, vector<1x16xf32>,
    %swap3A_1620 = vector.shape_cast %swap3A_1619 : vector<1x16xf32> to vector<16xf32>
    %swap3A_1621 = vector.shape_cast %add3A_1615 : vector<16xf32> to vector<1x16xf32>
    tpu.vector_store %arg7[%swap3A_1617, %swap3A_1618], %swap3A_1621 {strides = array<i32>} : memref<8x256xf32, #tpu.memory_space<vmem>>, vector<1x16xf32>,
    %get3A_1622 = arith.constant 4 : i32
    %get3A_1623 = arith.index_cast %get3A_1622 : i32 to index
    %get3A_1624 = arith.index_cast %multiple_of3A_1569 : i32 to index
    %get3A_1625 = tpu.vector_load %arg5[%get3A_1623, %get3A_1624] {strides = array<i32>} : memref<8x4096xf32, #tpu.memory_space<vmem>>, vector<1x16xf32>,
    %get3A_1626 = vector.shape_cast %get3A_1625 : vector<1x16xf32> to vector<16xf32>
    %select_n3A_1627 = arith.select %and3A_1567, %get3A_1626, %broadcast_in_dim3A_48 : vector<16xi1>, vector<16xf32>
    %add3A_1628 = arith.addf %parallel_loop3A_1551#4, %select_n3A_1627 : vector<16xf32>
    %swap3A_1629 = arith.constant 4 : i32
    %swap3A_1630 = arith.index_cast %swap3A_1629 : i32 to index
    %swap3A_1631 = arith.constant 112 : index
    %swap3A_1632 = tpu.vector_load %arg7[%swap3A_1630, %swap3A_1631] {strides = array<i32>} : memref<8x256xf32, #tpu.memory_space<vmem>>, vector<1x16xf32>,
    %swap3A_1633 = vector.shape_cast %swap3A_1632 : vector<1x16xf32> to vector<16xf32>
    %swap3A_1634 = vector.shape_cast %add3A_1628 : vector<16xf32> to vector<1x16xf32>
    tpu.vector_store %arg7[%swap3A_1630, %swap3A_1631], %swap3A_1634 {strides = array<i32>} : memref<8x256xf32, #tpu.memory_space<vmem>>, vector<1x16xf32>,
    %get3A_1635 = arith.constant 5 : i32
    %get3A_1636 = arith.index_cast %get3A_1635 : i32 to index
    %get3A_1637 = arith.index_cast %multiple_of3A_1569 : i32 to index
    %get3A_1638 = tpu.vector_load %arg5[%get3A_1636, %get3A_1637] {strides = array<i32>} : memref<8x4096xf32, #tpu.memory_space<vmem>>, vector<1x16xf32>,
    %get3A_1639 = vector.shape_cast %get3A_1638 : vector<1x16xf32> to vector<16xf32>
    %select_n3A_1640 = arith.select %and3A_1567, %get3A_1639, %broadcast_in_dim3A_48 : vector<16xi1>, vector<16xf32>
    %add3A_1641 = arith.addf %parallel_loop3A_1551#5, %select_n3A_1640 : vector<16xf32>
    %swap3A_1642 = arith.constant 5 : i32
    %swap3A_1643 = arith.index_cast %swap3A_1642 : i32 to index
    %swap3A_1644 = arith.constant 112 : index
    %swap3A_1645 = tpu.vector_load %arg7[%swap3A_1643, %swap3A_1644] {strides = array<i32>} : memref<8x256xf32, #tpu.memory_space<vmem>>, vector<1x16xf32>,
    %swap3A_1646 = vector.shape_cast %swap3A_1645 : vector<1x16xf32> to vector<16xf32>
    %swap3A_1647 = vector.shape_cast %add3A_1641 : vector<16xf32> to vector<1x16xf32>
    tpu.vector_store %arg7[%swap3A_1643, %swap3A_1644], %swap3A_1647 {strides = array<i32>} : memref<8x256xf32, #tpu.memory_space<vmem>>, vector<1x16xf32>,
    %get3A_1648 = arith.constant 6 : i32
    %get3A_1649 = arith.index_cast %get3A_1648 : i32 to index
    %get3A_1650 = arith.index_cast %multiple_of3A_1569 : i32 to index
    %get3A_1651 = tpu.vector_load %arg5[%get3A_1649, %get3A_1650] {strides = array<i32>} : memref<8x4096xf32, #tpu.memory_space<vmem>>, vector<1x16xf32>,
    %get3A_1652 = vector.shape_cast %get3A_1651 : vector<1x16xf32> to vector<16xf32>
    %select_n3A_1653 = arith.select %and3A_1567, %get3A_1652, %broadcast_in_dim3A_48 : vector<16xi1>, vector<16xf32>
    %add3A_1654 = arith.addf %parallel_loop3A_1551#6, %select_n3A_1653 : vector<16xf32>
    %swap3A_1655 = arith.constant 6 : i32
    %swap3A_1656 = arith.index_cast %swap3A_1655 : i32 to index
    %swap3A_1657 = arith.constant 112 : index
    %swap3A_1658 = tpu.vector_load %arg7[%swap3A_1656, %swap3A_1657] {strides = array<i32>} : memref<8x256xf32, #tpu.memory_space<vmem>>, vector<1x16xf32>,
    %swap3A_1659 = vector.shape_cast %swap3A_1658 : vector<1x16xf32> to vector<16xf32>
    %swap3A_1660 = vector.shape_cast %add3A_1654 : vector<16xf32> to vector<1x16xf32>
    tpu.vector_store %arg7[%swap3A_1656, %swap3A_1657], %swap3A_1660 {strides = array<i32>} : memref<8x256xf32, #tpu.memory_space<vmem>>, vector<1x16xf32>,
    %get3A_1661 = arith.constant 7 : i32
    %get3A_1662 = arith.index_cast %get3A_1661 : i32 to index
    %get3A_1663 = arith.index_cast %multiple_of3A_1569 : i32 to index
    %get3A_1664 = tpu.vector_load %arg5[%get3A_1662, %get3A_1663] {strides = array<i32>} : memref<8x4096xf32, #tpu.memory_space<vmem>>, vector<1x16xf32>,
    %get3A_1665 = vector.shape_cast %get3A_1664 : vector<1x16xf32> to vector<16xf32>
    %select_n3A_1666 = arith.select %and3A_1567, %get3A_1665, %broadcast_in_dim3A_48 : vector<16xi1>, vector<16xf32>
    %add3A_1667 = arith.addf %parallel_loop3A_1551#7, %select_n3A_1666 : vector<16xf32>
    %swap3A_1668 = arith.constant 7 : i32
    %swap3A_1669 = arith.index_cast %swap3A_1668 : i32 to index
    %swap3A_1670 = arith.constant 112 : index
    %swap3A_1671 = tpu.vector_load %arg7[%swap3A_1669, %swap3A_1670] {strides = array<i32>} : memref<8x256xf32, #tpu.memory_space<vmem>>, vector<1x16xf32>,
    %swap3A_1672 = vector.shape_cast %swap3A_1671 : vector<1x16xf32> to vector<16xf32>
    %swap3A_1673 = vector.shape_cast %add3A_1667 : vector<16xf32> to vector<1x16xf32>
    tpu.vector_store %arg7[%swap3A_1669, %swap3A_1670], %swap3A_1673 {strides = array<i32>} : memref<8x256xf32, #tpu.memory_space<vmem>>, vector<1x16xf32>,
    %max3A_1674 = arith.maxsi %squeeze3A_31, %multiple_of3A_9 : i32
    %min3A_1675 = arith.minsi %squeeze3A_33, %add3A_51 : i32
    %add3A_1676 = arith.constant 15 : i32
    %add3A_1677 = arith.addi %max3A_1674, %add3A_1676 : i32
    %shift_right_logical3A_1678 = arith.constant 4 : i32
    %shift_right_logical3A_1679 = arith.shrui %add3A_1677, %shift_right_logical3A_1678 : i32
    %shift_right_logical3A_1680 = arith.constant 4 : i32
    %shift_right_logical3A_1681 = arith.shrui %min3A_1675, %shift_right_logical3A_1680 : i32
    %max3A_1682 = arith.maxsi %shift_right_logical3A_1679, %shift_right_logical3A_1681 : i32
    %sub3A_1683 = arith.constant 1 : i32
    %sub3A_1684 = arith.subi %add3A_51, %sub3A_1683 : i32
    %min3A_1685 = arith.minsi %max3A_1674, %sub3A_1684 : i32
    %and3A_1686 = arith.constant -16 : i32
    %and3A_1687 = arith.andi %min3A_1685, %and3A_1686 : i32
    %add3A_1688 = vector.broadcast %and3A_1687 : i32 to vector<16xi32>
    %add3A_1689 = arith.addi %add3A_1688, %iota3A : vector<16xi32>
    %ge3A_1690 = vector.broadcast %max3A_1674 : i32 to vector<16xi32>
    %ge3A_1691 = arith.cmpi sge, %add3A_1689, %ge3A_1690 : vector<16xi32>
    %mul3A_1692 = arith.constant 16 : i32
    %mul3A_1693 = arith.muli %shift_right_logical3A_1679, %mul3A_1692 : i32
    %min3A_1694 = arith.minsi %min3A_1675, %mul3A_1693 : i32
    %lt3A_1695 = vector.broadcast %min3A_1694 : i32 to vector<16xi32>
    %lt3A_1696 = arith.cmpi slt, %add3A_1689, %lt3A_1695 : vector<16xi32>
    %and3A_1697 = arith.andi %ge3A_1691, %lt3A_1696 : vector<16xi1>
    %sub3A_1698 = arith.subi %and3A_1687, %multiple_of3A_9 : i32
    %multiple_of3A_1699 = tpu.assume_multiple %sub3A_1698, 16 : i32
    %get3A_1700 = arith.constant 0 : i32
    %get3A_1701 = arith.index_cast %get3A_1700 : i32 to index
    %get3A_1702 = arith.index_cast %multiple_of3A_1699 : i32 to index
    %get3A_1703 = tpu.vector_load %arg5[%get3A_1701, %get3A_1702] {strides = array<i32>} : memref<8x4096xf32, #tpu.memory_space<vmem>>, vector<1x16xf32>,
    %get3A_1704 = vector.shape_cast %get3A_1703 : vector<1x16xf32> to vector<16xf32>
    %select_n3A_1705 = arith.select %and3A_1697, %get3A_1704, %broadcast_in_dim3A_48 : vector<16xi1>, vector<16xf32>
    %get3A_1706 = arith.constant 1 : i32
    %get3A_1707 = arith.index_cast %get3A_1706 : i32 to index
    %get3A_1708 = arith.index_cast %multiple_of3A_1699 : i32 to index
    %get3A_1709 = tpu.vector_load %arg5[%get3A_1707, %get3A_1708] {strides = array<i32>} : memref<8x4096xf32, #tpu.memory_space<vmem>>, vector<1x16xf32>,
    %get3A_1710 = vector.shape_cast %get3A_1709 : vector<1x16xf32> to vector<16xf32>
    %select_n3A_1711 = arith.select %and3A_1697, %get3A_1710, %broadcast_in_dim3A_48 : vector<16xi1>, vector<16xf32>
    %get3A_1712 = arith.constant 2 : i32
    %get3A_1713 = arith.index_cast %get3A_1712 : i32 to index
    %get3A_1714 = arith.index_cast %multiple_of3A_1699 : i32 to index
    %get3A_1715 = tpu.vector_load %arg5[%get3A_1713, %get3A_1714] {strides = array<i32>} : memref<8x4096xf32, #tpu.memory_space<vmem>>, vector<1x16xf32>,
    %get3A_1716 = vector.shape_cast %get3A_1715 : vector<1x16xf32> to vector<16xf32>
    %select_n3A_1717 = arith.select %and3A_1697, %get3A_1716, %broadcast_in_dim3A_48 : vector<16xi1>, vector<16xf32>
    %get3A_1718 = arith.constant 3 : i32
    %get3A_1719 = arith.index_cast %get3A_1718 : i32 to index
    %get3A_1720 = arith.index_cast %multiple_of3A_1699 : i32 to index
    %get3A_1721 = tpu.vector_load %arg5[%get3A_1719, %get3A_1720] {strides = array<i32>} : memref<8x4096xf32, #tpu.memory_space<vmem>>, vector<1x16xf32>,
    %get3A_1722 = vector.shape_cast %get3A_1721 : vector<1x16xf32> to vector<16xf32>
    %select_n3A_1723 = arith.select %and3A_1697, %get3A_1722, %broadcast_in_dim3A_48 : vector<16xi1>, vector<16xf32>
    %get3A_1724 = arith.constant 4 : i32
    %get3A_1725 = arith.index_cast %get3A_1724 : i32 to index
    %get3A_1726 = arith.index_cast %multiple_of3A_1699 : i32 to index
    %get3A_1727 = tpu.vector_load %arg5[%get3A_1725, %get3A_1726] {strides = array<i32>} : memref<8x4096xf32, #tpu.memory_space<vmem>>, vector<1x16xf32>,
    %get3A_1728 = vector.shape_cast %get3A_1727 : vector<1x16xf32> to vector<16xf32>
    %select_n3A_1729 = arith.select %and3A_1697, %get3A_1728, %broadcast_in_dim3A_48 : vector<16xi1>, vector<16xf32>
    %get3A_1730 = arith.constant 5 : i32
    %get3A_1731 = arith.index_cast %get3A_1730 : i32 to index
    %get3A_1732 = arith.index_cast %multiple_of3A_1699 : i32 to index
    %get3A_1733 = tpu.vector_load %arg5[%get3A_1731, %get3A_1732] {strides = array<i32>} : memref<8x4096xf32, #tpu.memory_space<vmem>>, vector<1x16xf32>,
    %get3A_1734 = vector.shape_cast %get3A_1733 : vector<1x16xf32> to vector<16xf32>
    %select_n3A_1735 = arith.select %and3A_1697, %get3A_1734, %broadcast_in_dim3A_48 : vector<16xi1>, vector<16xf32>
    %get3A_1736 = arith.constant 6 : i32
    %get3A_1737 = arith.index_cast %get3A_1736 : i32 to index
    %get3A_1738 = arith.index_cast %multiple_of3A_1699 : i32 to index
    %get3A_1739 = tpu.vector_load %arg5[%get3A_1737, %get3A_1738] {strides = array<i32>} : memref<8x4096xf32, #tpu.memory_space<vmem>>, vector<1x16xf32>,
    %get3A_1740 = vector.shape_cast %get3A_1739 : vector<1x16xf32> to vector<16xf32>
    %select_n3A_1741 = arith.select %and3A_1697, %get3A_1740, %broadcast_in_dim3A_48 : vector<16xi1>, vector<16xf32>
    %get3A_1742 = arith.constant 7 : i32
    %get3A_1743 = arith.index_cast %get3A_1742 : i32 to index
    %get3A_1744 = arith.index_cast %multiple_of3A_1699 : i32 to index
    %get3A_1745 = tpu.vector_load %arg5[%get3A_1743, %get3A_1744] {strides = array<i32>} : memref<8x4096xf32, #tpu.memory_space<vmem>>, vector<1x16xf32>,
    %get3A_1746 = vector.shape_cast %get3A_1745 : vector<1x16xf32> to vector<16xf32>
    %select_n3A_1747 = arith.select %and3A_1697, %get3A_1746, %broadcast_in_dim3A_48 : vector<16xi1>, vector<16xf32>
    %mul3A_1748 = arith.constant 16 : i32
    %mul3A_1749 = arith.muli %shift_right_logical3A_1679, %mul3A_1748 : i32
    %sub3A_1750 = arith.subi %mul3A_1749, %multiple_of3A_9 : i32
    %mul3A_1751 = arith.constant 16 : i32
    %mul3A_1752 = arith.muli %max3A_1682, %mul3A_1751 : i32
    %sub3A_1753 = arith.subi %mul3A_1752, %multiple_of3A_9 : i32
    %parallel_loop3A_1754 = arith.constant 16 : i32
    %parallel_loop3A_1755:8 = scf.for %parallel_loop3A_3309 = %sub3A_1750 to %sub3A_1753 step %parallel_loop3A_1754 iter_args(%parallel_loop3A_3310 = %select_n3A_1705, %parallel_loop3A_3311 = %select_n3A_1711, %parallel_loop3A_3312 = %select_n3A_1717, %parallel_loop3A_3313 = %select_n3A_1723, %parallel_loop3A_3314 = %select_n3A_1729, %parallel_loop3A_3315 = %select_n3A_1735, %parallel_loop3A_3316 = %select_n3A_1741, %parallel_loop3A_3317 = %select_n3A_1747) -> (vector<16xf32>, vector<16xf32>, vector<16xf32>, vector<16xf32>, vector<16xf32>, vector<16xf32>, vector<16xf32>, vector<16xf32>)  : i32 {
      %parallel_loop3A_3318 = tpu.assume_multiple %parallel_loop3A_3309, 16 : i32
      %parallel_loop3A_3319 = arith.constant 0 : i32
      %parallel_loop3A_3320 = arith.index_cast %parallel_loop3A_3319 : i32 to index
      %parallel_loop3A_3321 = arith.index_cast %parallel_loop3A_3318 : i32 to index
      %parallel_loop3A_3322 = tpu.vector_load %arg5[%parallel_loop3A_3320, %parallel_loop3A_3321] {strides = array<i32>} : memref<8x4096xf32, #tpu.memory_space<vmem>>, vector<1x16xf32>,
      %parallel_loop3A_3323 = vector.shape_cast %parallel_loop3A_3322 : vector<1x16xf32> to vector<16xf32>
      %parallel_loop3A_3324 = arith.addf %parallel_loop3A_3310, %parallel_loop3A_3323 : vector<16xf32>
      %parallel_loop3A_3325 = arith.constant 1 : i32
      %parallel_loop3A_3326 = arith.index_cast %parallel_loop3A_3325 : i32 to index
      %parallel_loop3A_3327 = arith.index_cast %parallel_loop3A_3318 : i32 to index
      %parallel_loop3A_3328 = tpu.vector_load %arg5[%parallel_loop3A_3326, %parallel_loop3A_3327] {strides = array<i32>} : memref<8x4096xf32, #tpu.memory_space<vmem>>, vector<1x16xf32>,
      %parallel_loop3A_3329 = vector.shape_cast %parallel_loop3A_3328 : vector<1x16xf32> to vector<16xf32>
      %parallel_loop3A_3330 = arith.addf %parallel_loop3A_3311, %parallel_loop3A_3329 : vector<16xf32>
      %parallel_loop3A_3331 = arith.constant 2 : i32
      %parallel_loop3A_3332 = arith.index_cast %parallel_loop3A_3331 : i32 to index
      %parallel_loop3A_3333 = arith.index_cast %parallel_loop3A_3318 : i32 to index
      %parallel_loop3A_3334 = tpu.vector_load %arg5[%parallel_loop3A_3332, %parallel_loop3A_3333] {strides = array<i32>} : memref<8x4096xf32, #tpu.memory_space<vmem>>, vector<1x16xf32>,
      %parallel_loop3A_3335 = vector.shape_cast %parallel_loop3A_3334 : vector<1x16xf32> to vector<16xf32>
      %parallel_loop3A_3336 = arith.addf %parallel_loop3A_3312, %parallel_loop3A_3335 : vector<16xf32>
      %parallel_loop3A_3337 = arith.constant 3 : i32
      %parallel_loop3A_3338 = arith.index_cast %parallel_loop3A_3337 : i32 to index
      %parallel_loop3A_3339 = arith.index_cast %parallel_loop3A_3318 : i32 to index
      %parallel_loop3A_3340 = tpu.vector_load %arg5[%parallel_loop3A_3338, %parallel_loop3A_3339] {strides = array<i32>} : memref<8x4096xf32, #tpu.memory_space<vmem>>, vector<1x16xf32>,
      %parallel_loop3A_3341 = vector.shape_cast %parallel_loop3A_3340 : vector<1x16xf32> to vector<16xf32>
      %parallel_loop3A_3342 = arith.addf %parallel_loop3A_3313, %parallel_loop3A_3341 : vector<16xf32>
      %parallel_loop3A_3343 = arith.constant 4 : i32
      %parallel_loop3A_3344 = arith.index_cast %parallel_loop3A_3343 : i32 to index
      %parallel_loop3A_3345 = arith.index_cast %parallel_loop3A_3318 : i32 to index
      %parallel_loop3A_3346 = tpu.vector_load %arg5[%parallel_loop3A_3344, %parallel_loop3A_3345] {strides = array<i32>} : memref<8x4096xf32, #tpu.memory_space<vmem>>, vector<1x16xf32>,
      %parallel_loop3A_3347 = vector.shape_cast %parallel_loop3A_3346 : vector<1x16xf32> to vector<16xf32>
      %parallel_loop3A_3348 = arith.addf %parallel_loop3A_3314, %parallel_loop3A_3347 : vector<16xf32>
      %parallel_loop3A_3349 = arith.constant 5 : i32
      %parallel_loop3A_3350 = arith.index_cast %parallel_loop3A_3349 : i32 to index
      %parallel_loop3A_3351 = arith.index_cast %parallel_loop3A_3318 : i32 to index
      %parallel_loop3A_3352 = tpu.vector_load %arg5[%parallel_loop3A_3350, %parallel_loop3A_3351] {strides = array<i32>} : memref<8x4096xf32, #tpu.memory_space<vmem>>, vector<1x16xf32>,
      %parallel_loop3A_3353 = vector.shape_cast %parallel_loop3A_3352 : vector<1x16xf32> to vector<16xf32>
      %parallel_loop3A_3354 = arith.addf %parallel_loop3A_3315, %parallel_loop3A_3353 : vector<16xf32>
      %parallel_loop3A_3355 = arith.constant 6 : i32
      %parallel_loop3A_3356 = arith.index_cast %parallel_loop3A_3355 : i32 to index
      %parallel_loop3A_3357 = arith.index_cast %parallel_loop3A_3318 : i32 to index
      %parallel_loop3A_3358 = tpu.vector_load %arg5[%parallel_loop3A_3356, %parallel_loop3A_3357] {strides = array<i32>} : memref<8x4096xf32, #tpu.memory_space<vmem>>, vector<1x16xf32>,
      %parallel_loop3A_3359 = vector.shape_cast %parallel_loop3A_3358 : vector<1x16xf32> to vector<16xf32>
      %parallel_loop3A_3360 = arith.addf %parallel_loop3A_3316, %parallel_loop3A_3359 : vector<16xf32>
      %parallel_loop3A_3361 = arith.constant 7 : i32
      %parallel_loop3A_3362 = arith.index_cast %parallel_loop3A_3361 : i32 to index
      %parallel_loop3A_3363 = arith.index_cast %parallel_loop3A_3318 : i32 to index
      %parallel_loop3A_3364 = tpu.vector_load %arg5[%parallel_loop3A_3362, %parallel_loop3A_3363] {strides = array<i32>} : memref<8x4096xf32, #tpu.memory_space<vmem>>, vector<1x16xf32>,
      %parallel_loop3A_3365 = vector.shape_cast %parallel_loop3A_3364 : vector<1x16xf32> to vector<16xf32>
      %parallel_loop3A_3366 = arith.addf %parallel_loop3A_3317, %parallel_loop3A_3365 : vector<16xf32>
      scf.yield %parallel_loop3A_3324, %parallel_loop3A_3330, %parallel_loop3A_3336, %parallel_loop3A_3342, %parallel_loop3A_3348, %parallel_loop3A_3354, %parallel_loop3A_3360, %parallel_loop3A_3366 : vector<16xf32>, vector<16xf32>, vector<16xf32>, vector<16xf32>, vector<16xf32>, vector<16xf32>, vector<16xf32>, vector<16xf32>
    } {sc.loop_unroll_factor = 1 : i64, sc.parallel_access}
    %and3A_1756 = arith.constant -16 : i32
    %and3A_1757 = arith.andi %min3A_1675, %and3A_1756 : i32
    %max3A_1758 = arith.maxsi %and3A_1757, %multiple_of3A_9 : i32
    %sub3A_1759 = arith.constant 16 : i32
    %sub3A_1760 = arith.subi %add3A_51, %sub3A_1759 : i32
    %min3A_1761 = arith.minsi %max3A_1758, %sub3A_1760 : i32
    %add3A_1762 = vector.broadcast %min3A_1761 : i32 to vector<16xi32>
    %add3A_1763 = arith.addi %add3A_1762, %iota3A : vector<16xi32>
    %mul3A_1764 = arith.constant 16 : i32
    %mul3A_1765 = arith.muli %shift_right_logical3A_1679, %mul3A_1764 : i32
    %max3A_1766 = arith.maxsi %mul3A_1765, %and3A_1757 : i32
    %ge3A_1767 = vector.broadcast %max3A_1766 : i32 to vector<16xi32>
    %ge3A_1768 = arith.cmpi sge, %add3A_1763, %ge3A_1767 : vector<16xi32>
    %lt3A_1769 = vector.broadcast %min3A_1675 : i32 to vector<16xi32>
    %lt3A_1770 = arith.cmpi slt, %add3A_1763, %lt3A_1769 : vector<16xi32>
    %and3A_1771 = arith.andi %ge3A_1768, %lt3A_1770 : vector<16xi1>
    %sub3A_1772 = arith.subi %min3A_1761, %multiple_of3A_9 : i32
    %multiple_of3A_1773 = tpu.assume_multiple %sub3A_1772, 16 : i32
    %get3A_1774 = arith.constant 0 : i32
    %get3A_1775 = arith.index_cast %get3A_1774 : i32 to index
    %get3A_1776 = arith.index_cast %multiple_of3A_1773 : i32 to index
    %get3A_1777 = tpu.vector_load %arg5[%get3A_1775, %get3A_1776] {strides = array<i32>} : memref<8x4096xf32, #tpu.memory_space<vmem>>, vector<1x16xf32>,
    %get3A_1778 = vector.shape_cast %get3A_1777 : vector<1x16xf32> to vector<16xf32>
    %select_n3A_1779 = arith.select %and3A_1771, %get3A_1778, %broadcast_in_dim3A_48 : vector<16xi1>, vector<16xf32>
    %add3A_1780 = arith.addf %parallel_loop3A_1755#0, %select_n3A_1779 : vector<16xf32>
    %swap3A_1781 = arith.constant 0 : i32
    %swap3A_1782 = arith.index_cast %swap3A_1781 : i32 to index
    %swap3A_1783 = arith.constant 128 : index
    %swap3A_1784 = tpu.vector_load %arg7[%swap3A_1782, %swap3A_1783] {strides = array<i32>} : memref<8x256xf32, #tpu.memory_space<vmem>>, vector<1x16xf32>,
    %swap3A_1785 = vector.shape_cast %swap3A_1784 : vector<1x16xf32> to vector<16xf32>
    %swap3A_1786 = vector.shape_cast %add3A_1780 : vector<16xf32> to vector<1x16xf32>
    tpu.vector_store %arg7[%swap3A_1782, %swap3A_1783], %swap3A_1786 {strides = array<i32>} : memref<8x256xf32, #tpu.memory_space<vmem>>, vector<1x16xf32>,
    %get3A_1787 = arith.constant 1 : i32
    %get3A_1788 = arith.index_cast %get3A_1787 : i32 to index
    %get3A_1789 = arith.index_cast %multiple_of3A_1773 : i32 to index
    %get3A_1790 = tpu.vector_load %arg5[%get3A_1788, %get3A_1789] {strides = array<i32>} : memref<8x4096xf32, #tpu.memory_space<vmem>>, vector<1x16xf32>,
    %get3A_1791 = vector.shape_cast %get3A_1790 : vector<1x16xf32> to vector<16xf32>
    %select_n3A_1792 = arith.select %and3A_1771, %get3A_1791, %broadcast_in_dim3A_48 : vector<16xi1>, vector<16xf32>
    %add3A_1793 = arith.addf %parallel_loop3A_1755#1, %select_n3A_1792 : vector<16xf32>
    %swap3A_1794 = arith.constant 1 : i32
    %swap3A_1795 = arith.index_cast %swap3A_1794 : i32 to index
    %swap3A_1796 = arith.constant 128 : index
    %swap3A_1797 = tpu.vector_load %arg7[%swap3A_1795, %swap3A_1796] {strides = array<i32>} : memref<8x256xf32, #tpu.memory_space<vmem>>, vector<1x16xf32>,
    %swap3A_1798 = vector.shape_cast %swap3A_1797 : vector<1x16xf32> to vector<16xf32>
    %swap3A_1799 = vector.shape_cast %add3A_1793 : vector<16xf32> to vector<1x16xf32>
    tpu.vector_store %arg7[%swap3A_1795, %swap3A_1796], %swap3A_1799 {strides = array<i32>} : memref<8x256xf32, #tpu.memory_space<vmem>>, vector<1x16xf32>,
    %get3A_1800 = arith.constant 2 : i32
    %get3A_1801 = arith.index_cast %get3A_1800 : i32 to index
    %get3A_1802 = arith.index_cast %multiple_of3A_1773 : i32 to index
    %get3A_1803 = tpu.vector_load %arg5[%get3A_1801, %get3A_1802] {strides = array<i32>} : memref<8x4096xf32, #tpu.memory_space<vmem>>, vector<1x16xf32>,
    %get3A_1804 = vector.shape_cast %get3A_1803 : vector<1x16xf32> to vector<16xf32>
    %select_n3A_1805 = arith.select %and3A_1771, %get3A_1804, %broadcast_in_dim3A_48 : vector<16xi1>, vector<16xf32>
    %add3A_1806 = arith.addf %parallel_loop3A_1755#2, %select_n3A_1805 : vector<16xf32>
    %swap3A_1807 = arith.constant 2 : i32
    %swap3A_1808 = arith.index_cast %swap3A_1807 : i32 to index
    %swap3A_1809 = arith.constant 128 : index
    %swap3A_1810 = tpu.vector_load %arg7[%swap3A_1808, %swap3A_1809] {strides = array<i32>} : memref<8x256xf32, #tpu.memory_space<vmem>>, vector<1x16xf32>,
    %swap3A_1811 = vector.shape_cast %swap3A_1810 : vector<1x16xf32> to vector<16xf32>
    %swap3A_1812 = vector.shape_cast %add3A_1806 : vector<16xf32> to vector<1x16xf32>
    tpu.vector_store %arg7[%swap3A_1808, %swap3A_1809], %swap3A_1812 {strides = array<i32>} : memref<8x256xf32, #tpu.memory_space<vmem>>, vector<1x16xf32>,
    %get3A_1813 = arith.constant 3 : i32
    %get3A_1814 = arith.index_cast %get3A_1813 : i32 to index
    %get3A_1815 = arith.index_cast %multiple_of3A_1773 : i32 to index
    %get3A_1816 = tpu.vector_load %arg5[%get3A_1814, %get3A_1815] {strides = array<i32>} : memref<8x4096xf32, #tpu.memory_space<vmem>>, vector<1x16xf32>,
    %get3A_1817 = vector.shape_cast %get3A_1816 : vector<1x16xf32> to vector<16xf32>
    %select_n3A_1818 = arith.select %and3A_1771, %get3A_1817, %broadcast_in_dim3A_48 : vector<16xi1>, vector<16xf32>
    %add3A_1819 = arith.addf %parallel_loop3A_1755#3, %select_n3A_1818 : vector<16xf32>
    %swap3A_1820 = arith.constant 3 : i32
    %swap3A_1821 = arith.index_cast %swap3A_1820 : i32 to index
    %swap3A_1822 = arith.constant 128 : index
    %swap3A_1823 = tpu.vector_load %arg7[%swap3A_1821, %swap3A_1822] {strides = array<i32>} : memref<8x256xf32, #tpu.memory_space<vmem>>, vector<1x16xf32>,
    %swap3A_1824 = vector.shape_cast %swap3A_1823 : vector<1x16xf32> to vector<16xf32>
    %swap3A_1825 = vector.shape_cast %add3A_1819 : vector<16xf32> to vector<1x16xf32>
    tpu.vector_store %arg7[%swap3A_1821, %swap3A_1822], %swap3A_1825 {strides = array<i32>} : memref<8x256xf32, #tpu.memory_space<vmem>>, vector<1x16xf32>,
    %get3A_1826 = arith.constant 4 : i32
    %get3A_1827 = arith.index_cast %get3A_1826 : i32 to index
    %get3A_1828 = arith.index_cast %multiple_of3A_1773 : i32 to index
    %get3A_1829 = tpu.vector_load %arg5[%get3A_1827, %get3A_1828] {strides = array<i32>} : memref<8x4096xf32, #tpu.memory_space<vmem>>, vector<1x16xf32>,
    %get3A_1830 = vector.shape_cast %get3A_1829 : vector<1x16xf32> to vector<16xf32>
    %select_n3A_1831 = arith.select %and3A_1771, %get3A_1830, %broadcast_in_dim3A_48 : vector<16xi1>, vector<16xf32>
    %add3A_1832 = arith.addf %parallel_loop3A_1755#4, %select_n3A_1831 : vector<16xf32>
    %swap3A_1833 = arith.constant 4 : i32
    %swap3A_1834 = arith.index_cast %swap3A_1833 : i32 to index
    %swap3A_1835 = arith.constant 128 : index
    %swap3A_1836 = tpu.vector_load %arg7[%swap3A_1834, %swap3A_1835] {strides = array<i32>} : memref<8x256xf32, #tpu.memory_space<vmem>>, vector<1x16xf32>,
    %swap3A_1837 = vector.shape_cast %swap3A_1836 : vector<1x16xf32> to vector<16xf32>
    %swap3A_1838 = vector.shape_cast %add3A_1832 : vector<16xf32> to vector<1x16xf32>
    tpu.vector_store %arg7[%swap3A_1834, %swap3A_1835], %swap3A_1838 {strides = array<i32>} : memref<8x256xf32, #tpu.memory_space<vmem>>, vector<1x16xf32>,
    %get3A_1839 = arith.constant 5 : i32
    %get3A_1840 = arith.index_cast %get3A_1839 : i32 to index
    %get3A_1841 = arith.index_cast %multiple_of3A_1773 : i32 to index
    %get3A_1842 = tpu.vector_load %arg5[%get3A_1840, %get3A_1841] {strides = array<i32>} : memref<8x4096xf32, #tpu.memory_space<vmem>>, vector<1x16xf32>,
    %get3A_1843 = vector.shape_cast %get3A_1842 : vector<1x16xf32> to vector<16xf32>
    %select_n3A_1844 = arith.select %and3A_1771, %get3A_1843, %broadcast_in_dim3A_48 : vector<16xi1>, vector<16xf32>
    %add3A_1845 = arith.addf %parallel_loop3A_1755#5, %select_n3A_1844 : vector<16xf32>
    %swap3A_1846 = arith.constant 5 : i32
    %swap3A_1847 = arith.index_cast %swap3A_1846 : i32 to index
    %swap3A_1848 = arith.constant 128 : index
    %swap3A_1849 = tpu.vector_load %arg7[%swap3A_1847, %swap3A_1848] {strides = array<i32>} : memref<8x256xf32, #tpu.memory_space<vmem>>, vector<1x16xf32>,
    %swap3A_1850 = vector.shape_cast %swap3A_1849 : vector<1x16xf32> to vector<16xf32>
    %swap3A_1851 = vector.shape_cast %add3A_1845 : vector<16xf32> to vector<1x16xf32>
    tpu.vector_store %arg7[%swap3A_1847, %swap3A_1848], %swap3A_1851 {strides = array<i32>} : memref<8x256xf32, #tpu.memory_space<vmem>>, vector<1x16xf32>,
    %get3A_1852 = arith.constant 6 : i32
    %get3A_1853 = arith.index_cast %get3A_1852 : i32 to index
    %get3A_1854 = arith.index_cast %multiple_of3A_1773 : i32 to index
    %get3A_1855 = tpu.vector_load %arg5[%get3A_1853, %get3A_1854] {strides = array<i32>} : memref<8x4096xf32, #tpu.memory_space<vmem>>, vector<1x16xf32>,
    %get3A_1856 = vector.shape_cast %get3A_1855 : vector<1x16xf32> to vector<16xf32>
    %select_n3A_1857 = arith.select %and3A_1771, %get3A_1856, %broadcast_in_dim3A_48 : vector<16xi1>, vector<16xf32>
    %add3A_1858 = arith.addf %parallel_loop3A_1755#6, %select_n3A_1857 : vector<16xf32>
    %swap3A_1859 = arith.constant 6 : i32
    %swap3A_1860 = arith.index_cast %swap3A_1859 : i32 to index
    %swap3A_1861 = arith.constant 128 : index
    %swap3A_1862 = tpu.vector_load %arg7[%swap3A_1860, %swap3A_1861] {strides = array<i32>} : memref<8x256xf32, #tpu.memory_space<vmem>>, vector<1x16xf32>,
    %swap3A_1863 = vector.shape_cast %swap3A_1862 : vector<1x16xf32> to vector<16xf32>
    %swap3A_1864 = vector.shape_cast %add3A_1858 : vector<16xf32> to vector<1x16xf32>
    tpu.vector_store %arg7[%swap3A_1860, %swap3A_1861], %swap3A_1864 {strides = array<i32>} : memref<8x256xf32, #tpu.memory_space<vmem>>, vector<1x16xf32>,
    %get3A_1865 = arith.constant 7 : i32
    %get3A_1866 = arith.index_cast %get3A_1865 : i32 to index
    %get3A_1867 = arith.index_cast %multiple_of3A_1773 : i32 to index
    %get3A_1868 = tpu.vector_load %arg5[%get3A_1866, %get3A_1867] {strides = array<i32>} : memref<8x4096xf32, #tpu.memory_space<vmem>>, vector<1x16xf32>,
    %get3A_1869 = vector.shape_cast %get3A_1868 : vector<1x16xf32> to vector<16xf32>
    %select_n3A_1870 = arith.select %and3A_1771, %get3A_1869, %broadcast_in_dim3A_48 : vector<16xi1>, vector<16xf32>
    %add3A_1871 = arith.addf %parallel_loop3A_1755#7, %select_n3A_1870 : vector<16xf32>
    %swap3A_1872 = arith.constant 7 : i32
    %swap3A_1873 = arith.index_cast %swap3A_1872 : i32 to index
    %swap3A_1874 = arith.constant 128 : index
    %swap3A_1875 = tpu.vector_load %arg7[%swap3A_1873, %swap3A_1874] {strides = array<i32>} : memref<8x256xf32, #tpu.memory_space<vmem>>, vector<1x16xf32>,
    %swap3A_1876 = vector.shape_cast %swap3A_1875 : vector<1x16xf32> to vector<16xf32>
    %swap3A_1877 = vector.shape_cast %add3A_1871 : vector<16xf32> to vector<1x16xf32>
    tpu.vector_store %arg7[%swap3A_1873, %swap3A_1874], %swap3A_1877 {strides = array<i32>} : memref<8x256xf32, #tpu.memory_space<vmem>>, vector<1x16xf32>,
    %max3A_1878 = arith.maxsi %squeeze3A_33, %multiple_of3A_9 : i32
    %min3A_1879 = arith.minsi %squeeze3A_35, %add3A_51 : i32
    %add3A_1880 = arith.constant 15 : i32
    %add3A_1881 = arith.addi %max3A_1878, %add3A_1880 : i32
    %shift_right_logical3A_1882 = arith.constant 4 : i32
    %shift_right_logical3A_1883 = arith.shrui %add3A_1881, %shift_right_logical3A_1882 : i32
    %shift_right_logical3A_1884 = arith.constant 4 : i32
    %shift_right_logical3A_1885 = arith.shrui %min3A_1879, %shift_right_logical3A_1884 : i32
    %max3A_1886 = arith.maxsi %shift_right_logical3A_1883, %shift_right_logical3A_1885 : i32
    %sub3A_1887 = arith.constant 1 : i32
    %sub3A_1888 = arith.subi %add3A_51, %sub3A_1887 : i32
    %min3A_1889 = arith.minsi %max3A_1878, %sub3A_1888 : i32
    %and3A_1890 = arith.constant -16 : i32
    %and3A_1891 = arith.andi %min3A_1889, %and3A_1890 : i32
    %add3A_1892 = vector.broadcast %and3A_1891 : i32 to vector<16xi32>
    %add3A_1893 = arith.addi %add3A_1892, %iota3A : vector<16xi32>
    %ge3A_1894 = vector.broadcast %max3A_1878 : i32 to vector<16xi32>
    %ge3A_1895 = arith.cmpi sge, %add3A_1893, %ge3A_1894 : vector<16xi32>
    %mul3A_1896 = arith.constant 16 : i32
    %mul3A_1897 = arith.muli %shift_right_logical3A_1883, %mul3A_1896 : i32
    %min3A_1898 = arith.minsi %min3A_1879, %mul3A_1897 : i32
    %lt3A_1899 = vector.broadcast %min3A_1898 : i32 to vector<16xi32>
    %lt3A_1900 = arith.cmpi slt, %add3A_1893, %lt3A_1899 : vector<16xi32>
    %and3A_1901 = arith.andi %ge3A_1895, %lt3A_1900 : vector<16xi1>
    %sub3A_1902 = arith.subi %and3A_1891, %multiple_of3A_9 : i32
    %multiple_of3A_1903 = tpu.assume_multiple %sub3A_1902, 16 : i32
    %get3A_1904 = arith.constant 0 : i32
    %get3A_1905 = arith.index_cast %get3A_1904 : i32 to index
    %get3A_1906 = arith.index_cast %multiple_of3A_1903 : i32 to index
    %get3A_1907 = tpu.vector_load %arg5[%get3A_1905, %get3A_1906] {strides = array<i32>} : memref<8x4096xf32, #tpu.memory_space<vmem>>, vector<1x16xf32>,
    %get3A_1908 = vector.shape_cast %get3A_1907 : vector<1x16xf32> to vector<16xf32>
    %select_n3A_1909 = arith.select %and3A_1901, %get3A_1908, %broadcast_in_dim3A_48 : vector<16xi1>, vector<16xf32>
    %get3A_1910 = arith.constant 1 : i32
    %get3A_1911 = arith.index_cast %get3A_1910 : i32 to index
    %get3A_1912 = arith.index_cast %multiple_of3A_1903 : i32 to index
    %get3A_1913 = tpu.vector_load %arg5[%get3A_1911, %get3A_1912] {strides = array<i32>} : memref<8x4096xf32, #tpu.memory_space<vmem>>, vector<1x16xf32>,
    %get3A_1914 = vector.shape_cast %get3A_1913 : vector<1x16xf32> to vector<16xf32>
    %select_n3A_1915 = arith.select %and3A_1901, %get3A_1914, %broadcast_in_dim3A_48 : vector<16xi1>, vector<16xf32>
    %get3A_1916 = arith.constant 2 : i32
    %get3A_1917 = arith.index_cast %get3A_1916 : i32 to index
    %get3A_1918 = arith.index_cast %multiple_of3A_1903 : i32 to index
    %get3A_1919 = tpu.vector_load %arg5[%get3A_1917, %get3A_1918] {strides = array<i32>} : memref<8x4096xf32, #tpu.memory_space<vmem>>, vector<1x16xf32>,
    %get3A_1920 = vector.shape_cast %get3A_1919 : vector<1x16xf32> to vector<16xf32>
    %select_n3A_1921 = arith.select %and3A_1901, %get3A_1920, %broadcast_in_dim3A_48 : vector<16xi1>, vector<16xf32>
    %get3A_1922 = arith.constant 3 : i32
    %get3A_1923 = arith.index_cast %get3A_1922 : i32 to index
    %get3A_1924 = arith.index_cast %multiple_of3A_1903 : i32 to index
    %get3A_1925 = tpu.vector_load %arg5[%get3A_1923, %get3A_1924] {strides = array<i32>} : memref<8x4096xf32, #tpu.memory_space<vmem>>, vector<1x16xf32>,
    %get3A_1926 = vector.shape_cast %get3A_1925 : vector<1x16xf32> to vector<16xf32>
    %select_n3A_1927 = arith.select %and3A_1901, %get3A_1926, %broadcast_in_dim3A_48 : vector<16xi1>, vector<16xf32>
    %get3A_1928 = arith.constant 4 : i32
    %get3A_1929 = arith.index_cast %get3A_1928 : i32 to index
    %get3A_1930 = arith.index_cast %multiple_of3A_1903 : i32 to index
    %get3A_1931 = tpu.vector_load %arg5[%get3A_1929, %get3A_1930] {strides = array<i32>} : memref<8x4096xf32, #tpu.memory_space<vmem>>, vector<1x16xf32>,
    %get3A_1932 = vector.shape_cast %get3A_1931 : vector<1x16xf32> to vector<16xf32>
    %select_n3A_1933 = arith.select %and3A_1901, %get3A_1932, %broadcast_in_dim3A_48 : vector<16xi1>, vector<16xf32>
    %get3A_1934 = arith.constant 5 : i32
    %get3A_1935 = arith.index_cast %get3A_1934 : i32 to index
    %get3A_1936 = arith.index_cast %multiple_of3A_1903 : i32 to index
    %get3A_1937 = tpu.vector_load %arg5[%get3A_1935, %get3A_1936] {strides = array<i32>} : memref<8x4096xf32, #tpu.memory_space<vmem>>, vector<1x16xf32>,
    %get3A_1938 = vector.shape_cast %get3A_1937 : vector<1x16xf32> to vector<16xf32>
    %select_n3A_1939 = arith.select %and3A_1901, %get3A_1938, %broadcast_in_dim3A_48 : vector<16xi1>, vector<16xf32>
    %get3A_1940 = arith.constant 6 : i32
    %get3A_1941 = arith.index_cast %get3A_1940 : i32 to index
    %get3A_1942 = arith.index_cast %multiple_of3A_1903 : i32 to index
    %get3A_1943 = tpu.vector_load %arg5[%get3A_1941, %get3A_1942] {strides = array<i32>} : memref<8x4096xf32, #tpu.memory_space<vmem>>, vector<1x16xf32>,
    %get3A_1944 = vector.shape_cast %get3A_1943 : vector<1x16xf32> to vector<16xf32>
    %select_n3A_1945 = arith.select %and3A_1901, %get3A_1944, %broadcast_in_dim3A_48 : vector<16xi1>, vector<16xf32>
    %get3A_1946 = arith.constant 7 : i32
    %get3A_1947 = arith.index_cast %get3A_1946 : i32 to index
    %get3A_1948 = arith.index_cast %multiple_of3A_1903 : i32 to index
    %get3A_1949 = tpu.vector_load %arg5[%get3A_1947, %get3A_1948] {strides = array<i32>} : memref<8x4096xf32, #tpu.memory_space<vmem>>, vector<1x16xf32>,
    %get3A_1950 = vector.shape_cast %get3A_1949 : vector<1x16xf32> to vector<16xf32>
    %select_n3A_1951 = arith.select %and3A_1901, %get3A_1950, %broadcast_in_dim3A_48 : vector<16xi1>, vector<16xf32>
    %mul3A_1952 = arith.constant 16 : i32
    %mul3A_1953 = arith.muli %shift_right_logical3A_1883, %mul3A_1952 : i32
    %sub3A_1954 = arith.subi %mul3A_1953, %multiple_of3A_9 : i32
    %mul3A_1955 = arith.constant 16 : i32
    %mul3A_1956 = arith.muli %max3A_1886, %mul3A_1955 : i32
    %sub3A_1957 = arith.subi %mul3A_1956, %multiple_of3A_9 : i32
    %parallel_loop3A_1958 = arith.constant 16 : i32
    %parallel_loop3A_1959:8 = scf.for %parallel_loop3A_3309 = %sub3A_1954 to %sub3A_1957 step %parallel_loop3A_1958 iter_args(%parallel_loop3A_3310 = %select_n3A_1909, %parallel_loop3A_3311 = %select_n3A_1915, %parallel_loop3A_3312 = %select_n3A_1921, %parallel_loop3A_3313 = %select_n3A_1927, %parallel_loop3A_3314 = %select_n3A_1933, %parallel_loop3A_3315 = %select_n3A_1939, %parallel_loop3A_3316 = %select_n3A_1945, %parallel_loop3A_3317 = %select_n3A_1951) -> (vector<16xf32>, vector<16xf32>, vector<16xf32>, vector<16xf32>, vector<16xf32>, vector<16xf32>, vector<16xf32>, vector<16xf32>)  : i32 {
      %parallel_loop3A_3318 = tpu.assume_multiple %parallel_loop3A_3309, 16 : i32
      %parallel_loop3A_3319 = arith.constant 0 : i32
      %parallel_loop3A_3320 = arith.index_cast %parallel_loop3A_3319 : i32 to index
      %parallel_loop3A_3321 = arith.index_cast %parallel_loop3A_3318 : i32 to index
      %parallel_loop3A_3322 = tpu.vector_load %arg5[%parallel_loop3A_3320, %parallel_loop3A_3321] {strides = array<i32>} : memref<8x4096xf32, #tpu.memory_space<vmem>>, vector<1x16xf32>,
      %parallel_loop3A_3323 = vector.shape_cast %parallel_loop3A_3322 : vector<1x16xf32> to vector<16xf32>
      %parallel_loop3A_3324 = arith.addf %parallel_loop3A_3310, %parallel_loop3A_3323 : vector<16xf32>
      %parallel_loop3A_3325 = arith.constant 1 : i32
      %parallel_loop3A_3326 = arith.index_cast %parallel_loop3A_3325 : i32 to index
      %parallel_loop3A_3327 = arith.index_cast %parallel_loop3A_3318 : i32 to index
      %parallel_loop3A_3328 = tpu.vector_load %arg5[%parallel_loop3A_3326, %parallel_loop3A_3327] {strides = array<i32>} : memref<8x4096xf32, #tpu.memory_space<vmem>>, vector<1x16xf32>,
      %parallel_loop3A_3329 = vector.shape_cast %parallel_loop3A_3328 : vector<1x16xf32> to vector<16xf32>
      %parallel_loop3A_3330 = arith.addf %parallel_loop3A_3311, %parallel_loop3A_3329 : vector<16xf32>
      %parallel_loop3A_3331 = arith.constant 2 : i32
      %parallel_loop3A_3332 = arith.index_cast %parallel_loop3A_3331 : i32 to index
      %parallel_loop3A_3333 = arith.index_cast %parallel_loop3A_3318 : i32 to index
      %parallel_loop3A_3334 = tpu.vector_load %arg5[%parallel_loop3A_3332, %parallel_loop3A_3333] {strides = array<i32>} : memref<8x4096xf32, #tpu.memory_space<vmem>>, vector<1x16xf32>,
      %parallel_loop3A_3335 = vector.shape_cast %parallel_loop3A_3334 : vector<1x16xf32> to vector<16xf32>
      %parallel_loop3A_3336 = arith.addf %parallel_loop3A_3312, %parallel_loop3A_3335 : vector<16xf32>
      %parallel_loop3A_3337 = arith.constant 3 : i32
      %parallel_loop3A_3338 = arith.index_cast %parallel_loop3A_3337 : i32 to index
      %parallel_loop3A_3339 = arith.index_cast %parallel_loop3A_3318 : i32 to index
      %parallel_loop3A_3340 = tpu.vector_load %arg5[%parallel_loop3A_3338, %parallel_loop3A_3339] {strides = array<i32>} : memref<8x4096xf32, #tpu.memory_space<vmem>>, vector<1x16xf32>,
      %parallel_loop3A_3341 = vector.shape_cast %parallel_loop3A_3340 : vector<1x16xf32> to vector<16xf32>
      %parallel_loop3A_3342 = arith.addf %parallel_loop3A_3313, %parallel_loop3A_3341 : vector<16xf32>
      %parallel_loop3A_3343 = arith.constant 4 : i32
      %parallel_loop3A_3344 = arith.index_cast %parallel_loop3A_3343 : i32 to index
      %parallel_loop3A_3345 = arith.index_cast %parallel_loop3A_3318 : i32 to index
      %parallel_loop3A_3346 = tpu.vector_load %arg5[%parallel_loop3A_3344, %parallel_loop3A_3345] {strides = array<i32>} : memref<8x4096xf32, #tpu.memory_space<vmem>>, vector<1x16xf32>,
      %parallel_loop3A_3347 = vector.shape_cast %parallel_loop3A_3346 : vector<1x16xf32> to vector<16xf32>
      %parallel_loop3A_3348 = arith.addf %parallel_loop3A_3314, %parallel_loop3A_3347 : vector<16xf32>
      %parallel_loop3A_3349 = arith.constant 5 : i32
      %parallel_loop3A_3350 = arith.index_cast %parallel_loop3A_3349 : i32 to index
      %parallel_loop3A_3351 = arith.index_cast %parallel_loop3A_3318 : i32 to index
      %parallel_loop3A_3352 = tpu.vector_load %arg5[%parallel_loop3A_3350, %parallel_loop3A_3351] {strides = array<i32>} : memref<8x4096xf32, #tpu.memory_space<vmem>>, vector<1x16xf32>,
      %parallel_loop3A_3353 = vector.shape_cast %parallel_loop3A_3352 : vector<1x16xf32> to vector<16xf32>
      %parallel_loop3A_3354 = arith.addf %parallel_loop3A_3315, %parallel_loop3A_3353 : vector<16xf32>
      %parallel_loop3A_3355 = arith.constant 6 : i32
      %parallel_loop3A_3356 = arith.index_cast %parallel_loop3A_3355 : i32 to index
      %parallel_loop3A_3357 = arith.index_cast %parallel_loop3A_3318 : i32 to index
      %parallel_loop3A_3358 = tpu.vector_load %arg5[%parallel_loop3A_3356, %parallel_loop3A_3357] {strides = array<i32>} : memref<8x4096xf32, #tpu.memory_space<vmem>>, vector<1x16xf32>,
      %parallel_loop3A_3359 = vector.shape_cast %parallel_loop3A_3358 : vector<1x16xf32> to vector<16xf32>
      %parallel_loop3A_3360 = arith.addf %parallel_loop3A_3316, %parallel_loop3A_3359 : vector<16xf32>
      %parallel_loop3A_3361 = arith.constant 7 : i32
      %parallel_loop3A_3362 = arith.index_cast %parallel_loop3A_3361 : i32 to index
      %parallel_loop3A_3363 = arith.index_cast %parallel_loop3A_3318 : i32 to index
      %parallel_loop3A_3364 = tpu.vector_load %arg5[%parallel_loop3A_3362, %parallel_loop3A_3363] {strides = array<i32>} : memref<8x4096xf32, #tpu.memory_space<vmem>>, vector<1x16xf32>,
      %parallel_loop3A_3365 = vector.shape_cast %parallel_loop3A_3364 : vector<1x16xf32> to vector<16xf32>
      %parallel_loop3A_3366 = arith.addf %parallel_loop3A_3317, %parallel_loop3A_3365 : vector<16xf32>
      scf.yield %parallel_loop3A_3324, %parallel_loop3A_3330, %parallel_loop3A_3336, %parallel_loop3A_3342, %parallel_loop3A_3348, %parallel_loop3A_3354, %parallel_loop3A_3360, %parallel_loop3A_3366 : vector<16xf32>, vector<16xf32>, vector<16xf32>, vector<16xf32>, vector<16xf32>, vector<16xf32>, vector<16xf32>, vector<16xf32>
    } {sc.loop_unroll_factor = 1 : i64, sc.parallel_access}
    %and3A_1960 = arith.constant -16 : i32
    %and3A_1961 = arith.andi %min3A_1879, %and3A_1960 : i32
    %max3A_1962 = arith.maxsi %and3A_1961, %multiple_of3A_9 : i32
    %sub3A_1963 = arith.constant 16 : i32
    %sub3A_1964 = arith.subi %add3A_51, %sub3A_1963 : i32
    %min3A_1965 = arith.minsi %max3A_1962, %sub3A_1964 : i32
    %add3A_1966 = vector.broadcast %min3A_1965 : i32 to vector<16xi32>
    %add3A_1967 = arith.addi %add3A_1966, %iota3A : vector<16xi32>
    %mul3A_1968 = arith.constant 16 : i32
    %mul3A_1969 = arith.muli %shift_right_logical3A_1883, %mul3A_1968 : i32
    %max3A_1970 = arith.maxsi %mul3A_1969, %and3A_1961 : i32
    %ge3A_1971 = vector.broadcast %max3A_1970 : i32 to vector<16xi32>
    %ge3A_1972 = arith.cmpi sge, %add3A_1967, %ge3A_1971 : vector<16xi32>
    %lt3A_1973 = vector.broadcast %min3A_1879 : i32 to vector<16xi32>
    %lt3A_1974 = arith.cmpi slt, %add3A_1967, %lt3A_1973 : vector<16xi32>
    %and3A_1975 = arith.andi %ge3A_1972, %lt3A_1974 : vector<16xi1>
    %sub3A_1976 = arith.subi %min3A_1965, %multiple_of3A_9 : i32
    %multiple_of3A_1977 = tpu.assume_multiple %sub3A_1976, 16 : i32
    %get3A_1978 = arith.constant 0 : i32
    %get3A_1979 = arith.index_cast %get3A_1978 : i32 to index
    %get3A_1980 = arith.index_cast %multiple_of3A_1977 : i32 to index
    %get3A_1981 = tpu.vector_load %arg5[%get3A_1979, %get3A_1980] {strides = array<i32>} : memref<8x4096xf32, #tpu.memory_space<vmem>>, vector<1x16xf32>,
    %get3A_1982 = vector.shape_cast %get3A_1981 : vector<1x16xf32> to vector<16xf32>
    %select_n3A_1983 = arith.select %and3A_1975, %get3A_1982, %broadcast_in_dim3A_48 : vector<16xi1>, vector<16xf32>
    %add3A_1984 = arith.addf %parallel_loop3A_1959#0, %select_n3A_1983 : vector<16xf32>
    %swap3A_1985 = arith.constant 0 : i32
    %swap3A_1986 = arith.index_cast %swap3A_1985 : i32 to index
    %swap3A_1987 = arith.constant 144 : index
    %swap3A_1988 = tpu.vector_load %arg7[%swap3A_1986, %swap3A_1987] {strides = array<i32>} : memref<8x256xf32, #tpu.memory_space<vmem>>, vector<1x16xf32>,
    %swap3A_1989 = vector.shape_cast %swap3A_1988 : vector<1x16xf32> to vector<16xf32>
    %swap3A_1990 = vector.shape_cast %add3A_1984 : vector<16xf32> to vector<1x16xf32>
    tpu.vector_store %arg7[%swap3A_1986, %swap3A_1987], %swap3A_1990 {strides = array<i32>} : memref<8x256xf32, #tpu.memory_space<vmem>>, vector<1x16xf32>,
    %get3A_1991 = arith.constant 1 : i32
    %get3A_1992 = arith.index_cast %get3A_1991 : i32 to index
    %get3A_1993 = arith.index_cast %multiple_of3A_1977 : i32 to index
    %get3A_1994 = tpu.vector_load %arg5[%get3A_1992, %get3A_1993] {strides = array<i32>} : memref<8x4096xf32, #tpu.memory_space<vmem>>, vector<1x16xf32>,
    %get3A_1995 = vector.shape_cast %get3A_1994 : vector<1x16xf32> to vector<16xf32>
    %select_n3A_1996 = arith.select %and3A_1975, %get3A_1995, %broadcast_in_dim3A_48 : vector<16xi1>, vector<16xf32>
    %add3A_1997 = arith.addf %parallel_loop3A_1959#1, %select_n3A_1996 : vector<16xf32>
    %swap3A_1998 = arith.constant 1 : i32
    %swap3A_1999 = arith.index_cast %swap3A_1998 : i32 to index
    %swap3A_2000 = arith.constant 144 : index
    %swap3A_2001 = tpu.vector_load %arg7[%swap3A_1999, %swap3A_2000] {strides = array<i32>} : memref<8x256xf32, #tpu.memory_space<vmem>>, vector<1x16xf32>,
    %swap3A_2002 = vector.shape_cast %swap3A_2001 : vector<1x16xf32> to vector<16xf32>
    %swap3A_2003 = vector.shape_cast %add3A_1997 : vector<16xf32> to vector<1x16xf32>
    tpu.vector_store %arg7[%swap3A_1999, %swap3A_2000], %swap3A_2003 {strides = array<i32>} : memref<8x256xf32, #tpu.memory_space<vmem>>, vector<1x16xf32>,
    %get3A_2004 = arith.constant 2 : i32
    %get3A_2005 = arith.index_cast %get3A_2004 : i32 to index
    %get3A_2006 = arith.index_cast %multiple_of3A_1977 : i32 to index
    %get3A_2007 = tpu.vector_load %arg5[%get3A_2005, %get3A_2006] {strides = array<i32>} : memref<8x4096xf32, #tpu.memory_space<vmem>>, vector<1x16xf32>,
    %get3A_2008 = vector.shape_cast %get3A_2007 : vector<1x16xf32> to vector<16xf32>
    %select_n3A_2009 = arith.select %and3A_1975, %get3A_2008, %broadcast_in_dim3A_48 : vector<16xi1>, vector<16xf32>
    %add3A_2010 = arith.addf %parallel_loop3A_1959#2, %select_n3A_2009 : vector<16xf32>
    %swap3A_2011 = arith.constant 2 : i32
    %swap3A_2012 = arith.index_cast %swap3A_2011 : i32 to index
    %swap3A_2013 = arith.constant 144 : index
    %swap3A_2014 = tpu.vector_load %arg7[%swap3A_2012, %swap3A_2013] {strides = array<i32>} : memref<8x256xf32, #tpu.memory_space<vmem>>, vector<1x16xf32>,
    %swap3A_2015 = vector.shape_cast %swap3A_2014 : vector<1x16xf32> to vector<16xf32>
    %swap3A_2016 = vector.shape_cast %add3A_2010 : vector<16xf32> to vector<1x16xf32>
    tpu.vector_store %arg7[%swap3A_2012, %swap3A_2013], %swap3A_2016 {strides = array<i32>} : memref<8x256xf32, #tpu.memory_space<vmem>>, vector<1x16xf32>,
    %get3A_2017 = arith.constant 3 : i32
    %get3A_2018 = arith.index_cast %get3A_2017 : i32 to index
    %get3A_2019 = arith.index_cast %multiple_of3A_1977 : i32 to index
    %get3A_2020 = tpu.vector_load %arg5[%get3A_2018, %get3A_2019] {strides = array<i32>} : memref<8x4096xf32, #tpu.memory_space<vmem>>, vector<1x16xf32>,
    %get3A_2021 = vector.shape_cast %get3A_2020 : vector<1x16xf32> to vector<16xf32>
    %select_n3A_2022 = arith.select %and3A_1975, %get3A_2021, %broadcast_in_dim3A_48 : vector<16xi1>, vector<16xf32>
    %add3A_2023 = arith.addf %parallel_loop3A_1959#3, %select_n3A_2022 : vector<16xf32>
    %swap3A_2024 = arith.constant 3 : i32
    %swap3A_2025 = arith.index_cast %swap3A_2024 : i32 to index
    %swap3A_2026 = arith.constant 144 : index
    %swap3A_2027 = tpu.vector_load %arg7[%swap3A_2025, %swap3A_2026] {strides = array<i32>} : memref<8x256xf32, #tpu.memory_space<vmem>>, vector<1x16xf32>,
    %swap3A_2028 = vector.shape_cast %swap3A_2027 : vector<1x16xf32> to vector<16xf32>
    %swap3A_2029 = vector.shape_cast %add3A_2023 : vector<16xf32> to vector<1x16xf32>
    tpu.vector_store %arg7[%swap3A_2025, %swap3A_2026], %swap3A_2029 {strides = array<i32>} : memref<8x256xf32, #tpu.memory_space<vmem>>, vector<1x16xf32>,
    %get3A_2030 = arith.constant 4 : i32
    %get3A_2031 = arith.index_cast %get3A_2030 : i32 to index
    %get3A_2032 = arith.index_cast %multiple_of3A_1977 : i32 to index
    %get3A_2033 = tpu.vector_load %arg5[%get3A_2031, %get3A_2032] {strides = array<i32>} : memref<8x4096xf32, #tpu.memory_space<vmem>>, vector<1x16xf32>,
    %get3A_2034 = vector.shape_cast %get3A_2033 : vector<1x16xf32> to vector<16xf32>
    %select_n3A_2035 = arith.select %and3A_1975, %get3A_2034, %broadcast_in_dim3A_48 : vector<16xi1>, vector<16xf32>
    %add3A_2036 = arith.addf %parallel_loop3A_1959#4, %select_n3A_2035 : vector<16xf32>
    %swap3A_2037 = arith.constant 4 : i32
    %swap3A_2038 = arith.index_cast %swap3A_2037 : i32 to index
    %swap3A_2039 = arith.constant 144 : index
    %swap3A_2040 = tpu.vector_load %arg7[%swap3A_2038, %swap3A_2039] {strides = array<i32>} : memref<8x256xf32, #tpu.memory_space<vmem>>, vector<1x16xf32>,
    %swap3A_2041 = vector.shape_cast %swap3A_2040 : vector<1x16xf32> to vector<16xf32>
    %swap3A_2042 = vector.shape_cast %add3A_2036 : vector<16xf32> to vector<1x16xf32>
    tpu.vector_store %arg7[%swap3A_2038, %swap3A_2039], %swap3A_2042 {strides = array<i32>} : memref<8x256xf32, #tpu.memory_space<vmem>>, vector<1x16xf32>,
    %get3A_2043 = arith.constant 5 : i32
    %get3A_2044 = arith.index_cast %get3A_2043 : i32 to index
    %get3A_2045 = arith.index_cast %multiple_of3A_1977 : i32 to index
    %get3A_2046 = tpu.vector_load %arg5[%get3A_2044, %get3A_2045] {strides = array<i32>} : memref<8x4096xf32, #tpu.memory_space<vmem>>, vector<1x16xf32>,
    %get3A_2047 = vector.shape_cast %get3A_2046 : vector<1x16xf32> to vector<16xf32>
    %select_n3A_2048 = arith.select %and3A_1975, %get3A_2047, %broadcast_in_dim3A_48 : vector<16xi1>, vector<16xf32>
    %add3A_2049 = arith.addf %parallel_loop3A_1959#5, %select_n3A_2048 : vector<16xf32>
    %swap3A_2050 = arith.constant 5 : i32
    %swap3A_2051 = arith.index_cast %swap3A_2050 : i32 to index
    %swap3A_2052 = arith.constant 144 : index
    %swap3A_2053 = tpu.vector_load %arg7[%swap3A_2051, %swap3A_2052] {strides = array<i32>} : memref<8x256xf32, #tpu.memory_space<vmem>>, vector<1x16xf32>,
    %swap3A_2054 = vector.shape_cast %swap3A_2053 : vector<1x16xf32> to vector<16xf32>
    %swap3A_2055 = vector.shape_cast %add3A_2049 : vector<16xf32> to vector<1x16xf32>
    tpu.vector_store %arg7[%swap3A_2051, %swap3A_2052], %swap3A_2055 {strides = array<i32>} : memref<8x256xf32, #tpu.memory_space<vmem>>, vector<1x16xf32>,
    %get3A_2056 = arith.constant 6 : i32
    %get3A_2057 = arith.index_cast %get3A_2056 : i32 to index
    %get3A_2058 = arith.index_cast %multiple_of3A_1977 : i32 to index
    %get3A_2059 = tpu.vector_load %arg5[%get3A_2057, %get3A_2058] {strides = array<i32>} : memref<8x4096xf32, #tpu.memory_space<vmem>>, vector<1x16xf32>,
    %get3A_2060 = vector.shape_cast %get3A_2059 : vector<1x16xf32> to vector<16xf32>
    %select_n3A_2061 = arith.select %and3A_1975, %get3A_2060, %broadcast_in_dim3A_48 : vector<16xi1>, vector<16xf32>
    %add3A_2062 = arith.addf %parallel_loop3A_1959#6, %select_n3A_2061 : vector<16xf32>
    %swap3A_2063 = arith.constant 6 : i32
    %swap3A_2064 = arith.index_cast %swap3A_2063 : i32 to index
    %swap3A_2065 = arith.constant 144 : index
    %swap3A_2066 = tpu.vector_load %arg7[%swap3A_2064, %swap3A_2065] {strides = array<i32>} : memref<8x256xf32, #tpu.memory_space<vmem>>, vector<1x16xf32>,
    %swap3A_2067 = vector.shape_cast %swap3A_2066 : vector<1x16xf32> to vector<16xf32>
    %swap3A_2068 = vector.shape_cast %add3A_2062 : vector<16xf32> to vector<1x16xf32>
    tpu.vector_store %arg7[%swap3A_2064, %swap3A_2065], %swap3A_2068 {strides = array<i32>} : memref<8x256xf32, #tpu.memory_space<vmem>>, vector<1x16xf32>,
    %get3A_2069 = arith.constant 7 : i32
    %get3A_2070 = arith.index_cast %get3A_2069 : i32 to index
    %get3A_2071 = arith.index_cast %multiple_of3A_1977 : i32 to index
    %get3A_2072 = tpu.vector_load %arg5[%get3A_2070, %get3A_2071] {strides = array<i32>} : memref<8x4096xf32, #tpu.memory_space<vmem>>, vector<1x16xf32>,
    %get3A_2073 = vector.shape_cast %get3A_2072 : vector<1x16xf32> to vector<16xf32>
    %select_n3A_2074 = arith.select %and3A_1975, %get3A_2073, %broadcast_in_dim3A_48 : vector<16xi1>, vector<16xf32>
    %add3A_2075 = arith.addf %parallel_loop3A_1959#7, %select_n3A_2074 : vector<16xf32>
    %swap3A_2076 = arith.constant 7 : i32
    %swap3A_2077 = arith.index_cast %swap3A_2076 : i32 to index
    %swap3A_2078 = arith.constant 144 : index
    %swap3A_2079 = tpu.vector_load %arg7[%swap3A_2077, %swap3A_2078] {strides = array<i32>} : memref<8x256xf32, #tpu.memory_space<vmem>>, vector<1x16xf32>,
    %swap3A_2080 = vector.shape_cast %swap3A_2079 : vector<1x16xf32> to vector<16xf32>
    %swap3A_2081 = vector.shape_cast %add3A_2075 : vector<16xf32> to vector<1x16xf32>
    tpu.vector_store %arg7[%swap3A_2077, %swap3A_2078], %swap3A_2081 {strides = array<i32>} : memref<8x256xf32, #tpu.memory_space<vmem>>, vector<1x16xf32>,
    %max3A_2082 = arith.maxsi %squeeze3A_35, %multiple_of3A_9 : i32
    %min3A_2083 = arith.minsi %squeeze3A_37, %add3A_51 : i32
    %add3A_2084 = arith.constant 15 : i32
    %add3A_2085 = arith.addi %max3A_2082, %add3A_2084 : i32
    %shift_right_logical3A_2086 = arith.constant 4 : i32
    %shift_right_logical3A_2087 = arith.shrui %add3A_2085, %shift_right_logical3A_2086 : i32
    %shift_right_logical3A_2088 = arith.constant 4 : i32
    %shift_right_logical3A_2089 = arith.shrui %min3A_2083, %shift_right_logical3A_2088 : i32
    %max3A_2090 = arith.maxsi %shift_right_logical3A_2087, %shift_right_logical3A_2089 : i32
    %sub3A_2091 = arith.constant 1 : i32
    %sub3A_2092 = arith.subi %add3A_51, %sub3A_2091 : i32
    %min3A_2093 = arith.minsi %max3A_2082, %sub3A_2092 : i32
    %and3A_2094 = arith.constant -16 : i32
    %and3A_2095 = arith.andi %min3A_2093, %and3A_2094 : i32
    %add3A_2096 = vector.broadcast %and3A_2095 : i32 to vector<16xi32>
    %add3A_2097 = arith.addi %add3A_2096, %iota3A : vector<16xi32>
    %ge3A_2098 = vector.broadcast %max3A_2082 : i32 to vector<16xi32>
    %ge3A_2099 = arith.cmpi sge, %add3A_2097, %ge3A_2098 : vector<16xi32>
    %mul3A_2100 = arith.constant 16 : i32
    %mul3A_2101 = arith.muli %shift_right_logical3A_2087, %mul3A_2100 : i32
    %min3A_2102 = arith.minsi %min3A_2083, %mul3A_2101 : i32
    %lt3A_2103 = vector.broadcast %min3A_2102 : i32 to vector<16xi32>
    %lt3A_2104 = arith.cmpi slt, %add3A_2097, %lt3A_2103 : vector<16xi32>
    %and3A_2105 = arith.andi %ge3A_2099, %lt3A_2104 : vector<16xi1>
    %sub3A_2106 = arith.subi %and3A_2095, %multiple_of3A_9 : i32
    %multiple_of3A_2107 = tpu.assume_multiple %sub3A_2106, 16 : i32
    %get3A_2108 = arith.constant 0 : i32
    %get3A_2109 = arith.index_cast %get3A_2108 : i32 to index
    %get3A_2110 = arith.index_cast %multiple_of3A_2107 : i32 to index
    %get3A_2111 = tpu.vector_load %arg5[%get3A_2109, %get3A_2110] {strides = array<i32>} : memref<8x4096xf32, #tpu.memory_space<vmem>>, vector<1x16xf32>,
    %get3A_2112 = vector.shape_cast %get3A_2111 : vector<1x16xf32> to vector<16xf32>
    %select_n3A_2113 = arith.select %and3A_2105, %get3A_2112, %broadcast_in_dim3A_48 : vector<16xi1>, vector<16xf32>
    %get3A_2114 = arith.constant 1 : i32
    %get3A_2115 = arith.index_cast %get3A_2114 : i32 to index
    %get3A_2116 = arith.index_cast %multiple_of3A_2107 : i32 to index
    %get3A_2117 = tpu.vector_load %arg5[%get3A_2115, %get3A_2116] {strides = array<i32>} : memref<8x4096xf32, #tpu.memory_space<vmem>>, vector<1x16xf32>,
    %get3A_2118 = vector.shape_cast %get3A_2117 : vector<1x16xf32> to vector<16xf32>
    %select_n3A_2119 = arith.select %and3A_2105, %get3A_2118, %broadcast_in_dim3A_48 : vector<16xi1>, vector<16xf32>
    %get3A_2120 = arith.constant 2 : i32
    %get3A_2121 = arith.index_cast %get3A_2120 : i32 to index
    %get3A_2122 = arith.index_cast %multiple_of3A_2107 : i32 to index
    %get3A_2123 = tpu.vector_load %arg5[%get3A_2121, %get3A_2122] {strides = array<i32>} : memref<8x4096xf32, #tpu.memory_space<vmem>>, vector<1x16xf32>,
    %get3A_2124 = vector.shape_cast %get3A_2123 : vector<1x16xf32> to vector<16xf32>
    %select_n3A_2125 = arith.select %and3A_2105, %get3A_2124, %broadcast_in_dim3A_48 : vector<16xi1>, vector<16xf32>
    %get3A_2126 = arith.constant 3 : i32
    %get3A_2127 = arith.index_cast %get3A_2126 : i32 to index
    %get3A_2128 = arith.index_cast %multiple_of3A_2107 : i32 to index
    %get3A_2129 = tpu.vector_load %arg5[%get3A_2127, %get3A_2128] {strides = array<i32>} : memref<8x4096xf32, #tpu.memory_space<vmem>>, vector<1x16xf32>,
    %get3A_2130 = vector.shape_cast %get3A_2129 : vector<1x16xf32> to vector<16xf32>
    %select_n3A_2131 = arith.select %and3A_2105, %get3A_2130, %broadcast_in_dim3A_48 : vector<16xi1>, vector<16xf32>
    %get3A_2132 = arith.constant 4 : i32
    %get3A_2133 = arith.index_cast %get3A_2132 : i32 to index
    %get3A_2134 = arith.index_cast %multiple_of3A_2107 : i32 to index
    %get3A_2135 = tpu.vector_load %arg5[%get3A_2133, %get3A_2134] {strides = array<i32>} : memref<8x4096xf32, #tpu.memory_space<vmem>>, vector<1x16xf32>,
    %get3A_2136 = vector.shape_cast %get3A_2135 : vector<1x16xf32> to vector<16xf32>
    %select_n3A_2137 = arith.select %and3A_2105, %get3A_2136, %broadcast_in_dim3A_48 : vector<16xi1>, vector<16xf32>
    %get3A_2138 = arith.constant 5 : i32
    %get3A_2139 = arith.index_cast %get3A_2138 : i32 to index
    %get3A_2140 = arith.index_cast %multiple_of3A_2107 : i32 to index
    %get3A_2141 = tpu.vector_load %arg5[%get3A_2139, %get3A_2140] {strides = array<i32>} : memref<8x4096xf32, #tpu.memory_space<vmem>>, vector<1x16xf32>,
    %get3A_2142 = vector.shape_cast %get3A_2141 : vector<1x16xf32> to vector<16xf32>
    %select_n3A_2143 = arith.select %and3A_2105, %get3A_2142, %broadcast_in_dim3A_48 : vector<16xi1>, vector<16xf32>
    %get3A_2144 = arith.constant 6 : i32
    %get3A_2145 = arith.index_cast %get3A_2144 : i32 to index
    %get3A_2146 = arith.index_cast %multiple_of3A_2107 : i32 to index
    %get3A_2147 = tpu.vector_load %arg5[%get3A_2145, %get3A_2146] {strides = array<i32>} : memref<8x4096xf32, #tpu.memory_space<vmem>>, vector<1x16xf32>,
    %get3A_2148 = vector.shape_cast %get3A_2147 : vector<1x16xf32> to vector<16xf32>
    %select_n3A_2149 = arith.select %and3A_2105, %get3A_2148, %broadcast_in_dim3A_48 : vector<16xi1>, vector<16xf32>
    %get3A_2150 = arith.constant 7 : i32
    %get3A_2151 = arith.index_cast %get3A_2150 : i32 to index
    %get3A_2152 = arith.index_cast %multiple_of3A_2107 : i32 to index
    %get3A_2153 = tpu.vector_load %arg5[%get3A_2151, %get3A_2152] {strides = array<i32>} : memref<8x4096xf32, #tpu.memory_space<vmem>>, vector<1x16xf32>,
    %get3A_2154 = vector.shape_cast %get3A_2153 : vector<1x16xf32> to vector<16xf32>
    %select_n3A_2155 = arith.select %and3A_2105, %get3A_2154, %broadcast_in_dim3A_48 : vector<16xi1>, vector<16xf32>
    %mul3A_2156 = arith.constant 16 : i32
    %mul3A_2157 = arith.muli %shift_right_logical3A_2087, %mul3A_2156 : i32
    %sub3A_2158 = arith.subi %mul3A_2157, %multiple_of3A_9 : i32
    %mul3A_2159 = arith.constant 16 : i32
    %mul3A_2160 = arith.muli %max3A_2090, %mul3A_2159 : i32
    %sub3A_2161 = arith.subi %mul3A_2160, %multiple_of3A_9 : i32
    %parallel_loop3A_2162 = arith.constant 16 : i32
    %parallel_loop3A_2163:8 = scf.for %parallel_loop3A_3309 = %sub3A_2158 to %sub3A_2161 step %parallel_loop3A_2162 iter_args(%parallel_loop3A_3310 = %select_n3A_2113, %parallel_loop3A_3311 = %select_n3A_2119, %parallel_loop3A_3312 = %select_n3A_2125, %parallel_loop3A_3313 = %select_n3A_2131, %parallel_loop3A_3314 = %select_n3A_2137, %parallel_loop3A_3315 = %select_n3A_2143, %parallel_loop3A_3316 = %select_n3A_2149, %parallel_loop3A_3317 = %select_n3A_2155) -> (vector<16xf32>, vector<16xf32>, vector<16xf32>, vector<16xf32>, vector<16xf32>, vector<16xf32>, vector<16xf32>, vector<16xf32>)  : i32 {
      %parallel_loop3A_3318 = tpu.assume_multiple %parallel_loop3A_3309, 16 : i32
      %parallel_loop3A_3319 = arith.constant 0 : i32
      %parallel_loop3A_3320 = arith.index_cast %parallel_loop3A_3319 : i32 to index
      %parallel_loop3A_3321 = arith.index_cast %parallel_loop3A_3318 : i32 to index
      %parallel_loop3A_3322 = tpu.vector_load %arg5[%parallel_loop3A_3320, %parallel_loop3A_3321] {strides = array<i32>} : memref<8x4096xf32, #tpu.memory_space<vmem>>, vector<1x16xf32>,
      %parallel_loop3A_3323 = vector.shape_cast %parallel_loop3A_3322 : vector<1x16xf32> to vector<16xf32>
      %parallel_loop3A_3324 = arith.addf %parallel_loop3A_3310, %parallel_loop3A_3323 : vector<16xf32>
      %parallel_loop3A_3325 = arith.constant 1 : i32
      %parallel_loop3A_3326 = arith.index_cast %parallel_loop3A_3325 : i32 to index
      %parallel_loop3A_3327 = arith.index_cast %parallel_loop3A_3318 : i32 to index
      %parallel_loop3A_3328 = tpu.vector_load %arg5[%parallel_loop3A_3326, %parallel_loop3A_3327] {strides = array<i32>} : memref<8x4096xf32, #tpu.memory_space<vmem>>, vector<1x16xf32>,
      %parallel_loop3A_3329 = vector.shape_cast %parallel_loop3A_3328 : vector<1x16xf32> to vector<16xf32>
      %parallel_loop3A_3330 = arith.addf %parallel_loop3A_3311, %parallel_loop3A_3329 : vector<16xf32>
      %parallel_loop3A_3331 = arith.constant 2 : i32
      %parallel_loop3A_3332 = arith.index_cast %parallel_loop3A_3331 : i32 to index
      %parallel_loop3A_3333 = arith.index_cast %parallel_loop3A_3318 : i32 to index
      %parallel_loop3A_3334 = tpu.vector_load %arg5[%parallel_loop3A_3332, %parallel_loop3A_3333] {strides = array<i32>} : memref<8x4096xf32, #tpu.memory_space<vmem>>, vector<1x16xf32>,
      %parallel_loop3A_3335 = vector.shape_cast %parallel_loop3A_3334 : vector<1x16xf32> to vector<16xf32>
      %parallel_loop3A_3336 = arith.addf %parallel_loop3A_3312, %parallel_loop3A_3335 : vector<16xf32>
      %parallel_loop3A_3337 = arith.constant 3 : i32
      %parallel_loop3A_3338 = arith.index_cast %parallel_loop3A_3337 : i32 to index
      %parallel_loop3A_3339 = arith.index_cast %parallel_loop3A_3318 : i32 to index
      %parallel_loop3A_3340 = tpu.vector_load %arg5[%parallel_loop3A_3338, %parallel_loop3A_3339] {strides = array<i32>} : memref<8x4096xf32, #tpu.memory_space<vmem>>, vector<1x16xf32>,
      %parallel_loop3A_3341 = vector.shape_cast %parallel_loop3A_3340 : vector<1x16xf32> to vector<16xf32>
      %parallel_loop3A_3342 = arith.addf %parallel_loop3A_3313, %parallel_loop3A_3341 : vector<16xf32>
      %parallel_loop3A_3343 = arith.constant 4 : i32
      %parallel_loop3A_3344 = arith.index_cast %parallel_loop3A_3343 : i32 to index
      %parallel_loop3A_3345 = arith.index_cast %parallel_loop3A_3318 : i32 to index
      %parallel_loop3A_3346 = tpu.vector_load %arg5[%parallel_loop3A_3344, %parallel_loop3A_3345] {strides = array<i32>} : memref<8x4096xf32, #tpu.memory_space<vmem>>, vector<1x16xf32>,
      %parallel_loop3A_3347 = vector.shape_cast %parallel_loop3A_3346 : vector<1x16xf32> to vector<16xf32>
      %parallel_loop3A_3348 = arith.addf %parallel_loop3A_3314, %parallel_loop3A_3347 : vector<16xf32>
      %parallel_loop3A_3349 = arith.constant 5 : i32
      %parallel_loop3A_3350 = arith.index_cast %parallel_loop3A_3349 : i32 to index
      %parallel_loop3A_3351 = arith.index_cast %parallel_loop3A_3318 : i32 to index
      %parallel_loop3A_3352 = tpu.vector_load %arg5[%parallel_loop3A_3350, %parallel_loop3A_3351] {strides = array<i32>} : memref<8x4096xf32, #tpu.memory_space<vmem>>, vector<1x16xf32>,
      %parallel_loop3A_3353 = vector.shape_cast %parallel_loop3A_3352 : vector<1x16xf32> to vector<16xf32>
      %parallel_loop3A_3354 = arith.addf %parallel_loop3A_3315, %parallel_loop3A_3353 : vector<16xf32>
      %parallel_loop3A_3355 = arith.constant 6 : i32
      %parallel_loop3A_3356 = arith.index_cast %parallel_loop3A_3355 : i32 to index
      %parallel_loop3A_3357 = arith.index_cast %parallel_loop3A_3318 : i32 to index
      %parallel_loop3A_3358 = tpu.vector_load %arg5[%parallel_loop3A_3356, %parallel_loop3A_3357] {strides = array<i32>} : memref<8x4096xf32, #tpu.memory_space<vmem>>, vector<1x16xf32>,
      %parallel_loop3A_3359 = vector.shape_cast %parallel_loop3A_3358 : vector<1x16xf32> to vector<16xf32>
      %parallel_loop3A_3360 = arith.addf %parallel_loop3A_3316, %parallel_loop3A_3359 : vector<16xf32>
      %parallel_loop3A_3361 = arith.constant 7 : i32
      %parallel_loop3A_3362 = arith.index_cast %parallel_loop3A_3361 : i32 to index
      %parallel_loop3A_3363 = arith.index_cast %parallel_loop3A_3318 : i32 to index
      %parallel_loop3A_3364 = tpu.vector_load %arg5[%parallel_loop3A_3362, %parallel_loop3A_3363] {strides = array<i32>} : memref<8x4096xf32, #tpu.memory_space<vmem>>, vector<1x16xf32>,
      %parallel_loop3A_3365 = vector.shape_cast %parallel_loop3A_3364 : vector<1x16xf32> to vector<16xf32>
      %parallel_loop3A_3366 = arith.addf %parallel_loop3A_3317, %parallel_loop3A_3365 : vector<16xf32>
      scf.yield %parallel_loop3A_3324, %parallel_loop3A_3330, %parallel_loop3A_3336, %parallel_loop3A_3342, %parallel_loop3A_3348, %parallel_loop3A_3354, %parallel_loop3A_3360, %parallel_loop3A_3366 : vector<16xf32>, vector<16xf32>, vector<16xf32>, vector<16xf32>, vector<16xf32>, vector<16xf32>, vector<16xf32>, vector<16xf32>
    } {sc.loop_unroll_factor = 1 : i64, sc.parallel_access}
    %and3A_2164 = arith.constant -16 : i32
    %and3A_2165 = arith.andi %min3A_2083, %and3A_2164 : i32
    %max3A_2166 = arith.maxsi %and3A_2165, %multiple_of3A_9 : i32
    %sub3A_2167 = arith.constant 16 : i32
    %sub3A_2168 = arith.subi %add3A_51, %sub3A_2167 : i32
    %min3A_2169 = arith.minsi %max3A_2166, %sub3A_2168 : i32
    %add3A_2170 = vector.broadcast %min3A_2169 : i32 to vector<16xi32>
    %add3A_2171 = arith.addi %add3A_2170, %iota3A : vector<16xi32>
    %mul3A_2172 = arith.constant 16 : i32
    %mul3A_2173 = arith.muli %shift_right_logical3A_2087, %mul3A_2172 : i32
    %max3A_2174 = arith.maxsi %mul3A_2173, %and3A_2165 : i32
    %ge3A_2175 = vector.broadcast %max3A_2174 : i32 to vector<16xi32>
    %ge3A_2176 = arith.cmpi sge, %add3A_2171, %ge3A_2175 : vector<16xi32>
    %lt3A_2177 = vector.broadcast %min3A_2083 : i32 to vector<16xi32>
    %lt3A_2178 = arith.cmpi slt, %add3A_2171, %lt3A_2177 : vector<16xi32>
    %and3A_2179 = arith.andi %ge3A_2176, %lt3A_2178 : vector<16xi1>
    %sub3A_2180 = arith.subi %min3A_2169, %multiple_of3A_9 : i32
    %multiple_of3A_2181 = tpu.assume_multiple %sub3A_2180, 16 : i32
    %get3A_2182 = arith.constant 0 : i32
    %get3A_2183 = arith.index_cast %get3A_2182 : i32 to index
    %get3A_2184 = arith.index_cast %multiple_of3A_2181 : i32 to index
    %get3A_2185 = tpu.vector_load %arg5[%get3A_2183, %get3A_2184] {strides = array<i32>} : memref<8x4096xf32, #tpu.memory_space<vmem>>, vector<1x16xf32>,
    %get3A_2186 = vector.shape_cast %get3A_2185 : vector<1x16xf32> to vector<16xf32>
    %select_n3A_2187 = arith.select %and3A_2179, %get3A_2186, %broadcast_in_dim3A_48 : vector<16xi1>, vector<16xf32>
    %add3A_2188 = arith.addf %parallel_loop3A_2163#0, %select_n3A_2187 : vector<16xf32>
    %swap3A_2189 = arith.constant 0 : i32
    %swap3A_2190 = arith.index_cast %swap3A_2189 : i32 to index
    %swap3A_2191 = arith.constant 160 : index
    %swap3A_2192 = tpu.vector_load %arg7[%swap3A_2190, %swap3A_2191] {strides = array<i32>} : memref<8x256xf32, #tpu.memory_space<vmem>>, vector<1x16xf32>,
    %swap3A_2193 = vector.shape_cast %swap3A_2192 : vector<1x16xf32> to vector<16xf32>
    %swap3A_2194 = vector.shape_cast %add3A_2188 : vector<16xf32> to vector<1x16xf32>
    tpu.vector_store %arg7[%swap3A_2190, %swap3A_2191], %swap3A_2194 {strides = array<i32>} : memref<8x256xf32, #tpu.memory_space<vmem>>, vector<1x16xf32>,
    %get3A_2195 = arith.constant 1 : i32
    %get3A_2196 = arith.index_cast %get3A_2195 : i32 to index
    %get3A_2197 = arith.index_cast %multiple_of3A_2181 : i32 to index
    %get3A_2198 = tpu.vector_load %arg5[%get3A_2196, %get3A_2197] {strides = array<i32>} : memref<8x4096xf32, #tpu.memory_space<vmem>>, vector<1x16xf32>,
    %get3A_2199 = vector.shape_cast %get3A_2198 : vector<1x16xf32> to vector<16xf32>
    %select_n3A_2200 = arith.select %and3A_2179, %get3A_2199, %broadcast_in_dim3A_48 : vector<16xi1>, vector<16xf32>
    %add3A_2201 = arith.addf %parallel_loop3A_2163#1, %select_n3A_2200 : vector<16xf32>
    %swap3A_2202 = arith.constant 1 : i32
    %swap3A_2203 = arith.index_cast %swap3A_2202 : i32 to index
    %swap3A_2204 = arith.constant 160 : index
    %swap3A_2205 = tpu.vector_load %arg7[%swap3A_2203, %swap3A_2204] {strides = array<i32>} : memref<8x256xf32, #tpu.memory_space<vmem>>, vector<1x16xf32>,
    %swap3A_2206 = vector.shape_cast %swap3A_2205 : vector<1x16xf32> to vector<16xf32>
    %swap3A_2207 = vector.shape_cast %add3A_2201 : vector<16xf32> to vector<1x16xf32>
    tpu.vector_store %arg7[%swap3A_2203, %swap3A_2204], %swap3A_2207 {strides = array<i32>} : memref<8x256xf32, #tpu.memory_space<vmem>>, vector<1x16xf32>,
    %get3A_2208 = arith.constant 2 : i32
    %get3A_2209 = arith.index_cast %get3A_2208 : i32 to index
    %get3A_2210 = arith.index_cast %multiple_of3A_2181 : i32 to index
    %get3A_2211 = tpu.vector_load %arg5[%get3A_2209, %get3A_2210] {strides = array<i32>} : memref<8x4096xf32, #tpu.memory_space<vmem>>, vector<1x16xf32>,
    %get3A_2212 = vector.shape_cast %get3A_2211 : vector<1x16xf32> to vector<16xf32>
    %select_n3A_2213 = arith.select %and3A_2179, %get3A_2212, %broadcast_in_dim3A_48 : vector<16xi1>, vector<16xf32>
    %add3A_2214 = arith.addf %parallel_loop3A_2163#2, %select_n3A_2213 : vector<16xf32>
    %swap3A_2215 = arith.constant 2 : i32
    %swap3A_2216 = arith.index_cast %swap3A_2215 : i32 to index
    %swap3A_2217 = arith.constant 160 : index
    %swap3A_2218 = tpu.vector_load %arg7[%swap3A_2216, %swap3A_2217] {strides = array<i32>} : memref<8x256xf32, #tpu.memory_space<vmem>>, vector<1x16xf32>,
    %swap3A_2219 = vector.shape_cast %swap3A_2218 : vector<1x16xf32> to vector<16xf32>
    %swap3A_2220 = vector.shape_cast %add3A_2214 : vector<16xf32> to vector<1x16xf32>
    tpu.vector_store %arg7[%swap3A_2216, %swap3A_2217], %swap3A_2220 {strides = array<i32>} : memref<8x256xf32, #tpu.memory_space<vmem>>, vector<1x16xf32>,
    %get3A_2221 = arith.constant 3 : i32
    %get3A_2222 = arith.index_cast %get3A_2221 : i32 to index
    %get3A_2223 = arith.index_cast %multiple_of3A_2181 : i32 to index
    %get3A_2224 = tpu.vector_load %arg5[%get3A_2222, %get3A_2223] {strides = array<i32>} : memref<8x4096xf32, #tpu.memory_space<vmem>>, vector<1x16xf32>,
    %get3A_2225 = vector.shape_cast %get3A_2224 : vector<1x16xf32> to vector<16xf32>
    %select_n3A_2226 = arith.select %and3A_2179, %get3A_2225, %broadcast_in_dim3A_48 : vector<16xi1>, vector<16xf32>
    %add3A_2227 = arith.addf %parallel_loop3A_2163#3, %select_n3A_2226 : vector<16xf32>
    %swap3A_2228 = arith.constant 3 : i32
    %swap3A_2229 = arith.index_cast %swap3A_2228 : i32 to index
    %swap3A_2230 = arith.constant 160 : index
    %swap3A_2231 = tpu.vector_load %arg7[%swap3A_2229, %swap3A_2230] {strides = array<i32>} : memref<8x256xf32, #tpu.memory_space<vmem>>, vector<1x16xf32>,
    %swap3A_2232 = vector.shape_cast %swap3A_2231 : vector<1x16xf32> to vector<16xf32>
    %swap3A_2233 = vector.shape_cast %add3A_2227 : vector<16xf32> to vector<1x16xf32>
    tpu.vector_store %arg7[%swap3A_2229, %swap3A_2230], %swap3A_2233 {strides = array<i32>} : memref<8x256xf32, #tpu.memory_space<vmem>>, vector<1x16xf32>,
    %get3A_2234 = arith.constant 4 : i32
    %get3A_2235 = arith.index_cast %get3A_2234 : i32 to index
    %get3A_2236 = arith.index_cast %multiple_of3A_2181 : i32 to index
    %get3A_2237 = tpu.vector_load %arg5[%get3A_2235, %get3A_2236] {strides = array<i32>} : memref<8x4096xf32, #tpu.memory_space<vmem>>, vector<1x16xf32>,
    %get3A_2238 = vector.shape_cast %get3A_2237 : vector<1x16xf32> to vector<16xf32>
    %select_n3A_2239 = arith.select %and3A_2179, %get3A_2238, %broadcast_in_dim3A_48 : vector<16xi1>, vector<16xf32>
    %add3A_2240 = arith.addf %parallel_loop3A_2163#4, %select_n3A_2239 : vector<16xf32>
    %swap3A_2241 = arith.constant 4 : i32
    %swap3A_2242 = arith.index_cast %swap3A_2241 : i32 to index
    %swap3A_2243 = arith.constant 160 : index
    %swap3A_2244 = tpu.vector_load %arg7[%swap3A_2242, %swap3A_2243] {strides = array<i32>} : memref<8x256xf32, #tpu.memory_space<vmem>>, vector<1x16xf32>,
    %swap3A_2245 = vector.shape_cast %swap3A_2244 : vector<1x16xf32> to vector<16xf32>
    %swap3A_2246 = vector.shape_cast %add3A_2240 : vector<16xf32> to vector<1x16xf32>
    tpu.vector_store %arg7[%swap3A_2242, %swap3A_2243], %swap3A_2246 {strides = array<i32>} : memref<8x256xf32, #tpu.memory_space<vmem>>, vector<1x16xf32>,
    %get3A_2247 = arith.constant 5 : i32
    %get3A_2248 = arith.index_cast %get3A_2247 : i32 to index
    %get3A_2249 = arith.index_cast %multiple_of3A_2181 : i32 to index
    %get3A_2250 = tpu.vector_load %arg5[%get3A_2248, %get3A_2249] {strides = array<i32>} : memref<8x4096xf32, #tpu.memory_space<vmem>>, vector<1x16xf32>,
    %get3A_2251 = vector.shape_cast %get3A_2250 : vector<1x16xf32> to vector<16xf32>
    %select_n3A_2252 = arith.select %and3A_2179, %get3A_2251, %broadcast_in_dim3A_48 : vector<16xi1>, vector<16xf32>
    %add3A_2253 = arith.addf %parallel_loop3A_2163#5, %select_n3A_2252 : vector<16xf32>
    %swap3A_2254 = arith.constant 5 : i32
    %swap3A_2255 = arith.index_cast %swap3A_2254 : i32 to index
    %swap3A_2256 = arith.constant 160 : index
    %swap3A_2257 = tpu.vector_load %arg7[%swap3A_2255, %swap3A_2256] {strides = array<i32>} : memref<8x256xf32, #tpu.memory_space<vmem>>, vector<1x16xf32>,
    %swap3A_2258 = vector.shape_cast %swap3A_2257 : vector<1x16xf32> to vector<16xf32>
    %swap3A_2259 = vector.shape_cast %add3A_2253 : vector<16xf32> to vector<1x16xf32>
    tpu.vector_store %arg7[%swap3A_2255, %swap3A_2256], %swap3A_2259 {strides = array<i32>} : memref<8x256xf32, #tpu.memory_space<vmem>>, vector<1x16xf32>,
    %get3A_2260 = arith.constant 6 : i32
    %get3A_2261 = arith.index_cast %get3A_2260 : i32 to index
    %get3A_2262 = arith.index_cast %multiple_of3A_2181 : i32 to index
    %get3A_2263 = tpu.vector_load %arg5[%get3A_2261, %get3A_2262] {strides = array<i32>} : memref<8x4096xf32, #tpu.memory_space<vmem>>, vector<1x16xf32>,
    %get3A_2264 = vector.shape_cast %get3A_2263 : vector<1x16xf32> to vector<16xf32>
    %select_n3A_2265 = arith.select %and3A_2179, %get3A_2264, %broadcast_in_dim3A_48 : vector<16xi1>, vector<16xf32>
    %add3A_2266 = arith.addf %parallel_loop3A_2163#6, %select_n3A_2265 : vector<16xf32>
    %swap3A_2267 = arith.constant 6 : i32
    %swap3A_2268 = arith.index_cast %swap3A_2267 : i32 to index
    %swap3A_2269 = arith.constant 160 : index
    %swap3A_2270 = tpu.vector_load %arg7[%swap3A_2268, %swap3A_2269] {strides = array<i32>} : memref<8x256xf32, #tpu.memory_space<vmem>>, vector<1x16xf32>,
    %swap3A_2271 = vector.shape_cast %swap3A_2270 : vector<1x16xf32> to vector<16xf32>
    %swap3A_2272 = vector.shape_cast %add3A_2266 : vector<16xf32> to vector<1x16xf32>
    tpu.vector_store %arg7[%swap3A_2268, %swap3A_2269], %swap3A_2272 {strides = array<i32>} : memref<8x256xf32, #tpu.memory_space<vmem>>, vector<1x16xf32>,
    %get3A_2273 = arith.constant 7 : i32
    %get3A_2274 = arith.index_cast %get3A_2273 : i32 to index
    %get3A_2275 = arith.index_cast %multiple_of3A_2181 : i32 to index
    %get3A_2276 = tpu.vector_load %arg5[%get3A_2274, %get3A_2275] {strides = array<i32>} : memref<8x4096xf32, #tpu.memory_space<vmem>>, vector<1x16xf32>,
    %get3A_2277 = vector.shape_cast %get3A_2276 : vector<1x16xf32> to vector<16xf32>
    %select_n3A_2278 = arith.select %and3A_2179, %get3A_2277, %broadcast_in_dim3A_48 : vector<16xi1>, vector<16xf32>
    %add3A_2279 = arith.addf %parallel_loop3A_2163#7, %select_n3A_2278 : vector<16xf32>
    %swap3A_2280 = arith.constant 7 : i32
    %swap3A_2281 = arith.index_cast %swap3A_2280 : i32 to index
    %swap3A_2282 = arith.constant 160 : index
    %swap3A_2283 = tpu.vector_load %arg7[%swap3A_2281, %swap3A_2282] {strides = array<i32>} : memref<8x256xf32, #tpu.memory_space<vmem>>, vector<1x16xf32>,
    %swap3A_2284 = vector.shape_cast %swap3A_2283 : vector<1x16xf32> to vector<16xf32>
    %swap3A_2285 = vector.shape_cast %add3A_2279 : vector<16xf32> to vector<1x16xf32>
    tpu.vector_store %arg7[%swap3A_2281, %swap3A_2282], %swap3A_2285 {strides = array<i32>} : memref<8x256xf32, #tpu.memory_space<vmem>>, vector<1x16xf32>,
    %max3A_2286 = arith.maxsi %squeeze3A_37, %multiple_of3A_9 : i32
    %min3A_2287 = arith.minsi %squeeze3A_39, %add3A_51 : i32
    %add3A_2288 = arith.constant 15 : i32
    %add3A_2289 = arith.addi %max3A_2286, %add3A_2288 : i32
    %shift_right_logical3A_2290 = arith.constant 4 : i32
    %shift_right_logical3A_2291 = arith.shrui %add3A_2289, %shift_right_logical3A_2290 : i32
    %shift_right_logical3A_2292 = arith.constant 4 : i32
    %shift_right_logical3A_2293 = arith.shrui %min3A_2287, %shift_right_logical3A_2292 : i32
    %max3A_2294 = arith.maxsi %shift_right_logical3A_2291, %shift_right_logical3A_2293 : i32
    %sub3A_2295 = arith.constant 1 : i32
    %sub3A_2296 = arith.subi %add3A_51, %sub3A_2295 : i32
    %min3A_2297 = arith.minsi %max3A_2286, %sub3A_2296 : i32
    %and3A_2298 = arith.constant -16 : i32
    %and3A_2299 = arith.andi %min3A_2297, %and3A_2298 : i32
    %add3A_2300 = vector.broadcast %and3A_2299 : i32 to vector<16xi32>
    %add3A_2301 = arith.addi %add3A_2300, %iota3A : vector<16xi32>
    %ge3A_2302 = vector.broadcast %max3A_2286 : i32 to vector<16xi32>
    %ge3A_2303 = arith.cmpi sge, %add3A_2301, %ge3A_2302 : vector<16xi32>
    %mul3A_2304 = arith.constant 16 : i32
    %mul3A_2305 = arith.muli %shift_right_logical3A_2291, %mul3A_2304 : i32
    %min3A_2306 = arith.minsi %min3A_2287, %mul3A_2305 : i32
    %lt3A_2307 = vector.broadcast %min3A_2306 : i32 to vector<16xi32>
    %lt3A_2308 = arith.cmpi slt, %add3A_2301, %lt3A_2307 : vector<16xi32>
    %and3A_2309 = arith.andi %ge3A_2303, %lt3A_2308 : vector<16xi1>
    %sub3A_2310 = arith.subi %and3A_2299, %multiple_of3A_9 : i32
    %multiple_of3A_2311 = tpu.assume_multiple %sub3A_2310, 16 : i32
    %get3A_2312 = arith.constant 0 : i32
    %get3A_2313 = arith.index_cast %get3A_2312 : i32 to index
    %get3A_2314 = arith.index_cast %multiple_of3A_2311 : i32 to index
    %get3A_2315 = tpu.vector_load %arg5[%get3A_2313, %get3A_2314] {strides = array<i32>} : memref<8x4096xf32, #tpu.memory_space<vmem>>, vector<1x16xf32>,
    %get3A_2316 = vector.shape_cast %get3A_2315 : vector<1x16xf32> to vector<16xf32>
    %select_n3A_2317 = arith.select %and3A_2309, %get3A_2316, %broadcast_in_dim3A_48 : vector<16xi1>, vector<16xf32>
    %get3A_2318 = arith.constant 1 : i32
    %get3A_2319 = arith.index_cast %get3A_2318 : i32 to index
    %get3A_2320 = arith.index_cast %multiple_of3A_2311 : i32 to index
    %get3A_2321 = tpu.vector_load %arg5[%get3A_2319, %get3A_2320] {strides = array<i32>} : memref<8x4096xf32, #tpu.memory_space<vmem>>, vector<1x16xf32>,
    %get3A_2322 = vector.shape_cast %get3A_2321 : vector<1x16xf32> to vector<16xf32>
    %select_n3A_2323 = arith.select %and3A_2309, %get3A_2322, %broadcast_in_dim3A_48 : vector<16xi1>, vector<16xf32>
    %get3A_2324 = arith.constant 2 : i32
    %get3A_2325 = arith.index_cast %get3A_2324 : i32 to index
    %get3A_2326 = arith.index_cast %multiple_of3A_2311 : i32 to index
    %get3A_2327 = tpu.vector_load %arg5[%get3A_2325, %get3A_2326] {strides = array<i32>} : memref<8x4096xf32, #tpu.memory_space<vmem>>, vector<1x16xf32>,
    %get3A_2328 = vector.shape_cast %get3A_2327 : vector<1x16xf32> to vector<16xf32>
    %select_n3A_2329 = arith.select %and3A_2309, %get3A_2328, %broadcast_in_dim3A_48 : vector<16xi1>, vector<16xf32>
    %get3A_2330 = arith.constant 3 : i32
    %get3A_2331 = arith.index_cast %get3A_2330 : i32 to index
    %get3A_2332 = arith.index_cast %multiple_of3A_2311 : i32 to index
    %get3A_2333 = tpu.vector_load %arg5[%get3A_2331, %get3A_2332] {strides = array<i32>} : memref<8x4096xf32, #tpu.memory_space<vmem>>, vector<1x16xf32>,
    %get3A_2334 = vector.shape_cast %get3A_2333 : vector<1x16xf32> to vector<16xf32>
    %select_n3A_2335 = arith.select %and3A_2309, %get3A_2334, %broadcast_in_dim3A_48 : vector<16xi1>, vector<16xf32>
    %get3A_2336 = arith.constant 4 : i32
    %get3A_2337 = arith.index_cast %get3A_2336 : i32 to index
    %get3A_2338 = arith.index_cast %multiple_of3A_2311 : i32 to index
    %get3A_2339 = tpu.vector_load %arg5[%get3A_2337, %get3A_2338] {strides = array<i32>} : memref<8x4096xf32, #tpu.memory_space<vmem>>, vector<1x16xf32>,
    %get3A_2340 = vector.shape_cast %get3A_2339 : vector<1x16xf32> to vector<16xf32>
    %select_n3A_2341 = arith.select %and3A_2309, %get3A_2340, %broadcast_in_dim3A_48 : vector<16xi1>, vector<16xf32>
    %get3A_2342 = arith.constant 5 : i32
    %get3A_2343 = arith.index_cast %get3A_2342 : i32 to index
    %get3A_2344 = arith.index_cast %multiple_of3A_2311 : i32 to index
    %get3A_2345 = tpu.vector_load %arg5[%get3A_2343, %get3A_2344] {strides = array<i32>} : memref<8x4096xf32, #tpu.memory_space<vmem>>, vector<1x16xf32>,
    %get3A_2346 = vector.shape_cast %get3A_2345 : vector<1x16xf32> to vector<16xf32>
    %select_n3A_2347 = arith.select %and3A_2309, %get3A_2346, %broadcast_in_dim3A_48 : vector<16xi1>, vector<16xf32>
    %get3A_2348 = arith.constant 6 : i32
    %get3A_2349 = arith.index_cast %get3A_2348 : i32 to index
    %get3A_2350 = arith.index_cast %multiple_of3A_2311 : i32 to index
    %get3A_2351 = tpu.vector_load %arg5[%get3A_2349, %get3A_2350] {strides = array<i32>} : memref<8x4096xf32, #tpu.memory_space<vmem>>, vector<1x16xf32>,
    %get3A_2352 = vector.shape_cast %get3A_2351 : vector<1x16xf32> to vector<16xf32>
    %select_n3A_2353 = arith.select %and3A_2309, %get3A_2352, %broadcast_in_dim3A_48 : vector<16xi1>, vector<16xf32>
    %get3A_2354 = arith.constant 7 : i32
    %get3A_2355 = arith.index_cast %get3A_2354 : i32 to index
    %get3A_2356 = arith.index_cast %multiple_of3A_2311 : i32 to index
    %get3A_2357 = tpu.vector_load %arg5[%get3A_2355, %get3A_2356] {strides = array<i32>} : memref<8x4096xf32, #tpu.memory_space<vmem>>, vector<1x16xf32>,
    %get3A_2358 = vector.shape_cast %get3A_2357 : vector<1x16xf32> to vector<16xf32>
    %select_n3A_2359 = arith.select %and3A_2309, %get3A_2358, %broadcast_in_dim3A_48 : vector<16xi1>, vector<16xf32>
    %mul3A_2360 = arith.constant 16 : i32
    %mul3A_2361 = arith.muli %shift_right_logical3A_2291, %mul3A_2360 : i32
    %sub3A_2362 = arith.subi %mul3A_2361, %multiple_of3A_9 : i32
    %mul3A_2363 = arith.constant 16 : i32
    %mul3A_2364 = arith.muli %max3A_2294, %mul3A_2363 : i32
    %sub3A_2365 = arith.subi %mul3A_2364, %multiple_of3A_9 : i32
    %parallel_loop3A_2366 = arith.constant 16 : i32
    %parallel_loop3A_2367:8 = scf.for %parallel_loop3A_3309 = %sub3A_2362 to %sub3A_2365 step %parallel_loop3A_2366 iter_args(%parallel_loop3A_3310 = %select_n3A_2317, %parallel_loop3A_3311 = %select_n3A_2323, %parallel_loop3A_3312 = %select_n3A_2329, %parallel_loop3A_3313 = %select_n3A_2335, %parallel_loop3A_3314 = %select_n3A_2341, %parallel_loop3A_3315 = %select_n3A_2347, %parallel_loop3A_3316 = %select_n3A_2353, %parallel_loop3A_3317 = %select_n3A_2359) -> (vector<16xf32>, vector<16xf32>, vector<16xf32>, vector<16xf32>, vector<16xf32>, vector<16xf32>, vector<16xf32>, vector<16xf32>)  : i32 {
      %parallel_loop3A_3318 = tpu.assume_multiple %parallel_loop3A_3309, 16 : i32
      %parallel_loop3A_3319 = arith.constant 0 : i32
      %parallel_loop3A_3320 = arith.index_cast %parallel_loop3A_3319 : i32 to index
      %parallel_loop3A_3321 = arith.index_cast %parallel_loop3A_3318 : i32 to index
      %parallel_loop3A_3322 = tpu.vector_load %arg5[%parallel_loop3A_3320, %parallel_loop3A_3321] {strides = array<i32>} : memref<8x4096xf32, #tpu.memory_space<vmem>>, vector<1x16xf32>,
      %parallel_loop3A_3323 = vector.shape_cast %parallel_loop3A_3322 : vector<1x16xf32> to vector<16xf32>
      %parallel_loop3A_3324 = arith.addf %parallel_loop3A_3310, %parallel_loop3A_3323 : vector<16xf32>
      %parallel_loop3A_3325 = arith.constant 1 : i32
      %parallel_loop3A_3326 = arith.index_cast %parallel_loop3A_3325 : i32 to index
      %parallel_loop3A_3327 = arith.index_cast %parallel_loop3A_3318 : i32 to index
      %parallel_loop3A_3328 = tpu.vector_load %arg5[%parallel_loop3A_3326, %parallel_loop3A_3327] {strides = array<i32>} : memref<8x4096xf32, #tpu.memory_space<vmem>>, vector<1x16xf32>,
      %parallel_loop3A_3329 = vector.shape_cast %parallel_loop3A_3328 : vector<1x16xf32> to vector<16xf32>
      %parallel_loop3A_3330 = arith.addf %parallel_loop3A_3311, %parallel_loop3A_3329 : vector<16xf32>
      %parallel_loop3A_3331 = arith.constant 2 : i32
      %parallel_loop3A_3332 = arith.index_cast %parallel_loop3A_3331 : i32 to index
      %parallel_loop3A_3333 = arith.index_cast %parallel_loop3A_3318 : i32 to index
      %parallel_loop3A_3334 = tpu.vector_load %arg5[%parallel_loop3A_3332, %parallel_loop3A_3333] {strides = array<i32>} : memref<8x4096xf32, #tpu.memory_space<vmem>>, vector<1x16xf32>,
      %parallel_loop3A_3335 = vector.shape_cast %parallel_loop3A_3334 : vector<1x16xf32> to vector<16xf32>
      %parallel_loop3A_3336 = arith.addf %parallel_loop3A_3312, %parallel_loop3A_3335 : vector<16xf32>
      %parallel_loop3A_3337 = arith.constant 3 : i32
      %parallel_loop3A_3338 = arith.index_cast %parallel_loop3A_3337 : i32 to index
      %parallel_loop3A_3339 = arith.index_cast %parallel_loop3A_3318 : i32 to index
      %parallel_loop3A_3340 = tpu.vector_load %arg5[%parallel_loop3A_3338, %parallel_loop3A_3339] {strides = array<i32>} : memref<8x4096xf32, #tpu.memory_space<vmem>>, vector<1x16xf32>,
      %parallel_loop3A_3341 = vector.shape_cast %parallel_loop3A_3340 : vector<1x16xf32> to vector<16xf32>
      %parallel_loop3A_3342 = arith.addf %parallel_loop3A_3313, %parallel_loop3A_3341 : vector<16xf32>
      %parallel_loop3A_3343 = arith.constant 4 : i32
      %parallel_loop3A_3344 = arith.index_cast %parallel_loop3A_3343 : i32 to index
      %parallel_loop3A_3345 = arith.index_cast %parallel_loop3A_3318 : i32 to index
      %parallel_loop3A_3346 = tpu.vector_load %arg5[%parallel_loop3A_3344, %parallel_loop3A_3345] {strides = array<i32>} : memref<8x4096xf32, #tpu.memory_space<vmem>>, vector<1x16xf32>,
      %parallel_loop3A_3347 = vector.shape_cast %parallel_loop3A_3346 : vector<1x16xf32> to vector<16xf32>
      %parallel_loop3A_3348 = arith.addf %parallel_loop3A_3314, %parallel_loop3A_3347 : vector<16xf32>
      %parallel_loop3A_3349 = arith.constant 5 : i32
      %parallel_loop3A_3350 = arith.index_cast %parallel_loop3A_3349 : i32 to index
      %parallel_loop3A_3351 = arith.index_cast %parallel_loop3A_3318 : i32 to index
      %parallel_loop3A_3352 = tpu.vector_load %arg5[%parallel_loop3A_3350, %parallel_loop3A_3351] {strides = array<i32>} : memref<8x4096xf32, #tpu.memory_space<vmem>>, vector<1x16xf32>,
      %parallel_loop3A_3353 = vector.shape_cast %parallel_loop3A_3352 : vector<1x16xf32> to vector<16xf32>
      %parallel_loop3A_3354 = arith.addf %parallel_loop3A_3315, %parallel_loop3A_3353 : vector<16xf32>
      %parallel_loop3A_3355 = arith.constant 6 : i32
      %parallel_loop3A_3356 = arith.index_cast %parallel_loop3A_3355 : i32 to index
      %parallel_loop3A_3357 = arith.index_cast %parallel_loop3A_3318 : i32 to index
      %parallel_loop3A_3358 = tpu.vector_load %arg5[%parallel_loop3A_3356, %parallel_loop3A_3357] {strides = array<i32>} : memref<8x4096xf32, #tpu.memory_space<vmem>>, vector<1x16xf32>,
      %parallel_loop3A_3359 = vector.shape_cast %parallel_loop3A_3358 : vector<1x16xf32> to vector<16xf32>
      %parallel_loop3A_3360 = arith.addf %parallel_loop3A_3316, %parallel_loop3A_3359 : vector<16xf32>
      %parallel_loop3A_3361 = arith.constant 7 : i32
      %parallel_loop3A_3362 = arith.index_cast %parallel_loop3A_3361 : i32 to index
      %parallel_loop3A_3363 = arith.index_cast %parallel_loop3A_3318 : i32 to index
      %parallel_loop3A_3364 = tpu.vector_load %arg5[%parallel_loop3A_3362, %parallel_loop3A_3363] {strides = array<i32>} : memref<8x4096xf32, #tpu.memory_space<vmem>>, vector<1x16xf32>,
      %parallel_loop3A_3365 = vector.shape_cast %parallel_loop3A_3364 : vector<1x16xf32> to vector<16xf32>
      %parallel_loop3A_3366 = arith.addf %parallel_loop3A_3317, %parallel_loop3A_3365 : vector<16xf32>
      scf.yield %parallel_loop3A_3324, %parallel_loop3A_3330, %parallel_loop3A_3336, %parallel_loop3A_3342, %parallel_loop3A_3348, %parallel_loop3A_3354, %parallel_loop3A_3360, %parallel_loop3A_3366 : vector<16xf32>, vector<16xf32>, vector<16xf32>, vector<16xf32>, vector<16xf32>, vector<16xf32>, vector<16xf32>, vector<16xf32>
    } {sc.loop_unroll_factor = 1 : i64, sc.parallel_access}
    %and3A_2368 = arith.constant -16 : i32
    %and3A_2369 = arith.andi %min3A_2287, %and3A_2368 : i32
    %max3A_2370 = arith.maxsi %and3A_2369, %multiple_of3A_9 : i32
    %sub3A_2371 = arith.constant 16 : i32
    %sub3A_2372 = arith.subi %add3A_51, %sub3A_2371 : i32
    %min3A_2373 = arith.minsi %max3A_2370, %sub3A_2372 : i32
    %add3A_2374 = vector.broadcast %min3A_2373 : i32 to vector<16xi32>
    %add3A_2375 = arith.addi %add3A_2374, %iota3A : vector<16xi32>
    %mul3A_2376 = arith.constant 16 : i32
    %mul3A_2377 = arith.muli %shift_right_logical3A_2291, %mul3A_2376 : i32
    %max3A_2378 = arith.maxsi %mul3A_2377, %and3A_2369 : i32
    %ge3A_2379 = vector.broadcast %max3A_2378 : i32 to vector<16xi32>
    %ge3A_2380 = arith.cmpi sge, %add3A_2375, %ge3A_2379 : vector<16xi32>
    %lt3A_2381 = vector.broadcast %min3A_2287 : i32 to vector<16xi32>
    %lt3A_2382 = arith.cmpi slt, %add3A_2375, %lt3A_2381 : vector<16xi32>
    %and3A_2383 = arith.andi %ge3A_2380, %lt3A_2382 : vector<16xi1>
    %sub3A_2384 = arith.subi %min3A_2373, %multiple_of3A_9 : i32
    %multiple_of3A_2385 = tpu.assume_multiple %sub3A_2384, 16 : i32
    %get3A_2386 = arith.constant 0 : i32
    %get3A_2387 = arith.index_cast %get3A_2386 : i32 to index
    %get3A_2388 = arith.index_cast %multiple_of3A_2385 : i32 to index
    %get3A_2389 = tpu.vector_load %arg5[%get3A_2387, %get3A_2388] {strides = array<i32>} : memref<8x4096xf32, #tpu.memory_space<vmem>>, vector<1x16xf32>,
    %get3A_2390 = vector.shape_cast %get3A_2389 : vector<1x16xf32> to vector<16xf32>
    %select_n3A_2391 = arith.select %and3A_2383, %get3A_2390, %broadcast_in_dim3A_48 : vector<16xi1>, vector<16xf32>
    %add3A_2392 = arith.addf %parallel_loop3A_2367#0, %select_n3A_2391 : vector<16xf32>
    %swap3A_2393 = arith.constant 0 : i32
    %swap3A_2394 = arith.index_cast %swap3A_2393 : i32 to index
    %swap3A_2395 = arith.constant 176 : index
    %swap3A_2396 = tpu.vector_load %arg7[%swap3A_2394, %swap3A_2395] {strides = array<i32>} : memref<8x256xf32, #tpu.memory_space<vmem>>, vector<1x16xf32>,
    %swap3A_2397 = vector.shape_cast %swap3A_2396 : vector<1x16xf32> to vector<16xf32>
    %swap3A_2398 = vector.shape_cast %add3A_2392 : vector<16xf32> to vector<1x16xf32>
    tpu.vector_store %arg7[%swap3A_2394, %swap3A_2395], %swap3A_2398 {strides = array<i32>} : memref<8x256xf32, #tpu.memory_space<vmem>>, vector<1x16xf32>,
    %get3A_2399 = arith.constant 1 : i32
    %get3A_2400 = arith.index_cast %get3A_2399 : i32 to index
    %get3A_2401 = arith.index_cast %multiple_of3A_2385 : i32 to index
    %get3A_2402 = tpu.vector_load %arg5[%get3A_2400, %get3A_2401] {strides = array<i32>} : memref<8x4096xf32, #tpu.memory_space<vmem>>, vector<1x16xf32>,
    %get3A_2403 = vector.shape_cast %get3A_2402 : vector<1x16xf32> to vector<16xf32>
    %select_n3A_2404 = arith.select %and3A_2383, %get3A_2403, %broadcast_in_dim3A_48 : vector<16xi1>, vector<16xf32>
    %add3A_2405 = arith.addf %parallel_loop3A_2367#1, %select_n3A_2404 : vector<16xf32>
    %swap3A_2406 = arith.constant 1 : i32
    %swap3A_2407 = arith.index_cast %swap3A_2406 : i32 to index
    %swap3A_2408 = arith.constant 176 : index
    %swap3A_2409 = tpu.vector_load %arg7[%swap3A_2407, %swap3A_2408] {strides = array<i32>} : memref<8x256xf32, #tpu.memory_space<vmem>>, vector<1x16xf32>,
    %swap3A_2410 = vector.shape_cast %swap3A_2409 : vector<1x16xf32> to vector<16xf32>
    %swap3A_2411 = vector.shape_cast %add3A_2405 : vector<16xf32> to vector<1x16xf32>
    tpu.vector_store %arg7[%swap3A_2407, %swap3A_2408], %swap3A_2411 {strides = array<i32>} : memref<8x256xf32, #tpu.memory_space<vmem>>, vector<1x16xf32>,
    %get3A_2412 = arith.constant 2 : i32
    %get3A_2413 = arith.index_cast %get3A_2412 : i32 to index
    %get3A_2414 = arith.index_cast %multiple_of3A_2385 : i32 to index
    %get3A_2415 = tpu.vector_load %arg5[%get3A_2413, %get3A_2414] {strides = array<i32>} : memref<8x4096xf32, #tpu.memory_space<vmem>>, vector<1x16xf32>,
    %get3A_2416 = vector.shape_cast %get3A_2415 : vector<1x16xf32> to vector<16xf32>
    %select_n3A_2417 = arith.select %and3A_2383, %get3A_2416, %broadcast_in_dim3A_48 : vector<16xi1>, vector<16xf32>
    %add3A_2418 = arith.addf %parallel_loop3A_2367#2, %select_n3A_2417 : vector<16xf32>
    %swap3A_2419 = arith.constant 2 : i32
    %swap3A_2420 = arith.index_cast %swap3A_2419 : i32 to index
    %swap3A_2421 = arith.constant 176 : index
    %swap3A_2422 = tpu.vector_load %arg7[%swap3A_2420, %swap3A_2421] {strides = array<i32>} : memref<8x256xf32, #tpu.memory_space<vmem>>, vector<1x16xf32>,
    %swap3A_2423 = vector.shape_cast %swap3A_2422 : vector<1x16xf32> to vector<16xf32>
    %swap3A_2424 = vector.shape_cast %add3A_2418 : vector<16xf32> to vector<1x16xf32>
    tpu.vector_store %arg7[%swap3A_2420, %swap3A_2421], %swap3A_2424 {strides = array<i32>} : memref<8x256xf32, #tpu.memory_space<vmem>>, vector<1x16xf32>,
    %get3A_2425 = arith.constant 3 : i32
    %get3A_2426 = arith.index_cast %get3A_2425 : i32 to index
    %get3A_2427 = arith.index_cast %multiple_of3A_2385 : i32 to index
    %get3A_2428 = tpu.vector_load %arg5[%get3A_2426, %get3A_2427] {strides = array<i32>} : memref<8x4096xf32, #tpu.memory_space<vmem>>, vector<1x16xf32>,
    %get3A_2429 = vector.shape_cast %get3A_2428 : vector<1x16xf32> to vector<16xf32>
    %select_n3A_2430 = arith.select %and3A_2383, %get3A_2429, %broadcast_in_dim3A_48 : vector<16xi1>, vector<16xf32>
    %add3A_2431 = arith.addf %parallel_loop3A_2367#3, %select_n3A_2430 : vector<16xf32>
    %swap3A_2432 = arith.constant 3 : i32
    %swap3A_2433 = arith.index_cast %swap3A_2432 : i32 to index
    %swap3A_2434 = arith.constant 176 : index
    %swap3A_2435 = tpu.vector_load %arg7[%swap3A_2433, %swap3A_2434] {strides = array<i32>} : memref<8x256xf32, #tpu.memory_space<vmem>>, vector<1x16xf32>,
    %swap3A_2436 = vector.shape_cast %swap3A_2435 : vector<1x16xf32> to vector<16xf32>
    %swap3A_2437 = vector.shape_cast %add3A_2431 : vector<16xf32> to vector<1x16xf32>
    tpu.vector_store %arg7[%swap3A_2433, %swap3A_2434], %swap3A_2437 {strides = array<i32>} : memref<8x256xf32, #tpu.memory_space<vmem>>, vector<1x16xf32>,
    %get3A_2438 = arith.constant 4 : i32
    %get3A_2439 = arith.index_cast %get3A_2438 : i32 to index
    %get3A_2440 = arith.index_cast %multiple_of3A_2385 : i32 to index
    %get3A_2441 = tpu.vector_load %arg5[%get3A_2439, %get3A_2440] {strides = array<i32>} : memref<8x4096xf32, #tpu.memory_space<vmem>>, vector<1x16xf32>,
    %get3A_2442 = vector.shape_cast %get3A_2441 : vector<1x16xf32> to vector<16xf32>
    %select_n3A_2443 = arith.select %and3A_2383, %get3A_2442, %broadcast_in_dim3A_48 : vector<16xi1>, vector<16xf32>
    %add3A_2444 = arith.addf %parallel_loop3A_2367#4, %select_n3A_2443 : vector<16xf32>
    %swap3A_2445 = arith.constant 4 : i32
    %swap3A_2446 = arith.index_cast %swap3A_2445 : i32 to index
    %swap3A_2447 = arith.constant 176 : index
    %swap3A_2448 = tpu.vector_load %arg7[%swap3A_2446, %swap3A_2447] {strides = array<i32>} : memref<8x256xf32, #tpu.memory_space<vmem>>, vector<1x16xf32>,
    %swap3A_2449 = vector.shape_cast %swap3A_2448 : vector<1x16xf32> to vector<16xf32>
    %swap3A_2450 = vector.shape_cast %add3A_2444 : vector<16xf32> to vector<1x16xf32>
    tpu.vector_store %arg7[%swap3A_2446, %swap3A_2447], %swap3A_2450 {strides = array<i32>} : memref<8x256xf32, #tpu.memory_space<vmem>>, vector<1x16xf32>,
    %get3A_2451 = arith.constant 5 : i32
    %get3A_2452 = arith.index_cast %get3A_2451 : i32 to index
    %get3A_2453 = arith.index_cast %multiple_of3A_2385 : i32 to index
    %get3A_2454 = tpu.vector_load %arg5[%get3A_2452, %get3A_2453] {strides = array<i32>} : memref<8x4096xf32, #tpu.memory_space<vmem>>, vector<1x16xf32>,
    %get3A_2455 = vector.shape_cast %get3A_2454 : vector<1x16xf32> to vector<16xf32>
    %select_n3A_2456 = arith.select %and3A_2383, %get3A_2455, %broadcast_in_dim3A_48 : vector<16xi1>, vector<16xf32>
    %add3A_2457 = arith.addf %parallel_loop3A_2367#5, %select_n3A_2456 : vector<16xf32>
    %swap3A_2458 = arith.constant 5 : i32
    %swap3A_2459 = arith.index_cast %swap3A_2458 : i32 to index
    %swap3A_2460 = arith.constant 176 : index
    %swap3A_2461 = tpu.vector_load %arg7[%swap3A_2459, %swap3A_2460] {strides = array<i32>} : memref<8x256xf32, #tpu.memory_space<vmem>>, vector<1x16xf32>,
    %swap3A_2462 = vector.shape_cast %swap3A_2461 : vector<1x16xf32> to vector<16xf32>
    %swap3A_2463 = vector.shape_cast %add3A_2457 : vector<16xf32> to vector<1x16xf32>
    tpu.vector_store %arg7[%swap3A_2459, %swap3A_2460], %swap3A_2463 {strides = array<i32>} : memref<8x256xf32, #tpu.memory_space<vmem>>, vector<1x16xf32>,
    %get3A_2464 = arith.constant 6 : i32
    %get3A_2465 = arith.index_cast %get3A_2464 : i32 to index
    %get3A_2466 = arith.index_cast %multiple_of3A_2385 : i32 to index
    %get3A_2467 = tpu.vector_load %arg5[%get3A_2465, %get3A_2466] {strides = array<i32>} : memref<8x4096xf32, #tpu.memory_space<vmem>>, vector<1x16xf32>,
    %get3A_2468 = vector.shape_cast %get3A_2467 : vector<1x16xf32> to vector<16xf32>
    %select_n3A_2469 = arith.select %and3A_2383, %get3A_2468, %broadcast_in_dim3A_48 : vector<16xi1>, vector<16xf32>
    %add3A_2470 = arith.addf %parallel_loop3A_2367#6, %select_n3A_2469 : vector<16xf32>
    %swap3A_2471 = arith.constant 6 : i32
    %swap3A_2472 = arith.index_cast %swap3A_2471 : i32 to index
    %swap3A_2473 = arith.constant 176 : index
    %swap3A_2474 = tpu.vector_load %arg7[%swap3A_2472, %swap3A_2473] {strides = array<i32>} : memref<8x256xf32, #tpu.memory_space<vmem>>, vector<1x16xf32>,
    %swap3A_2475 = vector.shape_cast %swap3A_2474 : vector<1x16xf32> to vector<16xf32>
    %swap3A_2476 = vector.shape_cast %add3A_2470 : vector<16xf32> to vector<1x16xf32>
    tpu.vector_store %arg7[%swap3A_2472, %swap3A_2473], %swap3A_2476 {strides = array<i32>} : memref<8x256xf32, #tpu.memory_space<vmem>>, vector<1x16xf32>,
    %get3A_2477 = arith.constant 7 : i32
    %get3A_2478 = arith.index_cast %get3A_2477 : i32 to index
    %get3A_2479 = arith.index_cast %multiple_of3A_2385 : i32 to index
    %get3A_2480 = tpu.vector_load %arg5[%get3A_2478, %get3A_2479] {strides = array<i32>} : memref<8x4096xf32, #tpu.memory_space<vmem>>, vector<1x16xf32>,
    %get3A_2481 = vector.shape_cast %get3A_2480 : vector<1x16xf32> to vector<16xf32>
    %select_n3A_2482 = arith.select %and3A_2383, %get3A_2481, %broadcast_in_dim3A_48 : vector<16xi1>, vector<16xf32>
    %add3A_2483 = arith.addf %parallel_loop3A_2367#7, %select_n3A_2482 : vector<16xf32>
    %swap3A_2484 = arith.constant 7 : i32
    %swap3A_2485 = arith.index_cast %swap3A_2484 : i32 to index
    %swap3A_2486 = arith.constant 176 : index
    %swap3A_2487 = tpu.vector_load %arg7[%swap3A_2485, %swap3A_2486] {strides = array<i32>} : memref<8x256xf32, #tpu.memory_space<vmem>>, vector<1x16xf32>,
    %swap3A_2488 = vector.shape_cast %swap3A_2487 : vector<1x16xf32> to vector<16xf32>
    %swap3A_2489 = vector.shape_cast %add3A_2483 : vector<16xf32> to vector<1x16xf32>
    tpu.vector_store %arg7[%swap3A_2485, %swap3A_2486], %swap3A_2489 {strides = array<i32>} : memref<8x256xf32, #tpu.memory_space<vmem>>, vector<1x16xf32>,
    %max3A_2490 = arith.maxsi %squeeze3A_39, %multiple_of3A_9 : i32
    %min3A_2491 = arith.minsi %squeeze3A_41, %add3A_51 : i32
    %add3A_2492 = arith.constant 15 : i32
    %add3A_2493 = arith.addi %max3A_2490, %add3A_2492 : i32
    %shift_right_logical3A_2494 = arith.constant 4 : i32
    %shift_right_logical3A_2495 = arith.shrui %add3A_2493, %shift_right_logical3A_2494 : i32
    %shift_right_logical3A_2496 = arith.constant 4 : i32
    %shift_right_logical3A_2497 = arith.shrui %min3A_2491, %shift_right_logical3A_2496 : i32
    %max3A_2498 = arith.maxsi %shift_right_logical3A_2495, %shift_right_logical3A_2497 : i32
    %sub3A_2499 = arith.constant 1 : i32
    %sub3A_2500 = arith.subi %add3A_51, %sub3A_2499 : i32
    %min3A_2501 = arith.minsi %max3A_2490, %sub3A_2500 : i32
    %and3A_2502 = arith.constant -16 : i32
    %and3A_2503 = arith.andi %min3A_2501, %and3A_2502 : i32
    %add3A_2504 = vector.broadcast %and3A_2503 : i32 to vector<16xi32>
    %add3A_2505 = arith.addi %add3A_2504, %iota3A : vector<16xi32>
    %ge3A_2506 = vector.broadcast %max3A_2490 : i32 to vector<16xi32>
    %ge3A_2507 = arith.cmpi sge, %add3A_2505, %ge3A_2506 : vector<16xi32>
    %mul3A_2508 = arith.constant 16 : i32
    %mul3A_2509 = arith.muli %shift_right_logical3A_2495, %mul3A_2508 : i32
    %min3A_2510 = arith.minsi %min3A_2491, %mul3A_2509 : i32
    %lt3A_2511 = vector.broadcast %min3A_2510 : i32 to vector<16xi32>
    %lt3A_2512 = arith.cmpi slt, %add3A_2505, %lt3A_2511 : vector<16xi32>
    %and3A_2513 = arith.andi %ge3A_2507, %lt3A_2512 : vector<16xi1>
    %sub3A_2514 = arith.subi %and3A_2503, %multiple_of3A_9 : i32
    %multiple_of3A_2515 = tpu.assume_multiple %sub3A_2514, 16 : i32
    %get3A_2516 = arith.constant 0 : i32
    %get3A_2517 = arith.index_cast %get3A_2516 : i32 to index
    %get3A_2518 = arith.index_cast %multiple_of3A_2515 : i32 to index
    %get3A_2519 = tpu.vector_load %arg5[%get3A_2517, %get3A_2518] {strides = array<i32>} : memref<8x4096xf32, #tpu.memory_space<vmem>>, vector<1x16xf32>,
    %get3A_2520 = vector.shape_cast %get3A_2519 : vector<1x16xf32> to vector<16xf32>
    %select_n3A_2521 = arith.select %and3A_2513, %get3A_2520, %broadcast_in_dim3A_48 : vector<16xi1>, vector<16xf32>
    %get3A_2522 = arith.constant 1 : i32
    %get3A_2523 = arith.index_cast %get3A_2522 : i32 to index
    %get3A_2524 = arith.index_cast %multiple_of3A_2515 : i32 to index
    %get3A_2525 = tpu.vector_load %arg5[%get3A_2523, %get3A_2524] {strides = array<i32>} : memref<8x4096xf32, #tpu.memory_space<vmem>>, vector<1x16xf32>,
    %get3A_2526 = vector.shape_cast %get3A_2525 : vector<1x16xf32> to vector<16xf32>
    %select_n3A_2527 = arith.select %and3A_2513, %get3A_2526, %broadcast_in_dim3A_48 : vector<16xi1>, vector<16xf32>
    %get3A_2528 = arith.constant 2 : i32
    %get3A_2529 = arith.index_cast %get3A_2528 : i32 to index
    %get3A_2530 = arith.index_cast %multiple_of3A_2515 : i32 to index
    %get3A_2531 = tpu.vector_load %arg5[%get3A_2529, %get3A_2530] {strides = array<i32>} : memref<8x4096xf32, #tpu.memory_space<vmem>>, vector<1x16xf32>,
    %get3A_2532 = vector.shape_cast %get3A_2531 : vector<1x16xf32> to vector<16xf32>
    %select_n3A_2533 = arith.select %and3A_2513, %get3A_2532, %broadcast_in_dim3A_48 : vector<16xi1>, vector<16xf32>
    %get3A_2534 = arith.constant 3 : i32
    %get3A_2535 = arith.index_cast %get3A_2534 : i32 to index
    %get3A_2536 = arith.index_cast %multiple_of3A_2515 : i32 to index
    %get3A_2537 = tpu.vector_load %arg5[%get3A_2535, %get3A_2536] {strides = array<i32>} : memref<8x4096xf32, #tpu.memory_space<vmem>>, vector<1x16xf32>,
    %get3A_2538 = vector.shape_cast %get3A_2537 : vector<1x16xf32> to vector<16xf32>
    %select_n3A_2539 = arith.select %and3A_2513, %get3A_2538, %broadcast_in_dim3A_48 : vector<16xi1>, vector<16xf32>
    %get3A_2540 = arith.constant 4 : i32
    %get3A_2541 = arith.index_cast %get3A_2540 : i32 to index
    %get3A_2542 = arith.index_cast %multiple_of3A_2515 : i32 to index
    %get3A_2543 = tpu.vector_load %arg5[%get3A_2541, %get3A_2542] {strides = array<i32>} : memref<8x4096xf32, #tpu.memory_space<vmem>>, vector<1x16xf32>,
    %get3A_2544 = vector.shape_cast %get3A_2543 : vector<1x16xf32> to vector<16xf32>
    %select_n3A_2545 = arith.select %and3A_2513, %get3A_2544, %broadcast_in_dim3A_48 : vector<16xi1>, vector<16xf32>
    %get3A_2546 = arith.constant 5 : i32
    %get3A_2547 = arith.index_cast %get3A_2546 : i32 to index
    %get3A_2548 = arith.index_cast %multiple_of3A_2515 : i32 to index
    %get3A_2549 = tpu.vector_load %arg5[%get3A_2547, %get3A_2548] {strides = array<i32>} : memref<8x4096xf32, #tpu.memory_space<vmem>>, vector<1x16xf32>,
    %get3A_2550 = vector.shape_cast %get3A_2549 : vector<1x16xf32> to vector<16xf32>
    %select_n3A_2551 = arith.select %and3A_2513, %get3A_2550, %broadcast_in_dim3A_48 : vector<16xi1>, vector<16xf32>
    %get3A_2552 = arith.constant 6 : i32
    %get3A_2553 = arith.index_cast %get3A_2552 : i32 to index
    %get3A_2554 = arith.index_cast %multiple_of3A_2515 : i32 to index
    %get3A_2555 = tpu.vector_load %arg5[%get3A_2553, %get3A_2554] {strides = array<i32>} : memref<8x4096xf32, #tpu.memory_space<vmem>>, vector<1x16xf32>,
    %get3A_2556 = vector.shape_cast %get3A_2555 : vector<1x16xf32> to vector<16xf32>
    %select_n3A_2557 = arith.select %and3A_2513, %get3A_2556, %broadcast_in_dim3A_48 : vector<16xi1>, vector<16xf32>
    %get3A_2558 = arith.constant 7 : i32
    %get3A_2559 = arith.index_cast %get3A_2558 : i32 to index
    %get3A_2560 = arith.index_cast %multiple_of3A_2515 : i32 to index
    %get3A_2561 = tpu.vector_load %arg5[%get3A_2559, %get3A_2560] {strides = array<i32>} : memref<8x4096xf32, #tpu.memory_space<vmem>>, vector<1x16xf32>,
    %get3A_2562 = vector.shape_cast %get3A_2561 : vector<1x16xf32> to vector<16xf32>
    %select_n3A_2563 = arith.select %and3A_2513, %get3A_2562, %broadcast_in_dim3A_48 : vector<16xi1>, vector<16xf32>
    %mul3A_2564 = arith.constant 16 : i32
    %mul3A_2565 = arith.muli %shift_right_logical3A_2495, %mul3A_2564 : i32
    %sub3A_2566 = arith.subi %mul3A_2565, %multiple_of3A_9 : i32
    %mul3A_2567 = arith.constant 16 : i32
    %mul3A_2568 = arith.muli %max3A_2498, %mul3A_2567 : i32
    %sub3A_2569 = arith.subi %mul3A_2568, %multiple_of3A_9 : i32
    %parallel_loop3A_2570 = arith.constant 16 : i32
    %parallel_loop3A_2571:8 = scf.for %parallel_loop3A_3309 = %sub3A_2566 to %sub3A_2569 step %parallel_loop3A_2570 iter_args(%parallel_loop3A_3310 = %select_n3A_2521, %parallel_loop3A_3311 = %select_n3A_2527, %parallel_loop3A_3312 = %select_n3A_2533, %parallel_loop3A_3313 = %select_n3A_2539, %parallel_loop3A_3314 = %select_n3A_2545, %parallel_loop3A_3315 = %select_n3A_2551, %parallel_loop3A_3316 = %select_n3A_2557, %parallel_loop3A_3317 = %select_n3A_2563) -> (vector<16xf32>, vector<16xf32>, vector<16xf32>, vector<16xf32>, vector<16xf32>, vector<16xf32>, vector<16xf32>, vector<16xf32>)  : i32 {
      %parallel_loop3A_3318 = tpu.assume_multiple %parallel_loop3A_3309, 16 : i32
      %parallel_loop3A_3319 = arith.constant 0 : i32
      %parallel_loop3A_3320 = arith.index_cast %parallel_loop3A_3319 : i32 to index
      %parallel_loop3A_3321 = arith.index_cast %parallel_loop3A_3318 : i32 to index
      %parallel_loop3A_3322 = tpu.vector_load %arg5[%parallel_loop3A_3320, %parallel_loop3A_3321] {strides = array<i32>} : memref<8x4096xf32, #tpu.memory_space<vmem>>, vector<1x16xf32>,
      %parallel_loop3A_3323 = vector.shape_cast %parallel_loop3A_3322 : vector<1x16xf32> to vector<16xf32>
      %parallel_loop3A_3324 = arith.addf %parallel_loop3A_3310, %parallel_loop3A_3323 : vector<16xf32>
      %parallel_loop3A_3325 = arith.constant 1 : i32
      %parallel_loop3A_3326 = arith.index_cast %parallel_loop3A_3325 : i32 to index
      %parallel_loop3A_3327 = arith.index_cast %parallel_loop3A_3318 : i32 to index
      %parallel_loop3A_3328 = tpu.vector_load %arg5[%parallel_loop3A_3326, %parallel_loop3A_3327] {strides = array<i32>} : memref<8x4096xf32, #tpu.memory_space<vmem>>, vector<1x16xf32>,
      %parallel_loop3A_3329 = vector.shape_cast %parallel_loop3A_3328 : vector<1x16xf32> to vector<16xf32>
      %parallel_loop3A_3330 = arith.addf %parallel_loop3A_3311, %parallel_loop3A_3329 : vector<16xf32>
      %parallel_loop3A_3331 = arith.constant 2 : i32
      %parallel_loop3A_3332 = arith.index_cast %parallel_loop3A_3331 : i32 to index
      %parallel_loop3A_3333 = arith.index_cast %parallel_loop3A_3318 : i32 to index
      %parallel_loop3A_3334 = tpu.vector_load %arg5[%parallel_loop3A_3332, %parallel_loop3A_3333] {strides = array<i32>} : memref<8x4096xf32, #tpu.memory_space<vmem>>, vector<1x16xf32>,
      %parallel_loop3A_3335 = vector.shape_cast %parallel_loop3A_3334 : vector<1x16xf32> to vector<16xf32>
      %parallel_loop3A_3336 = arith.addf %parallel_loop3A_3312, %parallel_loop3A_3335 : vector<16xf32>
      %parallel_loop3A_3337 = arith.constant 3 : i32
      %parallel_loop3A_3338 = arith.index_cast %parallel_loop3A_3337 : i32 to index
      %parallel_loop3A_3339 = arith.index_cast %parallel_loop3A_3318 : i32 to index
      %parallel_loop3A_3340 = tpu.vector_load %arg5[%parallel_loop3A_3338, %parallel_loop3A_3339] {strides = array<i32>} : memref<8x4096xf32, #tpu.memory_space<vmem>>, vector<1x16xf32>,
      %parallel_loop3A_3341 = vector.shape_cast %parallel_loop3A_3340 : vector<1x16xf32> to vector<16xf32>
      %parallel_loop3A_3342 = arith.addf %parallel_loop3A_3313, %parallel_loop3A_3341 : vector<16xf32>
      %parallel_loop3A_3343 = arith.constant 4 : i32
      %parallel_loop3A_3344 = arith.index_cast %parallel_loop3A_3343 : i32 to index
      %parallel_loop3A_3345 = arith.index_cast %parallel_loop3A_3318 : i32 to index
      %parallel_loop3A_3346 = tpu.vector_load %arg5[%parallel_loop3A_3344, %parallel_loop3A_3345] {strides = array<i32>} : memref<8x4096xf32, #tpu.memory_space<vmem>>, vector<1x16xf32>,
      %parallel_loop3A_3347 = vector.shape_cast %parallel_loop3A_3346 : vector<1x16xf32> to vector<16xf32>
      %parallel_loop3A_3348 = arith.addf %parallel_loop3A_3314, %parallel_loop3A_3347 : vector<16xf32>
      %parallel_loop3A_3349 = arith.constant 5 : i32
      %parallel_loop3A_3350 = arith.index_cast %parallel_loop3A_3349 : i32 to index
      %parallel_loop3A_3351 = arith.index_cast %parallel_loop3A_3318 : i32 to index
      %parallel_loop3A_3352 = tpu.vector_load %arg5[%parallel_loop3A_3350, %parallel_loop3A_3351] {strides = array<i32>} : memref<8x4096xf32, #tpu.memory_space<vmem>>, vector<1x16xf32>,
      %parallel_loop3A_3353 = vector.shape_cast %parallel_loop3A_3352 : vector<1x16xf32> to vector<16xf32>
      %parallel_loop3A_3354 = arith.addf %parallel_loop3A_3315, %parallel_loop3A_3353 : vector<16xf32>
      %parallel_loop3A_3355 = arith.constant 6 : i32
      %parallel_loop3A_3356 = arith.index_cast %parallel_loop3A_3355 : i32 to index
      %parallel_loop3A_3357 = arith.index_cast %parallel_loop3A_3318 : i32 to index
      %parallel_loop3A_3358 = tpu.vector_load %arg5[%parallel_loop3A_3356, %parallel_loop3A_3357] {strides = array<i32>} : memref<8x4096xf32, #tpu.memory_space<vmem>>, vector<1x16xf32>,
      %parallel_loop3A_3359 = vector.shape_cast %parallel_loop3A_3358 : vector<1x16xf32> to vector<16xf32>
      %parallel_loop3A_3360 = arith.addf %parallel_loop3A_3316, %parallel_loop3A_3359 : vector<16xf32>
      %parallel_loop3A_3361 = arith.constant 7 : i32
      %parallel_loop3A_3362 = arith.index_cast %parallel_loop3A_3361 : i32 to index
      %parallel_loop3A_3363 = arith.index_cast %parallel_loop3A_3318 : i32 to index
      %parallel_loop3A_3364 = tpu.vector_load %arg5[%parallel_loop3A_3362, %parallel_loop3A_3363] {strides = array<i32>} : memref<8x4096xf32, #tpu.memory_space<vmem>>, vector<1x16xf32>,
      %parallel_loop3A_3365 = vector.shape_cast %parallel_loop3A_3364 : vector<1x16xf32> to vector<16xf32>
      %parallel_loop3A_3366 = arith.addf %parallel_loop3A_3317, %parallel_loop3A_3365 : vector<16xf32>
      scf.yield %parallel_loop3A_3324, %parallel_loop3A_3330, %parallel_loop3A_3336, %parallel_loop3A_3342, %parallel_loop3A_3348, %parallel_loop3A_3354, %parallel_loop3A_3360, %parallel_loop3A_3366 : vector<16xf32>, vector<16xf32>, vector<16xf32>, vector<16xf32>, vector<16xf32>, vector<16xf32>, vector<16xf32>, vector<16xf32>
    } {sc.loop_unroll_factor = 1 : i64, sc.parallel_access}
    %and3A_2572 = arith.constant -16 : i32
    %and3A_2573 = arith.andi %min3A_2491, %and3A_2572 : i32
    %max3A_2574 = arith.maxsi %and3A_2573, %multiple_of3A_9 : i32
    %sub3A_2575 = arith.constant 16 : i32
    %sub3A_2576 = arith.subi %add3A_51, %sub3A_2575 : i32
    %min3A_2577 = arith.minsi %max3A_2574, %sub3A_2576 : i32
    %add3A_2578 = vector.broadcast %min3A_2577 : i32 to vector<16xi32>
    %add3A_2579 = arith.addi %add3A_2578, %iota3A : vector<16xi32>
    %mul3A_2580 = arith.constant 16 : i32
    %mul3A_2581 = arith.muli %shift_right_logical3A_2495, %mul3A_2580 : i32
    %max3A_2582 = arith.maxsi %mul3A_2581, %and3A_2573 : i32
    %ge3A_2583 = vector.broadcast %max3A_2582 : i32 to vector<16xi32>
    %ge3A_2584 = arith.cmpi sge, %add3A_2579, %ge3A_2583 : vector<16xi32>
    %lt3A_2585 = vector.broadcast %min3A_2491 : i32 to vector<16xi32>
    %lt3A_2586 = arith.cmpi slt, %add3A_2579, %lt3A_2585 : vector<16xi32>
    %and3A_2587 = arith.andi %ge3A_2584, %lt3A_2586 : vector<16xi1>
    %sub3A_2588 = arith.subi %min3A_2577, %multiple_of3A_9 : i32
    %multiple_of3A_2589 = tpu.assume_multiple %sub3A_2588, 16 : i32
    %get3A_2590 = arith.constant 0 : i32
    %get3A_2591 = arith.index_cast %get3A_2590 : i32 to index
    %get3A_2592 = arith.index_cast %multiple_of3A_2589 : i32 to index
    %get3A_2593 = tpu.vector_load %arg5[%get3A_2591, %get3A_2592] {strides = array<i32>} : memref<8x4096xf32, #tpu.memory_space<vmem>>, vector<1x16xf32>,
    %get3A_2594 = vector.shape_cast %get3A_2593 : vector<1x16xf32> to vector<16xf32>
    %select_n3A_2595 = arith.select %and3A_2587, %get3A_2594, %broadcast_in_dim3A_48 : vector<16xi1>, vector<16xf32>
    %add3A_2596 = arith.addf %parallel_loop3A_2571#0, %select_n3A_2595 : vector<16xf32>
    %swap3A_2597 = arith.constant 0 : i32
    %swap3A_2598 = arith.index_cast %swap3A_2597 : i32 to index
    %swap3A_2599 = arith.constant 192 : index
    %swap3A_2600 = tpu.vector_load %arg7[%swap3A_2598, %swap3A_2599] {strides = array<i32>} : memref<8x256xf32, #tpu.memory_space<vmem>>, vector<1x16xf32>,
    %swap3A_2601 = vector.shape_cast %swap3A_2600 : vector<1x16xf32> to vector<16xf32>
    %swap3A_2602 = vector.shape_cast %add3A_2596 : vector<16xf32> to vector<1x16xf32>
    tpu.vector_store %arg7[%swap3A_2598, %swap3A_2599], %swap3A_2602 {strides = array<i32>} : memref<8x256xf32, #tpu.memory_space<vmem>>, vector<1x16xf32>,
    %get3A_2603 = arith.constant 1 : i32
    %get3A_2604 = arith.index_cast %get3A_2603 : i32 to index
    %get3A_2605 = arith.index_cast %multiple_of3A_2589 : i32 to index
    %get3A_2606 = tpu.vector_load %arg5[%get3A_2604, %get3A_2605] {strides = array<i32>} : memref<8x4096xf32, #tpu.memory_space<vmem>>, vector<1x16xf32>,
    %get3A_2607 = vector.shape_cast %get3A_2606 : vector<1x16xf32> to vector<16xf32>
    %select_n3A_2608 = arith.select %and3A_2587, %get3A_2607, %broadcast_in_dim3A_48 : vector<16xi1>, vector<16xf32>
    %add3A_2609 = arith.addf %parallel_loop3A_2571#1, %select_n3A_2608 : vector<16xf32>
    %swap3A_2610 = arith.constant 1 : i32
    %swap3A_2611 = arith.index_cast %swap3A_2610 : i32 to index
    %swap3A_2612 = arith.constant 192 : index
    %swap3A_2613 = tpu.vector_load %arg7[%swap3A_2611, %swap3A_2612] {strides = array<i32>} : memref<8x256xf32, #tpu.memory_space<vmem>>, vector<1x16xf32>,
    %swap3A_2614 = vector.shape_cast %swap3A_2613 : vector<1x16xf32> to vector<16xf32>
    %swap3A_2615 = vector.shape_cast %add3A_2609 : vector<16xf32> to vector<1x16xf32>
    tpu.vector_store %arg7[%swap3A_2611, %swap3A_2612], %swap3A_2615 {strides = array<i32>} : memref<8x256xf32, #tpu.memory_space<vmem>>, vector<1x16xf32>,
    %get3A_2616 = arith.constant 2 : i32
    %get3A_2617 = arith.index_cast %get3A_2616 : i32 to index
    %get3A_2618 = arith.index_cast %multiple_of3A_2589 : i32 to index
    %get3A_2619 = tpu.vector_load %arg5[%get3A_2617, %get3A_2618] {strides = array<i32>} : memref<8x4096xf32, #tpu.memory_space<vmem>>, vector<1x16xf32>,
    %get3A_2620 = vector.shape_cast %get3A_2619 : vector<1x16xf32> to vector<16xf32>
    %select_n3A_2621 = arith.select %and3A_2587, %get3A_2620, %broadcast_in_dim3A_48 : vector<16xi1>, vector<16xf32>
    %add3A_2622 = arith.addf %parallel_loop3A_2571#2, %select_n3A_2621 : vector<16xf32>
    %swap3A_2623 = arith.constant 2 : i32
    %swap3A_2624 = arith.index_cast %swap3A_2623 : i32 to index
    %swap3A_2625 = arith.constant 192 : index
    %swap3A_2626 = tpu.vector_load %arg7[%swap3A_2624, %swap3A_2625] {strides = array<i32>} : memref<8x256xf32, #tpu.memory_space<vmem>>, vector<1x16xf32>,
    %swap3A_2627 = vector.shape_cast %swap3A_2626 : vector<1x16xf32> to vector<16xf32>
    %swap3A_2628 = vector.shape_cast %add3A_2622 : vector<16xf32> to vector<1x16xf32>
    tpu.vector_store %arg7[%swap3A_2624, %swap3A_2625], %swap3A_2628 {strides = array<i32>} : memref<8x256xf32, #tpu.memory_space<vmem>>, vector<1x16xf32>,
    %get3A_2629 = arith.constant 3 : i32
    %get3A_2630 = arith.index_cast %get3A_2629 : i32 to index
    %get3A_2631 = arith.index_cast %multiple_of3A_2589 : i32 to index
    %get3A_2632 = tpu.vector_load %arg5[%get3A_2630, %get3A_2631] {strides = array<i32>} : memref<8x4096xf32, #tpu.memory_space<vmem>>, vector<1x16xf32>,
    %get3A_2633 = vector.shape_cast %get3A_2632 : vector<1x16xf32> to vector<16xf32>
    %select_n3A_2634 = arith.select %and3A_2587, %get3A_2633, %broadcast_in_dim3A_48 : vector<16xi1>, vector<16xf32>
    %add3A_2635 = arith.addf %parallel_loop3A_2571#3, %select_n3A_2634 : vector<16xf32>
    %swap3A_2636 = arith.constant 3 : i32
    %swap3A_2637 = arith.index_cast %swap3A_2636 : i32 to index
    %swap3A_2638 = arith.constant 192 : index
    %swap3A_2639 = tpu.vector_load %arg7[%swap3A_2637, %swap3A_2638] {strides = array<i32>} : memref<8x256xf32, #tpu.memory_space<vmem>>, vector<1x16xf32>,
    %swap3A_2640 = vector.shape_cast %swap3A_2639 : vector<1x16xf32> to vector<16xf32>
    %swap3A_2641 = vector.shape_cast %add3A_2635 : vector<16xf32> to vector<1x16xf32>
    tpu.vector_store %arg7[%swap3A_2637, %swap3A_2638], %swap3A_2641 {strides = array<i32>} : memref<8x256xf32, #tpu.memory_space<vmem>>, vector<1x16xf32>,
    %get3A_2642 = arith.constant 4 : i32
    %get3A_2643 = arith.index_cast %get3A_2642 : i32 to index
    %get3A_2644 = arith.index_cast %multiple_of3A_2589 : i32 to index
    %get3A_2645 = tpu.vector_load %arg5[%get3A_2643, %get3A_2644] {strides = array<i32>} : memref<8x4096xf32, #tpu.memory_space<vmem>>, vector<1x16xf32>,
    %get3A_2646 = vector.shape_cast %get3A_2645 : vector<1x16xf32> to vector<16xf32>
    %select_n3A_2647 = arith.select %and3A_2587, %get3A_2646, %broadcast_in_dim3A_48 : vector<16xi1>, vector<16xf32>
    %add3A_2648 = arith.addf %parallel_loop3A_2571#4, %select_n3A_2647 : vector<16xf32>
    %swap3A_2649 = arith.constant 4 : i32
    %swap3A_2650 = arith.index_cast %swap3A_2649 : i32 to index
    %swap3A_2651 = arith.constant 192 : index
    %swap3A_2652 = tpu.vector_load %arg7[%swap3A_2650, %swap3A_2651] {strides = array<i32>} : memref<8x256xf32, #tpu.memory_space<vmem>>, vector<1x16xf32>,
    %swap3A_2653 = vector.shape_cast %swap3A_2652 : vector<1x16xf32> to vector<16xf32>
    %swap3A_2654 = vector.shape_cast %add3A_2648 : vector<16xf32> to vector<1x16xf32>
    tpu.vector_store %arg7[%swap3A_2650, %swap3A_2651], %swap3A_2654 {strides = array<i32>} : memref<8x256xf32, #tpu.memory_space<vmem>>, vector<1x16xf32>,
    %get3A_2655 = arith.constant 5 : i32
    %get3A_2656 = arith.index_cast %get3A_2655 : i32 to index
    %get3A_2657 = arith.index_cast %multiple_of3A_2589 : i32 to index
    %get3A_2658 = tpu.vector_load %arg5[%get3A_2656, %get3A_2657] {strides = array<i32>} : memref<8x4096xf32, #tpu.memory_space<vmem>>, vector<1x16xf32>,
    %get3A_2659 = vector.shape_cast %get3A_2658 : vector<1x16xf32> to vector<16xf32>
    %select_n3A_2660 = arith.select %and3A_2587, %get3A_2659, %broadcast_in_dim3A_48 : vector<16xi1>, vector<16xf32>
    %add3A_2661 = arith.addf %parallel_loop3A_2571#5, %select_n3A_2660 : vector<16xf32>
    %swap3A_2662 = arith.constant 5 : i32
    %swap3A_2663 = arith.index_cast %swap3A_2662 : i32 to index
    %swap3A_2664 = arith.constant 192 : index
    %swap3A_2665 = tpu.vector_load %arg7[%swap3A_2663, %swap3A_2664] {strides = array<i32>} : memref<8x256xf32, #tpu.memory_space<vmem>>, vector<1x16xf32>,
    %swap3A_2666 = vector.shape_cast %swap3A_2665 : vector<1x16xf32> to vector<16xf32>
    %swap3A_2667 = vector.shape_cast %add3A_2661 : vector<16xf32> to vector<1x16xf32>
    tpu.vector_store %arg7[%swap3A_2663, %swap3A_2664], %swap3A_2667 {strides = array<i32>} : memref<8x256xf32, #tpu.memory_space<vmem>>, vector<1x16xf32>,
    %get3A_2668 = arith.constant 6 : i32
    %get3A_2669 = arith.index_cast %get3A_2668 : i32 to index
    %get3A_2670 = arith.index_cast %multiple_of3A_2589 : i32 to index
    %get3A_2671 = tpu.vector_load %arg5[%get3A_2669, %get3A_2670] {strides = array<i32>} : memref<8x4096xf32, #tpu.memory_space<vmem>>, vector<1x16xf32>,
    %get3A_2672 = vector.shape_cast %get3A_2671 : vector<1x16xf32> to vector<16xf32>
    %select_n3A_2673 = arith.select %and3A_2587, %get3A_2672, %broadcast_in_dim3A_48 : vector<16xi1>, vector<16xf32>
    %add3A_2674 = arith.addf %parallel_loop3A_2571#6, %select_n3A_2673 : vector<16xf32>
    %swap3A_2675 = arith.constant 6 : i32
    %swap3A_2676 = arith.index_cast %swap3A_2675 : i32 to index
    %swap3A_2677 = arith.constant 192 : index
    %swap3A_2678 = tpu.vector_load %arg7[%swap3A_2676, %swap3A_2677] {strides = array<i32>} : memref<8x256xf32, #tpu.memory_space<vmem>>, vector<1x16xf32>,
    %swap3A_2679 = vector.shape_cast %swap3A_2678 : vector<1x16xf32> to vector<16xf32>
    %swap3A_2680 = vector.shape_cast %add3A_2674 : vector<16xf32> to vector<1x16xf32>
    tpu.vector_store %arg7[%swap3A_2676, %swap3A_2677], %swap3A_2680 {strides = array<i32>} : memref<8x256xf32, #tpu.memory_space<vmem>>, vector<1x16xf32>,
    %get3A_2681 = arith.constant 7 : i32
    %get3A_2682 = arith.index_cast %get3A_2681 : i32 to index
    %get3A_2683 = arith.index_cast %multiple_of3A_2589 : i32 to index
    %get3A_2684 = tpu.vector_load %arg5[%get3A_2682, %get3A_2683] {strides = array<i32>} : memref<8x4096xf32, #tpu.memory_space<vmem>>, vector<1x16xf32>,
    %get3A_2685 = vector.shape_cast %get3A_2684 : vector<1x16xf32> to vector<16xf32>
    %select_n3A_2686 = arith.select %and3A_2587, %get3A_2685, %broadcast_in_dim3A_48 : vector<16xi1>, vector<16xf32>
    %add3A_2687 = arith.addf %parallel_loop3A_2571#7, %select_n3A_2686 : vector<16xf32>
    %swap3A_2688 = arith.constant 7 : i32
    %swap3A_2689 = arith.index_cast %swap3A_2688 : i32 to index
    %swap3A_2690 = arith.constant 192 : index
    %swap3A_2691 = tpu.vector_load %arg7[%swap3A_2689, %swap3A_2690] {strides = array<i32>} : memref<8x256xf32, #tpu.memory_space<vmem>>, vector<1x16xf32>,
    %swap3A_2692 = vector.shape_cast %swap3A_2691 : vector<1x16xf32> to vector<16xf32>
    %swap3A_2693 = vector.shape_cast %add3A_2687 : vector<16xf32> to vector<1x16xf32>
    tpu.vector_store %arg7[%swap3A_2689, %swap3A_2690], %swap3A_2693 {strides = array<i32>} : memref<8x256xf32, #tpu.memory_space<vmem>>, vector<1x16xf32>,
    %max3A_2694 = arith.maxsi %squeeze3A_41, %multiple_of3A_9 : i32
    %min3A_2695 = arith.minsi %squeeze3A_43, %add3A_51 : i32
    %add3A_2696 = arith.constant 15 : i32
    %add3A_2697 = arith.addi %max3A_2694, %add3A_2696 : i32
    %shift_right_logical3A_2698 = arith.constant 4 : i32
    %shift_right_logical3A_2699 = arith.shrui %add3A_2697, %shift_right_logical3A_2698 : i32
    %shift_right_logical3A_2700 = arith.constant 4 : i32
    %shift_right_logical3A_2701 = arith.shrui %min3A_2695, %shift_right_logical3A_2700 : i32
    %max3A_2702 = arith.maxsi %shift_right_logical3A_2699, %shift_right_logical3A_2701 : i32
    %sub3A_2703 = arith.constant 1 : i32
    %sub3A_2704 = arith.subi %add3A_51, %sub3A_2703 : i32
    %min3A_2705 = arith.minsi %max3A_2694, %sub3A_2704 : i32
    %and3A_2706 = arith.constant -16 : i32
    %and3A_2707 = arith.andi %min3A_2705, %and3A_2706 : i32
    %add3A_2708 = vector.broadcast %and3A_2707 : i32 to vector<16xi32>
    %add3A_2709 = arith.addi %add3A_2708, %iota3A : vector<16xi32>
    %ge3A_2710 = vector.broadcast %max3A_2694 : i32 to vector<16xi32>
    %ge3A_2711 = arith.cmpi sge, %add3A_2709, %ge3A_2710 : vector<16xi32>
    %mul3A_2712 = arith.constant 16 : i32
    %mul3A_2713 = arith.muli %shift_right_logical3A_2699, %mul3A_2712 : i32
    %min3A_2714 = arith.minsi %min3A_2695, %mul3A_2713 : i32
    %lt3A_2715 = vector.broadcast %min3A_2714 : i32 to vector<16xi32>
    %lt3A_2716 = arith.cmpi slt, %add3A_2709, %lt3A_2715 : vector<16xi32>
    %and3A_2717 = arith.andi %ge3A_2711, %lt3A_2716 : vector<16xi1>
    %sub3A_2718 = arith.subi %and3A_2707, %multiple_of3A_9 : i32
    %multiple_of3A_2719 = tpu.assume_multiple %sub3A_2718, 16 : i32
    %get3A_2720 = arith.constant 0 : i32
    %get3A_2721 = arith.index_cast %get3A_2720 : i32 to index
    %get3A_2722 = arith.index_cast %multiple_of3A_2719 : i32 to index
    %get3A_2723 = tpu.vector_load %arg5[%get3A_2721, %get3A_2722] {strides = array<i32>} : memref<8x4096xf32, #tpu.memory_space<vmem>>, vector<1x16xf32>,
    %get3A_2724 = vector.shape_cast %get3A_2723 : vector<1x16xf32> to vector<16xf32>
    %select_n3A_2725 = arith.select %and3A_2717, %get3A_2724, %broadcast_in_dim3A_48 : vector<16xi1>, vector<16xf32>
    %get3A_2726 = arith.constant 1 : i32
    %get3A_2727 = arith.index_cast %get3A_2726 : i32 to index
    %get3A_2728 = arith.index_cast %multiple_of3A_2719 : i32 to index
    %get3A_2729 = tpu.vector_load %arg5[%get3A_2727, %get3A_2728] {strides = array<i32>} : memref<8x4096xf32, #tpu.memory_space<vmem>>, vector<1x16xf32>,
    %get3A_2730 = vector.shape_cast %get3A_2729 : vector<1x16xf32> to vector<16xf32>
    %select_n3A_2731 = arith.select %and3A_2717, %get3A_2730, %broadcast_in_dim3A_48 : vector<16xi1>, vector<16xf32>
    %get3A_2732 = arith.constant 2 : i32
    %get3A_2733 = arith.index_cast %get3A_2732 : i32 to index
    %get3A_2734 = arith.index_cast %multiple_of3A_2719 : i32 to index
    %get3A_2735 = tpu.vector_load %arg5[%get3A_2733, %get3A_2734] {strides = array<i32>} : memref<8x4096xf32, #tpu.memory_space<vmem>>, vector<1x16xf32>,
    %get3A_2736 = vector.shape_cast %get3A_2735 : vector<1x16xf32> to vector<16xf32>
    %select_n3A_2737 = arith.select %and3A_2717, %get3A_2736, %broadcast_in_dim3A_48 : vector<16xi1>, vector<16xf32>
    %get3A_2738 = arith.constant 3 : i32
    %get3A_2739 = arith.index_cast %get3A_2738 : i32 to index
    %get3A_2740 = arith.index_cast %multiple_of3A_2719 : i32 to index
    %get3A_2741 = tpu.vector_load %arg5[%get3A_2739, %get3A_2740] {strides = array<i32>} : memref<8x4096xf32, #tpu.memory_space<vmem>>, vector<1x16xf32>,
    %get3A_2742 = vector.shape_cast %get3A_2741 : vector<1x16xf32> to vector<16xf32>
    %select_n3A_2743 = arith.select %and3A_2717, %get3A_2742, %broadcast_in_dim3A_48 : vector<16xi1>, vector<16xf32>
    %get3A_2744 = arith.constant 4 : i32
    %get3A_2745 = arith.index_cast %get3A_2744 : i32 to index
    %get3A_2746 = arith.index_cast %multiple_of3A_2719 : i32 to index
    %get3A_2747 = tpu.vector_load %arg5[%get3A_2745, %get3A_2746] {strides = array<i32>} : memref<8x4096xf32, #tpu.memory_space<vmem>>, vector<1x16xf32>,
    %get3A_2748 = vector.shape_cast %get3A_2747 : vector<1x16xf32> to vector<16xf32>
    %select_n3A_2749 = arith.select %and3A_2717, %get3A_2748, %broadcast_in_dim3A_48 : vector<16xi1>, vector<16xf32>
    %get3A_2750 = arith.constant 5 : i32
    %get3A_2751 = arith.index_cast %get3A_2750 : i32 to index
    %get3A_2752 = arith.index_cast %multiple_of3A_2719 : i32 to index
    %get3A_2753 = tpu.vector_load %arg5[%get3A_2751, %get3A_2752] {strides = array<i32>} : memref<8x4096xf32, #tpu.memory_space<vmem>>, vector<1x16xf32>,
    %get3A_2754 = vector.shape_cast %get3A_2753 : vector<1x16xf32> to vector<16xf32>
    %select_n3A_2755 = arith.select %and3A_2717, %get3A_2754, %broadcast_in_dim3A_48 : vector<16xi1>, vector<16xf32>
    %get3A_2756 = arith.constant 6 : i32
    %get3A_2757 = arith.index_cast %get3A_2756 : i32 to index
    %get3A_2758 = arith.index_cast %multiple_of3A_2719 : i32 to index
    %get3A_2759 = tpu.vector_load %arg5[%get3A_2757, %get3A_2758] {strides = array<i32>} : memref<8x4096xf32, #tpu.memory_space<vmem>>, vector<1x16xf32>,
    %get3A_2760 = vector.shape_cast %get3A_2759 : vector<1x16xf32> to vector<16xf32>
    %select_n3A_2761 = arith.select %and3A_2717, %get3A_2760, %broadcast_in_dim3A_48 : vector<16xi1>, vector<16xf32>
    %get3A_2762 = arith.constant 7 : i32
    %get3A_2763 = arith.index_cast %get3A_2762 : i32 to index
    %get3A_2764 = arith.index_cast %multiple_of3A_2719 : i32 to index
    %get3A_2765 = tpu.vector_load %arg5[%get3A_2763, %get3A_2764] {strides = array<i32>} : memref<8x4096xf32, #tpu.memory_space<vmem>>, vector<1x16xf32>,
    %get3A_2766 = vector.shape_cast %get3A_2765 : vector<1x16xf32> to vector<16xf32>
    %select_n3A_2767 = arith.select %and3A_2717, %get3A_2766, %broadcast_in_dim3A_48 : vector<16xi1>, vector<16xf32>
    %mul3A_2768 = arith.constant 16 : i32
    %mul3A_2769 = arith.muli %shift_right_logical3A_2699, %mul3A_2768 : i32
    %sub3A_2770 = arith.subi %mul3A_2769, %multiple_of3A_9 : i32
    %mul3A_2771 = arith.constant 16 : i32
    %mul3A_2772 = arith.muli %max3A_2702, %mul3A_2771 : i32
    %sub3A_2773 = arith.subi %mul3A_2772, %multiple_of3A_9 : i32
    %parallel_loop3A_2774 = arith.constant 16 : i32
    %parallel_loop3A_2775:8 = scf.for %parallel_loop3A_3309 = %sub3A_2770 to %sub3A_2773 step %parallel_loop3A_2774 iter_args(%parallel_loop3A_3310 = %select_n3A_2725, %parallel_loop3A_3311 = %select_n3A_2731, %parallel_loop3A_3312 = %select_n3A_2737, %parallel_loop3A_3313 = %select_n3A_2743, %parallel_loop3A_3314 = %select_n3A_2749, %parallel_loop3A_3315 = %select_n3A_2755, %parallel_loop3A_3316 = %select_n3A_2761, %parallel_loop3A_3317 = %select_n3A_2767) -> (vector<16xf32>, vector<16xf32>, vector<16xf32>, vector<16xf32>, vector<16xf32>, vector<16xf32>, vector<16xf32>, vector<16xf32>)  : i32 {
      %parallel_loop3A_3318 = tpu.assume_multiple %parallel_loop3A_3309, 16 : i32
      %parallel_loop3A_3319 = arith.constant 0 : i32
      %parallel_loop3A_3320 = arith.index_cast %parallel_loop3A_3319 : i32 to index
      %parallel_loop3A_3321 = arith.index_cast %parallel_loop3A_3318 : i32 to index
      %parallel_loop3A_3322 = tpu.vector_load %arg5[%parallel_loop3A_3320, %parallel_loop3A_3321] {strides = array<i32>} : memref<8x4096xf32, #tpu.memory_space<vmem>>, vector<1x16xf32>,
      %parallel_loop3A_3323 = vector.shape_cast %parallel_loop3A_3322 : vector<1x16xf32> to vector<16xf32>
      %parallel_loop3A_3324 = arith.addf %parallel_loop3A_3310, %parallel_loop3A_3323 : vector<16xf32>
      %parallel_loop3A_3325 = arith.constant 1 : i32
      %parallel_loop3A_3326 = arith.index_cast %parallel_loop3A_3325 : i32 to index
      %parallel_loop3A_3327 = arith.index_cast %parallel_loop3A_3318 : i32 to index
      %parallel_loop3A_3328 = tpu.vector_load %arg5[%parallel_loop3A_3326, %parallel_loop3A_3327] {strides = array<i32>} : memref<8x4096xf32, #tpu.memory_space<vmem>>, vector<1x16xf32>,
      %parallel_loop3A_3329 = vector.shape_cast %parallel_loop3A_3328 : vector<1x16xf32> to vector<16xf32>
      %parallel_loop3A_3330 = arith.addf %parallel_loop3A_3311, %parallel_loop3A_3329 : vector<16xf32>
      %parallel_loop3A_3331 = arith.constant 2 : i32
      %parallel_loop3A_3332 = arith.index_cast %parallel_loop3A_3331 : i32 to index
      %parallel_loop3A_3333 = arith.index_cast %parallel_loop3A_3318 : i32 to index
      %parallel_loop3A_3334 = tpu.vector_load %arg5[%parallel_loop3A_3332, %parallel_loop3A_3333] {strides = array<i32>} : memref<8x4096xf32, #tpu.memory_space<vmem>>, vector<1x16xf32>,
      %parallel_loop3A_3335 = vector.shape_cast %parallel_loop3A_3334 : vector<1x16xf32> to vector<16xf32>
      %parallel_loop3A_3336 = arith.addf %parallel_loop3A_3312, %parallel_loop3A_3335 : vector<16xf32>
      %parallel_loop3A_3337 = arith.constant 3 : i32
      %parallel_loop3A_3338 = arith.index_cast %parallel_loop3A_3337 : i32 to index
      %parallel_loop3A_3339 = arith.index_cast %parallel_loop3A_3318 : i32 to index
      %parallel_loop3A_3340 = tpu.vector_load %arg5[%parallel_loop3A_3338, %parallel_loop3A_3339] {strides = array<i32>} : memref<8x4096xf32, #tpu.memory_space<vmem>>, vector<1x16xf32>,
      %parallel_loop3A_3341 = vector.shape_cast %parallel_loop3A_3340 : vector<1x16xf32> to vector<16xf32>
      %parallel_loop3A_3342 = arith.addf %parallel_loop3A_3313, %parallel_loop3A_3341 : vector<16xf32>
      %parallel_loop3A_3343 = arith.constant 4 : i32
      %parallel_loop3A_3344 = arith.index_cast %parallel_loop3A_3343 : i32 to index
      %parallel_loop3A_3345 = arith.index_cast %parallel_loop3A_3318 : i32 to index
      %parallel_loop3A_3346 = tpu.vector_load %arg5[%parallel_loop3A_3344, %parallel_loop3A_3345] {strides = array<i32>} : memref<8x4096xf32, #tpu.memory_space<vmem>>, vector<1x16xf32>,
      %parallel_loop3A_3347 = vector.shape_cast %parallel_loop3A_3346 : vector<1x16xf32> to vector<16xf32>
      %parallel_loop3A_3348 = arith.addf %parallel_loop3A_3314, %parallel_loop3A_3347 : vector<16xf32>
      %parallel_loop3A_3349 = arith.constant 5 : i32
      %parallel_loop3A_3350 = arith.index_cast %parallel_loop3A_3349 : i32 to index
      %parallel_loop3A_3351 = arith.index_cast %parallel_loop3A_3318 : i32 to index
      %parallel_loop3A_3352 = tpu.vector_load %arg5[%parallel_loop3A_3350, %parallel_loop3A_3351] {strides = array<i32>} : memref<8x4096xf32, #tpu.memory_space<vmem>>, vector<1x16xf32>,
      %parallel_loop3A_3353 = vector.shape_cast %parallel_loop3A_3352 : vector<1x16xf32> to vector<16xf32>
      %parallel_loop3A_3354 = arith.addf %parallel_loop3A_3315, %parallel_loop3A_3353 : vector<16xf32>
      %parallel_loop3A_3355 = arith.constant 6 : i32
      %parallel_loop3A_3356 = arith.index_cast %parallel_loop3A_3355 : i32 to index
      %parallel_loop3A_3357 = arith.index_cast %parallel_loop3A_3318 : i32 to index
      %parallel_loop3A_3358 = tpu.vector_load %arg5[%parallel_loop3A_3356, %parallel_loop3A_3357] {strides = array<i32>} : memref<8x4096xf32, #tpu.memory_space<vmem>>, vector<1x16xf32>,
      %parallel_loop3A_3359 = vector.shape_cast %parallel_loop3A_3358 : vector<1x16xf32> to vector<16xf32>
      %parallel_loop3A_3360 = arith.addf %parallel_loop3A_3316, %parallel_loop3A_3359 : vector<16xf32>
      %parallel_loop3A_3361 = arith.constant 7 : i32
      %parallel_loop3A_3362 = arith.index_cast %parallel_loop3A_3361 : i32 to index
      %parallel_loop3A_3363 = arith.index_cast %parallel_loop3A_3318 : i32 to index
      %parallel_loop3A_3364 = tpu.vector_load %arg5[%parallel_loop3A_3362, %parallel_loop3A_3363] {strides = array<i32>} : memref<8x4096xf32, #tpu.memory_space<vmem>>, vector<1x16xf32>,
      %parallel_loop3A_3365 = vector.shape_cast %parallel_loop3A_3364 : vector<1x16xf32> to vector<16xf32>
      %parallel_loop3A_3366 = arith.addf %parallel_loop3A_3317, %parallel_loop3A_3365 : vector<16xf32>
      scf.yield %parallel_loop3A_3324, %parallel_loop3A_3330, %parallel_loop3A_3336, %parallel_loop3A_3342, %parallel_loop3A_3348, %parallel_loop3A_3354, %parallel_loop3A_3360, %parallel_loop3A_3366 : vector<16xf32>, vector<16xf32>, vector<16xf32>, vector<16xf32>, vector<16xf32>, vector<16xf32>, vector<16xf32>, vector<16xf32>
    } {sc.loop_unroll_factor = 1 : i64, sc.parallel_access}
    %and3A_2776 = arith.constant -16 : i32
    %and3A_2777 = arith.andi %min3A_2695, %and3A_2776 : i32
    %max3A_2778 = arith.maxsi %and3A_2777, %multiple_of3A_9 : i32
    %sub3A_2779 = arith.constant 16 : i32
    %sub3A_2780 = arith.subi %add3A_51, %sub3A_2779 : i32
    %min3A_2781 = arith.minsi %max3A_2778, %sub3A_2780 : i32
    %add3A_2782 = vector.broadcast %min3A_2781 : i32 to vector<16xi32>
    %add3A_2783 = arith.addi %add3A_2782, %iota3A : vector<16xi32>
    %mul3A_2784 = arith.constant 16 : i32
    %mul3A_2785 = arith.muli %shift_right_logical3A_2699, %mul3A_2784 : i32
    %max3A_2786 = arith.maxsi %mul3A_2785, %and3A_2777 : i32
    %ge3A_2787 = vector.broadcast %max3A_2786 : i32 to vector<16xi32>
    %ge3A_2788 = arith.cmpi sge, %add3A_2783, %ge3A_2787 : vector<16xi32>
    %lt3A_2789 = vector.broadcast %min3A_2695 : i32 to vector<16xi32>
    %lt3A_2790 = arith.cmpi slt, %add3A_2783, %lt3A_2789 : vector<16xi32>
    %and3A_2791 = arith.andi %ge3A_2788, %lt3A_2790 : vector<16xi1>
    %sub3A_2792 = arith.subi %min3A_2781, %multiple_of3A_9 : i32
    %multiple_of3A_2793 = tpu.assume_multiple %sub3A_2792, 16 : i32
    %get3A_2794 = arith.constant 0 : i32
    %get3A_2795 = arith.index_cast %get3A_2794 : i32 to index
    %get3A_2796 = arith.index_cast %multiple_of3A_2793 : i32 to index
    %get3A_2797 = tpu.vector_load %arg5[%get3A_2795, %get3A_2796] {strides = array<i32>} : memref<8x4096xf32, #tpu.memory_space<vmem>>, vector<1x16xf32>,
    %get3A_2798 = vector.shape_cast %get3A_2797 : vector<1x16xf32> to vector<16xf32>
    %select_n3A_2799 = arith.select %and3A_2791, %get3A_2798, %broadcast_in_dim3A_48 : vector<16xi1>, vector<16xf32>
    %add3A_2800 = arith.addf %parallel_loop3A_2775#0, %select_n3A_2799 : vector<16xf32>
    %swap3A_2801 = arith.constant 0 : i32
    %swap3A_2802 = arith.index_cast %swap3A_2801 : i32 to index
    %swap3A_2803 = arith.constant 208 : index
    %swap3A_2804 = tpu.vector_load %arg7[%swap3A_2802, %swap3A_2803] {strides = array<i32>} : memref<8x256xf32, #tpu.memory_space<vmem>>, vector<1x16xf32>,
    %swap3A_2805 = vector.shape_cast %swap3A_2804 : vector<1x16xf32> to vector<16xf32>
    %swap3A_2806 = vector.shape_cast %add3A_2800 : vector<16xf32> to vector<1x16xf32>
    tpu.vector_store %arg7[%swap3A_2802, %swap3A_2803], %swap3A_2806 {strides = array<i32>} : memref<8x256xf32, #tpu.memory_space<vmem>>, vector<1x16xf32>,
    %get3A_2807 = arith.constant 1 : i32
    %get3A_2808 = arith.index_cast %get3A_2807 : i32 to index
    %get3A_2809 = arith.index_cast %multiple_of3A_2793 : i32 to index
    %get3A_2810 = tpu.vector_load %arg5[%get3A_2808, %get3A_2809] {strides = array<i32>} : memref<8x4096xf32, #tpu.memory_space<vmem>>, vector<1x16xf32>,
    %get3A_2811 = vector.shape_cast %get3A_2810 : vector<1x16xf32> to vector<16xf32>
    %select_n3A_2812 = arith.select %and3A_2791, %get3A_2811, %broadcast_in_dim3A_48 : vector<16xi1>, vector<16xf32>
    %add3A_2813 = arith.addf %parallel_loop3A_2775#1, %select_n3A_2812 : vector<16xf32>
    %swap3A_2814 = arith.constant 1 : i32
    %swap3A_2815 = arith.index_cast %swap3A_2814 : i32 to index
    %swap3A_2816 = arith.constant 208 : index
    %swap3A_2817 = tpu.vector_load %arg7[%swap3A_2815, %swap3A_2816] {strides = array<i32>} : memref<8x256xf32, #tpu.memory_space<vmem>>, vector<1x16xf32>,
    %swap3A_2818 = vector.shape_cast %swap3A_2817 : vector<1x16xf32> to vector<16xf32>
    %swap3A_2819 = vector.shape_cast %add3A_2813 : vector<16xf32> to vector<1x16xf32>
    tpu.vector_store %arg7[%swap3A_2815, %swap3A_2816], %swap3A_2819 {strides = array<i32>} : memref<8x256xf32, #tpu.memory_space<vmem>>, vector<1x16xf32>,
    %get3A_2820 = arith.constant 2 : i32
    %get3A_2821 = arith.index_cast %get3A_2820 : i32 to index
    %get3A_2822 = arith.index_cast %multiple_of3A_2793 : i32 to index
    %get3A_2823 = tpu.vector_load %arg5[%get3A_2821, %get3A_2822] {strides = array<i32>} : memref<8x4096xf32, #tpu.memory_space<vmem>>, vector<1x16xf32>,
    %get3A_2824 = vector.shape_cast %get3A_2823 : vector<1x16xf32> to vector<16xf32>
    %select_n3A_2825 = arith.select %and3A_2791, %get3A_2824, %broadcast_in_dim3A_48 : vector<16xi1>, vector<16xf32>
    %add3A_2826 = arith.addf %parallel_loop3A_2775#2, %select_n3A_2825 : vector<16xf32>
    %swap3A_2827 = arith.constant 2 : i32
    %swap3A_2828 = arith.index_cast %swap3A_2827 : i32 to index
    %swap3A_2829 = arith.constant 208 : index
    %swap3A_2830 = tpu.vector_load %arg7[%swap3A_2828, %swap3A_2829] {strides = array<i32>} : memref<8x256xf32, #tpu.memory_space<vmem>>, vector<1x16xf32>,
    %swap3A_2831 = vector.shape_cast %swap3A_2830 : vector<1x16xf32> to vector<16xf32>
    %swap3A_2832 = vector.shape_cast %add3A_2826 : vector<16xf32> to vector<1x16xf32>
    tpu.vector_store %arg7[%swap3A_2828, %swap3A_2829], %swap3A_2832 {strides = array<i32>} : memref<8x256xf32, #tpu.memory_space<vmem>>, vector<1x16xf32>,
    %get3A_2833 = arith.constant 3 : i32
    %get3A_2834 = arith.index_cast %get3A_2833 : i32 to index
    %get3A_2835 = arith.index_cast %multiple_of3A_2793 : i32 to index
    %get3A_2836 = tpu.vector_load %arg5[%get3A_2834, %get3A_2835] {strides = array<i32>} : memref<8x4096xf32, #tpu.memory_space<vmem>>, vector<1x16xf32>,
    %get3A_2837 = vector.shape_cast %get3A_2836 : vector<1x16xf32> to vector<16xf32>
    %select_n3A_2838 = arith.select %and3A_2791, %get3A_2837, %broadcast_in_dim3A_48 : vector<16xi1>, vector<16xf32>
    %add3A_2839 = arith.addf %parallel_loop3A_2775#3, %select_n3A_2838 : vector<16xf32>
    %swap3A_2840 = arith.constant 3 : i32
    %swap3A_2841 = arith.index_cast %swap3A_2840 : i32 to index
    %swap3A_2842 = arith.constant 208 : index
    %swap3A_2843 = tpu.vector_load %arg7[%swap3A_2841, %swap3A_2842] {strides = array<i32>} : memref<8x256xf32, #tpu.memory_space<vmem>>, vector<1x16xf32>,
    %swap3A_2844 = vector.shape_cast %swap3A_2843 : vector<1x16xf32> to vector<16xf32>
    %swap3A_2845 = vector.shape_cast %add3A_2839 : vector<16xf32> to vector<1x16xf32>
    tpu.vector_store %arg7[%swap3A_2841, %swap3A_2842], %swap3A_2845 {strides = array<i32>} : memref<8x256xf32, #tpu.memory_space<vmem>>, vector<1x16xf32>,
    %get3A_2846 = arith.constant 4 : i32
    %get3A_2847 = arith.index_cast %get3A_2846 : i32 to index
    %get3A_2848 = arith.index_cast %multiple_of3A_2793 : i32 to index
    %get3A_2849 = tpu.vector_load %arg5[%get3A_2847, %get3A_2848] {strides = array<i32>} : memref<8x4096xf32, #tpu.memory_space<vmem>>, vector<1x16xf32>,
    %get3A_2850 = vector.shape_cast %get3A_2849 : vector<1x16xf32> to vector<16xf32>
    %select_n3A_2851 = arith.select %and3A_2791, %get3A_2850, %broadcast_in_dim3A_48 : vector<16xi1>, vector<16xf32>
    %add3A_2852 = arith.addf %parallel_loop3A_2775#4, %select_n3A_2851 : vector<16xf32>
    %swap3A_2853 = arith.constant 4 : i32
    %swap3A_2854 = arith.index_cast %swap3A_2853 : i32 to index
    %swap3A_2855 = arith.constant 208 : index
    %swap3A_2856 = tpu.vector_load %arg7[%swap3A_2854, %swap3A_2855] {strides = array<i32>} : memref<8x256xf32, #tpu.memory_space<vmem>>, vector<1x16xf32>,
    %swap3A_2857 = vector.shape_cast %swap3A_2856 : vector<1x16xf32> to vector<16xf32>
    %swap3A_2858 = vector.shape_cast %add3A_2852 : vector<16xf32> to vector<1x16xf32>
    tpu.vector_store %arg7[%swap3A_2854, %swap3A_2855], %swap3A_2858 {strides = array<i32>} : memref<8x256xf32, #tpu.memory_space<vmem>>, vector<1x16xf32>,
    %get3A_2859 = arith.constant 5 : i32
    %get3A_2860 = arith.index_cast %get3A_2859 : i32 to index
    %get3A_2861 = arith.index_cast %multiple_of3A_2793 : i32 to index
    %get3A_2862 = tpu.vector_load %arg5[%get3A_2860, %get3A_2861] {strides = array<i32>} : memref<8x4096xf32, #tpu.memory_space<vmem>>, vector<1x16xf32>,
    %get3A_2863 = vector.shape_cast %get3A_2862 : vector<1x16xf32> to vector<16xf32>
    %select_n3A_2864 = arith.select %and3A_2791, %get3A_2863, %broadcast_in_dim3A_48 : vector<16xi1>, vector<16xf32>
    %add3A_2865 = arith.addf %parallel_loop3A_2775#5, %select_n3A_2864 : vector<16xf32>
    %swap3A_2866 = arith.constant 5 : i32
    %swap3A_2867 = arith.index_cast %swap3A_2866 : i32 to index
    %swap3A_2868 = arith.constant 208 : index
    %swap3A_2869 = tpu.vector_load %arg7[%swap3A_2867, %swap3A_2868] {strides = array<i32>} : memref<8x256xf32, #tpu.memory_space<vmem>>, vector<1x16xf32>,
    %swap3A_2870 = vector.shape_cast %swap3A_2869 : vector<1x16xf32> to vector<16xf32>
    %swap3A_2871 = vector.shape_cast %add3A_2865 : vector<16xf32> to vector<1x16xf32>
    tpu.vector_store %arg7[%swap3A_2867, %swap3A_2868], %swap3A_2871 {strides = array<i32>} : memref<8x256xf32, #tpu.memory_space<vmem>>, vector<1x16xf32>,
    %get3A_2872 = arith.constant 6 : i32
    %get3A_2873 = arith.index_cast %get3A_2872 : i32 to index
    %get3A_2874 = arith.index_cast %multiple_of3A_2793 : i32 to index
    %get3A_2875 = tpu.vector_load %arg5[%get3A_2873, %get3A_2874] {strides = array<i32>} : memref<8x4096xf32, #tpu.memory_space<vmem>>, vector<1x16xf32>,
    %get3A_2876 = vector.shape_cast %get3A_2875 : vector<1x16xf32> to vector<16xf32>
    %select_n3A_2877 = arith.select %and3A_2791, %get3A_2876, %broadcast_in_dim3A_48 : vector<16xi1>, vector<16xf32>
    %add3A_2878 = arith.addf %parallel_loop3A_2775#6, %select_n3A_2877 : vector<16xf32>
    %swap3A_2879 = arith.constant 6 : i32
    %swap3A_2880 = arith.index_cast %swap3A_2879 : i32 to index
    %swap3A_2881 = arith.constant 208 : index
    %swap3A_2882 = tpu.vector_load %arg7[%swap3A_2880, %swap3A_2881] {strides = array<i32>} : memref<8x256xf32, #tpu.memory_space<vmem>>, vector<1x16xf32>,
    %swap3A_2883 = vector.shape_cast %swap3A_2882 : vector<1x16xf32> to vector<16xf32>
    %swap3A_2884 = vector.shape_cast %add3A_2878 : vector<16xf32> to vector<1x16xf32>
    tpu.vector_store %arg7[%swap3A_2880, %swap3A_2881], %swap3A_2884 {strides = array<i32>} : memref<8x256xf32, #tpu.memory_space<vmem>>, vector<1x16xf32>,
    %get3A_2885 = arith.constant 7 : i32
    %get3A_2886 = arith.index_cast %get3A_2885 : i32 to index
    %get3A_2887 = arith.index_cast %multiple_of3A_2793 : i32 to index
    %get3A_2888 = tpu.vector_load %arg5[%get3A_2886, %get3A_2887] {strides = array<i32>} : memref<8x4096xf32, #tpu.memory_space<vmem>>, vector<1x16xf32>,
    %get3A_2889 = vector.shape_cast %get3A_2888 : vector<1x16xf32> to vector<16xf32>
    %select_n3A_2890 = arith.select %and3A_2791, %get3A_2889, %broadcast_in_dim3A_48 : vector<16xi1>, vector<16xf32>
    %add3A_2891 = arith.addf %parallel_loop3A_2775#7, %select_n3A_2890 : vector<16xf32>
    %swap3A_2892 = arith.constant 7 : i32
    %swap3A_2893 = arith.index_cast %swap3A_2892 : i32 to index
    %swap3A_2894 = arith.constant 208 : index
    %swap3A_2895 = tpu.vector_load %arg7[%swap3A_2893, %swap3A_2894] {strides = array<i32>} : memref<8x256xf32, #tpu.memory_space<vmem>>, vector<1x16xf32>,
    %swap3A_2896 = vector.shape_cast %swap3A_2895 : vector<1x16xf32> to vector<16xf32>
    %swap3A_2897 = vector.shape_cast %add3A_2891 : vector<16xf32> to vector<1x16xf32>
    tpu.vector_store %arg7[%swap3A_2893, %swap3A_2894], %swap3A_2897 {strides = array<i32>} : memref<8x256xf32, #tpu.memory_space<vmem>>, vector<1x16xf32>,
    %max3A_2898 = arith.maxsi %squeeze3A_43, %multiple_of3A_9 : i32
    %min3A_2899 = arith.minsi %squeeze3A_45, %add3A_51 : i32
    %add3A_2900 = arith.constant 15 : i32
    %add3A_2901 = arith.addi %max3A_2898, %add3A_2900 : i32
    %shift_right_logical3A_2902 = arith.constant 4 : i32
    %shift_right_logical3A_2903 = arith.shrui %add3A_2901, %shift_right_logical3A_2902 : i32
    %shift_right_logical3A_2904 = arith.constant 4 : i32
    %shift_right_logical3A_2905 = arith.shrui %min3A_2899, %shift_right_logical3A_2904 : i32
    %max3A_2906 = arith.maxsi %shift_right_logical3A_2903, %shift_right_logical3A_2905 : i32
    %sub3A_2907 = arith.constant 1 : i32
    %sub3A_2908 = arith.subi %add3A_51, %sub3A_2907 : i32
    %min3A_2909 = arith.minsi %max3A_2898, %sub3A_2908 : i32
    %and3A_2910 = arith.constant -16 : i32
    %and3A_2911 = arith.andi %min3A_2909, %and3A_2910 : i32
    %add3A_2912 = vector.broadcast %and3A_2911 : i32 to vector<16xi32>
    %add3A_2913 = arith.addi %add3A_2912, %iota3A : vector<16xi32>
    %ge3A_2914 = vector.broadcast %max3A_2898 : i32 to vector<16xi32>
    %ge3A_2915 = arith.cmpi sge, %add3A_2913, %ge3A_2914 : vector<16xi32>
    %mul3A_2916 = arith.constant 16 : i32
    %mul3A_2917 = arith.muli %shift_right_logical3A_2903, %mul3A_2916 : i32
    %min3A_2918 = arith.minsi %min3A_2899, %mul3A_2917 : i32
    %lt3A_2919 = vector.broadcast %min3A_2918 : i32 to vector<16xi32>
    %lt3A_2920 = arith.cmpi slt, %add3A_2913, %lt3A_2919 : vector<16xi32>
    %and3A_2921 = arith.andi %ge3A_2915, %lt3A_2920 : vector<16xi1>
    %sub3A_2922 = arith.subi %and3A_2911, %multiple_of3A_9 : i32
    %multiple_of3A_2923 = tpu.assume_multiple %sub3A_2922, 16 : i32
    %get3A_2924 = arith.constant 0 : i32
    %get3A_2925 = arith.index_cast %get3A_2924 : i32 to index
    %get3A_2926 = arith.index_cast %multiple_of3A_2923 : i32 to index
    %get3A_2927 = tpu.vector_load %arg5[%get3A_2925, %get3A_2926] {strides = array<i32>} : memref<8x4096xf32, #tpu.memory_space<vmem>>, vector<1x16xf32>,
    %get3A_2928 = vector.shape_cast %get3A_2927 : vector<1x16xf32> to vector<16xf32>
    %select_n3A_2929 = arith.select %and3A_2921, %get3A_2928, %broadcast_in_dim3A_48 : vector<16xi1>, vector<16xf32>
    %get3A_2930 = arith.constant 1 : i32
    %get3A_2931 = arith.index_cast %get3A_2930 : i32 to index
    %get3A_2932 = arith.index_cast %multiple_of3A_2923 : i32 to index
    %get3A_2933 = tpu.vector_load %arg5[%get3A_2931, %get3A_2932] {strides = array<i32>} : memref<8x4096xf32, #tpu.memory_space<vmem>>, vector<1x16xf32>,
    %get3A_2934 = vector.shape_cast %get3A_2933 : vector<1x16xf32> to vector<16xf32>
    %select_n3A_2935 = arith.select %and3A_2921, %get3A_2934, %broadcast_in_dim3A_48 : vector<16xi1>, vector<16xf32>
    %get3A_2936 = arith.constant 2 : i32
    %get3A_2937 = arith.index_cast %get3A_2936 : i32 to index
    %get3A_2938 = arith.index_cast %multiple_of3A_2923 : i32 to index
    %get3A_2939 = tpu.vector_load %arg5[%get3A_2937, %get3A_2938] {strides = array<i32>} : memref<8x4096xf32, #tpu.memory_space<vmem>>, vector<1x16xf32>,
    %get3A_2940 = vector.shape_cast %get3A_2939 : vector<1x16xf32> to vector<16xf32>
    %select_n3A_2941 = arith.select %and3A_2921, %get3A_2940, %broadcast_in_dim3A_48 : vector<16xi1>, vector<16xf32>
    %get3A_2942 = arith.constant 3 : i32
    %get3A_2943 = arith.index_cast %get3A_2942 : i32 to index
    %get3A_2944 = arith.index_cast %multiple_of3A_2923 : i32 to index
    %get3A_2945 = tpu.vector_load %arg5[%get3A_2943, %get3A_2944] {strides = array<i32>} : memref<8x4096xf32, #tpu.memory_space<vmem>>, vector<1x16xf32>,
    %get3A_2946 = vector.shape_cast %get3A_2945 : vector<1x16xf32> to vector<16xf32>
    %select_n3A_2947 = arith.select %and3A_2921, %get3A_2946, %broadcast_in_dim3A_48 : vector<16xi1>, vector<16xf32>
    %get3A_2948 = arith.constant 4 : i32
    %get3A_2949 = arith.index_cast %get3A_2948 : i32 to index
    %get3A_2950 = arith.index_cast %multiple_of3A_2923 : i32 to index
    %get3A_2951 = tpu.vector_load %arg5[%get3A_2949, %get3A_2950] {strides = array<i32>} : memref<8x4096xf32, #tpu.memory_space<vmem>>, vector<1x16xf32>,
    %get3A_2952 = vector.shape_cast %get3A_2951 : vector<1x16xf32> to vector<16xf32>
    %select_n3A_2953 = arith.select %and3A_2921, %get3A_2952, %broadcast_in_dim3A_48 : vector<16xi1>, vector<16xf32>
    %get3A_2954 = arith.constant 5 : i32
    %get3A_2955 = arith.index_cast %get3A_2954 : i32 to index
    %get3A_2956 = arith.index_cast %multiple_of3A_2923 : i32 to index
    %get3A_2957 = tpu.vector_load %arg5[%get3A_2955, %get3A_2956] {strides = array<i32>} : memref<8x4096xf32, #tpu.memory_space<vmem>>, vector<1x16xf32>,
    %get3A_2958 = vector.shape_cast %get3A_2957 : vector<1x16xf32> to vector<16xf32>
    %select_n3A_2959 = arith.select %and3A_2921, %get3A_2958, %broadcast_in_dim3A_48 : vector<16xi1>, vector<16xf32>
    %get3A_2960 = arith.constant 6 : i32
    %get3A_2961 = arith.index_cast %get3A_2960 : i32 to index
    %get3A_2962 = arith.index_cast %multiple_of3A_2923 : i32 to index
    %get3A_2963 = tpu.vector_load %arg5[%get3A_2961, %get3A_2962] {strides = array<i32>} : memref<8x4096xf32, #tpu.memory_space<vmem>>, vector<1x16xf32>,
    %get3A_2964 = vector.shape_cast %get3A_2963 : vector<1x16xf32> to vector<16xf32>
    %select_n3A_2965 = arith.select %and3A_2921, %get3A_2964, %broadcast_in_dim3A_48 : vector<16xi1>, vector<16xf32>
    %get3A_2966 = arith.constant 7 : i32
    %get3A_2967 = arith.index_cast %get3A_2966 : i32 to index
    %get3A_2968 = arith.index_cast %multiple_of3A_2923 : i32 to index
    %get3A_2969 = tpu.vector_load %arg5[%get3A_2967, %get3A_2968] {strides = array<i32>} : memref<8x4096xf32, #tpu.memory_space<vmem>>, vector<1x16xf32>,
    %get3A_2970 = vector.shape_cast %get3A_2969 : vector<1x16xf32> to vector<16xf32>
    %select_n3A_2971 = arith.select %and3A_2921, %get3A_2970, %broadcast_in_dim3A_48 : vector<16xi1>, vector<16xf32>
    %mul3A_2972 = arith.constant 16 : i32
    %mul3A_2973 = arith.muli %shift_right_logical3A_2903, %mul3A_2972 : i32
    %sub3A_2974 = arith.subi %mul3A_2973, %multiple_of3A_9 : i32
    %mul3A_2975 = arith.constant 16 : i32
    %mul3A_2976 = arith.muli %max3A_2906, %mul3A_2975 : i32
    %sub3A_2977 = arith.subi %mul3A_2976, %multiple_of3A_9 : i32
    %parallel_loop3A_2978 = arith.constant 16 : i32
    %parallel_loop3A_2979:8 = scf.for %parallel_loop3A_3309 = %sub3A_2974 to %sub3A_2977 step %parallel_loop3A_2978 iter_args(%parallel_loop3A_3310 = %select_n3A_2929, %parallel_loop3A_3311 = %select_n3A_2935, %parallel_loop3A_3312 = %select_n3A_2941, %parallel_loop3A_3313 = %select_n3A_2947, %parallel_loop3A_3314 = %select_n3A_2953, %parallel_loop3A_3315 = %select_n3A_2959, %parallel_loop3A_3316 = %select_n3A_2965, %parallel_loop3A_3317 = %select_n3A_2971) -> (vector<16xf32>, vector<16xf32>, vector<16xf32>, vector<16xf32>, vector<16xf32>, vector<16xf32>, vector<16xf32>, vector<16xf32>)  : i32 {
      %parallel_loop3A_3318 = tpu.assume_multiple %parallel_loop3A_3309, 16 : i32
      %parallel_loop3A_3319 = arith.constant 0 : i32
      %parallel_loop3A_3320 = arith.index_cast %parallel_loop3A_3319 : i32 to index
      %parallel_loop3A_3321 = arith.index_cast %parallel_loop3A_3318 : i32 to index
      %parallel_loop3A_3322 = tpu.vector_load %arg5[%parallel_loop3A_3320, %parallel_loop3A_3321] {strides = array<i32>} : memref<8x4096xf32, #tpu.memory_space<vmem>>, vector<1x16xf32>,
      %parallel_loop3A_3323 = vector.shape_cast %parallel_loop3A_3322 : vector<1x16xf32> to vector<16xf32>
      %parallel_loop3A_3324 = arith.addf %parallel_loop3A_3310, %parallel_loop3A_3323 : vector<16xf32>
      %parallel_loop3A_3325 = arith.constant 1 : i32
      %parallel_loop3A_3326 = arith.index_cast %parallel_loop3A_3325 : i32 to index
      %parallel_loop3A_3327 = arith.index_cast %parallel_loop3A_3318 : i32 to index
      %parallel_loop3A_3328 = tpu.vector_load %arg5[%parallel_loop3A_3326, %parallel_loop3A_3327] {strides = array<i32>} : memref<8x4096xf32, #tpu.memory_space<vmem>>, vector<1x16xf32>,
      %parallel_loop3A_3329 = vector.shape_cast %parallel_loop3A_3328 : vector<1x16xf32> to vector<16xf32>
      %parallel_loop3A_3330 = arith.addf %parallel_loop3A_3311, %parallel_loop3A_3329 : vector<16xf32>
      %parallel_loop3A_3331 = arith.constant 2 : i32
      %parallel_loop3A_3332 = arith.index_cast %parallel_loop3A_3331 : i32 to index
      %parallel_loop3A_3333 = arith.index_cast %parallel_loop3A_3318 : i32 to index
      %parallel_loop3A_3334 = tpu.vector_load %arg5[%parallel_loop3A_3332, %parallel_loop3A_3333] {strides = array<i32>} : memref<8x4096xf32, #tpu.memory_space<vmem>>, vector<1x16xf32>,
      %parallel_loop3A_3335 = vector.shape_cast %parallel_loop3A_3334 : vector<1x16xf32> to vector<16xf32>
      %parallel_loop3A_3336 = arith.addf %parallel_loop3A_3312, %parallel_loop3A_3335 : vector<16xf32>
      %parallel_loop3A_3337 = arith.constant 3 : i32
      %parallel_loop3A_3338 = arith.index_cast %parallel_loop3A_3337 : i32 to index
      %parallel_loop3A_3339 = arith.index_cast %parallel_loop3A_3318 : i32 to index
      %parallel_loop3A_3340 = tpu.vector_load %arg5[%parallel_loop3A_3338, %parallel_loop3A_3339] {strides = array<i32>} : memref<8x4096xf32, #tpu.memory_space<vmem>>, vector<1x16xf32>,
      %parallel_loop3A_3341 = vector.shape_cast %parallel_loop3A_3340 : vector<1x16xf32> to vector<16xf32>
      %parallel_loop3A_3342 = arith.addf %parallel_loop3A_3313, %parallel_loop3A_3341 : vector<16xf32>
      %parallel_loop3A_3343 = arith.constant 4 : i32
      %parallel_loop3A_3344 = arith.index_cast %parallel_loop3A_3343 : i32 to index
      %parallel_loop3A_3345 = arith.index_cast %parallel_loop3A_3318 : i32 to index
      %parallel_loop3A_3346 = tpu.vector_load %arg5[%parallel_loop3A_3344, %parallel_loop3A_3345] {strides = array<i32>} : memref<8x4096xf32, #tpu.memory_space<vmem>>, vector<1x16xf32>,
      %parallel_loop3A_3347 = vector.shape_cast %parallel_loop3A_3346 : vector<1x16xf32> to vector<16xf32>
      %parallel_loop3A_3348 = arith.addf %parallel_loop3A_3314, %parallel_loop3A_3347 : vector<16xf32>
      %parallel_loop3A_3349 = arith.constant 5 : i32
      %parallel_loop3A_3350 = arith.index_cast %parallel_loop3A_3349 : i32 to index
      %parallel_loop3A_3351 = arith.index_cast %parallel_loop3A_3318 : i32 to index
      %parallel_loop3A_3352 = tpu.vector_load %arg5[%parallel_loop3A_3350, %parallel_loop3A_3351] {strides = array<i32>} : memref<8x4096xf32, #tpu.memory_space<vmem>>, vector<1x16xf32>,
      %parallel_loop3A_3353 = vector.shape_cast %parallel_loop3A_3352 : vector<1x16xf32> to vector<16xf32>
      %parallel_loop3A_3354 = arith.addf %parallel_loop3A_3315, %parallel_loop3A_3353 : vector<16xf32>
      %parallel_loop3A_3355 = arith.constant 6 : i32
      %parallel_loop3A_3356 = arith.index_cast %parallel_loop3A_3355 : i32 to index
      %parallel_loop3A_3357 = arith.index_cast %parallel_loop3A_3318 : i32 to index
      %parallel_loop3A_3358 = tpu.vector_load %arg5[%parallel_loop3A_3356, %parallel_loop3A_3357] {strides = array<i32>} : memref<8x4096xf32, #tpu.memory_space<vmem>>, vector<1x16xf32>,
      %parallel_loop3A_3359 = vector.shape_cast %parallel_loop3A_3358 : vector<1x16xf32> to vector<16xf32>
      %parallel_loop3A_3360 = arith.addf %parallel_loop3A_3316, %parallel_loop3A_3359 : vector<16xf32>
      %parallel_loop3A_3361 = arith.constant 7 : i32
      %parallel_loop3A_3362 = arith.index_cast %parallel_loop3A_3361 : i32 to index
      %parallel_loop3A_3363 = arith.index_cast %parallel_loop3A_3318 : i32 to index
      %parallel_loop3A_3364 = tpu.vector_load %arg5[%parallel_loop3A_3362, %parallel_loop3A_3363] {strides = array<i32>} : memref<8x4096xf32, #tpu.memory_space<vmem>>, vector<1x16xf32>,
      %parallel_loop3A_3365 = vector.shape_cast %parallel_loop3A_3364 : vector<1x16xf32> to vector<16xf32>
      %parallel_loop3A_3366 = arith.addf %parallel_loop3A_3317, %parallel_loop3A_3365 : vector<16xf32>
      scf.yield %parallel_loop3A_3324, %parallel_loop3A_3330, %parallel_loop3A_3336, %parallel_loop3A_3342, %parallel_loop3A_3348, %parallel_loop3A_3354, %parallel_loop3A_3360, %parallel_loop3A_3366 : vector<16xf32>, vector<16xf32>, vector<16xf32>, vector<16xf32>, vector<16xf32>, vector<16xf32>, vector<16xf32>, vector<16xf32>
    } {sc.loop_unroll_factor = 1 : i64, sc.parallel_access}
    %and3A_2980 = arith.constant -16 : i32
    %and3A_2981 = arith.andi %min3A_2899, %and3A_2980 : i32
    %max3A_2982 = arith.maxsi %and3A_2981, %multiple_of3A_9 : i32
    %sub3A_2983 = arith.constant 16 : i32
    %sub3A_2984 = arith.subi %add3A_51, %sub3A_2983 : i32
    %min3A_2985 = arith.minsi %max3A_2982, %sub3A_2984 : i32
    %add3A_2986 = vector.broadcast %min3A_2985 : i32 to vector<16xi32>
    %add3A_2987 = arith.addi %add3A_2986, %iota3A : vector<16xi32>
    %mul3A_2988 = arith.constant 16 : i32
    %mul3A_2989 = arith.muli %shift_right_logical3A_2903, %mul3A_2988 : i32
    %max3A_2990 = arith.maxsi %mul3A_2989, %and3A_2981 : i32
    %ge3A_2991 = vector.broadcast %max3A_2990 : i32 to vector<16xi32>
    %ge3A_2992 = arith.cmpi sge, %add3A_2987, %ge3A_2991 : vector<16xi32>
    %lt3A_2993 = vector.broadcast %min3A_2899 : i32 to vector<16xi32>
    %lt3A_2994 = arith.cmpi slt, %add3A_2987, %lt3A_2993 : vector<16xi32>
    %and3A_2995 = arith.andi %ge3A_2992, %lt3A_2994 : vector<16xi1>
    %sub3A_2996 = arith.subi %min3A_2985, %multiple_of3A_9 : i32
    %multiple_of3A_2997 = tpu.assume_multiple %sub3A_2996, 16 : i32
    %get3A_2998 = arith.constant 0 : i32
    %get3A_2999 = arith.index_cast %get3A_2998 : i32 to index
    %get3A_3000 = arith.index_cast %multiple_of3A_2997 : i32 to index
    %get3A_3001 = tpu.vector_load %arg5[%get3A_2999, %get3A_3000] {strides = array<i32>} : memref<8x4096xf32, #tpu.memory_space<vmem>>, vector<1x16xf32>,
    %get3A_3002 = vector.shape_cast %get3A_3001 : vector<1x16xf32> to vector<16xf32>
    %select_n3A_3003 = arith.select %and3A_2995, %get3A_3002, %broadcast_in_dim3A_48 : vector<16xi1>, vector<16xf32>
    %add3A_3004 = arith.addf %parallel_loop3A_2979#0, %select_n3A_3003 : vector<16xf32>
    %swap3A_3005 = arith.constant 0 : i32
    %swap3A_3006 = arith.index_cast %swap3A_3005 : i32 to index
    %swap3A_3007 = arith.constant 224 : index
    %swap3A_3008 = tpu.vector_load %arg7[%swap3A_3006, %swap3A_3007] {strides = array<i32>} : memref<8x256xf32, #tpu.memory_space<vmem>>, vector<1x16xf32>,
    %swap3A_3009 = vector.shape_cast %swap3A_3008 : vector<1x16xf32> to vector<16xf32>
    %swap3A_3010 = vector.shape_cast %add3A_3004 : vector<16xf32> to vector<1x16xf32>
    tpu.vector_store %arg7[%swap3A_3006, %swap3A_3007], %swap3A_3010 {strides = array<i32>} : memref<8x256xf32, #tpu.memory_space<vmem>>, vector<1x16xf32>,
    %get3A_3011 = arith.constant 1 : i32
    %get3A_3012 = arith.index_cast %get3A_3011 : i32 to index
    %get3A_3013 = arith.index_cast %multiple_of3A_2997 : i32 to index
    %get3A_3014 = tpu.vector_load %arg5[%get3A_3012, %get3A_3013] {strides = array<i32>} : memref<8x4096xf32, #tpu.memory_space<vmem>>, vector<1x16xf32>,
    %get3A_3015 = vector.shape_cast %get3A_3014 : vector<1x16xf32> to vector<16xf32>
    %select_n3A_3016 = arith.select %and3A_2995, %get3A_3015, %broadcast_in_dim3A_48 : vector<16xi1>, vector<16xf32>
    %add3A_3017 = arith.addf %parallel_loop3A_2979#1, %select_n3A_3016 : vector<16xf32>
    %swap3A_3018 = arith.constant 1 : i32
    %swap3A_3019 = arith.index_cast %swap3A_3018 : i32 to index
    %swap3A_3020 = arith.constant 224 : index
    %swap3A_3021 = tpu.vector_load %arg7[%swap3A_3019, %swap3A_3020] {strides = array<i32>} : memref<8x256xf32, #tpu.memory_space<vmem>>, vector<1x16xf32>,
    %swap3A_3022 = vector.shape_cast %swap3A_3021 : vector<1x16xf32> to vector<16xf32>
    %swap3A_3023 = vector.shape_cast %add3A_3017 : vector<16xf32> to vector<1x16xf32>
    tpu.vector_store %arg7[%swap3A_3019, %swap3A_3020], %swap3A_3023 {strides = array<i32>} : memref<8x256xf32, #tpu.memory_space<vmem>>, vector<1x16xf32>,
    %get3A_3024 = arith.constant 2 : i32
    %get3A_3025 = arith.index_cast %get3A_3024 : i32 to index
    %get3A_3026 = arith.index_cast %multiple_of3A_2997 : i32 to index
    %get3A_3027 = tpu.vector_load %arg5[%get3A_3025, %get3A_3026] {strides = array<i32>} : memref<8x4096xf32, #tpu.memory_space<vmem>>, vector<1x16xf32>,
    %get3A_3028 = vector.shape_cast %get3A_3027 : vector<1x16xf32> to vector<16xf32>
    %select_n3A_3029 = arith.select %and3A_2995, %get3A_3028, %broadcast_in_dim3A_48 : vector<16xi1>, vector<16xf32>
    %add3A_3030 = arith.addf %parallel_loop3A_2979#2, %select_n3A_3029 : vector<16xf32>
    %swap3A_3031 = arith.constant 2 : i32
    %swap3A_3032 = arith.index_cast %swap3A_3031 : i32 to index
    %swap3A_3033 = arith.constant 224 : index
    %swap3A_3034 = tpu.vector_load %arg7[%swap3A_3032, %swap3A_3033] {strides = array<i32>} : memref<8x256xf32, #tpu.memory_space<vmem>>, vector<1x16xf32>,
    %swap3A_3035 = vector.shape_cast %swap3A_3034 : vector<1x16xf32> to vector<16xf32>
    %swap3A_3036 = vector.shape_cast %add3A_3030 : vector<16xf32> to vector<1x16xf32>
    tpu.vector_store %arg7[%swap3A_3032, %swap3A_3033], %swap3A_3036 {strides = array<i32>} : memref<8x256xf32, #tpu.memory_space<vmem>>, vector<1x16xf32>,
    %get3A_3037 = arith.constant 3 : i32
    %get3A_3038 = arith.index_cast %get3A_3037 : i32 to index
    %get3A_3039 = arith.index_cast %multiple_of3A_2997 : i32 to index
    %get3A_3040 = tpu.vector_load %arg5[%get3A_3038, %get3A_3039] {strides = array<i32>} : memref<8x4096xf32, #tpu.memory_space<vmem>>, vector<1x16xf32>,
    %get3A_3041 = vector.shape_cast %get3A_3040 : vector<1x16xf32> to vector<16xf32>
    %select_n3A_3042 = arith.select %and3A_2995, %get3A_3041, %broadcast_in_dim3A_48 : vector<16xi1>, vector<16xf32>
    %add3A_3043 = arith.addf %parallel_loop3A_2979#3, %select_n3A_3042 : vector<16xf32>
    %swap3A_3044 = arith.constant 3 : i32
    %swap3A_3045 = arith.index_cast %swap3A_3044 : i32 to index
    %swap3A_3046 = arith.constant 224 : index
    %swap3A_3047 = tpu.vector_load %arg7[%swap3A_3045, %swap3A_3046] {strides = array<i32>} : memref<8x256xf32, #tpu.memory_space<vmem>>, vector<1x16xf32>,
    %swap3A_3048 = vector.shape_cast %swap3A_3047 : vector<1x16xf32> to vector<16xf32>
    %swap3A_3049 = vector.shape_cast %add3A_3043 : vector<16xf32> to vector<1x16xf32>
    tpu.vector_store %arg7[%swap3A_3045, %swap3A_3046], %swap3A_3049 {strides = array<i32>} : memref<8x256xf32, #tpu.memory_space<vmem>>, vector<1x16xf32>,
    %get3A_3050 = arith.constant 4 : i32
    %get3A_3051 = arith.index_cast %get3A_3050 : i32 to index
    %get3A_3052 = arith.index_cast %multiple_of3A_2997 : i32 to index
    %get3A_3053 = tpu.vector_load %arg5[%get3A_3051, %get3A_3052] {strides = array<i32>} : memref<8x4096xf32, #tpu.memory_space<vmem>>, vector<1x16xf32>,
    %get3A_3054 = vector.shape_cast %get3A_3053 : vector<1x16xf32> to vector<16xf32>
    %select_n3A_3055 = arith.select %and3A_2995, %get3A_3054, %broadcast_in_dim3A_48 : vector<16xi1>, vector<16xf32>
    %add3A_3056 = arith.addf %parallel_loop3A_2979#4, %select_n3A_3055 : vector<16xf32>
    %swap3A_3057 = arith.constant 4 : i32
    %swap3A_3058 = arith.index_cast %swap3A_3057 : i32 to index
    %swap3A_3059 = arith.constant 224 : index
    %swap3A_3060 = tpu.vector_load %arg7[%swap3A_3058, %swap3A_3059] {strides = array<i32>} : memref<8x256xf32, #tpu.memory_space<vmem>>, vector<1x16xf32>,
    %swap3A_3061 = vector.shape_cast %swap3A_3060 : vector<1x16xf32> to vector<16xf32>
    %swap3A_3062 = vector.shape_cast %add3A_3056 : vector<16xf32> to vector<1x16xf32>
    tpu.vector_store %arg7[%swap3A_3058, %swap3A_3059], %swap3A_3062 {strides = array<i32>} : memref<8x256xf32, #tpu.memory_space<vmem>>, vector<1x16xf32>,
    %get3A_3063 = arith.constant 5 : i32
    %get3A_3064 = arith.index_cast %get3A_3063 : i32 to index
    %get3A_3065 = arith.index_cast %multiple_of3A_2997 : i32 to index
    %get3A_3066 = tpu.vector_load %arg5[%get3A_3064, %get3A_3065] {strides = array<i32>} : memref<8x4096xf32, #tpu.memory_space<vmem>>, vector<1x16xf32>,
    %get3A_3067 = vector.shape_cast %get3A_3066 : vector<1x16xf32> to vector<16xf32>
    %select_n3A_3068 = arith.select %and3A_2995, %get3A_3067, %broadcast_in_dim3A_48 : vector<16xi1>, vector<16xf32>
    %add3A_3069 = arith.addf %parallel_loop3A_2979#5, %select_n3A_3068 : vector<16xf32>
    %swap3A_3070 = arith.constant 5 : i32
    %swap3A_3071 = arith.index_cast %swap3A_3070 : i32 to index
    %swap3A_3072 = arith.constant 224 : index
    %swap3A_3073 = tpu.vector_load %arg7[%swap3A_3071, %swap3A_3072] {strides = array<i32>} : memref<8x256xf32, #tpu.memory_space<vmem>>, vector<1x16xf32>,
    %swap3A_3074 = vector.shape_cast %swap3A_3073 : vector<1x16xf32> to vector<16xf32>
    %swap3A_3075 = vector.shape_cast %add3A_3069 : vector<16xf32> to vector<1x16xf32>
    tpu.vector_store %arg7[%swap3A_3071, %swap3A_3072], %swap3A_3075 {strides = array<i32>} : memref<8x256xf32, #tpu.memory_space<vmem>>, vector<1x16xf32>,
    %get3A_3076 = arith.constant 6 : i32
    %get3A_3077 = arith.index_cast %get3A_3076 : i32 to index
    %get3A_3078 = arith.index_cast %multiple_of3A_2997 : i32 to index
    %get3A_3079 = tpu.vector_load %arg5[%get3A_3077, %get3A_3078] {strides = array<i32>} : memref<8x4096xf32, #tpu.memory_space<vmem>>, vector<1x16xf32>,
    %get3A_3080 = vector.shape_cast %get3A_3079 : vector<1x16xf32> to vector<16xf32>
    %select_n3A_3081 = arith.select %and3A_2995, %get3A_3080, %broadcast_in_dim3A_48 : vector<16xi1>, vector<16xf32>
    %add3A_3082 = arith.addf %parallel_loop3A_2979#6, %select_n3A_3081 : vector<16xf32>
    %swap3A_3083 = arith.constant 6 : i32
    %swap3A_3084 = arith.index_cast %swap3A_3083 : i32 to index
    %swap3A_3085 = arith.constant 224 : index
    %swap3A_3086 = tpu.vector_load %arg7[%swap3A_3084, %swap3A_3085] {strides = array<i32>} : memref<8x256xf32, #tpu.memory_space<vmem>>, vector<1x16xf32>,
    %swap3A_3087 = vector.shape_cast %swap3A_3086 : vector<1x16xf32> to vector<16xf32>
    %swap3A_3088 = vector.shape_cast %add3A_3082 : vector<16xf32> to vector<1x16xf32>
    tpu.vector_store %arg7[%swap3A_3084, %swap3A_3085], %swap3A_3088 {strides = array<i32>} : memref<8x256xf32, #tpu.memory_space<vmem>>, vector<1x16xf32>,
    %get3A_3089 = arith.constant 7 : i32
    %get3A_3090 = arith.index_cast %get3A_3089 : i32 to index
    %get3A_3091 = arith.index_cast %multiple_of3A_2997 : i32 to index
    %get3A_3092 = tpu.vector_load %arg5[%get3A_3090, %get3A_3091] {strides = array<i32>} : memref<8x4096xf32, #tpu.memory_space<vmem>>, vector<1x16xf32>,
    %get3A_3093 = vector.shape_cast %get3A_3092 : vector<1x16xf32> to vector<16xf32>
    %select_n3A_3094 = arith.select %and3A_2995, %get3A_3093, %broadcast_in_dim3A_48 : vector<16xi1>, vector<16xf32>
    %add3A_3095 = arith.addf %parallel_loop3A_2979#7, %select_n3A_3094 : vector<16xf32>
    %swap3A_3096 = arith.constant 7 : i32
    %swap3A_3097 = arith.index_cast %swap3A_3096 : i32 to index
    %swap3A_3098 = arith.constant 224 : index
    %swap3A_3099 = tpu.vector_load %arg7[%swap3A_3097, %swap3A_3098] {strides = array<i32>} : memref<8x256xf32, #tpu.memory_space<vmem>>, vector<1x16xf32>,
    %swap3A_3100 = vector.shape_cast %swap3A_3099 : vector<1x16xf32> to vector<16xf32>
    %swap3A_3101 = vector.shape_cast %add3A_3095 : vector<16xf32> to vector<1x16xf32>
    tpu.vector_store %arg7[%swap3A_3097, %swap3A_3098], %swap3A_3101 {strides = array<i32>} : memref<8x256xf32, #tpu.memory_space<vmem>>, vector<1x16xf32>,
    %max3A_3102 = arith.maxsi %squeeze3A_45, %multiple_of3A_9 : i32
    %min3A_3103 = arith.minsi %squeeze3A_47, %add3A_51 : i32
    %add3A_3104 = arith.constant 15 : i32
    %add3A_3105 = arith.addi %max3A_3102, %add3A_3104 : i32
    %shift_right_logical3A_3106 = arith.constant 4 : i32
    %shift_right_logical3A_3107 = arith.shrui %add3A_3105, %shift_right_logical3A_3106 : i32
    %shift_right_logical3A_3108 = arith.constant 4 : i32
    %shift_right_logical3A_3109 = arith.shrui %min3A_3103, %shift_right_logical3A_3108 : i32
    %max3A_3110 = arith.maxsi %shift_right_logical3A_3107, %shift_right_logical3A_3109 : i32
    %sub3A_3111 = arith.constant 1 : i32
    %sub3A_3112 = arith.subi %add3A_51, %sub3A_3111 : i32
    %min3A_3113 = arith.minsi %max3A_3102, %sub3A_3112 : i32
    %and3A_3114 = arith.constant -16 : i32
    %and3A_3115 = arith.andi %min3A_3113, %and3A_3114 : i32
    %add3A_3116 = vector.broadcast %and3A_3115 : i32 to vector<16xi32>
    %add3A_3117 = arith.addi %add3A_3116, %iota3A : vector<16xi32>
    %ge3A_3118 = vector.broadcast %max3A_3102 : i32 to vector<16xi32>
    %ge3A_3119 = arith.cmpi sge, %add3A_3117, %ge3A_3118 : vector<16xi32>
    %mul3A_3120 = arith.constant 16 : i32
    %mul3A_3121 = arith.muli %shift_right_logical3A_3107, %mul3A_3120 : i32
    %min3A_3122 = arith.minsi %min3A_3103, %mul3A_3121 : i32
    %lt3A_3123 = vector.broadcast %min3A_3122 : i32 to vector<16xi32>
    %lt3A_3124 = arith.cmpi slt, %add3A_3117, %lt3A_3123 : vector<16xi32>
    %and3A_3125 = arith.andi %ge3A_3119, %lt3A_3124 : vector<16xi1>
    %sub3A_3126 = arith.subi %and3A_3115, %multiple_of3A_9 : i32
    %multiple_of3A_3127 = tpu.assume_multiple %sub3A_3126, 16 : i32
    %get3A_3128 = arith.constant 0 : i32
    %get3A_3129 = arith.index_cast %get3A_3128 : i32 to index
    %get3A_3130 = arith.index_cast %multiple_of3A_3127 : i32 to index
    %get3A_3131 = tpu.vector_load %arg5[%get3A_3129, %get3A_3130] {strides = array<i32>} : memref<8x4096xf32, #tpu.memory_space<vmem>>, vector<1x16xf32>,
    %get3A_3132 = vector.shape_cast %get3A_3131 : vector<1x16xf32> to vector<16xf32>
    %select_n3A_3133 = arith.select %and3A_3125, %get3A_3132, %broadcast_in_dim3A_48 : vector<16xi1>, vector<16xf32>
    %get3A_3134 = arith.constant 1 : i32
    %get3A_3135 = arith.index_cast %get3A_3134 : i32 to index
    %get3A_3136 = arith.index_cast %multiple_of3A_3127 : i32 to index
    %get3A_3137 = tpu.vector_load %arg5[%get3A_3135, %get3A_3136] {strides = array<i32>} : memref<8x4096xf32, #tpu.memory_space<vmem>>, vector<1x16xf32>,
    %get3A_3138 = vector.shape_cast %get3A_3137 : vector<1x16xf32> to vector<16xf32>
    %select_n3A_3139 = arith.select %and3A_3125, %get3A_3138, %broadcast_in_dim3A_48 : vector<16xi1>, vector<16xf32>
    %get3A_3140 = arith.constant 2 : i32
    %get3A_3141 = arith.index_cast %get3A_3140 : i32 to index
    %get3A_3142 = arith.index_cast %multiple_of3A_3127 : i32 to index
    %get3A_3143 = tpu.vector_load %arg5[%get3A_3141, %get3A_3142] {strides = array<i32>} : memref<8x4096xf32, #tpu.memory_space<vmem>>, vector<1x16xf32>,
    %get3A_3144 = vector.shape_cast %get3A_3143 : vector<1x16xf32> to vector<16xf32>
    %select_n3A_3145 = arith.select %and3A_3125, %get3A_3144, %broadcast_in_dim3A_48 : vector<16xi1>, vector<16xf32>
    %get3A_3146 = arith.constant 3 : i32
    %get3A_3147 = arith.index_cast %get3A_3146 : i32 to index
    %get3A_3148 = arith.index_cast %multiple_of3A_3127 : i32 to index
    %get3A_3149 = tpu.vector_load %arg5[%get3A_3147, %get3A_3148] {strides = array<i32>} : memref<8x4096xf32, #tpu.memory_space<vmem>>, vector<1x16xf32>,
    %get3A_3150 = vector.shape_cast %get3A_3149 : vector<1x16xf32> to vector<16xf32>
    %select_n3A_3151 = arith.select %and3A_3125, %get3A_3150, %broadcast_in_dim3A_48 : vector<16xi1>, vector<16xf32>
    %get3A_3152 = arith.constant 4 : i32
    %get3A_3153 = arith.index_cast %get3A_3152 : i32 to index
    %get3A_3154 = arith.index_cast %multiple_of3A_3127 : i32 to index
    %get3A_3155 = tpu.vector_load %arg5[%get3A_3153, %get3A_3154] {strides = array<i32>} : memref<8x4096xf32, #tpu.memory_space<vmem>>, vector<1x16xf32>,
    %get3A_3156 = vector.shape_cast %get3A_3155 : vector<1x16xf32> to vector<16xf32>
    %select_n3A_3157 = arith.select %and3A_3125, %get3A_3156, %broadcast_in_dim3A_48 : vector<16xi1>, vector<16xf32>
    %get3A_3158 = arith.constant 5 : i32
    %get3A_3159 = arith.index_cast %get3A_3158 : i32 to index
    %get3A_3160 = arith.index_cast %multiple_of3A_3127 : i32 to index
    %get3A_3161 = tpu.vector_load %arg5[%get3A_3159, %get3A_3160] {strides = array<i32>} : memref<8x4096xf32, #tpu.memory_space<vmem>>, vector<1x16xf32>,
    %get3A_3162 = vector.shape_cast %get3A_3161 : vector<1x16xf32> to vector<16xf32>
    %select_n3A_3163 = arith.select %and3A_3125, %get3A_3162, %broadcast_in_dim3A_48 : vector<16xi1>, vector<16xf32>
    %get3A_3164 = arith.constant 6 : i32
    %get3A_3165 = arith.index_cast %get3A_3164 : i32 to index
    %get3A_3166 = arith.index_cast %multiple_of3A_3127 : i32 to index
    %get3A_3167 = tpu.vector_load %arg5[%get3A_3165, %get3A_3166] {strides = array<i32>} : memref<8x4096xf32, #tpu.memory_space<vmem>>, vector<1x16xf32>,
    %get3A_3168 = vector.shape_cast %get3A_3167 : vector<1x16xf32> to vector<16xf32>
    %select_n3A_3169 = arith.select %and3A_3125, %get3A_3168, %broadcast_in_dim3A_48 : vector<16xi1>, vector<16xf32>
    %get3A_3170 = arith.constant 7 : i32
    %get3A_3171 = arith.index_cast %get3A_3170 : i32 to index
    %get3A_3172 = arith.index_cast %multiple_of3A_3127 : i32 to index
    %get3A_3173 = tpu.vector_load %arg5[%get3A_3171, %get3A_3172] {strides = array<i32>} : memref<8x4096xf32, #tpu.memory_space<vmem>>, vector<1x16xf32>,
    %get3A_3174 = vector.shape_cast %get3A_3173 : vector<1x16xf32> to vector<16xf32>
    %select_n3A_3175 = arith.select %and3A_3125, %get3A_3174, %broadcast_in_dim3A_48 : vector<16xi1>, vector<16xf32>
    %mul3A_3176 = arith.constant 16 : i32
    %mul3A_3177 = arith.muli %shift_right_logical3A_3107, %mul3A_3176 : i32
    %sub3A_3178 = arith.subi %mul3A_3177, %multiple_of3A_9 : i32
    %mul3A_3179 = arith.constant 16 : i32
    %mul3A_3180 = arith.muli %max3A_3110, %mul3A_3179 : i32
    %sub3A_3181 = arith.subi %mul3A_3180, %multiple_of3A_9 : i32
    %parallel_loop3A_3182 = arith.constant 16 : i32
    %parallel_loop3A_3183:8 = scf.for %parallel_loop3A_3309 = %sub3A_3178 to %sub3A_3181 step %parallel_loop3A_3182 iter_args(%parallel_loop3A_3310 = %select_n3A_3133, %parallel_loop3A_3311 = %select_n3A_3139, %parallel_loop3A_3312 = %select_n3A_3145, %parallel_loop3A_3313 = %select_n3A_3151, %parallel_loop3A_3314 = %select_n3A_3157, %parallel_loop3A_3315 = %select_n3A_3163, %parallel_loop3A_3316 = %select_n3A_3169, %parallel_loop3A_3317 = %select_n3A_3175) -> (vector<16xf32>, vector<16xf32>, vector<16xf32>, vector<16xf32>, vector<16xf32>, vector<16xf32>, vector<16xf32>, vector<16xf32>)  : i32 {
      %parallel_loop3A_3318 = tpu.assume_multiple %parallel_loop3A_3309, 16 : i32
      %parallel_loop3A_3319 = arith.constant 0 : i32
      %parallel_loop3A_3320 = arith.index_cast %parallel_loop3A_3319 : i32 to index
      %parallel_loop3A_3321 = arith.index_cast %parallel_loop3A_3318 : i32 to index
      %parallel_loop3A_3322 = tpu.vector_load %arg5[%parallel_loop3A_3320, %parallel_loop3A_3321] {strides = array<i32>} : memref<8x4096xf32, #tpu.memory_space<vmem>>, vector<1x16xf32>,
      %parallel_loop3A_3323 = vector.shape_cast %parallel_loop3A_3322 : vector<1x16xf32> to vector<16xf32>
      %parallel_loop3A_3324 = arith.addf %parallel_loop3A_3310, %parallel_loop3A_3323 : vector<16xf32>
      %parallel_loop3A_3325 = arith.constant 1 : i32
      %parallel_loop3A_3326 = arith.index_cast %parallel_loop3A_3325 : i32 to index
      %parallel_loop3A_3327 = arith.index_cast %parallel_loop3A_3318 : i32 to index
      %parallel_loop3A_3328 = tpu.vector_load %arg5[%parallel_loop3A_3326, %parallel_loop3A_3327] {strides = array<i32>} : memref<8x4096xf32, #tpu.memory_space<vmem>>, vector<1x16xf32>,
      %parallel_loop3A_3329 = vector.shape_cast %parallel_loop3A_3328 : vector<1x16xf32> to vector<16xf32>
      %parallel_loop3A_3330 = arith.addf %parallel_loop3A_3311, %parallel_loop3A_3329 : vector<16xf32>
      %parallel_loop3A_3331 = arith.constant 2 : i32
      %parallel_loop3A_3332 = arith.index_cast %parallel_loop3A_3331 : i32 to index
      %parallel_loop3A_3333 = arith.index_cast %parallel_loop3A_3318 : i32 to index
      %parallel_loop3A_3334 = tpu.vector_load %arg5[%parallel_loop3A_3332, %parallel_loop3A_3333] {strides = array<i32>} : memref<8x4096xf32, #tpu.memory_space<vmem>>, vector<1x16xf32>,
      %parallel_loop3A_3335 = vector.shape_cast %parallel_loop3A_3334 : vector<1x16xf32> to vector<16xf32>
      %parallel_loop3A_3336 = arith.addf %parallel_loop3A_3312, %parallel_loop3A_3335 : vector<16xf32>
      %parallel_loop3A_3337 = arith.constant 3 : i32
      %parallel_loop3A_3338 = arith.index_cast %parallel_loop3A_3337 : i32 to index
      %parallel_loop3A_3339 = arith.index_cast %parallel_loop3A_3318 : i32 to index
      %parallel_loop3A_3340 = tpu.vector_load %arg5[%parallel_loop3A_3338, %parallel_loop3A_3339] {strides = array<i32>} : memref<8x4096xf32, #tpu.memory_space<vmem>>, vector<1x16xf32>,
      %parallel_loop3A_3341 = vector.shape_cast %parallel_loop3A_3340 : vector<1x16xf32> to vector<16xf32>
      %parallel_loop3A_3342 = arith.addf %parallel_loop3A_3313, %parallel_loop3A_3341 : vector<16xf32>
      %parallel_loop3A_3343 = arith.constant 4 : i32
      %parallel_loop3A_3344 = arith.index_cast %parallel_loop3A_3343 : i32 to index
      %parallel_loop3A_3345 = arith.index_cast %parallel_loop3A_3318 : i32 to index
      %parallel_loop3A_3346 = tpu.vector_load %arg5[%parallel_loop3A_3344, %parallel_loop3A_3345] {strides = array<i32>} : memref<8x4096xf32, #tpu.memory_space<vmem>>, vector<1x16xf32>,
      %parallel_loop3A_3347 = vector.shape_cast %parallel_loop3A_3346 : vector<1x16xf32> to vector<16xf32>
      %parallel_loop3A_3348 = arith.addf %parallel_loop3A_3314, %parallel_loop3A_3347 : vector<16xf32>
      %parallel_loop3A_3349 = arith.constant 5 : i32
      %parallel_loop3A_3350 = arith.index_cast %parallel_loop3A_3349 : i32 to index
      %parallel_loop3A_3351 = arith.index_cast %parallel_loop3A_3318 : i32 to index
      %parallel_loop3A_3352 = tpu.vector_load %arg5[%parallel_loop3A_3350, %parallel_loop3A_3351] {strides = array<i32>} : memref<8x4096xf32, #tpu.memory_space<vmem>>, vector<1x16xf32>,
      %parallel_loop3A_3353 = vector.shape_cast %parallel_loop3A_3352 : vector<1x16xf32> to vector<16xf32>
      %parallel_loop3A_3354 = arith.addf %parallel_loop3A_3315, %parallel_loop3A_3353 : vector<16xf32>
      %parallel_loop3A_3355 = arith.constant 6 : i32
      %parallel_loop3A_3356 = arith.index_cast %parallel_loop3A_3355 : i32 to index
      %parallel_loop3A_3357 = arith.index_cast %parallel_loop3A_3318 : i32 to index
      %parallel_loop3A_3358 = tpu.vector_load %arg5[%parallel_loop3A_3356, %parallel_loop3A_3357] {strides = array<i32>} : memref<8x4096xf32, #tpu.memory_space<vmem>>, vector<1x16xf32>,
      %parallel_loop3A_3359 = vector.shape_cast %parallel_loop3A_3358 : vector<1x16xf32> to vector<16xf32>
      %parallel_loop3A_3360 = arith.addf %parallel_loop3A_3316, %parallel_loop3A_3359 : vector<16xf32>
      %parallel_loop3A_3361 = arith.constant 7 : i32
      %parallel_loop3A_3362 = arith.index_cast %parallel_loop3A_3361 : i32 to index
      %parallel_loop3A_3363 = arith.index_cast %parallel_loop3A_3318 : i32 to index
      %parallel_loop3A_3364 = tpu.vector_load %arg5[%parallel_loop3A_3362, %parallel_loop3A_3363] {strides = array<i32>} : memref<8x4096xf32, #tpu.memory_space<vmem>>, vector<1x16xf32>,
      %parallel_loop3A_3365 = vector.shape_cast %parallel_loop3A_3364 : vector<1x16xf32> to vector<16xf32>
      %parallel_loop3A_3366 = arith.addf %parallel_loop3A_3317, %parallel_loop3A_3365 : vector<16xf32>
      scf.yield %parallel_loop3A_3324, %parallel_loop3A_3330, %parallel_loop3A_3336, %parallel_loop3A_3342, %parallel_loop3A_3348, %parallel_loop3A_3354, %parallel_loop3A_3360, %parallel_loop3A_3366 : vector<16xf32>, vector<16xf32>, vector<16xf32>, vector<16xf32>, vector<16xf32>, vector<16xf32>, vector<16xf32>, vector<16xf32>
    } {sc.loop_unroll_factor = 1 : i64, sc.parallel_access}
    %and3A_3184 = arith.constant -16 : i32
    %and3A_3185 = arith.andi %min3A_3103, %and3A_3184 : i32
    %max3A_3186 = arith.maxsi %and3A_3185, %multiple_of3A_9 : i32
    %sub3A_3187 = arith.constant 16 : i32
    %sub3A_3188 = arith.subi %add3A_51, %sub3A_3187 : i32
    %min3A_3189 = arith.minsi %max3A_3186, %sub3A_3188 : i32
    %add3A_3190 = vector.broadcast %min3A_3189 : i32 to vector<16xi32>
    %add3A_3191 = arith.addi %add3A_3190, %iota3A : vector<16xi32>
    %mul3A_3192 = arith.constant 16 : i32
    %mul3A_3193 = arith.muli %shift_right_logical3A_3107, %mul3A_3192 : i32
    %max3A_3194 = arith.maxsi %mul3A_3193, %and3A_3185 : i32
    %ge3A_3195 = vector.broadcast %max3A_3194 : i32 to vector<16xi32>
    %ge3A_3196 = arith.cmpi sge, %add3A_3191, %ge3A_3195 : vector<16xi32>
    %lt3A_3197 = vector.broadcast %min3A_3103 : i32 to vector<16xi32>
    %lt3A_3198 = arith.cmpi slt, %add3A_3191, %lt3A_3197 : vector<16xi32>
    %and3A_3199 = arith.andi %ge3A_3196, %lt3A_3198 : vector<16xi1>
    %sub3A_3200 = arith.subi %min3A_3189, %multiple_of3A_9 : i32
    %multiple_of3A_3201 = tpu.assume_multiple %sub3A_3200, 16 : i32
    %get3A_3202 = arith.constant 0 : i32
    %get3A_3203 = arith.index_cast %get3A_3202 : i32 to index
    %get3A_3204 = arith.index_cast %multiple_of3A_3201 : i32 to index
    %get3A_3205 = tpu.vector_load %arg5[%get3A_3203, %get3A_3204] {strides = array<i32>} : memref<8x4096xf32, #tpu.memory_space<vmem>>, vector<1x16xf32>,
    %get3A_3206 = vector.shape_cast %get3A_3205 : vector<1x16xf32> to vector<16xf32>
    %select_n3A_3207 = arith.select %and3A_3199, %get3A_3206, %broadcast_in_dim3A_48 : vector<16xi1>, vector<16xf32>
    %add3A_3208 = arith.addf %parallel_loop3A_3183#0, %select_n3A_3207 : vector<16xf32>
    %swap3A_3209 = arith.constant 0 : i32
    %swap3A_3210 = arith.index_cast %swap3A_3209 : i32 to index
    %swap3A_3211 = arith.constant 240 : index
    %swap3A_3212 = tpu.vector_load %arg7[%swap3A_3210, %swap3A_3211] {strides = array<i32>} : memref<8x256xf32, #tpu.memory_space<vmem>>, vector<1x16xf32>,
    %swap3A_3213 = vector.shape_cast %swap3A_3212 : vector<1x16xf32> to vector<16xf32>
    %swap3A_3214 = vector.shape_cast %add3A_3208 : vector<16xf32> to vector<1x16xf32>
    tpu.vector_store %arg7[%swap3A_3210, %swap3A_3211], %swap3A_3214 {strides = array<i32>} : memref<8x256xf32, #tpu.memory_space<vmem>>, vector<1x16xf32>,
    %get3A_3215 = arith.constant 1 : i32
    %get3A_3216 = arith.index_cast %get3A_3215 : i32 to index
    %get3A_3217 = arith.index_cast %multiple_of3A_3201 : i32 to index
    %get3A_3218 = tpu.vector_load %arg5[%get3A_3216, %get3A_3217] {strides = array<i32>} : memref<8x4096xf32, #tpu.memory_space<vmem>>, vector<1x16xf32>,
    %get3A_3219 = vector.shape_cast %get3A_3218 : vector<1x16xf32> to vector<16xf32>
    %select_n3A_3220 = arith.select %and3A_3199, %get3A_3219, %broadcast_in_dim3A_48 : vector<16xi1>, vector<16xf32>
    %add3A_3221 = arith.addf %parallel_loop3A_3183#1, %select_n3A_3220 : vector<16xf32>
    %swap3A_3222 = arith.constant 1 : i32
    %swap3A_3223 = arith.index_cast %swap3A_3222 : i32 to index
    %swap3A_3224 = arith.constant 240 : index
    %swap3A_3225 = tpu.vector_load %arg7[%swap3A_3223, %swap3A_3224] {strides = array<i32>} : memref<8x256xf32, #tpu.memory_space<vmem>>, vector<1x16xf32>,
    %swap3A_3226 = vector.shape_cast %swap3A_3225 : vector<1x16xf32> to vector<16xf32>
    %swap3A_3227 = vector.shape_cast %add3A_3221 : vector<16xf32> to vector<1x16xf32>
    tpu.vector_store %arg7[%swap3A_3223, %swap3A_3224], %swap3A_3227 {strides = array<i32>} : memref<8x256xf32, #tpu.memory_space<vmem>>, vector<1x16xf32>,
    %get3A_3228 = arith.constant 2 : i32
    %get3A_3229 = arith.index_cast %get3A_3228 : i32 to index
    %get3A_3230 = arith.index_cast %multiple_of3A_3201 : i32 to index
    %get3A_3231 = tpu.vector_load %arg5[%get3A_3229, %get3A_3230] {strides = array<i32>} : memref<8x4096xf32, #tpu.memory_space<vmem>>, vector<1x16xf32>,
    %get3A_3232 = vector.shape_cast %get3A_3231 : vector<1x16xf32> to vector<16xf32>
    %select_n3A_3233 = arith.select %and3A_3199, %get3A_3232, %broadcast_in_dim3A_48 : vector<16xi1>, vector<16xf32>
    %add3A_3234 = arith.addf %parallel_loop3A_3183#2, %select_n3A_3233 : vector<16xf32>
    %swap3A_3235 = arith.constant 2 : i32
    %swap3A_3236 = arith.index_cast %swap3A_3235 : i32 to index
    %swap3A_3237 = arith.constant 240 : index
    %swap3A_3238 = tpu.vector_load %arg7[%swap3A_3236, %swap3A_3237] {strides = array<i32>} : memref<8x256xf32, #tpu.memory_space<vmem>>, vector<1x16xf32>,
    %swap3A_3239 = vector.shape_cast %swap3A_3238 : vector<1x16xf32> to vector<16xf32>
    %swap3A_3240 = vector.shape_cast %add3A_3234 : vector<16xf32> to vector<1x16xf32>
    tpu.vector_store %arg7[%swap3A_3236, %swap3A_3237], %swap3A_3240 {strides = array<i32>} : memref<8x256xf32, #tpu.memory_space<vmem>>, vector<1x16xf32>,
    %get3A_3241 = arith.constant 3 : i32
    %get3A_3242 = arith.index_cast %get3A_3241 : i32 to index
    %get3A_3243 = arith.index_cast %multiple_of3A_3201 : i32 to index
    %get3A_3244 = tpu.vector_load %arg5[%get3A_3242, %get3A_3243] {strides = array<i32>} : memref<8x4096xf32, #tpu.memory_space<vmem>>, vector<1x16xf32>,
    %get3A_3245 = vector.shape_cast %get3A_3244 : vector<1x16xf32> to vector<16xf32>
    %select_n3A_3246 = arith.select %and3A_3199, %get3A_3245, %broadcast_in_dim3A_48 : vector<16xi1>, vector<16xf32>
    %add3A_3247 = arith.addf %parallel_loop3A_3183#3, %select_n3A_3246 : vector<16xf32>
    %swap3A_3248 = arith.constant 3 : i32
    %swap3A_3249 = arith.index_cast %swap3A_3248 : i32 to index
    %swap3A_3250 = arith.constant 240 : index
    %swap3A_3251 = tpu.vector_load %arg7[%swap3A_3249, %swap3A_3250] {strides = array<i32>} : memref<8x256xf32, #tpu.memory_space<vmem>>, vector<1x16xf32>,
    %swap3A_3252 = vector.shape_cast %swap3A_3251 : vector<1x16xf32> to vector<16xf32>
    %swap3A_3253 = vector.shape_cast %add3A_3247 : vector<16xf32> to vector<1x16xf32>
    tpu.vector_store %arg7[%swap3A_3249, %swap3A_3250], %swap3A_3253 {strides = array<i32>} : memref<8x256xf32, #tpu.memory_space<vmem>>, vector<1x16xf32>,
    %get3A_3254 = arith.constant 4 : i32
    %get3A_3255 = arith.index_cast %get3A_3254 : i32 to index
    %get3A_3256 = arith.index_cast %multiple_of3A_3201 : i32 to index
    %get3A_3257 = tpu.vector_load %arg5[%get3A_3255, %get3A_3256] {strides = array<i32>} : memref<8x4096xf32, #tpu.memory_space<vmem>>, vector<1x16xf32>,
    %get3A_3258 = vector.shape_cast %get3A_3257 : vector<1x16xf32> to vector<16xf32>
    %select_n3A_3259 = arith.select %and3A_3199, %get3A_3258, %broadcast_in_dim3A_48 : vector<16xi1>, vector<16xf32>
    %add3A_3260 = arith.addf %parallel_loop3A_3183#4, %select_n3A_3259 : vector<16xf32>
    %swap3A_3261 = arith.constant 4 : i32
    %swap3A_3262 = arith.index_cast %swap3A_3261 : i32 to index
    %swap3A_3263 = arith.constant 240 : index
    %swap3A_3264 = tpu.vector_load %arg7[%swap3A_3262, %swap3A_3263] {strides = array<i32>} : memref<8x256xf32, #tpu.memory_space<vmem>>, vector<1x16xf32>,
    %swap3A_3265 = vector.shape_cast %swap3A_3264 : vector<1x16xf32> to vector<16xf32>
    %swap3A_3266 = vector.shape_cast %add3A_3260 : vector<16xf32> to vector<1x16xf32>
    tpu.vector_store %arg7[%swap3A_3262, %swap3A_3263], %swap3A_3266 {strides = array<i32>} : memref<8x256xf32, #tpu.memory_space<vmem>>, vector<1x16xf32>,
    %get3A_3267 = arith.constant 5 : i32
    %get3A_3268 = arith.index_cast %get3A_3267 : i32 to index
    %get3A_3269 = arith.index_cast %multiple_of3A_3201 : i32 to index
    %get3A_3270 = tpu.vector_load %arg5[%get3A_3268, %get3A_3269] {strides = array<i32>} : memref<8x4096xf32, #tpu.memory_space<vmem>>, vector<1x16xf32>,
    %get3A_3271 = vector.shape_cast %get3A_3270 : vector<1x16xf32> to vector<16xf32>
    %select_n3A_3272 = arith.select %and3A_3199, %get3A_3271, %broadcast_in_dim3A_48 : vector<16xi1>, vector<16xf32>
    %add3A_3273 = arith.addf %parallel_loop3A_3183#5, %select_n3A_3272 : vector<16xf32>
    %swap3A_3274 = arith.constant 5 : i32
    %swap3A_3275 = arith.index_cast %swap3A_3274 : i32 to index
    %swap3A_3276 = arith.constant 240 : index
    %swap3A_3277 = tpu.vector_load %arg7[%swap3A_3275, %swap3A_3276] {strides = array<i32>} : memref<8x256xf32, #tpu.memory_space<vmem>>, vector<1x16xf32>,
    %swap3A_3278 = vector.shape_cast %swap3A_3277 : vector<1x16xf32> to vector<16xf32>
    %swap3A_3279 = vector.shape_cast %add3A_3273 : vector<16xf32> to vector<1x16xf32>
    tpu.vector_store %arg7[%swap3A_3275, %swap3A_3276], %swap3A_3279 {strides = array<i32>} : memref<8x256xf32, #tpu.memory_space<vmem>>, vector<1x16xf32>,
    %get3A_3280 = arith.constant 6 : i32
    %get3A_3281 = arith.index_cast %get3A_3280 : i32 to index
    %get3A_3282 = arith.index_cast %multiple_of3A_3201 : i32 to index
    %get3A_3283 = tpu.vector_load %arg5[%get3A_3281, %get3A_3282] {strides = array<i32>} : memref<8x4096xf32, #tpu.memory_space<vmem>>, vector<1x16xf32>,
    %get3A_3284 = vector.shape_cast %get3A_3283 : vector<1x16xf32> to vector<16xf32>
    %select_n3A_3285 = arith.select %and3A_3199, %get3A_3284, %broadcast_in_dim3A_48 : vector<16xi1>, vector<16xf32>
    %add3A_3286 = arith.addf %parallel_loop3A_3183#6, %select_n3A_3285 : vector<16xf32>
    %swap3A_3287 = arith.constant 6 : i32
    %swap3A_3288 = arith.index_cast %swap3A_3287 : i32 to index
    %swap3A_3289 = arith.constant 240 : index
    %swap3A_3290 = tpu.vector_load %arg7[%swap3A_3288, %swap3A_3289] {strides = array<i32>} : memref<8x256xf32, #tpu.memory_space<vmem>>, vector<1x16xf32>,
    %swap3A_3291 = vector.shape_cast %swap3A_3290 : vector<1x16xf32> to vector<16xf32>
    %swap3A_3292 = vector.shape_cast %add3A_3286 : vector<16xf32> to vector<1x16xf32>
    tpu.vector_store %arg7[%swap3A_3288, %swap3A_3289], %swap3A_3292 {strides = array<i32>} : memref<8x256xf32, #tpu.memory_space<vmem>>, vector<1x16xf32>,
    %get3A_3293 = arith.constant 7 : i32
    %get3A_3294 = arith.index_cast %get3A_3293 : i32 to index
    %get3A_3295 = arith.index_cast %multiple_of3A_3201 : i32 to index
    %get3A_3296 = tpu.vector_load %arg5[%get3A_3294, %get3A_3295] {strides = array<i32>} : memref<8x4096xf32, #tpu.memory_space<vmem>>, vector<1x16xf32>,
    %get3A_3297 = vector.shape_cast %get3A_3296 : vector<1x16xf32> to vector<16xf32>
    %select_n3A_3298 = arith.select %and3A_3199, %get3A_3297, %broadcast_in_dim3A_48 : vector<16xi1>, vector<16xf32>
    %add3A_3299 = arith.addf %parallel_loop3A_3183#7, %select_n3A_3298 : vector<16xf32>
    %swap3A_3300 = arith.constant 7 : i32
    %swap3A_3301 = arith.index_cast %swap3A_3300 : i32 to index
    %swap3A_3302 = arith.constant 240 : index
    %swap3A_3303 = tpu.vector_load %arg7[%swap3A_3301, %swap3A_3302] {strides = array<i32>} : memref<8x256xf32, #tpu.memory_space<vmem>>, vector<1x16xf32>,
    %swap3A_3304 = vector.shape_cast %swap3A_3303 : vector<1x16xf32> to vector<16xf32>
    %swap3A_3305 = vector.shape_cast %add3A_3299 : vector<16xf32> to vector<1x16xf32>
    tpu.vector_store %arg7[%swap3A_3301, %swap3A_3302], %swap3A_3305 {strides = array<i32>} : memref<8x256xf32, #tpu.memory_space<vmem>>, vector<1x16xf32>,
    %sub3A_3306 = arith.constant 64 : i32
    %sub3A_3307 = arith.subi %multiple_of3A, %sub3A_3306 : i32
    %multiple_of3A_3308 = tpu.assume_multiple %sub3A_3307, 8 : i32
    "tpu.region"() ({
      %run_scoped3A = tpu.sem_alloc : memref<!tpu.dma_semaphore, #tpu.memory_space<semaphore_mem>>
      %dma_start3A_3309 = arith.constant 0 : i32
      %dma_start3A_3310 = tpu.memref_slice %arg4[%rem3A_4, %multiple_of3A_3308, %dma_start3A_3309] : memref<8x32x256xf32, #tpu.memory_space<hbm>> -> memref<1x8x256xf32, #tpu.memory_space<hbm>>
      %dma_start3A_3311 = tpu.memref_squeeze %dma_start3A_3310 : memref<1x8x256xf32, #tpu.memory_space<hbm>> -> memref<8x256xf32, #tpu.memory_space<hbm>>
      %dma_start3A_3312 = arith.constant 0 : i32
      %dma_start3A_3313 = tpu.memref_slice %arg4[%rem3A_4, %multiple_of3A_3308, %dma_start3A_3312] : memref<8x32x256xf32, #tpu.memory_space<hbm>> -> memref<1x8x256xf32, #tpu.memory_space<hbm>>
      %dma_start3A_3314 = tpu.memref_squeeze %dma_start3A_3313 : memref<1x8x256xf32, #tpu.memory_space<hbm>> -> memref<8x256xf32, #tpu.memory_space<hbm>>
      tpu.enqueue_dma source(%arg7 : memref<8x256xf32, #tpu.memory_space<vmem>>) target(%dma_start3A_3314 : memref<8x256xf32, #tpu.memory_space<hbm>>) target_semaphore(%run_scoped3A : memref<!tpu.dma_semaphore, #tpu.memory_space<semaphore_mem>>)
      %dma_wait3A_3315 = arith.constant 0 : i32
      %dma_wait3A_3316 = tpu.memref_slice %arg4[%rem3A_4, %multiple_of3A_3308, %dma_wait3A_3315] : memref<8x32x256xf32, #tpu.memory_space<hbm>> -> memref<1x8x256xf32, #tpu.memory_space<hbm>>
      %dma_wait3A_3317 = tpu.memref_squeeze %dma_wait3A_3316 : memref<1x8x256xf32, #tpu.memory_space<hbm>> -> memref<8x256xf32, #tpu.memory_space<hbm>>
      %dma_wait3A_3318 = arith.constant 0 : i32
      %dma_wait3A_3319 = tpu.memref_slice %arg4[%rem3A_4, %multiple_of3A_3308, %dma_wait3A_3318] : memref<8x32x256xf32, #tpu.memory_space<hbm>> -> memref<1x8x256xf32, #tpu.memory_space<hbm>>
      %dma_wait3A_3320 = tpu.memref_squeeze %dma_wait3A_3319 : memref<1x8x256xf32, #tpu.memory_space<hbm>> -> memref<8x256xf32, #tpu.memory_space<hbm>>
      tpu.wait_dma2 semaphore(%run_scoped3A : memref<!tpu.dma_semaphore, #tpu.memory_space<semaphore_mem>>) src(%arg7 : memref<8x256xf32, #tpu.memory_space<vmem>>) dst(%dma_wait3A_3320 : memref<8x256xf32, #tpu.memory_space<hbm>>)
      tpu.yield
    }) : () -> ()
    return
  }
}

module attributes {stable_mosaic.version = 14 : i64} {
  func.func @_top_body(%arg0: i32, %arg1: memref<1x16xi32, #tpu.memory_space<vmem>>, %arg2: memref<1x16xi32, #tpu.memory_space<vmem>>, %arg3: memref<64x4096xf32, #tpu.memory_space<vmem>>, %arg4: memref<64x16xf32, #tpu.memory_space<vmem>>, %arg5: memref<64x16xf32, #tpu.memory_space<vmem>>) attributes {dimension_semantics = [#tpu.dimension_semantics<arbitrary>], iteration_bounds = array<i64: 8>, scalar_prefetch = 0 : i64, scratch_operands = 1 : i64, tpu.core_type = #tpu.core_type<tc>, window_params = [{pipeline_mode = #tpu.pipeline_mode<synchronous>, transform_indices = @transform_0, window_bounds = array<i64: 1, 16>}, {pipeline_mode = #tpu.pipeline_mode<synchronous>, transform_indices = @transform_1, window_bounds = array<i64: 1, 16>}, {transform_indices = @transform_2, window_bounds = array<i64: 64, 4096>}, {pipeline_mode = #tpu.pipeline_mode<synchronous>, transform_indices = @transform_3, window_bounds = array<i64: 64, 16>}]} {
    %eq3A = arith.constant 0 : i32
    %eq3A_0 = arith.cmpi eq, %arg0, %eq3A : i32
    %convert_element_type3A = arith.extui %eq3A_0 : i1 to i32
    %cond3A = arith.constant 0 : i32
    %cond3A_1 = arith.cmpi ne, %convert_element_type3A, %cond3A : i32
    scf.if %cond3A_1 {
      %broadcast_in_dim3A = arith.constant 0.000000e+00 : f32
      %broadcast_in_dim3A_28 = vector.broadcast %broadcast_in_dim3A : f32 to vector<64x16xf32>
      %swap3A_29 = arith.constant 0 : index
      %swap3A_30 = arith.constant 0 : index
      %swap3A_31 = vector.load %arg5[%swap3A_29, %swap3A_30] : memref<64x16xf32, #tpu.memory_space<vmem>>, vector<64x16xf32>
      tpu.vector_store %arg5[%swap3A_29, %swap3A_30], %broadcast_in_dim3A_28 {strides = array<i32>} : memref<64x16xf32, #tpu.memory_space<vmem>>, vector<64x16xf32>,
    } else {
    }
    %iota3A = tpu.iota {dimensions = array<i32: 0>} : vector<4096x16xi32>
    %mul3A = arith.constant 4096 : i32
    %mul3A_2 = arith.muli %arg0, %mul3A : i32
    %add3A = vector.broadcast %mul3A_2 : i32 to vector<4096x16xi32>
    %add3A_3 = arith.addi %iota3A, %add3A : vector<4096x16xi32>
    %get3A = arith.constant 0 : index
    %get3A_4 = arith.constant 0 : index
    %get3A_5 = vector.load %arg1[%get3A, %get3A_4] : memref<1x16xi32, #tpu.memory_space<vmem>>, vector<1x16xi32>
    %ge3A = vector.broadcast %get3A_5 : vector<1x16xi32> to vector<4096x16xi32>
    %ge3A_6 = arith.cmpi sge, %add3A_3, %ge3A : vector<4096x16xi32>
    %get3A_7 = arith.constant 0 : index
    %get3A_8 = arith.constant 0 : index
    %get3A_9 = vector.load %arg2[%get3A_7, %get3A_8] : memref<1x16xi32, #tpu.memory_space<vmem>>, vector<1x16xi32>
    %lt3A = vector.broadcast %get3A_9 : vector<1x16xi32> to vector<4096x16xi32>
    %lt3A_10 = arith.cmpi slt, %add3A_3, %lt3A : vector<4096x16xi32>
    %and3A = arith.andi %ge3A_6, %lt3A_10 : vector<4096x16xi1>
    %convert_element_type3A_11 = arith.extui %and3A : vector<4096x16xi1> to vector<4096x16xi32>
    %convert_element_type3A_12 = arith.sitofp %convert_element_type3A_11 : vector<4096x16xi32> to vector<4096x16xf32>
    %get3A_13 = arith.constant 0 : index
    %get3A_14 = arith.constant 0 : index
    %get3A_15 = vector.load %arg5[%get3A_13, %get3A_14] : memref<64x16xf32, #tpu.memory_space<vmem>>, vector<64x16xf32>
    %get3A_16 = arith.constant 0 : index
    %get3A_17 = arith.constant 0 : index
    %get3A_18 = vector.load %arg3[%get3A_16, %get3A_17] : memref<64x4096xf32, #tpu.memory_space<vmem>>, vector<64x4096xf32>
    %dot_general3A = arith.constant dense<0.000000e+00> : vector<64x16xf32>
    %dot_general3A_19 = tpu.matmul %get3A_18, %convert_element_type3A_12, %dot_general3A {dimension_numbers = #tpu.dot_dimension_numbers<[1], [0], [0], [1], [0, 0, 1, 1], [], []>, precision = #tpu.contract_precision<fp32>, transpose_lhs_hint = false} : vector<64x4096xf32>, vector<4096x16xf32>, vector<64x16xf32> -> vector<64x16xf32>
    %add3A_20 = arith.addf %get3A_15, %dot_general3A_19 : vector<64x16xf32>
    %swap3A = arith.constant 0 : index
    %swap3A_21 = arith.constant 0 : index
    %swap3A_22 = vector.load %arg5[%swap3A, %swap3A_21] : memref<64x16xf32, #tpu.memory_space<vmem>>, vector<64x16xf32>
    tpu.vector_store %arg5[%swap3A, %swap3A_21], %add3A_20 {strides = array<i32>} : memref<64x16xf32, #tpu.memory_space<vmem>>, vector<64x16xf32>,
    %eq3A_23 = arith.constant 7 : i32
    %eq3A_24 = arith.cmpi eq, %arg0, %eq3A_23 : i32
    %convert_element_type3A_25 = arith.extui %eq3A_24 : i1 to i32
    %cond3A_26 = arith.constant 0 : i32
    %cond3A_27 = arith.cmpi ne, %convert_element_type3A_25, %cond3A_26 : i32
    scf.if %cond3A_27 {
      %get3A_28 = arith.constant 0 : index
      %get3A_29 = arith.constant 0 : index
      %get3A_30 = vector.load %arg5[%get3A_28, %get3A_29] : memref<64x16xf32, #tpu.memory_space<vmem>>, vector<64x16xf32>
      %swap3A_31 = arith.constant 0 : index
      %swap3A_32 = arith.constant 0 : index
      %swap3A_33 = vector.load %arg4[%swap3A_31, %swap3A_32] : memref<64x16xf32, #tpu.memory_space<vmem>>, vector<64x16xf32>
      tpu.vector_store %arg4[%swap3A_31, %swap3A_32], %get3A_30 {strides = array<i32>} : memref<64x16xf32, #tpu.memory_space<vmem>>, vector<64x16xf32>,
    } else {
    }
    return
  }
  func.func @transform_0(%arg0: i32) -> (i32, i32) {
    %c0_i32 = arith.constant 0 : i32
    %c0_i32_0 = arith.constant 0 : i32
    %c0_i32_1 = arith.constant 0 : i32
    return %c0_i32, %c0_i32_0 : i32, i32
  }
  func.func @transform_1(%arg0: i32) -> (i32, i32) {
    %c0_i32 = arith.constant 0 : i32
    %c0_i32_0 = arith.constant 0 : i32
    %c0_i32_1 = arith.constant 0 : i32
    return %c0_i32, %c0_i32_0 : i32, i32
  }
  func.func @transform_2(%arg0: i32) -> (i32, i32) {
    %c0_i32 = arith.constant 0 : i32
    %c0_i32_0 = arith.constant 0 : i32
    return %c0_i32, %arg0 : i32, i32
  }
  func.func @transform_3(%arg0: i32) -> (i32, i32) {
    %c0_i32 = arith.constant 0 : i32
    %c0_i32_0 = arith.constant 0 : i32
    %c0_i32_1 = arith.constant 0 : i32
    return %c0_i32, %c0_i32_0 : i32, i32
  }
}

module attributes {stable_mosaic.version = 14 : i64} {
  func.func @_head_body(%arg0: memref<64x16xf32, #tpu.memory_space<vmem>>, %arg1: memref<8x32x256xf32, #tpu.memory_space<vmem>>, %arg2: memref<1x16xi32, #tpu.memory_space<vmem>>, %arg3: memref<1x16xi32, #tpu.memory_space<vmem>>, %arg4: memref<16x3xf32, #tpu.memory_space<vmem>>, %arg5: memref<96x256xf32, #tpu.memory_space<vmem>>, %arg6: memref<1x256xf32, #tpu.memory_space<vmem>>, %arg7: memref<1x256xf32, #tpu.memory_space<vmem>>, %arg8: memref<1x256xf32, #tpu.memory_space<vmem>>, %arg9: memref<1x256xf32, #tpu.memory_space<vmem>>, %arg10: memref<1x256xf32, #tpu.memory_space<vmem>>, %arg11: memref<256x128xf32, #tpu.memory_space<vmem>>, %arg12: memref<1x128xf32, #tpu.memory_space<vmem>>, %arg13: memref<1x128xf32, #tpu.memory_space<vmem>>, %arg14: memref<1x128xf32, #tpu.memory_space<vmem>>, %arg15: memref<1x128xf32, #tpu.memory_space<vmem>>, %arg16: memref<1x128xf32, #tpu.memory_space<vmem>>, %arg17: memref<128x3xf32, #tpu.memory_space<vmem>>, %arg18: memref<1x3xf32, #tpu.memory_space<vmem>>, %arg19: memref<16x3xf32, #tpu.memory_space<vmem>>, %arg20: memref<1x1xf32, #tpu.memory_space<vmem>>, %arg21: memref<1x1xf32, #tpu.memory_space<vmem>>) attributes {dimension_semantics = [], scalar_prefetch = 0 : i64, scratch_operands = 0 : i64, tpu.core_type = #tpu.core_type<tc>} {
    %get3A = arith.constant 0 : index
    %get3A_0 = arith.constant 0 : index
    %get3A_1 = vector.load %arg2[%get3A, %get3A_0] : memref<1x16xi32, #tpu.memory_space<vmem>>, vector<1x16xi32>
    %get3A_2 = arith.constant 0 : index
    %get3A_3 = arith.constant 0 : index
    %get3A_4 = vector.load %arg3[%get3A_2, %get3A_3] : memref<1x16xi32, #tpu.memory_space<vmem>>, vector<1x16xi32>
    %sub3A = arith.subi %get3A_4, %get3A_1 : vector<1x16xi32>
    %convert_element_type3A = arith.sitofp %sub3A : vector<1x16xi32> to vector<1x16xf32>
    %max3A = arith.constant 1.000000e+00 : f32
    %max3A_5 = vector.broadcast %max3A : f32 to vector<1x16xf32>
    %max3A_6 = arith.maximumf %convert_element_type3A, %max3A_5 : vector<1x16xf32>
    %get3A_7 = arith.constant 0 : index
    %get3A_8 = arith.constant 0 : index
    %get3A_9 = arith.constant 0 : index
    %get3A_10 = vector.load %arg1[%get3A_7, %get3A_8, %get3A_9] : memref<8x32x256xf32, #tpu.memory_space<vmem>>, vector<8x32x256xf32>
    %reduce_sum3A = arith.constant dense<0.000000e+00> : vector<32x256xf32>
    %reduce_sum3A_11 = vector.multi_reduction <add>, %get3A_10, %reduce_sum3A [0] : vector<8x32x256xf32> to vector<32x256xf32>
    %iota3A = tpu.iota {dimensions = array<i32: 0>} : vector<256x16xi32>
    %jit3A = arith.constant 16 : i32
    %div3A = vector.broadcast %jit3A : i32 to vector<256x16xi32>
    %div3A_12 = arith.divsi %iota3A, %div3A : vector<256x16xi32>
    %sign3A = arith.constant 0 : i32
    %sign3A_13 = vector.broadcast %sign3A : i32 to vector<256x16xi32>
    %sign3A_14 = arith.cmpi sgt, %iota3A, %sign3A_13 : vector<256x16xi32>
    %sign3A_15 = arith.extui %sign3A_14 : vector<256x16xi1> to vector<256x16xi32>
    %sign3A_16 = arith.constant 0 : i32
    %sign3A_17 = vector.broadcast %sign3A_16 : i32 to vector<256x16xi32>
    %sign3A_18 = arith.cmpi slt, %iota3A, %sign3A_17 : vector<256x16xi32>
    %sign3A_19 = arith.extui %sign3A_18 : vector<256x16xi1> to vector<256x16xi32>
    %sign3A_20 = arith.subi %sign3A_15, %sign3A_19 : vector<256x16xi32>
    %sign3A_21 = arith.constant 0 : i32
    %sign3A_22 = arith.cmpi sgt, %jit3A, %sign3A_21 : i32
    %sign3A_23 = arith.extui %sign3A_22 : i1 to i32
    %sign3A_24 = arith.constant 0 : i32
    %sign3A_25 = arith.cmpi slt, %jit3A, %sign3A_24 : i32
    %sign3A_26 = arith.extui %sign3A_25 : i1 to i32
    %sign3A_27 = arith.subi %sign3A_23, %sign3A_26 : i32
    %ne3A = vector.broadcast %sign3A_27 : i32 to vector<256x16xi32>
    %ne3A_28 = arith.cmpi ne, %sign3A_20, %ne3A : vector<256x16xi32>
    %rem3A = vector.broadcast %jit3A : i32 to vector<256x16xi32>
    %rem3A_29 = arith.remsi %iota3A, %rem3A : vector<256x16xi32>
    %ne3A_30 = arith.constant 0 : i32
    %ne3A_31 = vector.broadcast %ne3A_30 : i32 to vector<256x16xi32>
    %ne3A_32 = arith.cmpi ne, %rem3A_29, %ne3A_31 : vector<256x16xi32>
    %and3A = arith.andi %ne3A_28, %ne3A_32 : vector<256x16xi1>
    %sub3A_33 = arith.constant 1 : i32
    %sub3A_34 = vector.broadcast %sub3A_33 : i32 to vector<256x16xi32>
    %sub3A_35 = arith.subi %div3A_12, %sub3A_34 : vector<256x16xi32>
    %select_n3A = arith.select %and3A, %sub3A_35, %div3A_12 : vector<256x16xi1>, vector<256x16xi32>
    %iota3A_36 = tpu.iota {dimensions = array<i32: 1>} : vector<256x16xi32>
    %eq3A = arith.cmpi eq, %select_n3A, %iota3A_36 : vector<256x16xi32>
    %convert_element_type3A_37 = arith.extui %eq3A : vector<256x16xi1> to vector<256x16xi32>
    %convert_element_type3A_38 = arith.sitofp %convert_element_type3A_37 : vector<256x16xi32> to vector<256x16xf32>
    %dot_general3A = arith.constant dense<0.000000e+00> : vector<32x16xf32>
    %dot_general3A_39 = tpu.matmul %reduce_sum3A_11, %convert_element_type3A_38, %dot_general3A {dimension_numbers = #tpu.dot_dimension_numbers<[1], [0], [0], [1], [0, 0, 1, 1], [], []>, precision = #tpu.contract_precision<fp32>, transpose_lhs_hint = false} : vector<32x256xf32>, vector<256x16xf32>, vector<32x16xf32> -> vector<32x16xf32>
    %get3A_40 = arith.constant 0 : index
    %get3A_41 = arith.constant 0 : index
    %get3A_42 = vector.load %arg0[%get3A_40, %get3A_41] : memref<64x16xf32, #tpu.memory_space<vmem>>, vector<64x16xf32>
    %concatenate3A = tpu.concatenate %get3A_42, %dot_general3A_39 in 0 : vector<64x16xf32>, vector<32x16xf32> -> vector<96x16xf32>
    %div3A_43 = vector.broadcast %max3A_6 : vector<1x16xf32> to vector<96x16xf32>
    %div3A_44 = arith.divf %concatenate3A, %div3A_43 : vector<96x16xf32>
    %get3A_45 = arith.constant 0 : index
    %get3A_46 = arith.constant 0 : index
    %get3A_47 = vector.load %arg5[%get3A_45, %get3A_46] : memref<96x256xf32, #tpu.memory_space<vmem>>, vector<96x256xf32>
    %dot_general3A_48 = arith.constant dense<0.000000e+00> : vector<16x256xf32>
    %dot_general3A_49 = tpu.matmul %div3A_44, %get3A_47, %dot_general3A_48 {dimension_numbers = #tpu.dot_dimension_numbers<[0], [0], [1], [1], [0, 1, 1, 1], [], []>, transpose_lhs_hint = false} : vector<96x16xf32>, vector<96x256xf32>, vector<16x256xf32> -> vector<16x256xf32>
    %get3A_50 = arith.constant 0 : index
    %get3A_51 = arith.constant 0 : index
    %get3A_52 = vector.load %arg6[%get3A_50, %get3A_51] : memref<1x256xf32, #tpu.memory_space<vmem>>, vector<1x256xf32>
    %add3A = vector.broadcast %get3A_52 : vector<1x256xf32> to vector<16x256xf32>
    %add3A_53 = arith.addf %dot_general3A_49, %add3A : vector<16x256xf32>
    %get3A_54 = arith.constant 0 : index
    %get3A_55 = arith.constant 0 : index
    %get3A_56 = vector.load %arg7[%get3A_54, %get3A_55] : memref<1x256xf32, #tpu.memory_space<vmem>>, vector<1x256xf32>
    %get3A_57 = arith.constant 0 : index
    %get3A_58 = arith.constant 0 : index
    %get3A_59 = vector.load %arg9[%get3A_57, %get3A_58] : memref<1x256xf32, #tpu.memory_space<vmem>>, vector<1x256xf32>
    %sub3A_60 = vector.broadcast %get3A_59 : vector<1x256xf32> to vector<16x256xf32>
    %sub3A_61 = arith.subf %add3A_53, %sub3A_60 : vector<16x256xf32>
    %mul3A = vector.broadcast %get3A_56 : vector<1x256xf32> to vector<16x256xf32>
    %mul3A_62 = arith.mulf %mul3A, %sub3A_61 : vector<16x256xf32>
    %get3A_63 = arith.constant 0 : index
    %get3A_64 = arith.constant 0 : index
    %get3A_65 = vector.load %arg10[%get3A_63, %get3A_64] : memref<1x256xf32, #tpu.memory_space<vmem>>, vector<1x256xf32>
    %add3A_66 = arith.constant 9.99999974E-6 : f32
    %add3A_67 = vector.broadcast %add3A_66 : f32 to vector<1x256xf32>
    %add3A_68 = arith.addf %get3A_65, %add3A_67 : vector<1x256xf32>
    %rsqrt3A = math.rsqrt %add3A_68 : vector<1x256xf32>
    %mul3A_69 = vector.broadcast %rsqrt3A : vector<1x256xf32> to vector<16x256xf32>
    %mul3A_70 = arith.mulf %mul3A_62, %mul3A_69 : vector<16x256xf32>
    %get3A_71 = arith.constant 0 : index
    %get3A_72 = arith.constant 0 : index
    %get3A_73 = vector.load %arg8[%get3A_71, %get3A_72] : memref<1x256xf32, #tpu.memory_space<vmem>>, vector<1x256xf32>
    %add3A_74 = vector.broadcast %get3A_73 : vector<1x256xf32> to vector<16x256xf32>
    %add3A_75 = arith.addf %mul3A_70, %add3A_74 : vector<16x256xf32>
    %max3A_76 = arith.constant 0.000000e+00 : f32
    %max3A_77 = vector.broadcast %max3A_76 : f32 to vector<16x256xf32>
    %max3A_78 = arith.maximumf %add3A_75, %max3A_77 : vector<16x256xf32>
    %get3A_79 = arith.constant 0 : index
    %get3A_80 = arith.constant 0 : index
    %get3A_81 = vector.load %arg11[%get3A_79, %get3A_80] : memref<256x128xf32, #tpu.memory_space<vmem>>, vector<256x128xf32>
    %dot_general3A_82 = arith.constant dense<0.000000e+00> : vector<16x128xf32>
    %dot_general3A_83 = tpu.matmul %max3A_78, %get3A_81, %dot_general3A_82 {dimension_numbers = #tpu.dot_dimension_numbers<[1], [0], [0], [1], [0, 0, 1, 1], [], []>, transpose_lhs_hint = false} : vector<16x256xf32>, vector<256x128xf32>, vector<16x128xf32> -> vector<16x128xf32>
    %get3A_84 = arith.constant 0 : index
    %get3A_85 = arith.constant 0 : index
    %get3A_86 = vector.load %arg12[%get3A_84, %get3A_85] : memref<1x128xf32, #tpu.memory_space<vmem>>, vector<1x128xf32>
    %add3A_87 = vector.broadcast %get3A_86 : vector<1x128xf32> to vector<16x128xf32>
    %add3A_88 = arith.addf %dot_general3A_83, %add3A_87 : vector<16x128xf32>
    %get3A_89 = arith.constant 0 : index
    %get3A_90 = arith.constant 0 : index
    %get3A_91 = vector.load %arg13[%get3A_89, %get3A_90] : memref<1x128xf32, #tpu.memory_space<vmem>>, vector<1x128xf32>
    %get3A_92 = arith.constant 0 : index
    %get3A_93 = arith.constant 0 : index
    %get3A_94 = vector.load %arg15[%get3A_92, %get3A_93] : memref<1x128xf32, #tpu.memory_space<vmem>>, vector<1x128xf32>
    %sub3A_95 = vector.broadcast %get3A_94 : vector<1x128xf32> to vector<16x128xf32>
    %sub3A_96 = arith.subf %add3A_88, %sub3A_95 : vector<16x128xf32>
    %mul3A_97 = vector.broadcast %get3A_91 : vector<1x128xf32> to vector<16x128xf32>
    %mul3A_98 = arith.mulf %mul3A_97, %sub3A_96 : vector<16x128xf32>
    %get3A_99 = arith.constant 0 : index
    %get3A_100 = arith.constant 0 : index
    %get3A_101 = vector.load %arg16[%get3A_99, %get3A_100] : memref<1x128xf32, #tpu.memory_space<vmem>>, vector<1x128xf32>
    %add3A_102 = arith.constant 9.99999974E-6 : f32
    %add3A_103 = vector.broadcast %add3A_102 : f32 to vector<1x128xf32>
    %add3A_104 = arith.addf %get3A_101, %add3A_103 : vector<1x128xf32>
    %rsqrt3A_105 = math.rsqrt %add3A_104 : vector<1x128xf32>
    %mul3A_106 = vector.broadcast %rsqrt3A_105 : vector<1x128xf32> to vector<16x128xf32>
    %mul3A_107 = arith.mulf %mul3A_98, %mul3A_106 : vector<16x128xf32>
    %get3A_108 = arith.constant 0 : index
    %get3A_109 = arith.constant 0 : index
    %get3A_110 = vector.load %arg14[%get3A_108, %get3A_109] : memref<1x128xf32, #tpu.memory_space<vmem>>, vector<1x128xf32>
    %add3A_111 = vector.broadcast %get3A_110 : vector<1x128xf32> to vector<16x128xf32>
    %add3A_112 = arith.addf %mul3A_107, %add3A_111 : vector<16x128xf32>
    %max3A_113 = arith.constant 0.000000e+00 : f32
    %max3A_114 = vector.broadcast %max3A_113 : f32 to vector<16x128xf32>
    %max3A_115 = arith.maximumf %add3A_112, %max3A_114 : vector<16x128xf32>
    %get3A_116 = arith.constant 0 : index
    %get3A_117 = arith.constant 0 : index
    %get3A_118 = vector.load %arg17[%get3A_116, %get3A_117] : memref<128x3xf32, #tpu.memory_space<vmem>>, vector<128x3xf32>
    %dot_general3A_119 = arith.constant dense<0.000000e+00> : vector<16x3xf32>
    %dot_general3A_120 = tpu.matmul %max3A_115, %get3A_118, %dot_general3A_119 {dimension_numbers = #tpu.dot_dimension_numbers<[1], [0], [0], [1], [0, 0, 1, 1], [], []>, transpose_lhs_hint = false} : vector<16x128xf32>, vector<128x3xf32>, vector<16x3xf32> -> vector<16x3xf32>
    %get3A_121 = arith.constant 0 : index
    %get3A_122 = arith.constant 0 : index
    %get3A_123 = vector.load %arg18[%get3A_121, %get3A_122] : memref<1x3xf32, #tpu.memory_space<vmem>>, vector<1x3xf32>
    %add3A_124 = vector.broadcast %get3A_123 : vector<1x3xf32> to vector<16x3xf32>
    %add3A_125 = arith.addf %dot_general3A_120, %add3A_124 : vector<16x3xf32>
    %swap3A = arith.constant 0 : index
    %swap3A_126 = arith.constant 0 : index
    %swap3A_127 = vector.load %arg19[%swap3A, %swap3A_126] : memref<16x3xf32, #tpu.memory_space<vmem>>, vector<16x3xf32>
    tpu.vector_store %arg19[%swap3A, %swap3A_126], %add3A_125 {strides = array<i32>} : memref<16x3xf32, #tpu.memory_space<vmem>>, vector<16x3xf32>,
    %get3A_128 = arith.constant 0 : index
    %get3A_129 = arith.constant 0 : index
    %get3A_130 = vector.load %arg4[%get3A_128, %get3A_129] : memref<16x3xf32, #tpu.memory_space<vmem>>, vector<16x3xf32>
    %sub3A_131 = arith.subf %add3A_125, %get3A_130 : vector<16x3xf32>
    %mul3A_132 = arith.mulf %sub3A_131, %sub3A_131 : vector<16x3xf32>
    %reduce_sum3A_133 = vector.shape_cast %mul3A_132 : vector<16x3xf32> to vector<1x16x3xf32>
    %reduce_sum3A_134 = arith.constant dense<0.000000e+00> : vector<1xf32>
    %reduce_sum3A_135 = vector.multi_reduction <add>, %reduce_sum3A_133, %reduce_sum3A_134 [1, 2] : vector<1x16x3xf32> to vector<1xf32>
    %reduce_sum3A_136 = vector.shape_cast %reduce_sum3A_135 : vector<1xf32> to vector<1x1x1xf32>
    %reduce_sum3A_137 = vector.extract %reduce_sum3A_136[0, 0, 0] : f32 from vector<1x1x1xf32>
    %div3A_138 = arith.constant 4.800000e+01 : f32
    %div3A_139 = arith.divf %reduce_sum3A_137, %div3A_138 : f32
    %reshape3A = vector.broadcast %div3A_139 : f32 to vector<1x1xf32>
    %swap3A_140 = arith.constant 0 : index
    %swap3A_141 = arith.constant 0 : index
    %swap3A_142 = vector.load %arg20[%swap3A_140, %swap3A_141] : memref<1x1xf32, #tpu.memory_space<vmem>>, vector<1x1xf32>
    tpu.vector_store %arg20[%swap3A_140, %swap3A_141], %reshape3A {strides = array<i32>} : memref<1x1xf32, #tpu.memory_space<vmem>>, vector<1x1xf32>,
    %mul3A_143 = arith.mulf %add3A_125, %get3A_130 : vector<16x3xf32>
    %reduce_sum3A_144 = arith.constant dense<0.000000e+00> : vector<16xf32>
    %reduce_sum3A_145 = vector.multi_reduction <add>, %mul3A_143, %reduce_sum3A_144 [1] : vector<16x3xf32> to vector<16xf32>
    %mul3A_146 = arith.mulf %add3A_125, %add3A_125 : vector<16x3xf32>
    %reduce_sum3A_147 = arith.constant dense<0.000000e+00> : vector<16xf32>
    %reduce_sum3A_148 = vector.multi_reduction <add>, %mul3A_146, %reduce_sum3A_147 [1] : vector<16x3xf32> to vector<16xf32>
    %sqrt3A = math.sqrt %reduce_sum3A_148 : vector<16xf32>
    %max3A_149 = arith.constant 9.99999993E-9 : f32
    %max3A_150 = vector.broadcast %max3A_149 : f32 to vector<16xf32>
    %max3A_151 = arith.maximumf %sqrt3A, %max3A_150 : vector<16xf32>
    %mul3A_152 = arith.mulf %get3A_130, %get3A_130 : vector<16x3xf32>
    %reduce_sum3A_153 = arith.constant dense<0.000000e+00> : vector<16xf32>
    %reduce_sum3A_154 = vector.multi_reduction <add>, %mul3A_152, %reduce_sum3A_153 [1] : vector<16x3xf32> to vector<16xf32>
    %sqrt3A_155 = math.sqrt %reduce_sum3A_154 : vector<16xf32>
    %max3A_156 = arith.constant 9.99999993E-9 : f32
    %max3A_157 = vector.broadcast %max3A_156 : f32 to vector<16xf32>
    %max3A_158 = arith.maximumf %sqrt3A_155, %max3A_157 : vector<16xf32>
    %mul3A_159 = arith.mulf %max3A_151, %max3A_158 : vector<16xf32>
    %div3A_160 = arith.divf %reduce_sum3A_145, %mul3A_159 : vector<16xf32>
    %reduce_sum3A_161 = vector.shape_cast %div3A_160 : vector<16xf32> to vector<1x16xf32>
    %reduce_sum3A_162 = arith.constant dense<0.000000e+00> : vector<1xf32>
    %reduce_sum3A_163 = vector.multi_reduction <add>, %reduce_sum3A_161, %reduce_sum3A_162 [1] : vector<1x16xf32> to vector<1xf32>
    %reduce_sum3A_164 = vector.shape_cast %reduce_sum3A_163 : vector<1xf32> to vector<1x1xf32>
    %reduce_sum3A_165 = vector.extract %reduce_sum3A_164[0, 0] : f32 from vector<1x1xf32>
    %div3A_166 = arith.constant 1.600000e+01 : f32
    %div3A_167 = arith.divf %reduce_sum3A_165, %div3A_166 : f32
    %reshape3A_168 = vector.broadcast %div3A_167 : f32 to vector<1x1xf32>
    %swap3A_169 = arith.constant 0 : index
    %swap3A_170 = arith.constant 0 : index
    %swap3A_171 = vector.load %arg21[%swap3A_169, %swap3A_170] : memref<1x1xf32, #tpu.memory_space<vmem>>, vector<1x1xf32>
    tpu.vector_store %arg21[%swap3A_169, %swap3A_170], %reshape3A_168 {strides = array<i32>} : memref<1x1xf32, #tpu.memory_space<vmem>>, vector<1x1xf32>,
    return
  }
}

</mosaic_0001>

<sc_bundles>
// kernel: kernel.5.cloned.1.call-start
scs
__scs_entry_jumppad:
0x0: {  	(pc) =	sbr.rel $0x88, $3  }
0x1: {  	(tag) =	ssettag $0x0;
	lr =	simm.s32 $0x1  }
0x2: {  	[smem:$0x3F90] =	sst lr;
	_ =	strace $0xD0000000  }
0x3: {  	_ = 	snop  }
0x4: {  	_ = 	snop  }
0x5: {  	_ = 	snop  }
0x6: {  	_ = 	snop  }
0x7: {  	_ = 	snop  }
__scs_overlays_trampoline_lowered:
0x8: {  	[smem:$0x3F9F] =	sst s0  }
0x9: {  	[smem:$0x3FA0] =	sst s1  }
0xa: {  	[smem:$0x3FA1] =	sst s2  }
0xb: {  	[smem:$0x3FA2] =	sst s3  }
0xc: {  	[smem:$0x3FA3] =	sst s4  }
0xd: {  	[smem:$0x3FA4] =	sst s5  }
0xe: {  	[smem:$0x3FA5] =	sst s6  }
0xf: {  	[smem:$0x3FA6] =	sst s7  }
0x10: {  	[smem:$0x3FA7] =	sst s8  }
0x11: {  	[smem:$0x3FA8] =	sst s9;
	s0 =	simm.s32 @!p0 $0x0  }
0x12: {  	s1 =	sld [smem:$0x3F8E];
	s0 =	simm.s32 @p0 $0x1  }
0x13: {  	[smem:$0x3FA9] =	sst s0;
	s0 =	simm.s32 @!p1 $0x0  }
0x14: {  	s2 =	sld [smem:$0x3F8D];
	s0 =	simm.s32 @p1 $0x1  }
0x15: {  	[smem:$0x3FAA] =	sst s0;
	s0 =	simm.s32 @!p2 $0x0  }
0x16: {  	s3 =	sld [smem:$0x3FDB];
	s0 =	simm.s32 @p2 $0x1  }
0x17: {  	s4 =	simm.s32 $0x1BF5;
	[smem:$0x3FAC] =	sst s0  }
0x18: {  	s0 =	sld [smem:$0x3F8F];
	_ =	swait.ge [sflag:s4], $0x0  }
0x19: {  	s7 =	sld [smem:$0x3F90]  }
0x1a: {  	s8 =	sadd.s32 $0xFFFFE003, lr  }
0x1b: {  	s9 =	sadd.s32 $0xFFFFFEF7, lr;
	s5 =	simm.s32 $0xFFFFFFFF;
	p2 =	slt.u32 s8, $0xFFFFF086  }
0x1c: {  	p1 =	slt.u32 s9, $0xF7A;
	s5 =	simm.s32 @!p2 $0x0  }
0x1d: {  	s5 =	simm.s32 @p1 $0x1;
	p0 =	seq.s32 s7, s2  }
0x1e: {  	s7 =	smul.u32 @!p0 $0xF7A, s2;
	p2 =	seq.s32 @!p0 s5, $0x0  }
0x1f: {  	s9 =	smul.u32 $0xF7A, s1;
	s8 =	simm.s32 @!p0 $0x1BF5;
	p2 =	por !p2, p0  }
0x20: {  	[sflag:s8] =	ssyncset.s32 @!p0 $0xFFFFF086;
	s6 =	sadd.s32 @!p0 s3, s7;
	s7 =	simm.s32 @!p0 $0x108  }
0x21: {  	s3 =	sadd.s32 s3, s9;
	s6 =	sadd.s32 @!p0 $0x88, s6;
	s7 =	simm.s32 @p2 $0x1082  }
0x22: {  	[simem:s7], [sflag:s8] =	dma.local @!p0 [hbm:s6], $0xF7A  }
0x23: {  	s9 =	sor.u32 $0xD0000000, s2;
	s6 =	simm.s32 $0x108;
	_ =	swait.ge @!p0 [sflag:s8], $0x0  }
0x24: {  	s3 =	sadd.s32 $0x88, s3;
	s6 =	simm.s32 @!p1 $0x1082;
	[sflag:s4] =	ssyncset.s32 $0xFFFFF086  }
0x25: {  	[simem:s6], [sflag:s4] =	dma.local [hbm:s3], $0xF7A  }
0x26: {  	[smem:$0x3F90] =	sst s1;
	(tag) =	ssettag s2;
	_ =	strace s9  }
0x27: {  	s1 =	sld [smem:$0x3FA0]  }
0x28: {  	s2 =	sld [smem:$0x3FA1]  }
0x29: {  	s4 =	sld [smem:$0x3FA3]  }
0x2a: {  	p0 =	seq.s32 s5, $0x0;
	s5 =	sld [smem:$0x3FA4]  }
0x2b: {  	s6 =	sld [smem:$0x3FA5]  }
0x2c: {  	s7 =	sld [smem:$0x3FA6]  }
0x2d: {  	s3 =	simm.s32 $0x108;
	s8 =	sld [smem:$0x3FA7]  }
0x2e: {  	s3 =	simm.s32 @!p0 $0x1082;
	s9 =	sld [smem:$0x3FA8]  }
0x2f: {  	lr =	sadd.s32 s0, s3;
	s0 =	sld [smem:$0x3F9F]  }
0x30: {  	s3 =	sld [smem:$0x3FA2]  }
0x31: {  	[smem:$0x3FAB] =	sst s10  }
0x32: {  	s10 =	sld [smem:$0x3FA9];
	_ =	sdelay $0x3  }
0x33: {  	p0 =	seq.s32 s10, $0x1;
	s10 =	sld [smem:$0x3FAB];
	_ =	sdelay $0x3  }
0x34: {  	[smem:$0x3FAB] =	sst s10  }
0x35: {  	s10 =	sld [smem:$0x3FAA];
	_ =	sdelay $0x3  }
0x36: {  	p1 =	seq.s32 s10, $0x1;
	s10 =	sld [smem:$0x3FAB];
	_ =	sdelay $0x3  }
0x37: {  	[smem:$0x3FAB] =	sst s10  }
0x38: {  	s10 =	sld [smem:$0x3FAC]  }
0x39: {  	_ = 	snop;
	(pc) =	sbr.ind lr, $3  }
0x3a: {  	_ = 	snop  }
0x3b: {  	_ = 	snop  }
0x3c: {  	p2 =	seq.s32 s10, $0x1;
	s10 =	sld [smem:$0x3FAB]  }
0x3d: {  	_ =	shalt  }
0x3e: {  	_ =	shalt  }
0x3f: {  	_ =	shalt  }
0x40: {  	_ =	shalt  }
0x41: {  	_ =	shalt  }
0x42: {  	_ =	shalt  }
0x43: {  	_ =	shalt  }
0x44: {  	_ =	shalt  }
0x45: {  	_ =	shalt  }
0x46: {  	_ =	shalt  }
0x47: {  	_ =	shalt  }
0x48: {  	_ =	shalt  }
0x49: {  	_ =	shalt  }
0x4a: {  	_ =	shalt  }
0x4b: {  	_ =	shalt  }
0x4c: {  	_ =	shalt  }
0x4d: {  	_ =	shalt  }
0x4e: {  	_ =	shalt  }
0x4f: {  	_ =	shalt  }
0x50: {  	_ =	shalt  }
0x51: {  	_ =	shalt  }
0x52: {  	_ =	shalt  }
0x53: {  	_ =	shalt  }
0x54: {  	_ =	shalt  }
0x55: {  	_ =	shalt  }
0x56: {  	_ =	shalt  }
0x57: {  	_ =	shalt  }
0x58: {  	_ =	shalt  }
0x59: {  	_ =	shalt  }
0x5a: {  	_ =	shalt  }
0x5b: {  	_ =	shalt  }
0x5c: {  	_ =	shalt  }
0x5d: {  	_ =	shalt  }
0x5e: {  	_ =	shalt  }
0x5f: {  	_ =	shalt  }
0x60: {  	_ =	shalt  }
0x61: {  	_ =	shalt  }
0x62: {  	_ =	shalt  }
0x63: {  	_ =	shalt  }
0x64: {  	_ =	shalt  }
0x65: {  	_ =	shalt  }
0x66: {  	_ =	shalt  }
0x67: {  	_ =	shalt  }
0x68: {  	_ =	shalt  }
0x69: {  	_ =	shalt  }
0x6a: {  	_ =	shalt  }
0x6b: {  	_ =	shalt  }
0x6c: {  	_ =	shalt  }
0x6d: {  	_ =	shalt  }
0x6e: {  	_ =	shalt  }
0x6f: {  	_ =	shalt  }
0x70: {  	_ =	shalt  }
0x71: {  	_ =	shalt  }
0x72: {  	_ =	shalt  }
0x73: {  	_ =	shalt  }
0x74: {  	_ =	shalt  }
0x75: {  	_ =	shalt  }
0x76: {  	_ =	shalt  }
0x77: {  	_ =	shalt  }
0x78: {  	_ =	shalt  }
0x79: {  	_ =	shalt  }
0x7a: {  	_ =	shalt  }
0x7b: {  	_ =	shalt  }
0x7c: {  	_ =	shalt  }
0x7d: {  	_ =	shalt  }
0x7e: {  	_ =	shalt  }
0x7f: {  	_ =	shalt  }
0x80: {  	_ =	shalt  }
0x81: {  	_ =	shalt  }
0x82: {  	_ =	shalt  }
0x83: {  	_ =	shalt  }
0x84: {  	_ =	shalt  }
0x85: {  	_ =	shalt  }
0x86: {  	_ =	shalt  }
0x87: {  	_ =	shalt  }
.Lfunc_end0:
.L_simem_size_0:
called_computation_lowered:
.L_overlay_start_0:
0x88: {  	s2 =	sld [smem:$0x3FD9]  }
0x89: {  	s3 =	sld [smem:$0x3FFE];
	_ =	sdelay $0x1  }
0x8a: {  	s1 =	srdreg.scid  }
0x8b: {  	s0 =	sand.u32 $0x1, s1  }
0x8c: {  	s14 =	sshll.u32 s0, $0xA;
	s2 =	sadd.s32 s3, s2  }
0x8d: {  	s2 =	sadd.s32 s2, s14  }
0x8e: {  	[smem:$0x3FB7] =	sst s2  }
0x8f: {  	_ = 	snop  }
0x90: {  	s2 =	sld [smem:$0x3FD0];
	_ =	sdelay $0x2  }
0x91: {  	s4 =	simm.s32 $0xA;
	s5 =	simm.s32 $0x10;
	s15 =	sld [smem:$0x3FC9]  }
0x92: {  	[smem:s5], [sflag:s4] =	dma.local [hbm:s2], $0x1  }
0x93: {  	_ =	swait.eq [sflag:s4], $0x1  }
0x94: {  	[sflag:s4] =	ssyncset.done $0x0  }
0x95: {  	[sflag:s4] =	ssyncadd.s32 $0xFFFFFFFF  }
0x96: {  	s16 =	sld [smem:$0x12];
	(tm) =	ssettm $0x1  }
0x97: {  	s17 =	sld [smem:$0x3FFB];
	_ =	sdelay $0x3  }
0x98: {  	_ =	strace s17  }
0x99: {  	s4 =	sld [smem:$0x3FFC];
	_ =	sdelay $0x3  }
0x9a: {  	_ =	strace s4  }
0x9b: {  	s4 =	sld [smem:$0x3FFD];
	_ =	sdelay $0x3  }
0x9c: {  	_ =	strace s4  }
0x9d: {  	_ =	strace $0x8FFFFFFF  }
0x9e: {  	s18 =	sld [smem:$0x3FDB];
	_ =	sdelay $0x1  }
0x9f: {  	s19 =	simm.s32 $_scs_section_size  }
0xa0: {  	s6 =	simm.s32 $_size__tile_overlayer_lowered;
	s7 =	simm.s32 $_tile_overlayer_lowered  }
0xa1: {  	s22 =	simm.s32 $0x1BFF;
	s21 =	sshll.u32 s7, $0x1;
	s4 =	sadd.s32 s19, s18  }
0xa2: {  	s8 =	simm.s32 $0x0;
	s20 =	sshll.u32 s6, $0x1;
	s6 =	sadd.s32 s21, s4  }
0xa3: {  	[timem:s8], [sflag:s22] =	dma.local [hbm:s6], s20  }
0xa4: {  	_ =	swait.ge [sflag:s22], s20  }
0xa5: {  	s5 =	ssub.s32 $0x0, s20;
	[sflag:s22] =	ssyncset.done $0x0  }
0xa6: {  	[sflag:s22] =	ssyncadd.s32 s5;
	_ =	sdelay $0x1  }
0xa7: {  	s23 =	simm.s32 $0x1B8B  }
0xa8: {  	_ =	swait.ge [sflag:s23], $0x1  }
0xa9: {  	[sflag:s23] =	ssyncset.done $0x0  }
0xaa: {  	s25 =	simm.s32 $0x1B8E;
	s24 =	sld [smem:$0x3FFE];
	[sflag:s23] =	ssyncadd.s32 $0xFFFFFFFF  }
0xab: {  	s26 =	simm.s32 $execute0_lowered;
	[smem:$0x3FD2] =	sst s25  }
0xac: {  	s6 =	sshll.u32 s26, $0x1;
	_ =	strace $0x80000046;
	[dreg:$0x1] =	wrdreg $0xFFFFFFFF  }
0xad: {  	s28 =	simm.s32 $_size_execute0_lowered;
	s4 =	sadd.s32 s4, s6;
	[dreg:$0x0] =	wrdreg $0x0  }
0xae: {  	s6 =	sshll.u32 s28, $0x1;
	[dreg:$0x2] =	wrdreg s4  }
0xaf: {  	[dreg:$0x3] =	wrdreg s6  }
0xb0: {  	[dreg:$0x4] =	wrdreg $0xC0  }
0xb1: {  	_ =	task [dreg:s8], $0x5FFFF  }
0xb2: {  	[dreg:$0x1] =	wrdreg $0xFFFFFFFF  }
0xb3: {  	[dreg:$0x0] =	wrdreg $0x60  }
0xb4: {  	[dreg:$0x2] =	wrdreg s15  }
0xb5: {  	[dreg:$0x3] =	wrdreg s16  }
0xb6: {  	[dreg:$0x4] =	wrdreg s24  }
0xb7: {  	[dreg:$0x5] =	wrdreg $0x9  }
0xb8: {  	_ =	task.clear_ibuf [dreg:s8], $0x6FFFF;
	_ =	strace $0x90000046  }
0xb9: {  	s29 =	simm.s32 $0x9;
	_ =	strace $0x80000048  }
0xba: {  	_ =	swait.ge [sflag:s29], $0x1  }
0xbb: {  	[sflag:s29] =	ssyncadd.s32 $0xFFFFFFFF  }
0xbc: {  	_ =	strace $0x90000048  }
0xbd: {  	_ =	sfence  }
0xbe: {  	s30 =	sld [smem:$0x0];
	_ =	sdelay $0x2  }
0xbf: {  	s31 =	sshll.u32 s1, $0xD;
	s1 =	sshrl.u32 s1, $0x2  }
0xc0: {  	s3 =	sand.u32 $0x4000, s31;
	s1 =	sadd.s32 s1, s30  }
0xc1: {  	s0 =	sor.u32 s3, s0;
	s1 =	sshll.u32 s1, $0x11  }
0xc2: {  	s0 =	sor.u32 s1, s0  }
0xc3: {  	s0 =	sadd.s32 $0x8F2B, s0  }
0xc4: {  	[sflag:s0] =	ssyncadd.remote.s32 $0x1  }
0xc5: {  	_ =	sfence.sel $0xFFFF  }
0xc6: {  	[dreg:$0x0] =	wrdreg $0xFFFFFFFF;
	(pc) =	sbr.abs _section_cstart, $3  }
0xc7: {  	[dreg:$0x1] =	wrdreg $0xFFFFFFFF  }
0xc8: {  	_ =	task.clear_ibuf [dreg:s8], $0x2FFFF;
	_ =	strace $0x9FFFFFFF  }
0xc9: {  	(tm) =	ssettm $0x7FFFFFFF  }
tec
execute0_lowered:
.L_overlay_start_1:
0x0: {  	(tag) =	ssettag $0x1  }
0x1: {  	s3 =	stileid.u32;
	s0 =	rddreg [dreg:$0x0]  }
0x2: {  	s1 =	srdreg.scid;
	s5 =	rddreg [dreg:$0x2]  }
0x3: {  	s14 =	simm.s32 $0x0;
	s12 =	simm.s32 $0x2;
	s15 =	simm.s32 $0x0  }
0x4: {  	s2 =	sshll.u32 s3, $0x1;
	s1 =	sand.u32 $0x1, s1;
	s3 =	sshrl.u32 s3, $0x2  }
0x5: {  	[smem:$0x7FF] =	sst s14;
	s2 =	sand.u32 $0x6, s2;
	s4 =	sor.u32 $0x8, s3  }
0x6: {  	_ =	strace $0x80000047;
	s2 =	sor.u32 s1, s2;
	s7 =	sshll.u32 s4, $0xB  }
0x7: {  	s1 =	ssub.s32 $0x2, s1;
	s29 =	sshll.u32 s4, $0xF;
	s6 =	sshll.u32 s2, $0xD  }
0x8: {  	s30 =	sshrl.u32 s1, $0x1;
	s4 =	sshll.u32 s2, $0xC;
	s6 =	sadd.s32 s6, s7  }
.Ltmp0:
0x9: {  	s0 =	sadd.s32 s0, s29;
	s6 =	sadd.s32 $0xFFFFC000, s6;
	(pc) =	sbr.rel .LBB2_1-.Ltmp0, $4  }
0xa: {  	s1 =	ssub.s32 s1, s30;
	s0 =	sadd.s32 s4, s0;
	s6 =	sshrl.u32 s6, $0x3  }
0xb: {  	[dreg:$0x4] =	wrdreg s0;
	s1 =	smax.u32 s1, $0x1;
	s5 =	sadd.s32 s6, s5  }
0xc: {  	s7 =	sshllo.u32 s2, $0xC;
	[dreg:$0x6] =	wrdreg s1;
	s31 =	sadd.s32 $0x2C00, s5  }
0xd: {  	v0 =	vlaneseq.u32;
	s8 =	sor.u32 $0xFF0, s4;
	s0 =	sadd.s32 $0x1000, s4;
	[dreg:$0x5] =	wrdreg s31  }
.LBB2_62:
0xe: {  	s14 =	simm.s32 $0x0  }
.LBB2_66:
0xf: {  	s3 =	sand.u32 $0xFFFFFFF0, s1  }
0x10: {  	s5 =	smov.u32 s4;
	p0 =	sgt.s32 s3, s4  }
0x11: {  	s5 =	smov.u32 @p0 s3  }
0x12: {  	s5 =	smin.u32 s5, s8  }
0x13: {  	s6 =	ssub.s32 s5, s4  }
0x14: {  	s6 =	sshll.u32 s6, $0x3  }
0x15: {  	s9 =	sand.u32 $0x70, s5;
	s6 =	sand.u32 $0xFFFFFC00, s6  }
0x16: {  	s6 =	sor.u32 s9, s6  }
0x17: {  	v9 =	vld [tilespmem:s6+$0x0]  }
0x18: {  	p0 =	sgt.s32 s2, s3  }
0x19: {  	s3 =	smov.u32 @p0 s2;
	v10 =	vor.u32 s5, v0  }
0x1a: {  	vm0 =	vge.s32 v10, s3;
	vm1 =	vlt.s32 v10, s1  }
0x1b: {  	vm0 =	vmand vm0, vm1  }
0x1c: {  	v9 =	vnsel vm0, $0x0, v9  }
0x1d: {  	v8 =	vadd.f32 v9, v8;
	_ =	sdelay $0x1  }
0x1e: {  	[tilespmem:$0x84F0] =	vst v8  }
0x1f: {  	v8 =	vld [tilespmem:s6+$0x80];
	_ =	sdelay $0x4  }
0x20: {  	v8 =	vnsel vm0, $0x0, v8  }
0x21: {  	v7 =	vadd.f32 v8, v7;
	_ =	sdelay $0x1  }
0x22: {  	[tilespmem:$0x8570] =	vst v7  }
0x23: {  	v7 =	vld [tilespmem:s6+$0x100];
	_ =	sdelay $0x4  }
0x24: {  	v7 =	vnsel vm0, $0x0, v7  }
0x25: {  	v6 =	vadd.f32 v7, v6;
	_ =	sdelay $0x1  }
0x26: {  	[tilespmem:$0x85F0] =	vst v6  }
0x27: {  	v6 =	vld [tilespmem:s6+$0x180];
	_ =	sdelay $0x4  }
0x28: {  	v6 =	vnsel vm0, $0x0, v6  }
0x29: {  	v5 =	vadd.f32 v6, v5;
	_ =	sdelay $0x1  }
0x2a: {  	[tilespmem:$0x8670] =	vst v5  }
0x2b: {  	v5 =	vld [tilespmem:s6+$0x200];
	_ =	sdelay $0x4  }
0x2c: {  	v5 =	vnsel vm0, $0x0, v5  }
0x2d: {  	v4 =	vadd.f32 v5, v4;
	_ =	sdelay $0x1  }
0x2e: {  	[tilespmem:$0x86F0] =	vst v4  }
0x2f: {  	v4 =	vld [tilespmem:s6+$0x280];
	_ =	sdelay $0x4  }
0x30: {  	v4 =	vnsel vm0, $0x0, v4  }
0x31: {  	v3 =	vadd.f32 v4, v3;
	_ =	sdelay $0x1  }
0x32: {  	[tilespmem:$0x8770] =	vst v3  }
0x33: {  	v3 =	vld [tilespmem:s6+$0x300];
	_ =	sdelay $0x4  }
0x34: {  	v3 =	vnsel vm0, $0x0, v3  }
0x35: {  	v2 =	vadd.f32 v3, v2;
	_ =	sdelay $0x1  }
0x36: {  	[tilespmem:$0x87F0] =	vst v2  }
0x37: {  	v2 =	vld [tilespmem:s6+$0x380];
	_ =	sdelay $0x4  }
0x38: {  	v2 =	vnsel vm0, $0x0, v2  }
0x39: {  	v1 =	vadd.f32 v2, v1;
	_ =	sdelay $0x1  }
0x3a: {  	s29 =	rddreg [dreg:$0x5];
	s30 =	simm.s32 $0x8080;
	[tilespmem:$0x8870] =	vst v1  }
0x3b: {  	[hbm4b:s29+s14] =	stream.linear.scatter [tilespmem:s30], [sflag:$0x2], $0x800, $0x38;
	[tilespmem:$0x8880] =	vst v63  }
0x3c: {  	_ =	swait.ge [sflag:s12], $0x800  }
0x3d: {  	s15 =	sadd.s32 $0x1, s15;
	s31 =	rddreg [dreg:$0x6]  }
0x3e: {  	p0 =	sne.s32 s15, s31  }
.Ltmp1:
0x3f: {  	_ = 	snop;
	(pc) =	sbr.rel @!p0 .LBB2_67-.Ltmp1, $3  }
0x40: {  	_ =	sdelay $0x1  }
0x41: {  	[sflag:s12] =	ssyncset.done $0x0  }
0x42: {  	[sflag:s12] =	ssyncadd.s32 $0xFFFFF800  }
.LBB2_1:
0x43: {  	s1 =	rddreg [dreg:$0x4]  }
0x44: {  	[tilespmem:s14], [sflag:$0x1] =	stream.linear.gather [hbm4b:s1+s14], $0x8000, $0x38;
	[tilespmem:$0x8880] =	vst v63  }
0x45: {  	s10 =	rddreg [dreg:$0x1];
	s2 =	simm.s32 $0x8000  }
0x46: {  	[tilespmem:s2], [sflag:$0x2] =	stream.linear.gather [hbm4b:s10+s14], $0x80, $0x38;
	[tilespmem:$0x8880] =	vst v63  }
0x47: {  	_ =	swait.ge [sflag:s12], $0x80  }
0x48: {  	[sflag:s12] =	ssyncset.done $0x0  }
0x49: {  	[sflag:s12] =	ssyncadd.s32 $0xFFFFFF80  }
0x4a: {  	v1 =	vld [tilespmem:$0x8000];
	_ =	sdelay $0x4  }
0x4b: {  	(v2sf) =	vpush v1, $0x0  }
0x4c: {  	(v2sf) =	vpush v1, $0x1  }
0x4d: {  	(v2sf) =	vpush v1, $0x2  }
0x4e: {  	(v2sf) =	vpush v1, $0x3  }
0x4f: {  	(v2sf) =	vpush v1, $0x4  }
0x50: {  	(v2sf) =	vpush v1, $0x5  }
0x51: {  	(v2sf) =	vpush v1, $0x6  }
0x52: {  	(v2sf) =	vpush v1, $0x7  }
0x53: {  	(v2sf) =	vpush v1, $0x8  }
0x54: {  	(v2sf) =	vpush v1, $0x9  }
0x55: {  	(v2sf) =	vpush v1, $0xA  }
0x56: {  	v2 =	vld [tilespmem:$0x8010];
	(v2sf) =	vpush v1, $0xB  }
0x57: {  	(v2sf) =	vpush v1, $0xC  }
0x58: {  	(v2sf) =	vpush v1, $0xD  }
0x59: {  	(v2sf) =	vpush v1, $0xE  }
0x5a: {  	s2 =	spop (v2sf);
	(v2sf) =	vpush v1, $0xF  }
0x5b: {  	s1 =	spop (v2sf);
	(v2sf) =	vpush v2, $0x0  }
0x5c: {  	s31 =	spop (v2sf)  }
0x5d: {  	s30 =	spop (v2sf)  }
0x5e: {  	s29 =	spop (v2sf)  }
0x5f: {  	s28 =	spop (v2sf)  }
0x60: {  	s26 =	spop (v2sf)  }
0x61: {  	s25 =	spop (v2sf)  }
0x62: {  	s24 =	spop (v2sf)  }
0x63: {  	s23 =	spop (v2sf)  }
0x64: {  	s22 =	spop (v2sf)  }
0x65: {  	s21 =	spop (v2sf)  }
0x66: {  	s20 =	spop (v2sf)  }
0x67: {  	s5 =	smov.u32 s4;
	p0 =	sgt.s32 s2, s4;
	s19 =	spop (v2sf)  }
0x68: {  	s5 =	smov.u32 @p0 s2;
	s18 =	spop (v2sf)  }
0x69: {  	s9 =	smin.u32 s5, s7;
	s17 =	spop (v2sf)  }
0x6a: {  	s3 =	simm.s32 $0x1;
	s11 =	ssub.s32 s9, s4;
	s16 =	spop (v2sf)  }
0x6b: {  	s2 =	sshll.u32 s11, $0x3;
	_ =	swait.ge [sflag:s3], $0x8000  }
0x6c: {  	s6 =	sand.u32 $0x70, s9;
	s2 =	sand.u32 $0xFFFFFC00, s2;
	[sflag:s3] =	ssyncset.done $0x0  }
0x6d: {  	s11 =	sor.u32 s6, s2;
	[sflag:s3] =	ssyncadd.s32 $0xFFFF8000  }
0x6e: {  	v1 =	vld [tilespmem:s11+$0x0]  }
0x6f: {  	s13 =	sadd.s32 $0xF, s5;
	v2 =	vld [tilespmem:s11+$0x80]  }
0x70: {  	p0 =	slt.s32 s1, s0;
	s10 =	sand.u32 $0xFFFFFFF0, s13;
	s6 =	smov.u32 s0;
	v3 =	vld [tilespmem:s11+$0x100]  }
0x71: {  	s9 =	sand.u32 $0x7FF0, s9;
	s2 =	smov.u32 s10;
	s6 =	smov.u32 @p0 s1;
	v4 =	vld [tilespmem:s11+$0x180]  }
0x72: {  	p0 =	slt.s32 s6, s10;
	s3 =	sshrl.u32 s13, $0x4;
	s13 =	sshrl.u32 s6, $0x4;
	v9 =	vld [tilespmem:s11+$0x200]  }
0x73: {  	v5 =	vor.u32 s9, v0;
	s2 =	smov.u32 @p0 s6;
	v10 =	vld [tilespmem:s11+$0x280];
	s14 =	smax.u32 s3, s13  }
0x74: {  	vm1 =	vlt.s32 v5, s2;
	v11 =	vld [tilespmem:s11+$0x300];
	s2 =	sshll.u32 s14, $0x4  }
0x75: {  	s9 =	ssub.s32 s10, s4;
	v12 =	vld [tilespmem:s11+$0x380];
	s11 =	ssub.s32 s2, s4  }
0x76: {  	p0 =	sge.s32 s9, s11  }
.Ltmp2:
0x77: {  	vm0 =	vge.u32 v5, s5;
	(pc) =	sbr.rel @p0 .LBB2_5-.Ltmp2, $4  }
0x78: {  	vm0 =	vmand vm0, vm1  }
0x79: {  	v8 =	vnsel vm0, $0x0, v1;
	v7 =	vnsel vm0, $0x0, v2  }
0x7a: {  	v6 =	vnsel vm0, $0x0, v3;
	v5 =	vnsel vm0, $0x0, v4;
	v4 =	vnsel vm0, $0x0, v9  }
0x7b: {  	v3 =	vnsel vm0, $0x0, v10;
	v2 =	vnsel vm0, $0x0, v11;
	v1 =	vnsel vm0, $0x0, v12  }
0x7c: {  	s14 =	sshll.u32 s9, $0x3;
	s2 =	sand.u32 $0x70, s9  }
0x7d: {  	s9 =	sadd.s32 $0x10, s9;
	s5 =	sadd.s32 s2, s14  }
0x7e: {  	s13 =	sand.u32 $0xFFFFFC00, s14;
	p0 =	slt.s32 s9, s11;
	s3 =	sor.u32 $0x380, s5  }
.Ltmp3:
0x7f: {  	s5 =	sor.u32 s2, s13;
	v13 =	vld [tilespmem:s3+$0x0];
	(pc) =	sbr.rel @!p0 .LBB2_4-.Ltmp3, $4  }
0x80: {  	v11 =	vld [tilespmem:s5+$0x0]  }
0x81: {  	v12 =	vld [tilespmem:s5+$0x80]  }
0x82: {  	v9 =	vld [tilespmem:s5+$0x100]  }
0x83: {  	v10 =	vld [tilespmem:s5+$0x180]  }
.LBB2_3:
0x84: {  	s2 =	sand.u32 $0x70, s9;
	s9 =	sadd.s32 $0x10, s9;
	v14 =	vld [tilespmem:s5+$0x200];
	v1 =	vadd.f32 v13, v1;
	s14 =	sadd.s32 $0x80, s14  }
0x85: {  	s3 =	sadd.s32 s2, s14;
	s13 =	sand.u32 $0xFFFFFC00, s14;
	p0 =	slt.s32 s9, s11;
	v8 =	vadd.f32 v11, v8;
	v15 =	vld [tilespmem:s5+$0x280]  }
0x86: {  	s3 =	sor.u32 $0x380, s3;
	v7 =	vadd.f32 v12, v7;
	v16 =	vld [tilespmem:s5+$0x300];
	s5 =	sor.u32 s2, s13  }
.Ltmp4:
0x87: {  	v13 =	vld [tilespmem:s3+$0x0];
	v6 =	vadd.f32 v9, v6;
	(pc) =	sbr.rel @p0 .LBB2_3-.Ltmp4, $4  }
0x88: {  	v11 =	vld [tilespmem:s5+$0x0];
	v5 =	vadd.f32 v10, v5  }
0x89: {  	v12 =	vld [tilespmem:s5+$0x80];
	v4 =	vadd.f32 v14, v4  }
0x8a: {  	v9 =	vld [tilespmem:s5+$0x100];
	v3 =	vadd.f32 v15, v3  }
0x8b: {  	v10 =	vld [tilespmem:s5+$0x180];
	v2 =	vadd.f32 v16, v2  }
.LBB2_4:
0x8c: {  	v14 =	vld [tilespmem:s5+$0x200]  }
0x8d: {  	v15 =	vld [tilespmem:s5+$0x280]  }
0x8e: {  	v16 =	vld [tilespmem:s5+$0x300];
	_ =	sdelay $0x1  }
0x8f: {  	v1 =	vadd.f32 v13, v1;
	v8 =	vadd.f32 v11, v8  }
0x90: {  	v7 =	vadd.f32 v12, v7;
	v6 =	vadd.f32 v9, v6  }
0x91: {  	v5 =	vadd.f32 v10, v5;
	v4 =	vadd.f32 v14, v4  }
0x92: {  	v3 =	vadd.f32 v15, v3;
	v2 =	vadd.f32 v16, v2  }
.LBB2_5:
0x93: {  	s2 =	sand.u32 $0xFFFFFFF0, s6  }
0x94: {  	s3 =	smov.u32 s4;
	p0 =	sgt.s32 s2, s4  }
0x95: {  	s3 =	smov.u32 @p0 s2  }
0x96: {  	s3 =	smin.u32 s3, s8  }
0x97: {  	s5 =	ssub.s32 s3, s4  }
0x98: {  	s5 =	sshll.u32 s5, $0x3  }
0x99: {  	s9 =	sand.u32 $0x70, s3;
	s5 =	sand.u32 $0xFFFFFC00, s5  }
0x9a: {  	s5 =	sor.u32 s9, s5  }
0x9b: {  	v9 =	vld [tilespmem:s5+$0x0]  }
0x9c: {  	p0 =	sgt.s32 s10, s2  }
0x9d: {  	s2 =	smov.u32 @p0 s10;
	v10 =	vor.u32 s3, v0  }
0x9e: {  	vm0 =	vge.s32 v10, s2;
	vm1 =	vlt.s32 v10, s6  }
0x9f: {  	vm0 =	vmand vm0, vm1  }
0xa0: {  	v9 =	vnsel vm0, $0x0, v9  }
0xa1: {  	v8 =	vadd.f32 v9, v8;
	_ =	sdelay $0x1  }
0xa2: {  	[tilespmem:$0x8080] =	vst v8  }
0xa3: {  	v8 =	vld [tilespmem:s5+$0x80];
	_ =	sdelay $0x4  }
0xa4: {  	v8 =	vnsel vm0, $0x0, v8  }
0xa5: {  	v7 =	vadd.f32 v8, v7;
	_ =	sdelay $0x1  }
0xa6: {  	[tilespmem:$0x8100] =	vst v7  }
0xa7: {  	v7 =	vld [tilespmem:s5+$0x100];
	_ =	sdelay $0x4  }
0xa8: {  	v7 =	vnsel vm0, $0x0, v7  }
0xa9: {  	v6 =	vadd.f32 v7, v6;
	_ =	sdelay $0x1  }
0xaa: {  	[tilespmem:$0x8180] =	vst v6  }
0xab: {  	v6 =	vld [tilespmem:s5+$0x180];
	_ =	sdelay $0x4  }
0xac: {  	v6 =	vnsel vm0, $0x0, v6  }
0xad: {  	v5 =	vadd.f32 v6, v5;
	_ =	sdelay $0x1  }
0xae: {  	[tilespmem:$0x8200] =	vst v5  }
0xaf: {  	v5 =	vld [tilespmem:s5+$0x200];
	_ =	sdelay $0x4  }
0xb0: {  	v5 =	vnsel vm0, $0x0, v5  }
0xb1: {  	v4 =	vadd.f32 v5, v4;
	_ =	sdelay $0x1  }
0xb2: {  	[tilespmem:$0x8280] =	vst v4  }
0xb3: {  	v4 =	vld [tilespmem:s5+$0x280];
	_ =	sdelay $0x4  }
0xb4: {  	v4 =	vnsel vm0, $0x0, v4  }
0xb5: {  	v3 =	vadd.f32 v4, v3;
	_ =	sdelay $0x1  }
0xb6: {  	[tilespmem:$0x8300] =	vst v3  }
0xb7: {  	v3 =	vld [tilespmem:s5+$0x300];
	_ =	sdelay $0x4  }
0xb8: {  	v3 =	vnsel vm0, $0x0, v3  }
0xb9: {  	v2 =	vadd.f32 v3, v2;
	_ =	sdelay $0x1  }
0xba: {  	[tilespmem:$0x8380] =	vst v2  }
0xbb: {  	v2 =	vld [tilespmem:s5+$0x380];
	_ =	sdelay $0x1  }
0xbc: {  	p0 =	sgt.s32 s1, s4;
	s3 =	smov.u32 s4  }
0xbd: {  	s3 =	smov.u32 @p0 s1  }
0xbe: {  	s9 =	smin.u32 s3, s7  }
0xbf: {  	s10 =	ssub.s32 s9, s4;
	v2 =	vnsel vm0, $0x0, v2  }
0xc0: {  	s1 =	sshll.u32 s10, $0x3;
	v1 =	vadd.f32 v2, v1  }
0xc1: {  	s11 =	sand.u32 $0x70, s9;
	s1 =	sand.u32 $0xFFFFFC00, s1  }
0xc2: {  	s13 =	sor.u32 s11, s1;
	[tilespmem:$0x8400] =	vst v1  }
0xc3: {  	v1 =	vld [tilespmem:s13+$0x0]  }
0xc4: {  	v2 =	vld [tilespmem:s13+$0x80]  }
0xc5: {  	v3 =	vld [tilespmem:s13+$0x100]  }
0xc6: {  	v4 =	vld [tilespmem:s13+$0x180]  }
0xc7: {  	v9 =	vld [tilespmem:s13+$0x200]  }
0xc8: {  	p0 =	slt.s32 s31, s0;
	s1 =	smov.u32 s0;
	v10 =	vld [tilespmem:s13+$0x280]  }
0xc9: {  	s14 =	sadd.s32 $0xF, s3;
	s1 =	smov.u32 @p0 s31;
	v11 =	vld [tilespmem:s13+$0x300]  }
0xca: {  	s11 =	sshrl.u32 s14, $0x4;
	s5 =	sand.u32 $0x7FF0, s9;
	v12 =	vld [tilespmem:s13+$0x380];
	s13 =	sshrl.u32 s1, $0x4  }
0xcb: {  	s2 =	sand.u32 $0xFFFFFFF0, s14;
	v5 =	vor.u32 s5, v0;
	s5 =	smax.u32 s11, s13  }
0xcc: {  	s10 =	smov.u32 s2;
	s14 =	sshll.u32 s5, $0x4  }
0xcd: {  	p0 =	slt.s32 s1, s2;
	s9 =	ssub.s32 s2, s4;
	s6 =	ssub.s32 s14, s4  }
0xce: {  	s10 =	smov.u32 @p0 s1;
	p0 =	sge.s32 s9, s6  }
.Ltmp5:
0xcf: {  	vm14 =	vge.u32 v5, s3;
	vm15 =	vlt.s32 v5, s10;
	(pc) =	sbr.rel @p0 .LBB2_9-.Ltmp5, $4  }
0xd0: {  	vm0 =	vmand vm14, vm15  }
0xd1: {  	v8 =	vnsel vm0, $0x0, v1;
	v7 =	vnsel vm0, $0x0, v2  }
0xd2: {  	v6 =	vnsel vm0, $0x0, v3;
	v5 =	vnsel vm0, $0x0, v4;
	v4 =	vnsel vm0, $0x0, v9  }
0xd3: {  	v3 =	vnsel vm0, $0x0, v10;
	v2 =	vnsel vm0, $0x0, v11;
	v1 =	vnsel vm0, $0x0, v12  }
0xd4: {  	s11 =	sshll.u32 s9, $0x3;
	s3 =	sand.u32 $0x70, s9  }
0xd5: {  	s9 =	sadd.s32 $0x10, s9;
	s5 =	sadd.s32 s3, s11  }
0xd6: {  	s10 =	sand.u32 $0xFFFFFC00, s11;
	p0 =	slt.s32 s9, s6;
	s13 =	sor.u32 $0x380, s5  }
.Ltmp6:
0xd7: {  	s5 =	sor.u32 s3, s10;
	v13 =	vld [tilespmem:s13+$0x0];
	(pc) =	sbr.rel @!p0 .LBB2_8-.Ltmp6, $4  }
0xd8: {  	v11 =	vld [tilespmem:s5+$0x0]  }
0xd9: {  	v12 =	vld [tilespmem:s5+$0x80]  }
0xda: {  	v9 =	vld [tilespmem:s5+$0x100]  }
0xdb: {  	v10 =	vld [tilespmem:s5+$0x180]  }
.LBB2_7:
0xdc: {  	s3 =	sand.u32 $0x70, s9;
	s9 =	sadd.s32 $0x10, s9;
	v14 =	vld [tilespmem:s5+$0x200];
	v1 =	vadd.f32 v13, v1;
	s11 =	sadd.s32 $0x80, s11  }
0xdd: {  	s10 =	sadd.s32 s3, s11;
	s13 =	sand.u32 $0xFFFFFC00, s11;
	p0 =	slt.s32 s9, s6;
	v8 =	vadd.f32 v11, v8;
	v15 =	vld [tilespmem:s5+$0x280]  }
0xde: {  	s10 =	sor.u32 $0x380, s10;
	v7 =	vadd.f32 v12, v7;
	v16 =	vld [tilespmem:s5+$0x300];
	s5 =	sor.u32 s3, s13  }
.Ltmp7:
0xdf: {  	v13 =	vld [tilespmem:s10+$0x0];
	v6 =	vadd.f32 v9, v6;
	(pc) =	sbr.rel @p0 .LBB2_7-.Ltmp7, $4  }
0xe0: {  	v11 =	vld [tilespmem:s5+$0x0];
	v5 =	vadd.f32 v10, v5  }
0xe1: {  	v12 =	vld [tilespmem:s5+$0x80];
	v4 =	vadd.f32 v14, v4  }
0xe2: {  	v9 =	vld [tilespmem:s5+$0x100];
	v3 =	vadd.f32 v15, v3  }
0xe3: {  	v10 =	vld [tilespmem:s5+$0x180];
	v2 =	vadd.f32 v16, v2  }
.LBB2_8:
0xe4: {  	v14 =	vld [tilespmem:s5+$0x200]  }
0xe5: {  	v15 =	vld [tilespmem:s5+$0x280]  }
0xe6: {  	v16 =	vld [tilespmem:s5+$0x300];
	_ =	sdelay $0x1  }
0xe7: {  	v1 =	vadd.f32 v13, v1;
	v8 =	vadd.f32 v11, v8  }
0xe8: {  	v7 =	vadd.f32 v12, v7;
	v6 =	vadd.f32 v9, v6  }
0xe9: {  	v5 =	vadd.f32 v10, v5;
	v4 =	vadd.f32 v14, v4  }
0xea: {  	v3 =	vadd.f32 v15, v3;
	v2 =	vadd.f32 v16, v2  }
.LBB2_9:
0xeb: {  	s3 =	sand.u32 $0xFFFFFFF0, s1  }
0xec: {  	s5 =	smov.u32 s4;
	p0 =	sgt.s32 s3, s4  }
0xed: {  	s5 =	smov.u32 @p0 s3  }
0xee: {  	s5 =	smin.u32 s5, s8  }
0xef: {  	s6 =	ssub.s32 s5, s4  }
0xf0: {  	s6 =	sshll.u32 s6, $0x3  }
0xf1: {  	s9 =	sand.u32 $0x70, s5;
	s6 =	sand.u32 $0xFFFFFC00, s6  }
0xf2: {  	s6 =	sor.u32 s9, s6  }
0xf3: {  	v9 =	vld [tilespmem:s6+$0x0]  }
0xf4: {  	p0 =	sgt.s32 s2, s3  }
0xf5: {  	s3 =	smov.u32 @p0 s2;
	v10 =	vor.u32 s5, v0  }
0xf6: {  	vm0 =	vge.s32 v10, s3;
	vm1 =	vlt.s32 v10, s1  }
0xf7: {  	vm0 =	vmand vm0, vm1  }
0xf8: {  	v9 =	vnsel vm0, $0x0, v9  }
0xf9: {  	v8 =	vadd.f32 v9, v8;
	_ =	sdelay $0x1  }
0xfa: {  	[tilespmem:$0x8090] =	vst v8  }
0xfb: {  	v8 =	vld [tilespmem:s6+$0x80];
	_ =	sdelay $0x4  }
0xfc: {  	v8 =	vnsel vm0, $0x0, v8  }
0xfd: {  	v7 =	vadd.f32 v8, v7;
	_ =	sdelay $0x1  }
0xfe: {  	[tilespmem:$0x8110] =	vst v7  }
0xff: {  	v7 =	vld [tilespmem:s6+$0x100];
	_ =	sdelay $0x4  }
0x100: {  	v7 =	vnsel vm0, $0x0, v7  }
0x101: {  	v6 =	vadd.f32 v7, v6;
	_ =	sdelay $0x1  }
0x102: {  	[tilespmem:$0x8190] =	vst v6  }
0x103: {  	v6 =	vld [tilespmem:s6+$0x180];
	_ =	sdelay $0x4  }
0x104: {  	v6 =	vnsel vm0, $0x0, v6  }
0x105: {  	v5 =	vadd.f32 v6, v5;
	_ =	sdelay $0x1  }
0x106: {  	[tilespmem:$0x8210] =	vst v5  }
0x107: {  	v5 =	vld [tilespmem:s6+$0x200];
	_ =	sdelay $0x4  }
0x108: {  	v5 =	vnsel vm0, $0x0, v5  }
0x109: {  	v4 =	vadd.f32 v5, v4;
	_ =	sdelay $0x1  }
0x10a: {  	[tilespmem:$0x8290] =	vst v4  }
0x10b: {  	v4 =	vld [tilespmem:s6+$0x280];
	_ =	sdelay $0x4  }
0x10c: {  	v4 =	vnsel vm0, $0x0, v4  }
0x10d: {  	v3 =	vadd.f32 v4, v3;
	_ =	sdelay $0x1  }
0x10e: {  	[tilespmem:$0x8310] =	vst v3  }
0x10f: {  	v3 =	vld [tilespmem:s6+$0x300];
	_ =	sdelay $0x4  }
0x110: {  	v3 =	vnsel vm0, $0x0, v3  }
0x111: {  	v2 =	vadd.f32 v3, v2;
	_ =	sdelay $0x1  }
0x112: {  	[tilespmem:$0x8390] =	vst v2  }
0x113: {  	v2 =	vld [tilespmem:s6+$0x380];
	_ =	sdelay $0x1  }
0x114: {  	p0 =	sgt.s32 s31, s4;
	s3 =	smov.u32 s4  }
0x115: {  	s3 =	smov.u32 @p0 s31  }
0x116: {  	s10 =	smin.u32 s3, s7  }
0x117: {  	s13 =	ssub.s32 s10, s4;
	v2 =	vnsel vm0, $0x0, v2  }
0x118: {  	s1 =	sshll.u32 s13, $0x3;
	v1 =	vadd.f32 v2, v1  }
0x119: {  	s14 =	sand.u32 $0x70, s10;
	s1 =	sand.u32 $0xFFFFFC00, s1  }
0x11a: {  	s31 =	sor.u32 s14, s1;
	[tilespmem:$0x8410] =	vst v1  }
0x11b: {  	v1 =	vld [tilespmem:s31+$0x0]  }
0x11c: {  	v2 =	vld [tilespmem:s31+$0x80]  }
0x11d: {  	v3 =	vld [tilespmem:s31+$0x100]  }
0x11e: {  	p0 =	slt.s32 s30, s0;
	s1 =	smov.u32 s0;
	v4 =	vld [tilespmem:s31+$0x180]  }
0x11f: {  	s11 =	sadd.s32 $0xF, s3;
	s1 =	smov.u32 @p0 s30;
	v9 =	vld [tilespmem:s31+$0x200]  }
0x120: {  	s5 =	sand.u32 $0x7FF0, s10;
	s13 =	sshrl.u32 s11, $0x4;
	s14 =	sshrl.u32 s1, $0x4;
	v10 =	vld [tilespmem:s31+$0x280]  }
0x121: {  	s2 =	sand.u32 $0xFFFFFFF0, s11;
	v5 =	vor.u32 s5, v0;
	s5 =	smax.u32 s13, s14;
	v11 =	vld [tilespmem:s31+$0x300]  }
0x122: {  	s10 =	smov.u32 s2;
	v12 =	vld [tilespmem:s31+$0x380];
	s31 =	sshll.u32 s5, $0x4  }
0x123: {  	s9 =	ssub.s32 s2, s4;
	p0 =	slt.s32 s1, s2;
	s6 =	ssub.s32 s31, s4  }
0x124: {  	s10 =	smov.u32 @p0 s1;
	p0 =	sge.s32 s9, s6  }
.Ltmp8:
0x125: {  	vm14 =	vge.u32 v5, s3;
	vm15 =	vlt.s32 v5, s10;
	(pc) =	sbr.rel @p0 .LBB2_13-.Ltmp8, $4  }
0x126: {  	vm0 =	vmand vm14, vm15  }
0x127: {  	v8 =	vnsel vm0, $0x0, v1;
	v7 =	vnsel vm0, $0x0, v2  }
0x128: {  	v6 =	vnsel vm0, $0x0, v3;
	v5 =	vnsel vm0, $0x0, v4;
	v4 =	vnsel vm0, $0x0, v9  }
0x129: {  	v3 =	vnsel vm0, $0x0, v10;
	v2 =	vnsel vm0, $0x0, v11;
	v1 =	vnsel vm0, $0x0, v12  }
0x12a: {  	s11 =	sshll.u32 s9, $0x3;
	s3 =	sand.u32 $0x70, s9  }
0x12b: {  	s9 =	sadd.s32 $0x10, s9;
	s5 =	sadd.s32 s3, s11  }
0x12c: {  	s10 =	sand.u32 $0xFFFFFC00, s11;
	p0 =	slt.s32 s9, s6;
	s13 =	sor.u32 $0x380, s5  }
.Ltmp9:
0x12d: {  	s5 =	sor.u32 s3, s10;
	v13 =	vld [tilespmem:s13+$0x0];
	(pc) =	sbr.rel @!p0 .LBB2_12-.Ltmp9, $4  }
0x12e: {  	v11 =	vld [tilespmem:s5+$0x0]  }
0x12f: {  	v12 =	vld [tilespmem:s5+$0x80]  }
0x130: {  	v9 =	vld [tilespmem:s5+$0x100]  }
0x131: {  	v10 =	vld [tilespmem:s5+$0x180]  }
.LBB2_11:
0x132: {  	s3 =	sand.u32 $0x70, s9;
	s9 =	sadd.s32 $0x10, s9;
	v14 =	vld [tilespmem:s5+$0x200];
	v1 =	vadd.f32 v13, v1;
	s11 =	sadd.s32 $0x80, s11  }
0x133: {  	s10 =	sadd.s32 s3, s11;
	s13 =	sand.u32 $0xFFFFFC00, s11;
	p0 =	slt.s32 s9, s6;
	v8 =	vadd.f32 v11, v8;
	v15 =	vld [tilespmem:s5+$0x280]  }
0x134: {  	s10 =	sor.u32 $0x380, s10;
	v7 =	vadd.f32 v12, v7;
	v16 =	vld [tilespmem:s5+$0x300];
	s5 =	sor.u32 s3, s13  }
.Ltmp10:
0x135: {  	v13 =	vld [tilespmem:s10+$0x0];
	v6 =	vadd.f32 v9, v6;
	(pc) =	sbr.rel @p0 .LBB2_11-.Ltmp10, $4  }
0x136: {  	v11 =	vld [tilespmem:s5+$0x0];
	v5 =	vadd.f32 v10, v5  }
0x137: {  	v12 =	vld [tilespmem:s5+$0x80];
	v4 =	vadd.f32 v14, v4  }
0x138: {  	v9 =	vld [tilespmem:s5+$0x100];
	v3 =	vadd.f32 v15, v3  }
0x139: {  	v10 =	vld [tilespmem:s5+$0x180];
	v2 =	vadd.f32 v16, v2  }
.LBB2_12:
0x13a: {  	v14 =	vld [tilespmem:s5+$0x200]  }
0x13b: {  	v15 =	vld [tilespmem:s5+$0x280]  }
0x13c: {  	v16 =	vld [tilespmem:s5+$0x300];
	_ =	sdelay $0x1  }
0x13d: {  	v1 =	vadd.f32 v13, v1;
	v8 =	vadd.f32 v11, v8  }
0x13e: {  	v7 =	vadd.f32 v12, v7;
	v6 =	vadd.f32 v9, v6  }
0x13f: {  	v5 =	vadd.f32 v10, v5;
	v4 =	vadd.f32 v14, v4  }
0x140: {  	v3 =	vadd.f32 v15, v3;
	v2 =	vadd.f32 v16, v2  }
.LBB2_13:
0x141: {  	s3 =	sand.u32 $0xFFFFFFF0, s1  }
0x142: {  	s5 =	smov.u32 s4;
	p0 =	sgt.s32 s3, s4  }
0x143: {  	s5 =	smov.u32 @p0 s3  }
0x144: {  	s5 =	smin.u32 s5, s8  }
0x145: {  	s6 =	ssub.s32 s5, s4  }
0x146: {  	s6 =	sshll.u32 s6, $0x3  }
0x147: {  	s9 =	sand.u32 $0x70, s5;
	s6 =	sand.u32 $0xFFFFFC00, s6  }
0x148: {  	s6 =	sor.u32 s9, s6  }
0x149: {  	v9 =	vld [tilespmem:s6+$0x0]  }
0x14a: {  	p0 =	sgt.s32 s2, s3  }
0x14b: {  	s3 =	smov.u32 @p0 s2;
	v10 =	vor.u32 s5, v0  }
0x14c: {  	vm0 =	vge.s32 v10, s3;
	vm1 =	vlt.s32 v10, s1  }
0x14d: {  	vm0 =	vmand vm0, vm1  }
0x14e: {  	v9 =	vnsel vm0, $0x0, v9  }
0x14f: {  	v8 =	vadd.f32 v9, v8;
	_ =	sdelay $0x1  }
0x150: {  	[tilespmem:$0x80A0] =	vst v8  }
0x151: {  	v8 =	vld [tilespmem:s6+$0x80];
	_ =	sdelay $0x4  }
0x152: {  	v8 =	vnsel vm0, $0x0, v8  }
0x153: {  	v7 =	vadd.f32 v8, v7;
	_ =	sdelay $0x1  }
0x154: {  	[tilespmem:$0x8120] =	vst v7  }
0x155: {  	v7 =	vld [tilespmem:s6+$0x100];
	_ =	sdelay $0x4  }
0x156: {  	v7 =	vnsel vm0, $0x0, v7  }
0x157: {  	v6 =	vadd.f32 v7, v6;
	_ =	sdelay $0x1  }
0x158: {  	[tilespmem:$0x81A0] =	vst v6  }
0x159: {  	v6 =	vld [tilespmem:s6+$0x180];
	_ =	sdelay $0x4  }
0x15a: {  	v6 =	vnsel vm0, $0x0, v6  }
0x15b: {  	v5 =	vadd.f32 v6, v5;
	_ =	sdelay $0x1  }
0x15c: {  	[tilespmem:$0x8220] =	vst v5  }
0x15d: {  	v5 =	vld [tilespmem:s6+$0x200];
	_ =	sdelay $0x4  }
0x15e: {  	v5 =	vnsel vm0, $0x0, v5  }
0x15f: {  	v4 =	vadd.f32 v5, v4;
	_ =	sdelay $0x1  }
0x160: {  	[tilespmem:$0x82A0] =	vst v4  }
0x161: {  	v4 =	vld [tilespmem:s6+$0x280];
	_ =	sdelay $0x4  }
0x162: {  	v4 =	vnsel vm0, $0x0, v4  }
0x163: {  	v3 =	vadd.f32 v4, v3;
	_ =	sdelay $0x1  }
0x164: {  	[tilespmem:$0x8320] =	vst v3  }
0x165: {  	v3 =	vld [tilespmem:s6+$0x300];
	_ =	sdelay $0x4  }
0x166: {  	v3 =	vnsel vm0, $0x0, v3  }
0x167: {  	v2 =	vadd.f32 v3, v2;
	_ =	sdelay $0x1  }
0x168: {  	[tilespmem:$0x83A0] =	vst v2  }
0x169: {  	v2 =	vld [tilespmem:s6+$0x380];
	_ =	sdelay $0x1  }
0x16a: {  	p0 =	sgt.s32 s30, s4;
	s3 =	smov.u32 s4  }
0x16b: {  	s3 =	smov.u32 @p0 s30  }
0x16c: {  	s6 =	smin.u32 s3, s7  }
0x16d: {  	s9 =	ssub.s32 s6, s4;
	v2 =	vnsel vm0, $0x0, v2  }
0x16e: {  	s1 =	sshll.u32 s9, $0x3;
	v1 =	vadd.f32 v2, v1  }
0x16f: {  	s10 =	sand.u32 $0x70, s6;
	s1 =	sand.u32 $0xFFFFFC00, s1  }
0x170: {  	s11 =	sor.u32 s10, s1;
	[tilespmem:$0x8420] =	vst v1  }
0x171: {  	v1 =	vld [tilespmem:s11+$0x0]  }
0x172: {  	p0 =	slt.s32 s29, s0;
	s1 =	smov.u32 s0;
	v2 =	vld [tilespmem:s11+$0x80]  }
0x173: {  	s13 =	sadd.s32 $0xF, s3;
	s1 =	smov.u32 @p0 s29;
	v3 =	vld [tilespmem:s11+$0x100]  }
0x174: {  	s14 =	sshrl.u32 s13, $0x4;
	s5 =	sand.u32 $0x7FF0, s6;
	s30 =	sshrl.u32 s1, $0x4;
	v4 =	vld [tilespmem:s11+$0x180]  }
0x175: {  	s2 =	sand.u32 $0xFFFFFFF0, s13;
	v5 =	vor.u32 s5, v0;
	s5 =	smax.u32 s14, s30;
	v9 =	vld [tilespmem:s11+$0x200]  }
0x176: {  	s9 =	ssub.s32 s2, s4;
	s31 =	sshll.u32 s5, $0x4;
	v10 =	vld [tilespmem:s11+$0x280]  }
0x177: {  	s10 =	smov.u32 s2;
	p0 =	slt.s32 s1, s2;
	v11 =	vld [tilespmem:s11+$0x300];
	s6 =	ssub.s32 s31, s4  }
0x178: {  	s10 =	smov.u32 @p0 s1;
	v12 =	vld [tilespmem:s11+$0x380];
	p0 =	sge.s32 s9, s6  }
.Ltmp11:
0x179: {  	vm14 =	vge.u32 v5, s3;
	vm15 =	vlt.s32 v5, s10;
	(pc) =	sbr.rel @p0 .LBB2_17-.Ltmp11, $4  }
0x17a: {  	vm0 =	vmand vm14, vm15  }
0x17b: {  	v8 =	vnsel vm0, $0x0, v1;
	v7 =	vnsel vm0, $0x0, v2  }
0x17c: {  	v6 =	vnsel vm0, $0x0, v3;
	v5 =	vnsel vm0, $0x0, v4;
	v4 =	vnsel vm0, $0x0, v9  }
0x17d: {  	v3 =	vnsel vm0, $0x0, v10;
	v2 =	vnsel vm0, $0x0, v11;
	v1 =	vnsel vm0, $0x0, v12  }
0x17e: {  	s11 =	sshll.u32 s9, $0x3;
	s3 =	sand.u32 $0x70, s9  }
0x17f: {  	s9 =	sadd.s32 $0x10, s9;
	s5 =	sadd.s32 s3, s11  }
0x180: {  	s10 =	sand.u32 $0xFFFFFC00, s11;
	p0 =	slt.s32 s9, s6;
	s13 =	sor.u32 $0x380, s5  }
.Ltmp12:
0x181: {  	s5 =	sor.u32 s3, s10;
	v13 =	vld [tilespmem:s13+$0x0];
	(pc) =	sbr.rel @!p0 .LBB2_16-.Ltmp12, $4  }
0x182: {  	v11 =	vld [tilespmem:s5+$0x0]  }
0x183: {  	v12 =	vld [tilespmem:s5+$0x80]  }
0x184: {  	v9 =	vld [tilespmem:s5+$0x100]  }
0x185: {  	v10 =	vld [tilespmem:s5+$0x180]  }
.LBB2_15:
0x186: {  	s3 =	sand.u32 $0x70, s9;
	s9 =	sadd.s32 $0x10, s9;
	v14 =	vld [tilespmem:s5+$0x200];
	v1 =	vadd.f32 v13, v1;
	s11 =	sadd.s32 $0x80, s11  }
0x187: {  	s10 =	sadd.s32 s3, s11;
	s13 =	sand.u32 $0xFFFFFC00, s11;
	p0 =	slt.s32 s9, s6;
	v8 =	vadd.f32 v11, v8;
	v15 =	vld [tilespmem:s5+$0x280]  }
0x188: {  	s10 =	sor.u32 $0x380, s10;
	v7 =	vadd.f32 v12, v7;
	v16 =	vld [tilespmem:s5+$0x300];
	s5 =	sor.u32 s3, s13  }
.Ltmp13:
0x189: {  	v13 =	vld [tilespmem:s10+$0x0];
	v6 =	vadd.f32 v9, v6;
	(pc) =	sbr.rel @p0 .LBB2_15-.Ltmp13, $4  }
0x18a: {  	v11 =	vld [tilespmem:s5+$0x0];
	v5 =	vadd.f32 v10, v5  }
0x18b: {  	v12 =	vld [tilespmem:s5+$0x80];
	v4 =	vadd.f32 v14, v4  }
0x18c: {  	v9 =	vld [tilespmem:s5+$0x100];
	v3 =	vadd.f32 v15, v3  }
0x18d: {  	v10 =	vld [tilespmem:s5+$0x180];
	v2 =	vadd.f32 v16, v2  }
.LBB2_16:
0x18e: {  	v14 =	vld [tilespmem:s5+$0x200]  }
0x18f: {  	v15 =	vld [tilespmem:s5+$0x280]  }
0x190: {  	v16 =	vld [tilespmem:s5+$0x300];
	_ =	sdelay $0x1  }
0x191: {  	v1 =	vadd.f32 v13, v1;
	v8 =	vadd.f32 v11, v8  }
0x192: {  	v7 =	vadd.f32 v12, v7;
	v6 =	vadd.f32 v9, v6  }
0x193: {  	v5 =	vadd.f32 v10, v5;
	v4 =	vadd.f32 v14, v4  }
0x194: {  	v3 =	vadd.f32 v15, v3;
	v2 =	vadd.f32 v16, v2  }
.LBB2_17:
0x195: {  	s3 =	sand.u32 $0xFFFFFFF0, s1  }
0x196: {  	s5 =	smov.u32 s4;
	p0 =	sgt.s32 s3, s4  }
0x197: {  	s5 =	smov.u32 @p0 s3  }
0x198: {  	s5 =	smin.u32 s5, s8  }
0x199: {  	s6 =	ssub.s32 s5, s4  }
0x19a: {  	s6 =	sshll.u32 s6, $0x3  }
0x19b: {  	s9 =	sand.u32 $0x70, s5;
	s6 =	sand.u32 $0xFFFFFC00, s6  }
0x19c: {  	s6 =	sor.u32 s9, s6  }
0x19d: {  	v9 =	vld [tilespmem:s6+$0x0]  }
0x19e: {  	p0 =	sgt.s32 s2, s3  }
0x19f: {  	s3 =	smov.u32 @p0 s2;
	v10 =	vor.u32 s5, v0  }
0x1a0: {  	vm0 =	vge.s32 v10, s3;
	vm1 =	vlt.s32 v10, s1  }
0x1a1: {  	vm0 =	vmand vm0, vm1  }
0x1a2: {  	v9 =	vnsel vm0, $0x0, v9  }
0x1a3: {  	v8 =	vadd.f32 v9, v8;
	_ =	sdelay $0x1  }
0x1a4: {  	[tilespmem:$0x80B0] =	vst v8  }
0x1a5: {  	v8 =	vld [tilespmem:s6+$0x80];
	_ =	sdelay $0x4  }
0x1a6: {  	v8 =	vnsel vm0, $0x0, v8  }
0x1a7: {  	v7 =	vadd.f32 v8, v7;
	_ =	sdelay $0x1  }
0x1a8: {  	[tilespmem:$0x8130] =	vst v7  }
0x1a9: {  	v7 =	vld [tilespmem:s6+$0x100];
	_ =	sdelay $0x4  }
0x1aa: {  	v7 =	vnsel vm0, $0x0, v7  }
0x1ab: {  	v6 =	vadd.f32 v7, v6;
	_ =	sdelay $0x1  }
0x1ac: {  	[tilespmem:$0x81B0] =	vst v6  }
0x1ad: {  	v6 =	vld [tilespmem:s6+$0x180];
	_ =	sdelay $0x4  }
0x1ae: {  	v6 =	vnsel vm0, $0x0, v6  }
0x1af: {  	v5 =	vadd.f32 v6, v5;
	_ =	sdelay $0x1  }
0x1b0: {  	[tilespmem:$0x8230] =	vst v5  }
0x1b1: {  	v5 =	vld [tilespmem:s6+$0x200];
	_ =	sdelay $0x4  }
0x1b2: {  	v5 =	vnsel vm0, $0x0, v5  }
0x1b3: {  	v4 =	vadd.f32 v5, v4;
	_ =	sdelay $0x1  }
0x1b4: {  	[tilespmem:$0x82B0] =	vst v4  }
0x1b5: {  	v4 =	vld [tilespmem:s6+$0x280];
	_ =	sdelay $0x4  }
0x1b6: {  	v4 =	vnsel vm0, $0x0, v4  }
0x1b7: {  	v3 =	vadd.f32 v4, v3;
	_ =	sdelay $0x1  }
0x1b8: {  	[tilespmem:$0x8330] =	vst v3  }
0x1b9: {  	v3 =	vld [tilespmem:s6+$0x300];
	_ =	sdelay $0x4  }
0x1ba: {  	v3 =	vnsel vm0, $0x0, v3  }
0x1bb: {  	v2 =	vadd.f32 v3, v2;
	_ =	sdelay $0x1  }
0x1bc: {  	[tilespmem:$0x83B0] =	vst v2  }
0x1bd: {  	v2 =	vld [tilespmem:s6+$0x380];
	_ =	sdelay $0x1  }
0x1be: {  	p0 =	sgt.s32 s29, s4;
	s3 =	smov.u32 s4  }
0x1bf: {  	s3 =	smov.u32 @p0 s29  }
0x1c0: {  	s9 =	smin.u32 s3, s7  }
0x1c1: {  	s10 =	ssub.s32 s9, s4;
	v2 =	vnsel vm0, $0x0, v2  }
0x1c2: {  	s1 =	sshll.u32 s10, $0x3;
	v1 =	vadd.f32 v2, v1  }
0x1c3: {  	s11 =	sand.u32 $0x70, s9;
	s1 =	sand.u32 $0xFFFFFC00, s1  }
0x1c4: {  	s13 =	sor.u32 s11, s1;
	[tilespmem:$0x8430] =	vst v1  }
0x1c5: {  	v1 =	vld [tilespmem:s13+$0x0]  }
0x1c6: {  	p0 =	slt.s32 s28, s0;
	s1 =	smov.u32 s0;
	v2 =	vld [tilespmem:s13+$0x80]  }
0x1c7: {  	s14 =	sadd.s32 $0xF, s3;
	s1 =	smov.u32 @p0 s28;
	v3 =	vld [tilespmem:s13+$0x100]  }
0x1c8: {  	s5 =	sand.u32 $0x7FF0, s9;
	s29 =	sshrl.u32 s14, $0x4;
	s30 =	sshrl.u32 s1, $0x4;
	v4 =	vld [tilespmem:s13+$0x180]  }
0x1c9: {  	s2 =	sand.u32 $0xFFFFFFF0, s14;
	v5 =	vor.u32 s5, v0;
	s5 =	smax.u32 s29, s30;
	v9 =	vld [tilespmem:s13+$0x200]  }
0x1ca: {  	s10 =	smov.u32 s2;
	s31 =	sshll.u32 s5, $0x4;
	v10 =	vld [tilespmem:s13+$0x280]  }
0x1cb: {  	s9 =	ssub.s32 s2, s4;
	p0 =	slt.s32 s1, s2;
	s6 =	ssub.s32 s31, s4;
	v11 =	vld [tilespmem:s13+$0x300]  }
0x1cc: {  	s10 =	smov.u32 @p0 s1;
	p0 =	sge.s32 s9, s6;
	v12 =	vld [tilespmem:s13+$0x380]  }
.Ltmp14:
0x1cd: {  	vm14 =	vge.u32 v5, s3;
	vm15 =	vlt.s32 v5, s10;
	(pc) =	sbr.rel @p0 .LBB2_21-.Ltmp14, $4  }
0x1ce: {  	vm0 =	vmand vm14, vm15  }
0x1cf: {  	v8 =	vnsel vm0, $0x0, v1;
	v7 =	vnsel vm0, $0x0, v2  }
0x1d0: {  	v6 =	vnsel vm0, $0x0, v3;
	v5 =	vnsel vm0, $0x0, v4;
	v4 =	vnsel vm0, $0x0, v9  }
0x1d1: {  	v3 =	vnsel vm0, $0x0, v10;
	v2 =	vnsel vm0, $0x0, v11;
	v1 =	vnsel vm0, $0x0, v12  }
0x1d2: {  	s11 =	sshll.u32 s9, $0x3;
	s3 =	sand.u32 $0x70, s9  }
0x1d3: {  	s9 =	sadd.s32 $0x10, s9;
	s5 =	sadd.s32 s3, s11  }
0x1d4: {  	s10 =	sand.u32 $0xFFFFFC00, s11;
	p0 =	slt.s32 s9, s6;
	s13 =	sor.u32 $0x380, s5  }
.Ltmp15:
0x1d5: {  	s5 =	sor.u32 s3, s10;
	v13 =	vld [tilespmem:s13+$0x0];
	(pc) =	sbr.rel @!p0 .LBB2_20-.Ltmp15, $4  }
0x1d6: {  	v11 =	vld [tilespmem:s5+$0x0]  }
0x1d7: {  	v12 =	vld [tilespmem:s5+$0x80]  }
0x1d8: {  	v9 =	vld [tilespmem:s5+$0x100]  }
0x1d9: {  	v10 =	vld [tilespmem:s5+$0x180]  }
.LBB2_19:
0x1da: {  	s3 =	sand.u32 $0x70, s9;
	s9 =	sadd.s32 $0x10, s9;
	v14 =	vld [tilespmem:s5+$0x200];
	v1 =	vadd.f32 v13, v1;
	s11 =	sadd.s32 $0x80, s11  }
0x1db: {  	s10 =	sadd.s32 s3, s11;
	s13 =	sand.u32 $0xFFFFFC00, s11;
	p0 =	slt.s32 s9, s6;
	v8 =	vadd.f32 v11, v8;
	v15 =	vld [tilespmem:s5+$0x280]  }
0x1dc: {  	s10 =	sor.u32 $0x380, s10;
	v7 =	vadd.f32 v12, v7;
	v16 =	vld [tilespmem:s5+$0x300];
	s5 =	sor.u32 s3, s13  }
.Ltmp16:
0x1dd: {  	v13 =	vld [tilespmem:s10+$0x0];
	v6 =	vadd.f32 v9, v6;
	(pc) =	sbr.rel @p0 .LBB2_19-.Ltmp16, $4  }
0x1de: {  	v11 =	vld [tilespmem:s5+$0x0];
	v5 =	vadd.f32 v10, v5  }
0x1df: {  	v12 =	vld [tilespmem:s5+$0x80];
	v4 =	vadd.f32 v14, v4  }
0x1e0: {  	v9 =	vld [tilespmem:s5+$0x100];
	v3 =	vadd.f32 v15, v3  }
0x1e1: {  	v10 =	vld [tilespmem:s5+$0x180];
	v2 =	vadd.f32 v16, v2  }
.LBB2_20:
0x1e2: {  	v14 =	vld [tilespmem:s5+$0x200]  }
0x1e3: {  	v15 =	vld [tilespmem:s5+$0x280]  }
0x1e4: {  	v16 =	vld [tilespmem:s5+$0x300];
	_ =	sdelay $0x1  }
0x1e5: {  	v1 =	vadd.f32 v13, v1;
	v8 =	vadd.f32 v11, v8  }
0x1e6: {  	v7 =	vadd.f32 v12, v7;
	v6 =	vadd.f32 v9, v6  }
0x1e7: {  	v5 =	vadd.f32 v10, v5;
	v4 =	vadd.f32 v14, v4  }
0x1e8: {  	v3 =	vadd.f32 v15, v3;
	v2 =	vadd.f32 v16, v2  }
.LBB2_21:
0x1e9: {  	s3 =	sand.u32 $0xFFFFFFF0, s1  }
0x1ea: {  	s5 =	smov.u32 s4;
	p0 =	sgt.s32 s3, s4  }
0x1eb: {  	s5 =	smov.u32 @p0 s3  }
0x1ec: {  	s5 =	smin.u32 s5, s8  }
0x1ed: {  	s6 =	ssub.s32 s5, s4  }
0x1ee: {  	s6 =	sshll.u32 s6, $0x3  }
0x1ef: {  	s9 =	sand.u32 $0x70, s5;
	s6 =	sand.u32 $0xFFFFFC00, s6  }
0x1f0: {  	s6 =	sor.u32 s9, s6  }
0x1f1: {  	v9 =	vld [tilespmem:s6+$0x0]  }
0x1f2: {  	p0 =	sgt.s32 s2, s3  }
0x1f3: {  	s3 =	smov.u32 @p0 s2;
	v10 =	vor.u32 s5, v0  }
0x1f4: {  	vm0 =	vge.s32 v10, s3;
	vm1 =	vlt.s32 v10, s1  }
0x1f5: {  	vm0 =	vmand vm0, vm1  }
0x1f6: {  	v9 =	vnsel vm0, $0x0, v9  }
0x1f7: {  	v8 =	vadd.f32 v9, v8;
	_ =	sdelay $0x1  }
0x1f8: {  	[tilespmem:$0x80C0] =	vst v8  }
0x1f9: {  	v8 =	vld [tilespmem:s6+$0x80];
	_ =	sdelay $0x4  }
0x1fa: {  	v8 =	vnsel vm0, $0x0, v8  }
0x1fb: {  	v7 =	vadd.f32 v8, v7;
	_ =	sdelay $0x1  }
0x1fc: {  	[tilespmem:$0x8140] =	vst v7  }
0x1fd: {  	v7 =	vld [tilespmem:s6+$0x100];
	_ =	sdelay $0x4  }
0x1fe: {  	v7 =	vnsel vm0, $0x0, v7  }
0x1ff: {  	v6 =	vadd.f32 v7, v6;
	_ =	sdelay $0x1  }
0x200: {  	[tilespmem:$0x81C0] =	vst v6  }
0x201: {  	v6 =	vld [tilespmem:s6+$0x180];
	_ =	sdelay $0x4  }
0x202: {  	v6 =	vnsel vm0, $0x0, v6  }
0x203: {  	v5 =	vadd.f32 v6, v5;
	_ =	sdelay $0x1  }
0x204: {  	[tilespmem:$0x8240] =	vst v5  }
0x205: {  	v5 =	vld [tilespmem:s6+$0x200];
	_ =	sdelay $0x4  }
0x206: {  	v5 =	vnsel vm0, $0x0, v5  }
0x207: {  	v4 =	vadd.f32 v5, v4;
	_ =	sdelay $0x1  }
0x208: {  	[tilespmem:$0x82C0] =	vst v4  }
0x209: {  	v4 =	vld [tilespmem:s6+$0x280];
	_ =	sdelay $0x4  }
0x20a: {  	v4 =	vnsel vm0, $0x0, v4  }
0x20b: {  	v3 =	vadd.f32 v4, v3;
	_ =	sdelay $0x1  }
0x20c: {  	[tilespmem:$0x8340] =	vst v3  }
0x20d: {  	v3 =	vld [tilespmem:s6+$0x300];
	_ =	sdelay $0x4  }
0x20e: {  	v3 =	vnsel vm0, $0x0, v3  }
0x20f: {  	v2 =	vadd.f32 v3, v2;
	_ =	sdelay $0x1  }
0x210: {  	[tilespmem:$0x83C0] =	vst v2  }
0x211: {  	v2 =	vld [tilespmem:s6+$0x380];
	_ =	sdelay $0x1  }
0x212: {  	p0 =	sgt.s32 s28, s4;
	s3 =	smov.u32 s4  }
0x213: {  	s3 =	smov.u32 @p0 s28  }
0x214: {  	s10 =	smin.u32 s3, s7  }
0x215: {  	s11 =	ssub.s32 s10, s4;
	v2 =	vnsel vm0, $0x0, v2  }
0x216: {  	s1 =	sshll.u32 s11, $0x3;
	v1 =	vadd.f32 v2, v1  }
0x217: {  	s13 =	sand.u32 $0x70, s10;
	s1 =	sand.u32 $0xFFFFFC00, s1  }
0x218: {  	s14 =	sor.u32 s13, s1;
	[tilespmem:$0x8440] =	vst v1  }
0x219: {  	v1 =	vld [tilespmem:s14+$0x0]  }
0x21a: {  	p0 =	slt.s32 s26, s0;
	s1 =	smov.u32 s0;
	v2 =	vld [tilespmem:s14+$0x80]  }
0x21b: {  	s28 =	sadd.s32 $0xF, s3;
	s1 =	smov.u32 @p0 s26;
	v3 =	vld [tilespmem:s14+$0x100]  }
0x21c: {  	s5 =	sand.u32 $0x7FF0, s10;
	s29 =	sshrl.u32 s28, $0x4;
	s30 =	sshrl.u32 s1, $0x4;
	v4 =	vld [tilespmem:s14+$0x180]  }
0x21d: {  	s2 =	sand.u32 $0xFFFFFFF0, s28;
	v5 =	vor.u32 s5, v0;
	s5 =	smax.u32 s29, s30;
	v9 =	vld [tilespmem:s14+$0x200]  }
0x21e: {  	s10 =	smov.u32 s2;
	s31 =	sshll.u32 s5, $0x4;
	v10 =	vld [tilespmem:s14+$0x280]  }
0x21f: {  	s9 =	ssub.s32 s2, s4;
	p0 =	slt.s32 s1, s2;
	s6 =	ssub.s32 s31, s4;
	v11 =	vld [tilespmem:s14+$0x300]  }
0x220: {  	s10 =	smov.u32 @p0 s1;
	p0 =	sge.s32 s9, s6;
	v12 =	vld [tilespmem:s14+$0x380]  }
.Ltmp17:
0x221: {  	vm14 =	vge.u32 v5, s3;
	vm15 =	vlt.s32 v5, s10;
	(pc) =	sbr.rel @p0 .LBB2_25-.Ltmp17, $4  }
0x222: {  	vm0 =	vmand vm14, vm15  }
0x223: {  	v8 =	vnsel vm0, $0x0, v1;
	v7 =	vnsel vm0, $0x0, v2  }
0x224: {  	v6 =	vnsel vm0, $0x0, v3;
	v5 =	vnsel vm0, $0x0, v4;
	v4 =	vnsel vm0, $0x0, v9  }
0x225: {  	v3 =	vnsel vm0, $0x0, v10;
	v2 =	vnsel vm0, $0x0, v11;
	v1 =	vnsel vm0, $0x0, v12  }
0x226: {  	s11 =	sshll.u32 s9, $0x3;
	s3 =	sand.u32 $0x70, s9  }
0x227: {  	s9 =	sadd.s32 $0x10, s9;
	s5 =	sadd.s32 s3, s11  }
0x228: {  	s10 =	sand.u32 $0xFFFFFC00, s11;
	p0 =	slt.s32 s9, s6;
	s13 =	sor.u32 $0x380, s5  }
.Ltmp18:
0x229: {  	s5 =	sor.u32 s3, s10;
	v13 =	vld [tilespmem:s13+$0x0];
	(pc) =	sbr.rel @!p0 .LBB2_24-.Ltmp18, $4  }
0x22a: {  	v11 =	vld [tilespmem:s5+$0x0]  }
0x22b: {  	v12 =	vld [tilespmem:s5+$0x80]  }
0x22c: {  	v9 =	vld [tilespmem:s5+$0x100]  }
0x22d: {  	v10 =	vld [tilespmem:s5+$0x180]  }
.LBB2_23:
0x22e: {  	s3 =	sand.u32 $0x70, s9;
	s9 =	sadd.s32 $0x10, s9;
	v14 =	vld [tilespmem:s5+$0x200];
	v1 =	vadd.f32 v13, v1;
	s11 =	sadd.s32 $0x80, s11  }
0x22f: {  	s10 =	sadd.s32 s3, s11;
	s13 =	sand.u32 $0xFFFFFC00, s11;
	p0 =	slt.s32 s9, s6;
	v8 =	vadd.f32 v11, v8;
	v15 =	vld [tilespmem:s5+$0x280]  }
0x230: {  	s10 =	sor.u32 $0x380, s10;
	v7 =	vadd.f32 v12, v7;
	v16 =	vld [tilespmem:s5+$0x300];
	s5 =	sor.u32 s3, s13  }
.Ltmp19:
0x231: {  	v13 =	vld [tilespmem:s10+$0x0];
	v6 =	vadd.f32 v9, v6;
	(pc) =	sbr.rel @p0 .LBB2_23-.Ltmp19, $4  }
0x232: {  	v11 =	vld [tilespmem:s5+$0x0];
	v5 =	vadd.f32 v10, v5  }
0x233: {  	v12 =	vld [tilespmem:s5+$0x80];
	v4 =	vadd.f32 v14, v4  }
0x234: {  	v9 =	vld [tilespmem:s5+$0x100];
	v3 =	vadd.f32 v15, v3  }
0x235: {  	v10 =	vld [tilespmem:s5+$0x180];
	v2 =	vadd.f32 v16, v2  }
.LBB2_24:
0x236: {  	v14 =	vld [tilespmem:s5+$0x200]  }
0x237: {  	v15 =	vld [tilespmem:s5+$0x280]  }
0x238: {  	v16 =	vld [tilespmem:s5+$0x300];
	_ =	sdelay $0x1  }
0x239: {  	v1 =	vadd.f32 v13, v1;
	v8 =	vadd.f32 v11, v8  }
0x23a: {  	v7 =	vadd.f32 v12, v7;
	v6 =	vadd.f32 v9, v6  }
0x23b: {  	v5 =	vadd.f32 v10, v5;
	v4 =	vadd.f32 v14, v4  }
0x23c: {  	v3 =	vadd.f32 v15, v3;
	v2 =	vadd.f32 v16, v2  }
.LBB2_25:
0x23d: {  	s3 =	sand.u32 $0xFFFFFFF0, s1  }
0x23e: {  	s5 =	smov.u32 s4;
	p0 =	sgt.s32 s3, s4  }
0x23f: {  	s5 =	smov.u32 @p0 s3  }
0x240: {  	s5 =	smin.u32 s5, s8  }
0x241: {  	s6 =	ssub.s32 s5, s4  }
0x242: {  	s6 =	sshll.u32 s6, $0x3  }
0x243: {  	s9 =	sand.u32 $0x70, s5;
	s6 =	sand.u32 $0xFFFFFC00, s6  }
0x244: {  	s6 =	sor.u32 s9, s6  }
0x245: {  	v9 =	vld [tilespmem:s6+$0x0]  }
0x246: {  	p0 =	sgt.s32 s2, s3  }
0x247: {  	s3 =	smov.u32 @p0 s2;
	v10 =	vor.u32 s5, v0  }
0x248: {  	vm0 =	vge.s32 v10, s3;
	vm1 =	vlt.s32 v10, s1  }
0x249: {  	vm0 =	vmand vm0, vm1  }
0x24a: {  	v9 =	vnsel vm0, $0x0, v9  }
0x24b: {  	v8 =	vadd.f32 v9, v8;
	_ =	sdelay $0x1  }
0x24c: {  	[tilespmem:$0x80D0] =	vst v8  }
0x24d: {  	v8 =	vld [tilespmem:s6+$0x80];
	_ =	sdelay $0x4  }
0x24e: {  	v8 =	vnsel vm0, $0x0, v8  }
0x24f: {  	v7 =	vadd.f32 v8, v7;
	_ =	sdelay $0x1  }
0x250: {  	[tilespmem:$0x8150] =	vst v7  }
0x251: {  	v7 =	vld [tilespmem:s6+$0x100];
	_ =	sdelay $0x4  }
0x252: {  	v7 =	vnsel vm0, $0x0, v7  }
0x253: {  	v6 =	vadd.f32 v7, v6;
	_ =	sdelay $0x1  }
0x254: {  	[tilespmem:$0x81D0] =	vst v6  }
0x255: {  	v6 =	vld [tilespmem:s6+$0x180];
	_ =	sdelay $0x4  }
0x256: {  	v6 =	vnsel vm0, $0x0, v6  }
0x257: {  	v5 =	vadd.f32 v6, v5;
	_ =	sdelay $0x1  }
0x258: {  	[tilespmem:$0x8250] =	vst v5  }
0x259: {  	v5 =	vld [tilespmem:s6+$0x200];
	_ =	sdelay $0x4  }
0x25a: {  	v5 =	vnsel vm0, $0x0, v5  }
0x25b: {  	v4 =	vadd.f32 v5, v4;
	_ =	sdelay $0x1  }
0x25c: {  	[tilespmem:$0x82D0] =	vst v4  }
0x25d: {  	v4 =	vld [tilespmem:s6+$0x280];
	_ =	sdelay $0x4  }
0x25e: {  	v4 =	vnsel vm0, $0x0, v4  }
0x25f: {  	v3 =	vadd.f32 v4, v3;
	_ =	sdelay $0x1  }
0x260: {  	[tilespmem:$0x8350] =	vst v3  }
0x261: {  	v3 =	vld [tilespmem:s6+$0x300];
	_ =	sdelay $0x4  }
0x262: {  	v3 =	vnsel vm0, $0x0, v3  }
0x263: {  	v2 =	vadd.f32 v3, v2;
	_ =	sdelay $0x1  }
0x264: {  	[tilespmem:$0x83D0] =	vst v2  }
0x265: {  	v2 =	vld [tilespmem:s6+$0x380];
	_ =	sdelay $0x1  }
0x266: {  	p0 =	sgt.s32 s26, s4;
	s3 =	smov.u32 s4  }
0x267: {  	s3 =	smov.u32 @p0 s26  }
0x268: {  	s11 =	smin.u32 s3, s7  }
0x269: {  	s13 =	ssub.s32 s11, s4;
	v2 =	vnsel vm0, $0x0, v2  }
0x26a: {  	s1 =	sshll.u32 s13, $0x3;
	v1 =	vadd.f32 v2, v1  }
0x26b: {  	s14 =	sand.u32 $0x70, s11;
	s1 =	sand.u32 $0xFFFFFC00, s1  }
0x26c: {  	s26 =	sor.u32 s14, s1;
	[tilespmem:$0x8450] =	vst v1  }
0x26d: {  	v1 =	vld [tilespmem:s26+$0x0]  }
0x26e: {  	p0 =	slt.s32 s25, s0;
	s1 =	smov.u32 s0;
	v2 =	vld [tilespmem:s26+$0x80]  }
0x26f: {  	s28 =	sadd.s32 $0xF, s3;
	s1 =	smov.u32 @p0 s25;
	v3 =	vld [tilespmem:s26+$0x100]  }
0x270: {  	s5 =	sand.u32 $0x7FF0, s11;
	s29 =	sshrl.u32 s28, $0x4;
	s30 =	sshrl.u32 s1, $0x4;
	v4 =	vld [tilespmem:s26+$0x180]  }
0x271: {  	s2 =	sand.u32 $0xFFFFFFF0, s28;
	v5 =	vor.u32 s5, v0;
	s5 =	smax.u32 s29, s30;
	v9 =	vld [tilespmem:s26+$0x200]  }
0x272: {  	s10 =	smov.u32 s2;
	s31 =	sshll.u32 s5, $0x4;
	v10 =	vld [tilespmem:s26+$0x280]  }
0x273: {  	s9 =	ssub.s32 s2, s4;
	p0 =	slt.s32 s1, s2;
	s6 =	ssub.s32 s31, s4;
	v11 =	vld [tilespmem:s26+$0x300]  }
0x274: {  	s10 =	smov.u32 @p0 s1;
	p0 =	sge.s32 s9, s6;
	v12 =	vld [tilespmem:s26+$0x380]  }
.Ltmp20:
0x275: {  	vm14 =	vge.u32 v5, s3;
	vm15 =	vlt.s32 v5, s10;
	(pc) =	sbr.rel @p0 .LBB2_29-.Ltmp20, $4  }
0x276: {  	vm0 =	vmand vm14, vm15  }
0x277: {  	v8 =	vnsel vm0, $0x0, v1;
	v7 =	vnsel vm0, $0x0, v2  }
0x278: {  	v6 =	vnsel vm0, $0x0, v3;
	v5 =	vnsel vm0, $0x0, v4;
	v4 =	vnsel vm0, $0x0, v9  }
0x279: {  	v3 =	vnsel vm0, $0x0, v10;
	v2 =	vnsel vm0, $0x0, v11;
	v1 =	vnsel vm0, $0x0, v12  }
0x27a: {  	s11 =	sshll.u32 s9, $0x3;
	s3 =	sand.u32 $0x70, s9  }
0x27b: {  	s9 =	sadd.s32 $0x10, s9;
	s5 =	sadd.s32 s3, s11  }
0x27c: {  	s10 =	sand.u32 $0xFFFFFC00, s11;
	p0 =	slt.s32 s9, s6;
	s13 =	sor.u32 $0x380, s5  }
.Ltmp21:
0x27d: {  	s5 =	sor.u32 s3, s10;
	v13 =	vld [tilespmem:s13+$0x0];
	(pc) =	sbr.rel @!p0 .LBB2_28-.Ltmp21, $4  }
0x27e: {  	v11 =	vld [tilespmem:s5+$0x0]  }
0x27f: {  	v12 =	vld [tilespmem:s5+$0x80]  }
0x280: {  	v9 =	vld [tilespmem:s5+$0x100]  }
0x281: {  	v10 =	vld [tilespmem:s5+$0x180]  }
.LBB2_27:
0x282: {  	s3 =	sand.u32 $0x70, s9;
	s9 =	sadd.s32 $0x10, s9;
	v14 =	vld [tilespmem:s5+$0x200];
	v1 =	vadd.f32 v13, v1;
	s11 =	sadd.s32 $0x80, s11  }
0x283: {  	s10 =	sadd.s32 s3, s11;
	s13 =	sand.u32 $0xFFFFFC00, s11;
	p0 =	slt.s32 s9, s6;
	v8 =	vadd.f32 v11, v8;
	v15 =	vld [tilespmem:s5+$0x280]  }
0x284: {  	s10 =	sor.u32 $0x380, s10;
	v7 =	vadd.f32 v12, v7;
	v16 =	vld [tilespmem:s5+$0x300];
	s5 =	sor.u32 s3, s13  }
.Ltmp22:
0x285: {  	v13 =	vld [tilespmem:s10+$0x0];
	v6 =	vadd.f32 v9, v6;
	(pc) =	sbr.rel @p0 .LBB2_27-.Ltmp22, $4  }
0x286: {  	v11 =	vld [tilespmem:s5+$0x0];
	v5 =	vadd.f32 v10, v5  }
0x287: {  	v12 =	vld [tilespmem:s5+$0x80];
	v4 =	vadd.f32 v14, v4  }
0x288: {  	v9 =	vld [tilespmem:s5+$0x100];
	v3 =	vadd.f32 v15, v3  }
0x289: {  	v10 =	vld [tilespmem:s5+$0x180];
	v2 =	vadd.f32 v16, v2  }
.LBB2_28:
0x28a: {  	v14 =	vld [tilespmem:s5+$0x200]  }
0x28b: {  	v15 =	vld [tilespmem:s5+$0x280]  }
0x28c: {  	v16 =	vld [tilespmem:s5+$0x300];
	_ =	sdelay $0x1  }
0x28d: {  	v1 =	vadd.f32 v13, v1;
	v8 =	vadd.f32 v11, v8  }
0x28e: {  	v7 =	vadd.f32 v12, v7;
	v6 =	vadd.f32 v9, v6  }
0x28f: {  	v5 =	vadd.f32 v10, v5;
	v4 =	vadd.f32 v14, v4  }
0x290: {  	v3 =	vadd.f32 v15, v3;
	v2 =	vadd.f32 v16, v2  }
.LBB2_29:
0x291: {  	s3 =	sand.u32 $0xFFFFFFF0, s1  }
0x292: {  	s5 =	smov.u32 s4;
	p0 =	sgt.s32 s3, s4  }
0x293: {  	s5 =	smov.u32 @p0 s3  }
0x294: {  	s5 =	smin.u32 s5, s8  }
0x295: {  	s6 =	ssub.s32 s5, s4  }
0x296: {  	s6 =	sshll.u32 s6, $0x3  }
0x297: {  	s9 =	sand.u32 $0x70, s5;
	s6 =	sand.u32 $0xFFFFFC00, s6  }
0x298: {  	s6 =	sor.u32 s9, s6  }
0x299: {  	v9 =	vld [tilespmem:s6+$0x0]  }
0x29a: {  	p0 =	sgt.s32 s2, s3  }
0x29b: {  	s3 =	smov.u32 @p0 s2;
	v10 =	vor.u32 s5, v0  }
0x29c: {  	vm0 =	vge.s32 v10, s3;
	vm1 =	vlt.s32 v10, s1  }
0x29d: {  	vm0 =	vmand vm0, vm1  }
0x29e: {  	v9 =	vnsel vm0, $0x0, v9  }
0x29f: {  	v8 =	vadd.f32 v9, v8;
	_ =	sdelay $0x1  }
0x2a0: {  	[tilespmem:$0x80E0] =	vst v8  }
0x2a1: {  	v8 =	vld [tilespmem:s6+$0x80];
	_ =	sdelay $0x4  }
0x2a2: {  	v8 =	vnsel vm0, $0x0, v8  }
0x2a3: {  	v7 =	vadd.f32 v8, v7;
	_ =	sdelay $0x1  }
0x2a4: {  	[tilespmem:$0x8160] =	vst v7  }
0x2a5: {  	v7 =	vld [tilespmem:s6+$0x100];
	_ =	sdelay $0x4  }
0x2a6: {  	v7 =	vnsel vm0, $0x0, v7  }
0x2a7: {  	v6 =	vadd.f32 v7, v6;
	_ =	sdelay $0x1  }
0x2a8: {  	[tilespmem:$0x81E0] =	vst v6  }
0x2a9: {  	v6 =	vld [tilespmem:s6+$0x180];
	_ =	sdelay $0x4  }
0x2aa: {  	v6 =	vnsel vm0, $0x0, v6  }
0x2ab: {  	v5 =	vadd.f32 v6, v5;
	_ =	sdelay $0x1  }
0x2ac: {  	[tilespmem:$0x8260] =	vst v5  }
0x2ad: {  	v5 =	vld [tilespmem:s6+$0x200];
	_ =	sdelay $0x4  }
0x2ae: {  	v5 =	vnsel vm0, $0x0, v5  }
0x2af: {  	v4 =	vadd.f32 v5, v4;
	_ =	sdelay $0x1  }
0x2b0: {  	[tilespmem:$0x82E0] =	vst v4  }
0x2b1: {  	v4 =	vld [tilespmem:s6+$0x280];
	_ =	sdelay $0x4  }
0x2b2: {  	v4 =	vnsel vm0, $0x0, v4  }
0x2b3: {  	v3 =	vadd.f32 v4, v3;
	_ =	sdelay $0x1  }
0x2b4: {  	[tilespmem:$0x8360] =	vst v3  }
0x2b5: {  	v3 =	vld [tilespmem:s6+$0x300];
	_ =	sdelay $0x4  }
0x2b6: {  	v3 =	vnsel vm0, $0x0, v3  }
0x2b7: {  	v2 =	vadd.f32 v3, v2;
	_ =	sdelay $0x1  }
0x2b8: {  	[tilespmem:$0x83E0] =	vst v2  }
0x2b9: {  	v2 =	vld [tilespmem:s6+$0x380];
	_ =	sdelay $0x1  }
0x2ba: {  	p0 =	sgt.s32 s25, s4;
	s3 =	smov.u32 s4  }
0x2bb: {  	s3 =	smov.u32 @p0 s25  }
0x2bc: {  	s13 =	smin.u32 s3, s7  }
0x2bd: {  	s14 =	ssub.s32 s13, s4;
	v2 =	vnsel vm0, $0x0, v2  }
0x2be: {  	s1 =	sshll.u32 s14, $0x3;
	v1 =	vadd.f32 v2, v1  }
0x2bf: {  	s25 =	sand.u32 $0x70, s13;
	s1 =	sand.u32 $0xFFFFFC00, s1  }
0x2c0: {  	s26 =	sor.u32 s25, s1;
	[tilespmem:$0x8460] =	vst v1  }
0x2c1: {  	v1 =	vld [tilespmem:s26+$0x0]  }
0x2c2: {  	p0 =	slt.s32 s24, s0;
	s1 =	smov.u32 s0;
	v2 =	vld [tilespmem:s26+$0x80]  }
0x2c3: {  	s28 =	sadd.s32 $0xF, s3;
	s1 =	smov.u32 @p0 s24;
	v3 =	vld [tilespmem:s26+$0x100]  }
0x2c4: {  	s5 =	sand.u32 $0x7FF0, s13;
	s29 =	sshrl.u32 s28, $0x4;
	s30 =	sshrl.u32 s1, $0x4;
	v4 =	vld [tilespmem:s26+$0x180]  }
0x2c5: {  	s2 =	sand.u32 $0xFFFFFFF0, s28;
	v5 =	vor.u32 s5, v0;
	s5 =	smax.u32 s29, s30;
	v9 =	vld [tilespmem:s26+$0x200]  }
0x2c6: {  	s10 =	smov.u32 s2;
	s31 =	sshll.u32 s5, $0x4;
	v10 =	vld [tilespmem:s26+$0x280]  }
0x2c7: {  	s9 =	ssub.s32 s2, s4;
	p0 =	slt.s32 s1, s2;
	s6 =	ssub.s32 s31, s4;
	v11 =	vld [tilespmem:s26+$0x300]  }
0x2c8: {  	s10 =	smov.u32 @p0 s1;
	p0 =	sge.s32 s9, s6;
	v12 =	vld [tilespmem:s26+$0x380]  }
.Ltmp23:
0x2c9: {  	vm14 =	vge.u32 v5, s3;
	vm15 =	vlt.s32 v5, s10;
	(pc) =	sbr.rel @p0 .LBB2_33-.Ltmp23, $4  }
0x2ca: {  	vm0 =	vmand vm14, vm15  }
0x2cb: {  	v8 =	vnsel vm0, $0x0, v1;
	v7 =	vnsel vm0, $0x0, v2  }
0x2cc: {  	v6 =	vnsel vm0, $0x0, v3;
	v5 =	vnsel vm0, $0x0, v4;
	v4 =	vnsel vm0, $0x0, v9  }
0x2cd: {  	v3 =	vnsel vm0, $0x0, v10;
	v2 =	vnsel vm0, $0x0, v11;
	v1 =	vnsel vm0, $0x0, v12  }
0x2ce: {  	s11 =	sshll.u32 s9, $0x3;
	s3 =	sand.u32 $0x70, s9  }
0x2cf: {  	s9 =	sadd.s32 $0x10, s9;
	s5 =	sadd.s32 s3, s11  }
0x2d0: {  	s10 =	sand.u32 $0xFFFFFC00, s11;
	p0 =	slt.s32 s9, s6;
	s13 =	sor.u32 $0x380, s5  }
.Ltmp24:
0x2d1: {  	s5 =	sor.u32 s3, s10;
	v13 =	vld [tilespmem:s13+$0x0];
	(pc) =	sbr.rel @!p0 .LBB2_32-.Ltmp24, $4  }
0x2d2: {  	v11 =	vld [tilespmem:s5+$0x0]  }
0x2d3: {  	v12 =	vld [tilespmem:s5+$0x80]  }
0x2d4: {  	v9 =	vld [tilespmem:s5+$0x100]  }
0x2d5: {  	v10 =	vld [tilespmem:s5+$0x180]  }
.LBB2_31:
0x2d6: {  	s3 =	sand.u32 $0x70, s9;
	s9 =	sadd.s32 $0x10, s9;
	v14 =	vld [tilespmem:s5+$0x200];
	v1 =	vadd.f32 v13, v1;
	s11 =	sadd.s32 $0x80, s11  }
0x2d7: {  	s10 =	sadd.s32 s3, s11;
	s13 =	sand.u32 $0xFFFFFC00, s11;
	p0 =	slt.s32 s9, s6;
	v8 =	vadd.f32 v11, v8;
	v15 =	vld [tilespmem:s5+$0x280]  }
0x2d8: {  	s10 =	sor.u32 $0x380, s10;
	v7 =	vadd.f32 v12, v7;
	v16 =	vld [tilespmem:s5+$0x300];
	s5 =	sor.u32 s3, s13  }
.Ltmp25:
0x2d9: {  	v13 =	vld [tilespmem:s10+$0x0];
	v6 =	vadd.f32 v9, v6;
	(pc) =	sbr.rel @p0 .LBB2_31-.Ltmp25, $4  }
0x2da: {  	v11 =	vld [tilespmem:s5+$0x0];
	v5 =	vadd.f32 v10, v5  }
0x2db: {  	v12 =	vld [tilespmem:s5+$0x80];
	v4 =	vadd.f32 v14, v4  }
0x2dc: {  	v9 =	vld [tilespmem:s5+$0x100];
	v3 =	vadd.f32 v15, v3  }
0x2dd: {  	v10 =	vld [tilespmem:s5+$0x180];
	v2 =	vadd.f32 v16, v2  }
.LBB2_32:
0x2de: {  	v14 =	vld [tilespmem:s5+$0x200]  }
0x2df: {  	v15 =	vld [tilespmem:s5+$0x280]  }
0x2e0: {  	v16 =	vld [tilespmem:s5+$0x300];
	_ =	sdelay $0x1  }
0x2e1: {  	v1 =	vadd.f32 v13, v1;
	v8 =	vadd.f32 v11, v8  }
0x2e2: {  	v7 =	vadd.f32 v12, v7;
	v6 =	vadd.f32 v9, v6  }
0x2e3: {  	v5 =	vadd.f32 v10, v5;
	v4 =	vadd.f32 v14, v4  }
0x2e4: {  	v3 =	vadd.f32 v15, v3;
	v2 =	vadd.f32 v16, v2  }
.LBB2_33:
0x2e5: {  	s3 =	sand.u32 $0xFFFFFFF0, s1  }
0x2e6: {  	s5 =	smov.u32 s4;
	p0 =	sgt.s32 s3, s4  }
0x2e7: {  	s5 =	smov.u32 @p0 s3  }
0x2e8: {  	s5 =	smin.u32 s5, s8  }
0x2e9: {  	s6 =	ssub.s32 s5, s4  }
0x2ea: {  	s6 =	sshll.u32 s6, $0x3  }
0x2eb: {  	s9 =	sand.u32 $0x70, s5;
	s6 =	sand.u32 $0xFFFFFC00, s6  }
0x2ec: {  	s6 =	sor.u32 s9, s6  }
0x2ed: {  	v9 =	vld [tilespmem:s6+$0x0]  }
0x2ee: {  	p0 =	sgt.s32 s2, s3  }
0x2ef: {  	s3 =	smov.u32 @p0 s2;
	v10 =	vor.u32 s5, v0  }
0x2f0: {  	vm0 =	vge.s32 v10, s3;
	vm1 =	vlt.s32 v10, s1  }
0x2f1: {  	vm0 =	vmand vm0, vm1  }
0x2f2: {  	v9 =	vnsel vm0, $0x0, v9  }
0x2f3: {  	v8 =	vadd.f32 v9, v8;
	_ =	sdelay $0x1  }
0x2f4: {  	[tilespmem:$0x80F0] =	vst v8  }
0x2f5: {  	v8 =	vld [tilespmem:s6+$0x80];
	_ =	sdelay $0x4  }
0x2f6: {  	v8 =	vnsel vm0, $0x0, v8  }
0x2f7: {  	v7 =	vadd.f32 v8, v7;
	_ =	sdelay $0x1  }
0x2f8: {  	[tilespmem:$0x8170] =	vst v7  }
0x2f9: {  	v7 =	vld [tilespmem:s6+$0x100];
	_ =	sdelay $0x4  }
0x2fa: {  	v7 =	vnsel vm0, $0x0, v7  }
0x2fb: {  	v6 =	vadd.f32 v7, v6;
	_ =	sdelay $0x1  }
0x2fc: {  	[tilespmem:$0x81F0] =	vst v6  }
0x2fd: {  	v6 =	vld [tilespmem:s6+$0x180];
	_ =	sdelay $0x4  }
0x2fe: {  	v6 =	vnsel vm0, $0x0, v6  }
0x2ff: {  	v5 =	vadd.f32 v6, v5;
	_ =	sdelay $0x1  }
0x300: {  	[tilespmem:$0x8270] =	vst v5  }
0x301: {  	v5 =	vld [tilespmem:s6+$0x200];
	_ =	sdelay $0x4  }
0x302: {  	v5 =	vnsel vm0, $0x0, v5  }
0x303: {  	v4 =	vadd.f32 v5, v4;
	_ =	sdelay $0x1  }
0x304: {  	[tilespmem:$0x82F0] =	vst v4  }
0x305: {  	v4 =	vld [tilespmem:s6+$0x280];
	_ =	sdelay $0x4  }
0x306: {  	v4 =	vnsel vm0, $0x0, v4  }
0x307: {  	v3 =	vadd.f32 v4, v3;
	_ =	sdelay $0x1  }
0x308: {  	[tilespmem:$0x8370] =	vst v3  }
0x309: {  	v3 =	vld [tilespmem:s6+$0x300];
	_ =	sdelay $0x4  }
0x30a: {  	v3 =	vnsel vm0, $0x0, v3  }
0x30b: {  	v2 =	vadd.f32 v3, v2;
	_ =	sdelay $0x1  }
0x30c: {  	[tilespmem:$0x83F0] =	vst v2  }
0x30d: {  	v2 =	vld [tilespmem:s6+$0x380];
	_ =	sdelay $0x1  }
0x30e: {  	p0 =	sgt.s32 s24, s4;
	s3 =	smov.u32 s4  }
0x30f: {  	s3 =	smov.u32 @p0 s24  }
0x310: {  	s14 =	smin.u32 s3, s7  }
0x311: {  	s24 =	ssub.s32 s14, s4;
	v2 =	vnsel vm0, $0x0, v2  }
0x312: {  	s1 =	sshll.u32 s24, $0x3;
	v1 =	vadd.f32 v2, v1  }
0x313: {  	s25 =	sand.u32 $0x70, s14;
	s1 =	sand.u32 $0xFFFFFC00, s1  }
0x314: {  	s26 =	sor.u32 s25, s1;
	[tilespmem:$0x8470] =	vst v1  }
0x315: {  	v1 =	vld [tilespmem:s26+$0x0]  }
0x316: {  	p0 =	slt.s32 s23, s0;
	s1 =	smov.u32 s0;
	v2 =	vld [tilespmem:s26+$0x80]  }
0x317: {  	s28 =	sadd.s32 $0xF, s3;
	s1 =	smov.u32 @p0 s23;
	v3 =	vld [tilespmem:s26+$0x100]  }
0x318: {  	s5 =	sand.u32 $0x7FF0, s14;
	s29 =	sshrl.u32 s28, $0x4;
	s30 =	sshrl.u32 s1, $0x4;
	v4 =	vld [tilespmem:s26+$0x180]  }
0x319: {  	s2 =	sand.u32 $0xFFFFFFF0, s28;
	v5 =	vor.u32 s5, v0;
	s5 =	smax.u32 s29, s30;
	v9 =	vld [tilespmem:s26+$0x200]  }
0x31a: {  	s10 =	smov.u32 s2;
	s31 =	sshll.u32 s5, $0x4;
	v10 =	vld [tilespmem:s26+$0x280]  }
0x31b: {  	s9 =	ssub.s32 s2, s4;
	p0 =	slt.s32 s1, s2;
	s6 =	ssub.s32 s31, s4;
	v11 =	vld [tilespmem:s26+$0x300]  }
0x31c: {  	s10 =	smov.u32 @p0 s1;
	p0 =	sge.s32 s9, s6;
	v12 =	vld [tilespmem:s26+$0x380]  }
.Ltmp26:
0x31d: {  	vm14 =	vge.u32 v5, s3;
	vm15 =	vlt.s32 v5, s10;
	(pc) =	sbr.rel @p0 .LBB2_37-.Ltmp26, $4  }
0x31e: {  	vm0 =	vmand vm14, vm15  }
0x31f: {  	v8 =	vnsel vm0, $0x0, v1;
	v7 =	vnsel vm0, $0x0, v2  }
0x320: {  	v6 =	vnsel vm0, $0x0, v3;
	v5 =	vnsel vm0, $0x0, v4;
	v4 =	vnsel vm0, $0x0, v9  }
0x321: {  	v3 =	vnsel vm0, $0x0, v10;
	v2 =	vnsel vm0, $0x0, v11;
	v1 =	vnsel vm0, $0x0, v12  }
0x322: {  	s11 =	sshll.u32 s9, $0x3;
	s3 =	sand.u32 $0x70, s9  }
0x323: {  	s9 =	sadd.s32 $0x10, s9;
	s5 =	sadd.s32 s3, s11  }
0x324: {  	s10 =	sand.u32 $0xFFFFFC00, s11;
	p0 =	slt.s32 s9, s6;
	s13 =	sor.u32 $0x380, s5  }
.Ltmp27:
0x325: {  	s5 =	sor.u32 s3, s10;
	v13 =	vld [tilespmem:s13+$0x0];
	(pc) =	sbr.rel @!p0 .LBB2_36-.Ltmp27, $4  }
0x326: {  	v11 =	vld [tilespmem:s5+$0x0]  }
0x327: {  	v12 =	vld [tilespmem:s5+$0x80]  }
0x328: {  	v9 =	vld [tilespmem:s5+$0x100]  }
0x329: {  	v10 =	vld [tilespmem:s5+$0x180]  }
.LBB2_35:
0x32a: {  	s3 =	sand.u32 $0x70, s9;
	s9 =	sadd.s32 $0x10, s9;
	v14 =	vld [tilespmem:s5+$0x200];
	v1 =	vadd.f32 v13, v1;
	s11 =	sadd.s32 $0x80, s11  }
0x32b: {  	s10 =	sadd.s32 s3, s11;
	s13 =	sand.u32 $0xFFFFFC00, s11;
	p0 =	slt.s32 s9, s6;
	v8 =	vadd.f32 v11, v8;
	v15 =	vld [tilespmem:s5+$0x280]  }
0x32c: {  	s10 =	sor.u32 $0x380, s10;
	v7 =	vadd.f32 v12, v7;
	v16 =	vld [tilespmem:s5+$0x300];
	s5 =	sor.u32 s3, s13  }
.Ltmp28:
0x32d: {  	v13 =	vld [tilespmem:s10+$0x0];
	v6 =	vadd.f32 v9, v6;
	(pc) =	sbr.rel @p0 .LBB2_35-.Ltmp28, $4  }
0x32e: {  	v11 =	vld [tilespmem:s5+$0x0];
	v5 =	vadd.f32 v10, v5  }
0x32f: {  	v12 =	vld [tilespmem:s5+$0x80];
	v4 =	vadd.f32 v14, v4  }
0x330: {  	v9 =	vld [tilespmem:s5+$0x100];
	v3 =	vadd.f32 v15, v3  }
0x331: {  	v10 =	vld [tilespmem:s5+$0x180];
	v2 =	vadd.f32 v16, v2  }
.LBB2_36:
0x332: {  	v14 =	vld [tilespmem:s5+$0x200]  }
0x333: {  	v15 =	vld [tilespmem:s5+$0x280]  }
0x334: {  	v16 =	vld [tilespmem:s5+$0x300];
	_ =	sdelay $0x1  }
0x335: {  	v1 =	vadd.f32 v13, v1;
	v8 =	vadd.f32 v11, v8  }
0x336: {  	v7 =	vadd.f32 v12, v7;
	v6 =	vadd.f32 v9, v6  }
0x337: {  	v5 =	vadd.f32 v10, v5;
	v4 =	vadd.f32 v14, v4  }
0x338: {  	v3 =	vadd.f32 v15, v3;
	v2 =	vadd.f32 v16, v2  }
.LBB2_37:
0x339: {  	s3 =	sand.u32 $0xFFFFFFF0, s1  }
0x33a: {  	s5 =	smov.u32 s4;
	p0 =	sgt.s32 s3, s4  }
0x33b: {  	s5 =	smov.u32 @p0 s3  }
0x33c: {  	s5 =	smin.u32 s5, s8  }
0x33d: {  	s6 =	ssub.s32 s5, s4  }
0x33e: {  	s6 =	sshll.u32 s6, $0x3  }
0x33f: {  	s9 =	sand.u32 $0x70, s5;
	s6 =	sand.u32 $0xFFFFFC00, s6  }
0x340: {  	s6 =	sor.u32 s9, s6  }
0x341: {  	v9 =	vld [tilespmem:s6+$0x0]  }
0x342: {  	p0 =	sgt.s32 s2, s3  }
0x343: {  	s3 =	smov.u32 @p0 s2;
	v10 =	vor.u32 s5, v0  }
0x344: {  	vm0 =	vge.s32 v10, s3;
	vm1 =	vlt.s32 v10, s1  }
0x345: {  	vm0 =	vmand vm0, vm1  }
0x346: {  	v9 =	vnsel vm0, $0x0, v9  }
0x347: {  	v8 =	vadd.f32 v9, v8;
	_ =	sdelay $0x1  }
0x348: {  	[tilespmem:$0x8480] =	vst v8  }
0x349: {  	v8 =	vld [tilespmem:s6+$0x80];
	_ =	sdelay $0x4  }
0x34a: {  	v8 =	vnsel vm0, $0x0, v8  }
0x34b: {  	v7 =	vadd.f32 v8, v7;
	_ =	sdelay $0x1  }
0x34c: {  	[tilespmem:$0x8500] =	vst v7  }
0x34d: {  	v7 =	vld [tilespmem:s6+$0x100];
	_ =	sdelay $0x4  }
0x34e: {  	v7 =	vnsel vm0, $0x0, v7  }
0x34f: {  	v6 =	vadd.f32 v7, v6;
	_ =	sdelay $0x1  }
0x350: {  	[tilespmem:$0x8580] =	vst v6  }
0x351: {  	v6 =	vld [tilespmem:s6+$0x180];
	_ =	sdelay $0x4  }
0x352: {  	v6 =	vnsel vm0, $0x0, v6  }
0x353: {  	v5 =	vadd.f32 v6, v5;
	_ =	sdelay $0x1  }
0x354: {  	[tilespmem:$0x8600] =	vst v5  }
0x355: {  	v5 =	vld [tilespmem:s6+$0x200];
	_ =	sdelay $0x4  }
0x356: {  	v5 =	vnsel vm0, $0x0, v5  }
0x357: {  	v4 =	vadd.f32 v5, v4;
	_ =	sdelay $0x1  }
0x358: {  	[tilespmem:$0x8680] =	vst v4  }
0x359: {  	v4 =	vld [tilespmem:s6+$0x280];
	_ =	sdelay $0x4  }
0x35a: {  	v4 =	vnsel vm0, $0x0, v4  }
0x35b: {  	v3 =	vadd.f32 v4, v3;
	_ =	sdelay $0x1  }
0x35c: {  	[tilespmem:$0x8700] =	vst v3  }
0x35d: {  	v3 =	vld [tilespmem:s6+$0x300];
	_ =	sdelay $0x4  }
0x35e: {  	v3 =	vnsel vm0, $0x0, v3  }
0x35f: {  	v2 =	vadd.f32 v3, v2;
	_ =	sdelay $0x1  }
0x360: {  	[tilespmem:$0x8780] =	vst v2  }
0x361: {  	v2 =	vld [tilespmem:s6+$0x380];
	_ =	sdelay $0x1  }
0x362: {  	p0 =	sgt.s32 s23, s4;
	s3 =	smov.u32 s4  }
0x363: {  	s3 =	smov.u32 @p0 s23  }
0x364: {  	s23 =	smin.u32 s3, s7  }
0x365: {  	s24 =	ssub.s32 s23, s4;
	v2 =	vnsel vm0, $0x0, v2  }
0x366: {  	s1 =	sshll.u32 s24, $0x3;
	v1 =	vadd.f32 v2, v1  }
0x367: {  	s25 =	sand.u32 $0x70, s23;
	s1 =	sand.u32 $0xFFFFFC00, s1  }
0x368: {  	s26 =	sor.u32 s25, s1;
	[tilespmem:$0x8800] =	vst v1  }
0x369: {  	v1 =	vld [tilespmem:s26+$0x0]  }
0x36a: {  	p0 =	slt.s32 s22, s0;
	s1 =	smov.u32 s0;
	v2 =	vld [tilespmem:s26+$0x80]  }
0x36b: {  	s28 =	sadd.s32 $0xF, s3;
	s1 =	smov.u32 @p0 s22;
	v3 =	vld [tilespmem:s26+$0x100]  }
0x36c: {  	s5 =	sand.u32 $0x7FF0, s23;
	s29 =	sshrl.u32 s28, $0x4;
	s30 =	sshrl.u32 s1, $0x4;
	v4 =	vld [tilespmem:s26+$0x180]  }
0x36d: {  	s2 =	sand.u32 $0xFFFFFFF0, s28;
	v5 =	vor.u32 s5, v0;
	s5 =	smax.u32 s29, s30;
	v9 =	vld [tilespmem:s26+$0x200]  }
0x36e: {  	s10 =	smov.u32 s2;
	s31 =	sshll.u32 s5, $0x4;
	v10 =	vld [tilespmem:s26+$0x280]  }
0x36f: {  	s9 =	ssub.s32 s2, s4;
	p0 =	slt.s32 s1, s2;
	s6 =	ssub.s32 s31, s4;
	v11 =	vld [tilespmem:s26+$0x300]  }
0x370: {  	s10 =	smov.u32 @p0 s1;
	p0 =	sge.s32 s9, s6;
	v12 =	vld [tilespmem:s26+$0x380]  }
.Ltmp29:
0x371: {  	vm14 =	vge.u32 v5, s3;
	vm15 =	vlt.s32 v5, s10;
	(pc) =	sbr.rel @p0 .LBB2_41-.Ltmp29, $4  }
0x372: {  	vm0 =	vmand vm14, vm15  }
0x373: {  	v8 =	vnsel vm0, $0x0, v1;
	v7 =	vnsel vm0, $0x0, v2  }
0x374: {  	v6 =	vnsel vm0, $0x0, v3;
	v5 =	vnsel vm0, $0x0, v4;
	v4 =	vnsel vm0, $0x0, v9  }
0x375: {  	v3 =	vnsel vm0, $0x0, v10;
	v2 =	vnsel vm0, $0x0, v11;
	v1 =	vnsel vm0, $0x0, v12  }
0x376: {  	s11 =	sshll.u32 s9, $0x3;
	s3 =	sand.u32 $0x70, s9  }
0x377: {  	s9 =	sadd.s32 $0x10, s9;
	s5 =	sadd.s32 s3, s11  }
0x378: {  	s10 =	sand.u32 $0xFFFFFC00, s11;
	p0 =	slt.s32 s9, s6;
	s13 =	sor.u32 $0x380, s5  }
.Ltmp30:
0x379: {  	s5 =	sor.u32 s3, s10;
	v13 =	vld [tilespmem:s13+$0x0];
	(pc) =	sbr.rel @!p0 .LBB2_40-.Ltmp30, $4  }
0x37a: {  	v11 =	vld [tilespmem:s5+$0x0]  }
0x37b: {  	v12 =	vld [tilespmem:s5+$0x80]  }
0x37c: {  	v9 =	vld [tilespmem:s5+$0x100]  }
0x37d: {  	v10 =	vld [tilespmem:s5+$0x180]  }
.LBB2_39:
0x37e: {  	s3 =	sand.u32 $0x70, s9;
	s9 =	sadd.s32 $0x10, s9;
	v14 =	vld [tilespmem:s5+$0x200];
	v1 =	vadd.f32 v13, v1;
	s11 =	sadd.s32 $0x80, s11  }
0x37f: {  	s10 =	sadd.s32 s3, s11;
	s13 =	sand.u32 $0xFFFFFC00, s11;
	p0 =	slt.s32 s9, s6;
	v8 =	vadd.f32 v11, v8;
	v15 =	vld [tilespmem:s5+$0x280]  }
0x380: {  	s10 =	sor.u32 $0x380, s10;
	v7 =	vadd.f32 v12, v7;
	v16 =	vld [tilespmem:s5+$0x300];
	s5 =	sor.u32 s3, s13  }
.Ltmp31:
0x381: {  	v13 =	vld [tilespmem:s10+$0x0];
	v6 =	vadd.f32 v9, v6;
	(pc) =	sbr.rel @p0 .LBB2_39-.Ltmp31, $4  }
0x382: {  	v11 =	vld [tilespmem:s5+$0x0];
	v5 =	vadd.f32 v10, v5  }
0x383: {  	v12 =	vld [tilespmem:s5+$0x80];
	v4 =	vadd.f32 v14, v4  }
0x384: {  	v9 =	vld [tilespmem:s5+$0x100];
	v3 =	vadd.f32 v15, v3  }
0x385: {  	v10 =	vld [tilespmem:s5+$0x180];
	v2 =	vadd.f32 v16, v2  }
.LBB2_40:
0x386: {  	v14 =	vld [tilespmem:s5+$0x200]  }
0x387: {  	v15 =	vld [tilespmem:s5+$0x280]  }
0x388: {  	v16 =	vld [tilespmem:s5+$0x300];
	_ =	sdelay $0x1  }
0x389: {  	v1 =	vadd.f32 v13, v1;
	v8 =	vadd.f32 v11, v8  }
0x38a: {  	v7 =	vadd.f32 v12, v7;
	v6 =	vadd.f32 v9, v6  }
0x38b: {  	v5 =	vadd.f32 v10, v5;
	v4 =	vadd.f32 v14, v4  }
0x38c: {  	v3 =	vadd.f32 v15, v3;
	v2 =	vadd.f32 v16, v2  }
.LBB2_41:
0x38d: {  	s3 =	sand.u32 $0xFFFFFFF0, s1  }
0x38e: {  	s5 =	smov.u32 s4;
	p0 =	sgt.s32 s3, s4  }
0x38f: {  	s5 =	smov.u32 @p0 s3  }
0x390: {  	s5 =	smin.u32 s5, s8  }
0x391: {  	s6 =	ssub.s32 s5, s4  }
0x392: {  	s6 =	sshll.u32 s6, $0x3  }
0x393: {  	s9 =	sand.u32 $0x70, s5;
	s6 =	sand.u32 $0xFFFFFC00, s6  }
0x394: {  	s6 =	sor.u32 s9, s6  }
0x395: {  	v9 =	vld [tilespmem:s6+$0x0]  }
0x396: {  	p0 =	sgt.s32 s2, s3  }
0x397: {  	s3 =	smov.u32 @p0 s2;
	v10 =	vor.u32 s5, v0  }
0x398: {  	vm0 =	vge.s32 v10, s3;
	vm1 =	vlt.s32 v10, s1  }
0x399: {  	vm0 =	vmand vm0, vm1  }
0x39a: {  	v9 =	vnsel vm0, $0x0, v9  }
0x39b: {  	v8 =	vadd.f32 v9, v8;
	_ =	sdelay $0x1  }
0x39c: {  	[tilespmem:$0x8490] =	vst v8  }
0x39d: {  	v8 =	vld [tilespmem:s6+$0x80];
	_ =	sdelay $0x4  }
0x39e: {  	v8 =	vnsel vm0, $0x0, v8  }
0x39f: {  	v7 =	vadd.f32 v8, v7;
	_ =	sdelay $0x1  }
0x3a0: {  	[tilespmem:$0x8510] =	vst v7  }
0x3a1: {  	v7 =	vld [tilespmem:s6+$0x100];
	_ =	sdelay $0x4  }
0x3a2: {  	v7 =	vnsel vm0, $0x0, v7  }
0x3a3: {  	v6 =	vadd.f32 v7, v6;
	_ =	sdelay $0x1  }
0x3a4: {  	[tilespmem:$0x8590] =	vst v6  }
0x3a5: {  	v6 =	vld [tilespmem:s6+$0x180];
	_ =	sdelay $0x4  }
0x3a6: {  	v6 =	vnsel vm0, $0x0, v6  }
0x3a7: {  	v5 =	vadd.f32 v6, v5;
	_ =	sdelay $0x1  }
0x3a8: {  	[tilespmem:$0x8610] =	vst v5  }
0x3a9: {  	v5 =	vld [tilespmem:s6+$0x200];
	_ =	sdelay $0x4  }
0x3aa: {  	v5 =	vnsel vm0, $0x0, v5  }
0x3ab: {  	v4 =	vadd.f32 v5, v4;
	_ =	sdelay $0x1  }
0x3ac: {  	[tilespmem:$0x8690] =	vst v4  }
0x3ad: {  	v4 =	vld [tilespmem:s6+$0x280];
	_ =	sdelay $0x4  }
0x3ae: {  	v4 =	vnsel vm0, $0x0, v4  }
0x3af: {  	v3 =	vadd.f32 v4, v3;
	_ =	sdelay $0x1  }
0x3b0: {  	[tilespmem:$0x8710] =	vst v3  }
0x3b1: {  	v3 =	vld [tilespmem:s6+$0x300];
	_ =	sdelay $0x4  }
0x3b2: {  	v3 =	vnsel vm0, $0x0, v3  }
0x3b3: {  	v2 =	vadd.f32 v3, v2;
	_ =	sdelay $0x1  }
0x3b4: {  	[tilespmem:$0x8790] =	vst v2  }
0x3b5: {  	v2 =	vld [tilespmem:s6+$0x380];
	_ =	sdelay $0x1  }
0x3b6: {  	p0 =	sgt.s32 s22, s4;
	s3 =	smov.u32 s4  }
0x3b7: {  	s3 =	smov.u32 @p0 s22  }
0x3b8: {  	s23 =	smin.u32 s3, s7  }
0x3b9: {  	s24 =	ssub.s32 s23, s4;
	v2 =	vnsel vm0, $0x0, v2  }
0x3ba: {  	s1 =	sshll.u32 s24, $0x3;
	v1 =	vadd.f32 v2, v1  }
0x3bb: {  	s25 =	sand.u32 $0x70, s23;
	s1 =	sand.u32 $0xFFFFFC00, s1  }
0x3bc: {  	s26 =	sor.u32 s25, s1;
	[tilespmem:$0x8810] =	vst v1  }
0x3bd: {  	v1 =	vld [tilespmem:s26+$0x0]  }
0x3be: {  	p0 =	slt.s32 s21, s0;
	s1 =	smov.u32 s0;
	v2 =	vld [tilespmem:s26+$0x80]  }
0x3bf: {  	s28 =	sadd.s32 $0xF, s3;
	s1 =	smov.u32 @p0 s21;
	v3 =	vld [tilespmem:s26+$0x100]  }
0x3c0: {  	s5 =	sand.u32 $0x7FF0, s23;
	s29 =	sshrl.u32 s28, $0x4;
	s30 =	sshrl.u32 s1, $0x4;
	v4 =	vld [tilespmem:s26+$0x180]  }
0x3c1: {  	s2 =	sand.u32 $0xFFFFFFF0, s28;
	v5 =	vor.u32 s5, v0;
	s5 =	smax.u32 s29, s30;
	v9 =	vld [tilespmem:s26+$0x200]  }
0x3c2: {  	s10 =	smov.u32 s2;
	s31 =	sshll.u32 s5, $0x4;
	v10 =	vld [tilespmem:s26+$0x280]  }
0x3c3: {  	s9 =	ssub.s32 s2, s4;
	p0 =	slt.s32 s1, s2;
	s6 =	ssub.s32 s31, s4;
	v11 =	vld [tilespmem:s26+$0x300]  }
0x3c4: {  	s10 =	smov.u32 @p0 s1;
	p0 =	sge.s32 s9, s6;
	v12 =	vld [tilespmem:s26+$0x380]  }
.Ltmp32:
0x3c5: {  	vm14 =	vge.u32 v5, s3;
	vm15 =	vlt.s32 v5, s10;
	(pc) =	sbr.rel @p0 .LBB2_45-.Ltmp32, $4  }
0x3c6: {  	vm0 =	vmand vm14, vm15  }
0x3c7: {  	v8 =	vnsel vm0, $0x0, v1;
	v7 =	vnsel vm0, $0x0, v2  }
0x3c8: {  	v6 =	vnsel vm0, $0x0, v3;
	v5 =	vnsel vm0, $0x0, v4;
	v4 =	vnsel vm0, $0x0, v9  }
0x3c9: {  	v3 =	vnsel vm0, $0x0, v10;
	v2 =	vnsel vm0, $0x0, v11;
	v1 =	vnsel vm0, $0x0, v12  }
0x3ca: {  	s11 =	sshll.u32 s9, $0x3;
	s3 =	sand.u32 $0x70, s9  }
0x3cb: {  	s9 =	sadd.s32 $0x10, s9;
	s5 =	sadd.s32 s3, s11  }
0x3cc: {  	s10 =	sand.u32 $0xFFFFFC00, s11;
	p0 =	slt.s32 s9, s6;
	s13 =	sor.u32 $0x380, s5  }
.Ltmp33:
0x3cd: {  	s5 =	sor.u32 s3, s10;
	v13 =	vld [tilespmem:s13+$0x0];
	(pc) =	sbr.rel @!p0 .LBB2_44-.Ltmp33, $4  }
0x3ce: {  	v11 =	vld [tilespmem:s5+$0x0]  }
0x3cf: {  	v12 =	vld [tilespmem:s5+$0x80]  }
0x3d0: {  	v9 =	vld [tilespmem:s5+$0x100]  }
0x3d1: {  	v10 =	vld [tilespmem:s5+$0x180]  }
.LBB2_43:
0x3d2: {  	s3 =	sand.u32 $0x70, s9;
	s9 =	sadd.s32 $0x10, s9;
	v14 =	vld [tilespmem:s5+$0x200];
	v1 =	vadd.f32 v13, v1;
	s11 =	sadd.s32 $0x80, s11  }
0x3d3: {  	s10 =	sadd.s32 s3, s11;
	s13 =	sand.u32 $0xFFFFFC00, s11;
	p0 =	slt.s32 s9, s6;
	v8 =	vadd.f32 v11, v8;
	v15 =	vld [tilespmem:s5+$0x280]  }
0x3d4: {  	s10 =	sor.u32 $0x380, s10;
	v7 =	vadd.f32 v12, v7;
	v16 =	vld [tilespmem:s5+$0x300];
	s5 =	sor.u32 s3, s13  }
.Ltmp34:
0x3d5: {  	v13 =	vld [tilespmem:s10+$0x0];
	v6 =	vadd.f32 v9, v6;
	(pc) =	sbr.rel @p0 .LBB2_43-.Ltmp34, $4  }
0x3d6: {  	v11 =	vld [tilespmem:s5+$0x0];
	v5 =	vadd.f32 v10, v5  }
0x3d7: {  	v12 =	vld [tilespmem:s5+$0x80];
	v4 =	vadd.f32 v14, v4  }
0x3d8: {  	v9 =	vld [tilespmem:s5+$0x100];
	v3 =	vadd.f32 v15, v3  }
0x3d9: {  	v10 =	vld [tilespmem:s5+$0x180];
	v2 =	vadd.f32 v16, v2  }
.LBB2_44:
0x3da: {  	v14 =	vld [tilespmem:s5+$0x200]  }
0x3db: {  	v15 =	vld [tilespmem:s5+$0x280]  }
0x3dc: {  	v16 =	vld [tilespmem:s5+$0x300];
	_ =	sdelay $0x1  }
0x3dd: {  	v1 =	vadd.f32 v13, v1;
	v8 =	vadd.f32 v11, v8  }
0x3de: {  	v7 =	vadd.f32 v12, v7;
	v6 =	vadd.f32 v9, v6  }
0x3df: {  	v5 =	vadd.f32 v10, v5;
	v4 =	vadd.f32 v14, v4  }
0x3e0: {  	v3 =	vadd.f32 v15, v3;
	v2 =	vadd.f32 v16, v2  }
.LBB2_45:
0x3e1: {  	s3 =	sand.u32 $0xFFFFFFF0, s1  }
0x3e2: {  	s5 =	smov.u32 s4;
	p0 =	sgt.s32 s3, s4  }
0x3e3: {  	s5 =	smov.u32 @p0 s3  }
0x3e4: {  	s5 =	smin.u32 s5, s8  }
0x3e5: {  	s6 =	ssub.s32 s5, s4  }
0x3e6: {  	s6 =	sshll.u32 s6, $0x3  }
0x3e7: {  	s9 =	sand.u32 $0x70, s5;
	s6 =	sand.u32 $0xFFFFFC00, s6  }
0x3e8: {  	s6 =	sor.u32 s9, s6  }
0x3e9: {  	v9 =	vld [tilespmem:s6+$0x0]  }
0x3ea: {  	p0 =	sgt.s32 s2, s3  }
0x3eb: {  	s3 =	smov.u32 @p0 s2;
	v10 =	vor.u32 s5, v0  }
0x3ec: {  	vm0 =	vge.s32 v10, s3;
	vm1 =	vlt.s32 v10, s1  }
0x3ed: {  	vm0 =	vmand vm0, vm1  }
0x3ee: {  	v9 =	vnsel vm0, $0x0, v9  }
0x3ef: {  	v8 =	vadd.f32 v9, v8;
	_ =	sdelay $0x1  }
0x3f0: {  	[tilespmem:$0x84A0] =	vst v8  }
0x3f1: {  	v8 =	vld [tilespmem:s6+$0x80];
	_ =	sdelay $0x4  }
0x3f2: {  	v8 =	vnsel vm0, $0x0, v8  }
0x3f3: {  	v7 =	vadd.f32 v8, v7;
	_ =	sdelay $0x1  }
0x3f4: {  	[tilespmem:$0x8520] =	vst v7  }
0x3f5: {  	v7 =	vld [tilespmem:s6+$0x100];
	_ =	sdelay $0x4  }
0x3f6: {  	v7 =	vnsel vm0, $0x0, v7  }
0x3f7: {  	v6 =	vadd.f32 v7, v6;
	_ =	sdelay $0x1  }
0x3f8: {  	[tilespmem:$0x85A0] =	vst v6  }
0x3f9: {  	v6 =	vld [tilespmem:s6+$0x180];
	_ =	sdelay $0x4  }
0x3fa: {  	v6 =	vnsel vm0, $0x0, v6  }
0x3fb: {  	v5 =	vadd.f32 v6, v5;
	_ =	sdelay $0x1  }
0x3fc: {  	[tilespmem:$0x8620] =	vst v5  }
0x3fd: {  	v5 =	vld [tilespmem:s6+$0x200];
	_ =	sdelay $0x4  }
0x3fe: {  	v5 =	vnsel vm0, $0x0, v5  }
0x3ff: {  	v4 =	vadd.f32 v5, v4;
	_ =	sdelay $0x1  }
0x400: {  	[tilespmem:$0x86A0] =	vst v4  }
0x401: {  	v4 =	vld [tilespmem:s6+$0x280];
	_ =	sdelay $0x4  }
0x402: {  	v4 =	vnsel vm0, $0x0, v4  }
0x403: {  	v3 =	vadd.f32 v4, v3;
	_ =	sdelay $0x1  }
0x404: {  	[tilespmem:$0x8720] =	vst v3  }
0x405: {  	v3 =	vld [tilespmem:s6+$0x300];
	_ =	sdelay $0x4  }
0x406: {  	v3 =	vnsel vm0, $0x0, v3  }
0x407: {  	v2 =	vadd.f32 v3, v2;
	_ =	sdelay $0x1  }
0x408: {  	[tilespmem:$0x87A0] =	vst v2  }
0x409: {  	v2 =	vld [tilespmem:s6+$0x380];
	_ =	sdelay $0x1  }
0x40a: {  	p0 =	sgt.s32 s21, s4;
	s3 =	smov.u32 s4  }
0x40b: {  	s3 =	smov.u32 @p0 s21  }
0x40c: {  	s23 =	smin.u32 s3, s7  }
0x40d: {  	s24 =	ssub.s32 s23, s4;
	v2 =	vnsel vm0, $0x0, v2  }
0x40e: {  	s1 =	sshll.u32 s24, $0x3;
	v1 =	vadd.f32 v2, v1  }
0x40f: {  	s25 =	sand.u32 $0x70, s23;
	s1 =	sand.u32 $0xFFFFFC00, s1  }
0x410: {  	s26 =	sor.u32 s25, s1;
	[tilespmem:$0x8820] =	vst v1  }
0x411: {  	v1 =	vld [tilespmem:s26+$0x0]  }
0x412: {  	p0 =	slt.s32 s20, s0;
	s1 =	smov.u32 s0;
	v2 =	vld [tilespmem:s26+$0x80]  }
0x413: {  	s28 =	sadd.s32 $0xF, s3;
	s1 =	smov.u32 @p0 s20;
	v3 =	vld [tilespmem:s26+$0x100]  }
0x414: {  	s5 =	sand.u32 $0x7FF0, s23;
	s29 =	sshrl.u32 s28, $0x4;
	s30 =	sshrl.u32 s1, $0x4;
	v4 =	vld [tilespmem:s26+$0x180]  }
0x415: {  	s2 =	sand.u32 $0xFFFFFFF0, s28;
	v5 =	vor.u32 s5, v0;
	s5 =	smax.u32 s29, s30;
	v9 =	vld [tilespmem:s26+$0x200]  }
0x416: {  	s10 =	smov.u32 s2;
	s31 =	sshll.u32 s5, $0x4;
	v10 =	vld [tilespmem:s26+$0x280]  }
0x417: {  	s9 =	ssub.s32 s2, s4;
	p0 =	slt.s32 s1, s2;
	s6 =	ssub.s32 s31, s4;
	v11 =	vld [tilespmem:s26+$0x300]  }
0x418: {  	s10 =	smov.u32 @p0 s1;
	p0 =	sge.s32 s9, s6;
	v12 =	vld [tilespmem:s26+$0x380]  }
.Ltmp35:
0x419: {  	vm14 =	vge.u32 v5, s3;
	vm15 =	vlt.s32 v5, s10;
	(pc) =	sbr.rel @p0 .LBB2_49-.Ltmp35, $4  }
0x41a: {  	vm0 =	vmand vm14, vm15  }
0x41b: {  	v8 =	vnsel vm0, $0x0, v1;
	v7 =	vnsel vm0, $0x0, v2  }
0x41c: {  	v6 =	vnsel vm0, $0x0, v3;
	v5 =	vnsel vm0, $0x0, v4;
	v4 =	vnsel vm0, $0x0, v9  }
0x41d: {  	v3 =	vnsel vm0, $0x0, v10;
	v2 =	vnsel vm0, $0x0, v11;
	v1 =	vnsel vm0, $0x0, v12  }
0x41e: {  	s11 =	sshll.u32 s9, $0x3;
	s3 =	sand.u32 $0x70, s9  }
0x41f: {  	s9 =	sadd.s32 $0x10, s9;
	s5 =	sadd.s32 s3, s11  }
0x420: {  	s10 =	sand.u32 $0xFFFFFC00, s11;
	p0 =	slt.s32 s9, s6;
	s13 =	sor.u32 $0x380, s5  }
.Ltmp36:
0x421: {  	s5 =	sor.u32 s3, s10;
	v13 =	vld [tilespmem:s13+$0x0];
	(pc) =	sbr.rel @!p0 .LBB2_48-.Ltmp36, $4  }
0x422: {  	v11 =	vld [tilespmem:s5+$0x0]  }
0x423: {  	v12 =	vld [tilespmem:s5+$0x80]  }
0x424: {  	v9 =	vld [tilespmem:s5+$0x100]  }
0x425: {  	v10 =	vld [tilespmem:s5+$0x180]  }
.LBB2_47:
0x426: {  	s3 =	sand.u32 $0x70, s9;
	s9 =	sadd.s32 $0x10, s9;
	v14 =	vld [tilespmem:s5+$0x200];
	v1 =	vadd.f32 v13, v1;
	s11 =	sadd.s32 $0x80, s11  }
0x427: {  	s10 =	sadd.s32 s3, s11;
	s13 =	sand.u32 $0xFFFFFC00, s11;
	p0 =	slt.s32 s9, s6;
	v8 =	vadd.f32 v11, v8;
	v15 =	vld [tilespmem:s5+$0x280]  }
0x428: {  	s10 =	sor.u32 $0x380, s10;
	v7 =	vadd.f32 v12, v7;
	v16 =	vld [tilespmem:s5+$0x300];
	s5 =	sor.u32 s3, s13  }
.Ltmp37:
0x429: {  	v13 =	vld [tilespmem:s10+$0x0];
	v6 =	vadd.f32 v9, v6;
	(pc) =	sbr.rel @p0 .LBB2_47-.Ltmp37, $4  }
0x42a: {  	v11 =	vld [tilespmem:s5+$0x0];
	v5 =	vadd.f32 v10, v5  }
0x42b: {  	v12 =	vld [tilespmem:s5+$0x80];
	v4 =	vadd.f32 v14, v4  }
0x42c: {  	v9 =	vld [tilespmem:s5+$0x100];
	v3 =	vadd.f32 v15, v3  }
0x42d: {  	v10 =	vld [tilespmem:s5+$0x180];
	v2 =	vadd.f32 v16, v2  }
.LBB2_48:
0x42e: {  	v14 =	vld [tilespmem:s5+$0x200]  }
0x42f: {  	v15 =	vld [tilespmem:s5+$0x280]  }
0x430: {  	v16 =	vld [tilespmem:s5+$0x300];
	_ =	sdelay $0x1  }
0x431: {  	v1 =	vadd.f32 v13, v1;
	v8 =	vadd.f32 v11, v8  }
0x432: {  	v7 =	vadd.f32 v12, v7;
	v6 =	vadd.f32 v9, v6  }
0x433: {  	v5 =	vadd.f32 v10, v5;
	v4 =	vadd.f32 v14, v4  }
0x434: {  	v3 =	vadd.f32 v15, v3;
	v2 =	vadd.f32 v16, v2  }
.LBB2_49:
0x435: {  	s3 =	sand.u32 $0xFFFFFFF0, s1  }
0x436: {  	s5 =	smov.u32 s4;
	p0 =	sgt.s32 s3, s4  }
0x437: {  	s5 =	smov.u32 @p0 s3  }
0x438: {  	s5 =	smin.u32 s5, s8  }
0x439: {  	s6 =	ssub.s32 s5, s4  }
0x43a: {  	s6 =	sshll.u32 s6, $0x3  }
0x43b: {  	s9 =	sand.u32 $0x70, s5;
	s6 =	sand.u32 $0xFFFFFC00, s6  }
0x43c: {  	s6 =	sor.u32 s9, s6  }
0x43d: {  	v9 =	vld [tilespmem:s6+$0x0]  }
0x43e: {  	p0 =	sgt.s32 s2, s3  }
0x43f: {  	s3 =	smov.u32 @p0 s2;
	v10 =	vor.u32 s5, v0  }
0x440: {  	vm0 =	vge.s32 v10, s3;
	vm1 =	vlt.s32 v10, s1  }
0x441: {  	vm0 =	vmand vm0, vm1  }
0x442: {  	v9 =	vnsel vm0, $0x0, v9  }
0x443: {  	v8 =	vadd.f32 v9, v8;
	_ =	sdelay $0x1  }
0x444: {  	[tilespmem:$0x84B0] =	vst v8  }
0x445: {  	v8 =	vld [tilespmem:s6+$0x80];
	_ =	sdelay $0x4  }
0x446: {  	v8 =	vnsel vm0, $0x0, v8  }
0x447: {  	v7 =	vadd.f32 v8, v7;
	_ =	sdelay $0x1  }
0x448: {  	[tilespmem:$0x8530] =	vst v7  }
0x449: {  	v7 =	vld [tilespmem:s6+$0x100];
	_ =	sdelay $0x4  }
0x44a: {  	v7 =	vnsel vm0, $0x0, v7  }
0x44b: {  	v6 =	vadd.f32 v7, v6;
	_ =	sdelay $0x1  }
0x44c: {  	[tilespmem:$0x85B0] =	vst v6  }
0x44d: {  	v6 =	vld [tilespmem:s6+$0x180];
	_ =	sdelay $0x4  }
0x44e: {  	v6 =	vnsel vm0, $0x0, v6  }
0x44f: {  	v5 =	vadd.f32 v6, v5;
	_ =	sdelay $0x1  }
0x450: {  	[tilespmem:$0x8630] =	vst v5  }
0x451: {  	v5 =	vld [tilespmem:s6+$0x200];
	_ =	sdelay $0x4  }
0x452: {  	v5 =	vnsel vm0, $0x0, v5  }
0x453: {  	v4 =	vadd.f32 v5, v4;
	_ =	sdelay $0x1  }
0x454: {  	[tilespmem:$0x86B0] =	vst v4  }
0x455: {  	v4 =	vld [tilespmem:s6+$0x280];
	_ =	sdelay $0x4  }
0x456: {  	v4 =	vnsel vm0, $0x0, v4  }
0x457: {  	v3 =	vadd.f32 v4, v3;
	_ =	sdelay $0x1  }
0x458: {  	[tilespmem:$0x8730] =	vst v3  }
0x459: {  	v3 =	vld [tilespmem:s6+$0x300];
	_ =	sdelay $0x4  }
0x45a: {  	v3 =	vnsel vm0, $0x0, v3  }
0x45b: {  	v2 =	vadd.f32 v3, v2;
	_ =	sdelay $0x1  }
0x45c: {  	[tilespmem:$0x87B0] =	vst v2  }
0x45d: {  	v2 =	vld [tilespmem:s6+$0x380];
	_ =	sdelay $0x1  }
0x45e: {  	p0 =	sgt.s32 s20, s4;
	s3 =	smov.u32 s4  }
0x45f: {  	s3 =	smov.u32 @p0 s20  }
0x460: {  	s23 =	smin.u32 s3, s7  }
0x461: {  	s24 =	ssub.s32 s23, s4;
	v2 =	vnsel vm0, $0x0, v2  }
0x462: {  	s1 =	sshll.u32 s24, $0x3;
	v1 =	vadd.f32 v2, v1  }
0x463: {  	s25 =	sand.u32 $0x70, s23;
	s1 =	sand.u32 $0xFFFFFC00, s1  }
0x464: {  	s26 =	sor.u32 s25, s1;
	[tilespmem:$0x8830] =	vst v1  }
0x465: {  	v1 =	vld [tilespmem:s26+$0x0]  }
0x466: {  	p0 =	slt.s32 s19, s0;
	s1 =	smov.u32 s0;
	v2 =	vld [tilespmem:s26+$0x80]  }
0x467: {  	s28 =	sadd.s32 $0xF, s3;
	s1 =	smov.u32 @p0 s19;
	v3 =	vld [tilespmem:s26+$0x100]  }
0x468: {  	s5 =	sand.u32 $0x7FF0, s23;
	s29 =	sshrl.u32 s28, $0x4;
	s30 =	sshrl.u32 s1, $0x4;
	v4 =	vld [tilespmem:s26+$0x180]  }
0x469: {  	s2 =	sand.u32 $0xFFFFFFF0, s28;
	v5 =	vor.u32 s5, v0;
	s5 =	smax.u32 s29, s30;
	v9 =	vld [tilespmem:s26+$0x200]  }
0x46a: {  	s10 =	smov.u32 s2;
	s31 =	sshll.u32 s5, $0x4;
	v10 =	vld [tilespmem:s26+$0x280]  }
0x46b: {  	s9 =	ssub.s32 s2, s4;
	p0 =	slt.s32 s1, s2;
	s6 =	ssub.s32 s31, s4;
	v11 =	vld [tilespmem:s26+$0x300]  }
0x46c: {  	s10 =	smov.u32 @p0 s1;
	p0 =	sge.s32 s9, s6;
	v12 =	vld [tilespmem:s26+$0x380]  }
.Ltmp38:
0x46d: {  	vm14 =	vge.u32 v5, s3;
	vm15 =	vlt.s32 v5, s10;
	(pc) =	sbr.rel @p0 .LBB2_53-.Ltmp38, $4  }
0x46e: {  	vm0 =	vmand vm14, vm15  }
0x46f: {  	v8 =	vnsel vm0, $0x0, v1;
	v7 =	vnsel vm0, $0x0, v2  }
0x470: {  	v6 =	vnsel vm0, $0x0, v3;
	v5 =	vnsel vm0, $0x0, v4;
	v4 =	vnsel vm0, $0x0, v9  }
0x471: {  	v3 =	vnsel vm0, $0x0, v10;
	v2 =	vnsel vm0, $0x0, v11;
	v1 =	vnsel vm0, $0x0, v12  }
0x472: {  	s11 =	sshll.u32 s9, $0x3;
	s3 =	sand.u32 $0x70, s9  }
0x473: {  	s9 =	sadd.s32 $0x10, s9;
	s5 =	sadd.s32 s3, s11  }
0x474: {  	s10 =	sand.u32 $0xFFFFFC00, s11;
	p0 =	slt.s32 s9, s6;
	s13 =	sor.u32 $0x380, s5  }
.Ltmp39:
0x475: {  	s5 =	sor.u32 s3, s10;
	v13 =	vld [tilespmem:s13+$0x0];
	(pc) =	sbr.rel @!p0 .LBB2_52-.Ltmp39, $4  }
0x476: {  	v11 =	vld [tilespmem:s5+$0x0]  }
0x477: {  	v12 =	vld [tilespmem:s5+$0x80]  }
0x478: {  	v9 =	vld [tilespmem:s5+$0x100]  }
0x479: {  	v10 =	vld [tilespmem:s5+$0x180]  }
.LBB2_51:
0x47a: {  	s3 =	sand.u32 $0x70, s9;
	s9 =	sadd.s32 $0x10, s9;
	v14 =	vld [tilespmem:s5+$0x200];
	v1 =	vadd.f32 v13, v1;
	s11 =	sadd.s32 $0x80, s11  }
0x47b: {  	s10 =	sadd.s32 s3, s11;
	s13 =	sand.u32 $0xFFFFFC00, s11;
	p0 =	slt.s32 s9, s6;
	v8 =	vadd.f32 v11, v8;
	v15 =	vld [tilespmem:s5+$0x280]  }
0x47c: {  	s10 =	sor.u32 $0x380, s10;
	v7 =	vadd.f32 v12, v7;
	v16 =	vld [tilespmem:s5+$0x300];
	s5 =	sor.u32 s3, s13  }
.Ltmp40:
0x47d: {  	v13 =	vld [tilespmem:s10+$0x0];
	v6 =	vadd.f32 v9, v6;
	(pc) =	sbr.rel @p0 .LBB2_51-.Ltmp40, $4  }
0x47e: {  	v11 =	vld [tilespmem:s5+$0x0];
	v5 =	vadd.f32 v10, v5  }
0x47f: {  	v12 =	vld [tilespmem:s5+$0x80];
	v4 =	vadd.f32 v14, v4  }
0x480: {  	v9 =	vld [tilespmem:s5+$0x100];
	v3 =	vadd.f32 v15, v3  }
0x481: {  	v10 =	vld [tilespmem:s5+$0x180];
	v2 =	vadd.f32 v16, v2  }
.LBB2_52:
0x482: {  	v14 =	vld [tilespmem:s5+$0x200]  }
0x483: {  	v15 =	vld [tilespmem:s5+$0x280]  }
0x484: {  	v16 =	vld [tilespmem:s5+$0x300];
	_ =	sdelay $0x1  }
0x485: {  	v1 =	vadd.f32 v13, v1;
	v8 =	vadd.f32 v11, v8  }
0x486: {  	v7 =	vadd.f32 v12, v7;
	v6 =	vadd.f32 v9, v6  }
0x487: {  	v5 =	vadd.f32 v10, v5;
	v4 =	vadd.f32 v14, v4  }
0x488: {  	v3 =	vadd.f32 v15, v3;
	v2 =	vadd.f32 v16, v2  }
.LBB2_53:
0x489: {  	s3 =	sand.u32 $0xFFFFFFF0, s1  }
0x48a: {  	s5 =	smov.u32 s4;
	p0 =	sgt.s32 s3, s4  }
0x48b: {  	s5 =	smov.u32 @p0 s3  }
0x48c: {  	s5 =	smin.u32 s5, s8  }
0x48d: {  	s6 =	ssub.s32 s5, s4  }
0x48e: {  	s6 =	sshll.u32 s6, $0x3  }
0x48f: {  	s9 =	sand.u32 $0x70, s5;
	s6 =	sand.u32 $0xFFFFFC00, s6  }
0x490: {  	s6 =	sor.u32 s9, s6  }
0x491: {  	v9 =	vld [tilespmem:s6+$0x0]  }
0x492: {  	p0 =	sgt.s32 s2, s3  }
0x493: {  	s3 =	smov.u32 @p0 s2;
	v10 =	vor.u32 s5, v0  }
0x494: {  	vm0 =	vge.s32 v10, s3;
	vm1 =	vlt.s32 v10, s1  }
0x495: {  	vm0 =	vmand vm0, vm1  }
0x496: {  	v9 =	vnsel vm0, $0x0, v9  }
0x497: {  	v8 =	vadd.f32 v9, v8;
	_ =	sdelay $0x1  }
0x498: {  	[tilespmem:$0x84C0] =	vst v8  }
0x499: {  	v8 =	vld [tilespmem:s6+$0x80];
	_ =	sdelay $0x4  }
0x49a: {  	v8 =	vnsel vm0, $0x0, v8  }
0x49b: {  	v7 =	vadd.f32 v8, v7;
	_ =	sdelay $0x1  }
0x49c: {  	[tilespmem:$0x8540] =	vst v7  }
0x49d: {  	v7 =	vld [tilespmem:s6+$0x100];
	_ =	sdelay $0x4  }
0x49e: {  	v7 =	vnsel vm0, $0x0, v7  }
0x49f: {  	v6 =	vadd.f32 v7, v6;
	_ =	sdelay $0x1  }
0x4a0: {  	[tilespmem:$0x85C0] =	vst v6  }
0x4a1: {  	v6 =	vld [tilespmem:s6+$0x180];
	_ =	sdelay $0x4  }
0x4a2: {  	v6 =	vnsel vm0, $0x0, v6  }
0x4a3: {  	v5 =	vadd.f32 v6, v5;
	_ =	sdelay $0x1  }
0x4a4: {  	[tilespmem:$0x8640] =	vst v5  }
0x4a5: {  	v5 =	vld [tilespmem:s6+$0x200];
	_ =	sdelay $0x4  }
0x4a6: {  	v5 =	vnsel vm0, $0x0, v5  }
0x4a7: {  	v4 =	vadd.f32 v5, v4;
	_ =	sdelay $0x1  }
0x4a8: {  	[tilespmem:$0x86C0] =	vst v4  }
0x4a9: {  	v4 =	vld [tilespmem:s6+$0x280];
	_ =	sdelay $0x4  }
0x4aa: {  	v4 =	vnsel vm0, $0x0, v4  }
0x4ab: {  	v3 =	vadd.f32 v4, v3;
	_ =	sdelay $0x1  }
0x4ac: {  	[tilespmem:$0x8740] =	vst v3  }
0x4ad: {  	v3 =	vld [tilespmem:s6+$0x300];
	_ =	sdelay $0x4  }
0x4ae: {  	v3 =	vnsel vm0, $0x0, v3  }
0x4af: {  	v2 =	vadd.f32 v3, v2;
	_ =	sdelay $0x1  }
0x4b0: {  	[tilespmem:$0x87C0] =	vst v2  }
0x4b1: {  	v2 =	vld [tilespmem:s6+$0x380];
	_ =	sdelay $0x1  }
0x4b2: {  	p0 =	sgt.s32 s19, s4;
	s3 =	smov.u32 s4  }
0x4b3: {  	s3 =	smov.u32 @p0 s19  }
0x4b4: {  	s23 =	smin.u32 s3, s7  }
0x4b5: {  	s24 =	ssub.s32 s23, s4;
	v2 =	vnsel vm0, $0x0, v2  }
0x4b6: {  	s1 =	sshll.u32 s24, $0x3;
	v1 =	vadd.f32 v2, v1  }
0x4b7: {  	s25 =	sand.u32 $0x70, s23;
	s1 =	sand.u32 $0xFFFFFC00, s1  }
0x4b8: {  	s26 =	sor.u32 s25, s1;
	[tilespmem:$0x8840] =	vst v1  }
0x4b9: {  	v1 =	vld [tilespmem:s26+$0x0]  }
0x4ba: {  	p0 =	slt.s32 s18, s0;
	s1 =	smov.u32 s0;
	v2 =	vld [tilespmem:s26+$0x80]  }
0x4bb: {  	s28 =	sadd.s32 $0xF, s3;
	s1 =	smov.u32 @p0 s18;
	v3 =	vld [tilespmem:s26+$0x100]  }
0x4bc: {  	s5 =	sand.u32 $0x7FF0, s23;
	s29 =	sshrl.u32 s28, $0x4;
	s30 =	sshrl.u32 s1, $0x4;
	v4 =	vld [tilespmem:s26+$0x180]  }
0x4bd: {  	s2 =	sand.u32 $0xFFFFFFF0, s28;
	v5 =	vor.u32 s5, v0;
	s5 =	smax.u32 s29, s30;
	v9 =	vld [tilespmem:s26+$0x200]  }
0x4be: {  	s10 =	smov.u32 s2;
	s31 =	sshll.u32 s5, $0x4;
	v10 =	vld [tilespmem:s26+$0x280]  }
0x4bf: {  	s9 =	ssub.s32 s2, s4;
	p0 =	slt.s32 s1, s2;
	s6 =	ssub.s32 s31, s4;
	v11 =	vld [tilespmem:s26+$0x300]  }
0x4c0: {  	s10 =	smov.u32 @p0 s1;
	p0 =	sge.s32 s9, s6;
	v12 =	vld [tilespmem:s26+$0x380]  }
.Ltmp41:
0x4c1: {  	vm14 =	vge.u32 v5, s3;
	vm15 =	vlt.s32 v5, s10;
	(pc) =	sbr.rel @p0 .LBB2_57-.Ltmp41, $4  }
0x4c2: {  	vm0 =	vmand vm14, vm15  }
0x4c3: {  	v8 =	vnsel vm0, $0x0, v1;
	v7 =	vnsel vm0, $0x0, v2  }
0x4c4: {  	v6 =	vnsel vm0, $0x0, v3;
	v5 =	vnsel vm0, $0x0, v4;
	v4 =	vnsel vm0, $0x0, v9  }
0x4c5: {  	v3 =	vnsel vm0, $0x0, v10;
	v2 =	vnsel vm0, $0x0, v11;
	v1 =	vnsel vm0, $0x0, v12  }
0x4c6: {  	s11 =	sshll.u32 s9, $0x3;
	s3 =	sand.u32 $0x70, s9  }
0x4c7: {  	s9 =	sadd.s32 $0x10, s9;
	s5 =	sadd.s32 s3, s11  }
0x4c8: {  	s10 =	sand.u32 $0xFFFFFC00, s11;
	p0 =	slt.s32 s9, s6;
	s13 =	sor.u32 $0x380, s5  }
.Ltmp42:
0x4c9: {  	s5 =	sor.u32 s3, s10;
	v13 =	vld [tilespmem:s13+$0x0];
	(pc) =	sbr.rel @!p0 .LBB2_56-.Ltmp42, $4  }
0x4ca: {  	v11 =	vld [tilespmem:s5+$0x0]  }
0x4cb: {  	v12 =	vld [tilespmem:s5+$0x80]  }
0x4cc: {  	v9 =	vld [tilespmem:s5+$0x100]  }
0x4cd: {  	v10 =	vld [tilespmem:s5+$0x180]  }
.LBB2_55:
0x4ce: {  	s3 =	sand.u32 $0x70, s9;
	s9 =	sadd.s32 $0x10, s9;
	v14 =	vld [tilespmem:s5+$0x200];
	v1 =	vadd.f32 v13, v1;
	s11 =	sadd.s32 $0x80, s11  }
0x4cf: {  	s10 =	sadd.s32 s3, s11;
	s13 =	sand.u32 $0xFFFFFC00, s11;
	p0 =	slt.s32 s9, s6;
	v8 =	vadd.f32 v11, v8;
	v15 =	vld [tilespmem:s5+$0x280]  }
0x4d0: {  	s10 =	sor.u32 $0x380, s10;
	v7 =	vadd.f32 v12, v7;
	v16 =	vld [tilespmem:s5+$0x300];
	s5 =	sor.u32 s3, s13  }
.Ltmp43:
0x4d1: {  	v13 =	vld [tilespmem:s10+$0x0];
	v6 =	vadd.f32 v9, v6;
	(pc) =	sbr.rel @p0 .LBB2_55-.Ltmp43, $4  }
0x4d2: {  	v11 =	vld [tilespmem:s5+$0x0];
	v5 =	vadd.f32 v10, v5  }
0x4d3: {  	v12 =	vld [tilespmem:s5+$0x80];
	v4 =	vadd.f32 v14, v4  }
0x4d4: {  	v9 =	vld [tilespmem:s5+$0x100];
	v3 =	vadd.f32 v15, v3  }
0x4d5: {  	v10 =	vld [tilespmem:s5+$0x180];
	v2 =	vadd.f32 v16, v2  }
.LBB2_56:
0x4d6: {  	v14 =	vld [tilespmem:s5+$0x200]  }
0x4d7: {  	v15 =	vld [tilespmem:s5+$0x280]  }
0x4d8: {  	v16 =	vld [tilespmem:s5+$0x300];
	_ =	sdelay $0x1  }
0x4d9: {  	v1 =	vadd.f32 v13, v1;
	v8 =	vadd.f32 v11, v8  }
0x4da: {  	v7 =	vadd.f32 v12, v7;
	v6 =	vadd.f32 v9, v6  }
0x4db: {  	v5 =	vadd.f32 v10, v5;
	v4 =	vadd.f32 v14, v4  }
0x4dc: {  	v3 =	vadd.f32 v15, v3;
	v2 =	vadd.f32 v16, v2  }
.LBB2_57:
0x4dd: {  	s3 =	sand.u32 $0xFFFFFFF0, s1  }
0x4de: {  	s5 =	smov.u32 s4;
	p0 =	sgt.s32 s3, s4  }
0x4df: {  	s5 =	smov.u32 @p0 s3  }
0x4e0: {  	s5 =	smin.u32 s5, s8  }
0x4e1: {  	s6 =	ssub.s32 s5, s4  }
0x4e2: {  	s6 =	sshll.u32 s6, $0x3  }
0x4e3: {  	s9 =	sand.u32 $0x70, s5;
	s6 =	sand.u32 $0xFFFFFC00, s6  }
0x4e4: {  	s6 =	sor.u32 s9, s6  }
0x4e5: {  	v9 =	vld [tilespmem:s6+$0x0]  }
0x4e6: {  	p0 =	sgt.s32 s2, s3  }
0x4e7: {  	s3 =	smov.u32 @p0 s2;
	v10 =	vor.u32 s5, v0  }
0x4e8: {  	vm0 =	vge.s32 v10, s3;
	vm1 =	vlt.s32 v10, s1  }
0x4e9: {  	vm0 =	vmand vm0, vm1  }
0x4ea: {  	v9 =	vnsel vm0, $0x0, v9  }
0x4eb: {  	v8 =	vadd.f32 v9, v8;
	_ =	sdelay $0x1  }
0x4ec: {  	[tilespmem:$0x84D0] =	vst v8  }
0x4ed: {  	v8 =	vld [tilespmem:s6+$0x80];
	_ =	sdelay $0x4  }
0x4ee: {  	v8 =	vnsel vm0, $0x0, v8  }
0x4ef: {  	v7 =	vadd.f32 v8, v7;
	_ =	sdelay $0x1  }
0x4f0: {  	[tilespmem:$0x8550] =	vst v7  }
0x4f1: {  	v7 =	vld [tilespmem:s6+$0x100];
	_ =	sdelay $0x4  }
0x4f2: {  	v7 =	vnsel vm0, $0x0, v7  }
0x4f3: {  	v6 =	vadd.f32 v7, v6;
	_ =	sdelay $0x1  }
0x4f4: {  	[tilespmem:$0x85D0] =	vst v6  }
0x4f5: {  	v6 =	vld [tilespmem:s6+$0x180];
	_ =	sdelay $0x4  }
0x4f6: {  	v6 =	vnsel vm0, $0x0, v6  }
0x4f7: {  	v5 =	vadd.f32 v6, v5;
	_ =	sdelay $0x1  }
0x4f8: {  	[tilespmem:$0x8650] =	vst v5  }
0x4f9: {  	v5 =	vld [tilespmem:s6+$0x200];
	_ =	sdelay $0x4  }
0x4fa: {  	v5 =	vnsel vm0, $0x0, v5  }
0x4fb: {  	v4 =	vadd.f32 v5, v4;
	_ =	sdelay $0x1  }
0x4fc: {  	[tilespmem:$0x86D0] =	vst v4  }
0x4fd: {  	v4 =	vld [tilespmem:s6+$0x280];
	_ =	sdelay $0x4  }
0x4fe: {  	v4 =	vnsel vm0, $0x0, v4  }
0x4ff: {  	v3 =	vadd.f32 v4, v3;
	_ =	sdelay $0x1  }
0x500: {  	[tilespmem:$0x8750] =	vst v3  }
0x501: {  	v3 =	vld [tilespmem:s6+$0x300];
	_ =	sdelay $0x4  }
0x502: {  	v3 =	vnsel vm0, $0x0, v3  }
0x503: {  	v2 =	vadd.f32 v3, v2;
	_ =	sdelay $0x1  }
0x504: {  	[tilespmem:$0x87D0] =	vst v2  }
0x505: {  	v2 =	vld [tilespmem:s6+$0x380];
	_ =	sdelay $0x1  }
0x506: {  	p0 =	sgt.s32 s18, s4;
	s3 =	smov.u32 s4  }
0x507: {  	s3 =	smov.u32 @p0 s18  }
0x508: {  	s23 =	smin.u32 s3, s7  }
0x509: {  	s24 =	ssub.s32 s23, s4;
	v2 =	vnsel vm0, $0x0, v2  }
0x50a: {  	s1 =	sshll.u32 s24, $0x3;
	v1 =	vadd.f32 v2, v1  }
0x50b: {  	s25 =	sand.u32 $0x70, s23;
	s1 =	sand.u32 $0xFFFFFC00, s1  }
0x50c: {  	s26 =	sor.u32 s25, s1;
	[tilespmem:$0x8850] =	vst v1  }
0x50d: {  	v1 =	vld [tilespmem:s26+$0x0]  }
0x50e: {  	p0 =	slt.s32 s17, s0;
	s1 =	smov.u32 s0;
	v2 =	vld [tilespmem:s26+$0x80]  }
0x50f: {  	s28 =	sadd.s32 $0xF, s3;
	s1 =	smov.u32 @p0 s17;
	v3 =	vld [tilespmem:s26+$0x100]  }
0x510: {  	s5 =	sand.u32 $0x7FF0, s23;
	s29 =	sshrl.u32 s28, $0x4;
	s30 =	sshrl.u32 s1, $0x4;
	v4 =	vld [tilespmem:s26+$0x180]  }
0x511: {  	s2 =	sand.u32 $0xFFFFFFF0, s28;
	v5 =	vor.u32 s5, v0;
	s5 =	smax.u32 s29, s30;
	v9 =	vld [tilespmem:s26+$0x200]  }
0x512: {  	s10 =	smov.u32 s2;
	s31 =	sshll.u32 s5, $0x4;
	v10 =	vld [tilespmem:s26+$0x280]  }
0x513: {  	s9 =	ssub.s32 s2, s4;
	p0 =	slt.s32 s1, s2;
	s6 =	ssub.s32 s31, s4;
	v11 =	vld [tilespmem:s26+$0x300]  }
0x514: {  	s10 =	smov.u32 @p0 s1;
	p0 =	sge.s32 s9, s6;
	v12 =	vld [tilespmem:s26+$0x380]  }
.Ltmp44:
0x515: {  	vm14 =	vge.u32 v5, s3;
	vm15 =	vlt.s32 v5, s10;
	(pc) =	sbr.rel @p0 .LBB2_61-.Ltmp44, $4  }
0x516: {  	vm0 =	vmand vm14, vm15  }
0x517: {  	v8 =	vnsel vm0, $0x0, v1;
	v7 =	vnsel vm0, $0x0, v2  }
0x518: {  	v6 =	vnsel vm0, $0x0, v3;
	v5 =	vnsel vm0, $0x0, v4;
	v4 =	vnsel vm0, $0x0, v9  }
0x519: {  	v3 =	vnsel vm0, $0x0, v10;
	v2 =	vnsel vm0, $0x0, v11;
	v1 =	vnsel vm0, $0x0, v12  }
0x51a: {  	s11 =	sshll.u32 s9, $0x3;
	s3 =	sand.u32 $0x70, s9  }
0x51b: {  	s9 =	sadd.s32 $0x10, s9;
	s5 =	sadd.s32 s3, s11  }
0x51c: {  	s10 =	sand.u32 $0xFFFFFC00, s11;
	p0 =	slt.s32 s9, s6;
	s13 =	sor.u32 $0x380, s5  }
.Ltmp45:
0x51d: {  	s5 =	sor.u32 s3, s10;
	v13 =	vld [tilespmem:s13+$0x0];
	(pc) =	sbr.rel @!p0 .LBB2_60-.Ltmp45, $4  }
0x51e: {  	v11 =	vld [tilespmem:s5+$0x0]  }
0x51f: {  	v12 =	vld [tilespmem:s5+$0x80]  }
0x520: {  	v9 =	vld [tilespmem:s5+$0x100]  }
0x521: {  	v10 =	vld [tilespmem:s5+$0x180]  }
.LBB2_59:
0x522: {  	s3 =	sand.u32 $0x70, s9;
	s9 =	sadd.s32 $0x10, s9;
	v14 =	vld [tilespmem:s5+$0x200];
	v1 =	vadd.f32 v13, v1;
	s11 =	sadd.s32 $0x80, s11  }
0x523: {  	s10 =	sadd.s32 s3, s11;
	s13 =	sand.u32 $0xFFFFFC00, s11;
	p0 =	slt.s32 s9, s6;
	v8 =	vadd.f32 v11, v8;
	v15 =	vld [tilespmem:s5+$0x280]  }
0x524: {  	s10 =	sor.u32 $0x380, s10;
	v7 =	vadd.f32 v12, v7;
	v16 =	vld [tilespmem:s5+$0x300];
	s5 =	sor.u32 s3, s13  }
.Ltmp46:
0x525: {  	v13 =	vld [tilespmem:s10+$0x0];
	v6 =	vadd.f32 v9, v6;
	(pc) =	sbr.rel @p0 .LBB2_59-.Ltmp46, $4  }
0x526: {  	v11 =	vld [tilespmem:s5+$0x0];
	v5 =	vadd.f32 v10, v5  }
0x527: {  	v12 =	vld [tilespmem:s5+$0x80];
	v4 =	vadd.f32 v14, v4  }
0x528: {  	v9 =	vld [tilespmem:s5+$0x100];
	v3 =	vadd.f32 v15, v3  }
0x529: {  	v10 =	vld [tilespmem:s5+$0x180];
	v2 =	vadd.f32 v16, v2  }
.LBB2_60:
0x52a: {  	v14 =	vld [tilespmem:s5+$0x200]  }
0x52b: {  	v15 =	vld [tilespmem:s5+$0x280]  }
0x52c: {  	v16 =	vld [tilespmem:s5+$0x300];
	_ =	sdelay $0x1  }
0x52d: {  	v1 =	vadd.f32 v13, v1;
	v8 =	vadd.f32 v11, v8  }
0x52e: {  	v7 =	vadd.f32 v12, v7;
	v6 =	vadd.f32 v9, v6  }
0x52f: {  	v5 =	vadd.f32 v10, v5;
	v4 =	vadd.f32 v14, v4  }
0x530: {  	v3 =	vadd.f32 v15, v3;
	v2 =	vadd.f32 v16, v2  }
.LBB2_61:
0x531: {  	s3 =	sand.u32 $0xFFFFFFF0, s1  }
0x532: {  	s5 =	smov.u32 s4;
	p0 =	sgt.s32 s3, s4  }
0x533: {  	s5 =	smov.u32 @p0 s3  }
0x534: {  	s5 =	smin.u32 s5, s8  }
0x535: {  	s6 =	ssub.s32 s5, s4  }
0x536: {  	s6 =	sshll.u32 s6, $0x3  }
0x537: {  	s9 =	sand.u32 $0x70, s5;
	s6 =	sand.u32 $0xFFFFFC00, s6  }
0x538: {  	s6 =	sor.u32 s9, s6  }
0x539: {  	v9 =	vld [tilespmem:s6+$0x0]  }
0x53a: {  	p0 =	sgt.s32 s2, s3  }
0x53b: {  	s3 =	smov.u32 @p0 s2;
	v10 =	vor.u32 s5, v0  }
0x53c: {  	vm0 =	vge.s32 v10, s3;
	vm1 =	vlt.s32 v10, s1  }
0x53d: {  	vm0 =	vmand vm0, vm1  }
0x53e: {  	v9 =	vnsel vm0, $0x0, v9  }
0x53f: {  	v8 =	vadd.f32 v9, v8;
	_ =	sdelay $0x1  }
0x540: {  	[tilespmem:$0x84E0] =	vst v8  }
0x541: {  	v8 =	vld [tilespmem:s6+$0x80];
	_ =	sdelay $0x4  }
0x542: {  	v8 =	vnsel vm0, $0x0, v8  }
0x543: {  	v7 =	vadd.f32 v8, v7;
	_ =	sdelay $0x1  }
0x544: {  	[tilespmem:$0x8560] =	vst v7  }
0x545: {  	v7 =	vld [tilespmem:s6+$0x100];
	_ =	sdelay $0x4  }
0x546: {  	v7 =	vnsel vm0, $0x0, v7  }
0x547: {  	v6 =	vadd.f32 v7, v6;
	_ =	sdelay $0x1  }
0x548: {  	[tilespmem:$0x85E0] =	vst v6  }
0x549: {  	v6 =	vld [tilespmem:s6+$0x180];
	_ =	sdelay $0x4  }
0x54a: {  	v6 =	vnsel vm0, $0x0, v6  }
0x54b: {  	v5 =	vadd.f32 v6, v5;
	_ =	sdelay $0x1  }
0x54c: {  	[tilespmem:$0x8660] =	vst v5  }
0x54d: {  	v5 =	vld [tilespmem:s6+$0x200];
	_ =	sdelay $0x4  }
0x54e: {  	v5 =	vnsel vm0, $0x0, v5  }
0x54f: {  	v4 =	vadd.f32 v5, v4;
	_ =	sdelay $0x1  }
0x550: {  	[tilespmem:$0x86E0] =	vst v4  }
0x551: {  	v4 =	vld [tilespmem:s6+$0x280];
	_ =	sdelay $0x4  }
0x552: {  	v4 =	vnsel vm0, $0x0, v4  }
0x553: {  	v3 =	vadd.f32 v4, v3;
	_ =	sdelay $0x1  }
0x554: {  	[tilespmem:$0x8760] =	vst v3  }
0x555: {  	v3 =	vld [tilespmem:s6+$0x300];
	_ =	sdelay $0x4  }
0x556: {  	v3 =	vnsel vm0, $0x0, v3  }
0x557: {  	v2 =	vadd.f32 v3, v2;
	_ =	sdelay $0x1  }
0x558: {  	[tilespmem:$0x87E0] =	vst v2  }
0x559: {  	v2 =	vld [tilespmem:s6+$0x380];
	_ =	sdelay $0x1  }
0x55a: {  	p0 =	sgt.s32 s17, s4;
	s3 =	smov.u32 s4  }
0x55b: {  	s3 =	smov.u32 @p0 s17  }
0x55c: {  	s23 =	smin.u32 s3, s7  }
0x55d: {  	s24 =	ssub.s32 s23, s4;
	v2 =	vnsel vm0, $0x0, v2  }
0x55e: {  	s1 =	sshll.u32 s24, $0x3;
	v1 =	vadd.f32 v2, v1  }
0x55f: {  	s25 =	sand.u32 $0x70, s23;
	s1 =	sand.u32 $0xFFFFFC00, s1  }
0x560: {  	s26 =	sor.u32 s25, s1;
	[tilespmem:$0x8860] =	vst v1  }
0x561: {  	v1 =	vld [tilespmem:s26+$0x0]  }
0x562: {  	p0 =	slt.s32 s16, s0;
	s1 =	smov.u32 s0;
	v2 =	vld [tilespmem:s26+$0x80]  }
0x563: {  	s28 =	sadd.s32 $0xF, s3;
	s1 =	smov.u32 @p0 s16;
	v3 =	vld [tilespmem:s26+$0x100]  }
0x564: {  	s5 =	sand.u32 $0x7FF0, s23;
	s29 =	sshrl.u32 s28, $0x4;
	s30 =	sshrl.u32 s1, $0x4;
	v4 =	vld [tilespmem:s26+$0x180]  }
0x565: {  	s2 =	sand.u32 $0xFFFFFFF0, s28;
	v5 =	vor.u32 s5, v0;
	s5 =	smax.u32 s29, s30;
	v9 =	vld [tilespmem:s26+$0x200]  }
0x566: {  	s10 =	smov.u32 s2;
	s31 =	sshll.u32 s5, $0x4;
	v10 =	vld [tilespmem:s26+$0x280]  }
0x567: {  	s9 =	ssub.s32 s2, s4;
	p0 =	slt.s32 s1, s2;
	s6 =	ssub.s32 s31, s4;
	v11 =	vld [tilespmem:s26+$0x300]  }
0x568: {  	s10 =	smov.u32 @p0 s1;
	p0 =	sge.s32 s9, s6;
	v12 =	vld [tilespmem:s26+$0x380]  }
.Ltmp47:
0x569: {  	vm14 =	vge.u32 v5, s3;
	vm15 =	vlt.s32 v5, s10;
	(pc) =	sbr.rel @p0 .LBB2_62-.Ltmp47, $4  }
0x56a: {  	vm0 =	vmand vm14, vm15  }
0x56b: {  	v8 =	vnsel vm0, $0x0, v1;
	v7 =	vnsel vm0, $0x0, v2  }
0x56c: {  	v6 =	vnsel vm0, $0x0, v3;
	v5 =	vnsel vm0, $0x0, v4;
	v4 =	vnsel vm0, $0x0, v9  }
0x56d: {  	v3 =	vnsel vm0, $0x0, v10;
	v2 =	vnsel vm0, $0x0, v11;
	v1 =	vnsel vm0, $0x0, v12  }
0x56e: {  	s11 =	sshll.u32 s9, $0x3;
	s3 =	sand.u32 $0x70, s9  }
0x56f: {  	s9 =	sadd.s32 $0x10, s9;
	s5 =	sadd.s32 s3, s11  }
0x570: {  	s10 =	sand.u32 $0xFFFFFC00, s11;
	p0 =	slt.s32 s9, s6;
	s13 =	sor.u32 $0x380, s5  }
.Ltmp48:
0x571: {  	s5 =	sor.u32 s3, s10;
	v13 =	vld [tilespmem:s13+$0x0];
	(pc) =	sbr.rel @!p0 .LBB2_65-.Ltmp48, $4  }
0x572: {  	v11 =	vld [tilespmem:s5+$0x0]  }
0x573: {  	v12 =	vld [tilespmem:s5+$0x80]  }
0x574: {  	v9 =	vld [tilespmem:s5+$0x100]  }
0x575: {  	s14 =	simm.s32 $0x0;
	v10 =	vld [tilespmem:s5+$0x180]  }
.LBB2_64:
0x576: {  	s3 =	sand.u32 $0x70, s9;
	s9 =	sadd.s32 $0x10, s9;
	v14 =	vld [tilespmem:s5+$0x200];
	v1 =	vadd.f32 v13, v1;
	s11 =	sadd.s32 $0x80, s11  }
0x577: {  	s10 =	sadd.s32 s3, s11;
	s13 =	sand.u32 $0xFFFFFC00, s11;
	p0 =	slt.s32 s9, s6;
	v8 =	vadd.f32 v11, v8;
	v15 =	vld [tilespmem:s5+$0x280]  }
0x578: {  	s10 =	sor.u32 $0x380, s10;
	v7 =	vadd.f32 v12, v7;
	v16 =	vld [tilespmem:s5+$0x300];
	s5 =	sor.u32 s3, s13  }
.Ltmp49:
0x579: {  	v13 =	vld [tilespmem:s10+$0x0];
	v6 =	vadd.f32 v9, v6;
	(pc) =	sbr.rel @p0 .LBB2_64-.Ltmp49, $4  }
0x57a: {  	v11 =	vld [tilespmem:s5+$0x0];
	v5 =	vadd.f32 v10, v5  }
0x57b: {  	v12 =	vld [tilespmem:s5+$0x80];
	v4 =	vadd.f32 v14, v4  }
0x57c: {  	v9 =	vld [tilespmem:s5+$0x100];
	v3 =	vadd.f32 v15, v3  }
0x57d: {  	v10 =	vld [tilespmem:s5+$0x180];
	v2 =	vadd.f32 v16, v2  }
.LBB2_65:
0x57e: {  	v14 =	vld [tilespmem:s5+$0x200]  }
0x57f: {  	v15 =	vld [tilespmem:s5+$0x280]  }
0x580: {  	v16 =	vld [tilespmem:s5+$0x300]  }
.Ltmp50:
0x581: {  	_ = 	snop;
	(pc) =	sbr.rel .LBB2_66-.Ltmp50, $4  }
0x582: {  	v1 =	vadd.f32 v13, v1;
	v8 =	vadd.f32 v11, v8  }
0x583: {  	v7 =	vadd.f32 v12, v7;
	v6 =	vadd.f32 v9, v6  }
0x584: {  	v5 =	vadd.f32 v10, v5;
	v4 =	vadd.f32 v14, v4  }
0x585: {  	v3 =	vadd.f32 v15, v3;
	v2 =	vadd.f32 v16, v2  }
.LBB2_67:
0x586: {  	_ =	sfence.sel $0x180000  }
0x587: {  	[bflag:$0x0] =	sbarrier.arrive $0xFFFF  }
0x588: {  	_ =	strace $0x90000047  }
0x589: {  	s0 =	stileid.u32;
	[bflag:$0x2] =	sbarrier.arrive $0xFFFF  }
0x58a: {  	p0 =	sne.s32 s0, $0x0;
	s0 =	rddreg [dreg:$0x3]  }
0x58b: {  	s0 =	sadd.s32 @!p0 $0x100000, s0  }
0x58c: {  	[sflag:s0] =	ssyncadd.tile.s32 @!p0 $0x1;
	_ =	shalt  }
.Lfunc_end2:
_tile_overlayer_lowered:
.L_overlay_start_2:
0x58d: {  	(tag) =	ssettag $0x2  }
0x58e: {  	s0 =	rddreg [dreg:$0x0];
	s2 =	stileid.u32  }
0x58f: {  	s1 =	rddreg [dreg:$0x1];
	p0 =	sne.s32 s2, $0x0  }
0x590: {  	s3 =	rddreg [dreg:$0x2];
	[bflag:$0x3] =	sbarrier.arrive $0xFFFF;
	s2 =	simm.s32 @!p0 $0x1C02  }
0x591: {  	[timem:s3], [sflag:s2] =	dma.local @!p0 [hbm:s0], s1  }
0x592: {  	s0 =	simm.s32 @!p0 $0x2  }
0x593: {  	_ =	swait.ge @!p0 [sflag:s0], s1  }
0x594: {  	s1 =	ssub.s32 @!p0 $0x0, s1;
	[sflag:s0] =	ssyncset.done @!p0 $0x0  }
0x595: {  	[sflag:s0] =	ssyncadd.s32 @!p0 s1  }
0x596: {  	[bflag:$0x3] =	sbarrier.arrive $0xFFFF  }
0x597: {  	_ =	shalt  }

</sc_bundles>
